<compile_context>
chip_gen: v7x
topology: tpu7x:2x2x1
jax: 0.10.2.dev20260603
libtpu: 0.0.44.dev20260713+nightly
codegen_flags: <defaults>
</compile_context>

<pallas_src>
import jax
import jax.numpy as jnp
from jax import lax
from jax.experimental import pallas as pl
from jax.experimental.pallas import tpu as pltpu
from jax.experimental.pallas import tpu_sc as plsc

B = 16384
E = 64
NUM_ROWS = 100000
NC, NS, L = 2, 16, 16
NW = NC * NS
BPW = B // NW
CH = 128
NCH = BPW // CH

_MESH = plsc.VectorSubcoreMesh(
    core_axis_name="c", subcore_axis_name="s", num_cores=NC, num_subcores=NS)


def _sc_index_bias(pairs_hbm, ub_hbm, pb_hbm,
                   idxu_hbm, idxp_hbm, bsum_hbm,
                   pairs_v, idxu_v, idxp_v, ubv, pbv, bs_v, sem_b):
    wid = lax.axis_index("s") * NC + lax.axis_index("c")
    base = wid * BPW

    pltpu.sync_copy(pairs_hbm.at[pl.ds(base * 2, BPW * 2)], pairs_v)

    for n in range(BPW // L):
        flat = (lax.iota(jnp.int32, L) + n * L) * 2
        j, k = divmod(n, CH // L)
        idxu_v[j, pl.ds(k * L, L)] = plsc.load_gather(pairs_v, [flat])
        idxp_v[j, pl.ds(k * L, L)] = plsc.load_gather(pairs_v, [flat + 1])

    handles = []
    for j in range(NCH):
        handles.append(pltpu.async_copy(
            ub_hbm.at[idxu_v.at[j]], ubv.at[j], sem_b))
        handles.append(pltpu.async_copy(
            pb_hbm.at[idxp_v.at[j]], pbv.at[j], sem_b))
    for h in handles:
        h.wait()

    for j in range(NCH):
        for k in range(CH // L):
            s = ubv[j, pl.ds(k * L, L)] + pbv[j, pl.ds(k * L, L)]
            bs_v[pl.ds(j * CH + k * L, L)] = s
    pltpu.sync_copy(bs_v, bsum_hbm.at[pl.ds(base, BPW)])

    for j in range(NCH):
        pltpu.sync_copy(idxu_v.at[j], idxu_hbm.at[pl.ds(base + j * CH, CH)])
        pltpu.sync_copy(idxp_v.at[j], idxp_hbm.at[pl.ds(base + j * CH, CH)])


RCH = 256
NRCH = BPW // RCH


def _sc_row_dot(idxu_hbm, idxp_hbm, uemb_hbm, pemb_hbm,
                partials_hbm,
                idxu_v, idxp_v, urows_v, prows_v, part_v, sem_u, sem_p):
    wid = lax.axis_index("s") * NC + lax.axis_index("c")
    base = wid * BPW

    pltpu.sync_copy(idxu_hbm.at[pl.ds(base, BPW)], idxu_v)
    pltpu.sync_copy(idxp_hbm.at[pl.ds(base, BPW)], idxp_v)

    acc = jnp.zeros((L,), jnp.float32)
    for ch in range(NRCH):
        def enq(n, carry, ch=ch):
            uvec = idxu_v[pl.ds(ch * RCH + n * L, L)]
            pvec = idxp_v[pl.ds(ch * RCH + n * L, L)]
            for l in range(L):
                r = n * L + l
                pltpu.async_copy(uemb_hbm.at[pl.ds(uvec[l], 1), :],
                                 urows_v.at[pl.ds(r, 1), :], sem_u)
                pltpu.async_copy(pemb_hbm.at[pl.ds(pvec[l], 1), :],
                                 prows_v.at[pl.ds(r, 1), :], sem_p)
            return carry
        lax.fori_loop(0, RCH // L, enq, 0)

        def drain(n, carry):
            pltpu.make_async_copy(uemb_hbm.at[pl.ds(0, 1), :],
                                  urows_v.at[pl.ds(0, 1), :], sem_u).wait()
            pltpu.make_async_copy(pemb_hbm.at[pl.ds(0, 1), :],
                                  prows_v.at[pl.ds(0, 1), :], sem_p).wait()
            return carry
        lax.fori_loop(0, RCH, drain, 0)

        def dot_body(n, a):
            for c in range(E // L):
                a = a + (urows_v[n, pl.ds(c * L, L)]
                         * prows_v[n, pl.ds(c * L, L)])
            return a
        acc = lax.fori_loop(0, RCH, dot_body, acc)
    part_v[...] = acc
    pltpu.sync_copy(part_v, partials_hbm.at[pl.ds(wid * L, L)])


def _tc_finish(partials_ref, bsum_ref, out_ref):
    total = jnp.sum(partials_ref[...])
    x = total + bsum_ref[...]
    out_ref[...] = 1.0 / (1.0 + jnp.exp(-x))


def kernel(inputs, user_embedding, user_bias_table, place_embedding,
           place_bias_table):
    pairs = inputs.astype(jnp.int32).reshape(-1)
    ub = user_bias_table.reshape(-1)
    pb = place_bias_table.reshape(-1)

    sc_a = pl.kernel(
        _sc_index_bias,
        out_type=[
            jax.ShapeDtypeStruct((B,), jnp.int32),
            jax.ShapeDtypeStruct((B,), jnp.int32),
            jax.ShapeDtypeStruct((B,), jnp.float32),
        ],
        mesh=_MESH,
        compiler_params=pltpu.CompilerParams(
            needs_layout_passes=False, use_tc_tiling_on_sc=False),
        scratch_types=[
            pltpu.VMEM((BPW * 2,), jnp.int32),
            pltpu.VMEM((NCH, CH), jnp.int32),
            pltpu.VMEM((NCH, CH), jnp.int32),
            pltpu.VMEM((NCH, CH), jnp.float32),
            pltpu.VMEM((NCH, CH), jnp.float32),
            pltpu.VMEM((BPW,), jnp.float32),
            pltpu.SemaphoreType.DMA,
        ],
    )
    idxu, idxp, bsum = sc_a(pairs, ub, pb)

    sc_b = pl.kernel(
        _sc_row_dot,
        out_type=[jax.ShapeDtypeStruct((NW * L,), jnp.float32)],
        mesh=_MESH,
        compiler_params=pltpu.CompilerParams(
            needs_layout_passes=False, use_tc_tiling_on_sc=True),
        scratch_types=[
            pltpu.VMEM((BPW,), jnp.int32),
            pltpu.VMEM((BPW,), jnp.int32),
            pltpu.VMEM((RCH, E), jnp.float32),
            pltpu.VMEM((RCH, E), jnp.float32),
            pltpu.VMEM((L,), jnp.float32),
            pltpu.SemaphoreType.DMA,
            pltpu.SemaphoreType.DMA,
        ],
    )
    (partials,) = sc_b(idxu, idxp, user_embedding, place_embedding)

    out = pl.pallas_call(
        _tc_finish,
        out_shape=jax.ShapeDtypeStruct((B // 128, 128), jnp.float32),
    )(partials.reshape(NW * L // 128, 128), bsum.reshape(B // 128, 128))
    return out.reshape(B, 1)

# --- scband reference (transcript-rebuilt; emitter-appended) ---
"""Pipeline reference for scband-recommender-net-7017976561905 (READ-ONLY COPY).

The authoritative reference and input builder live on the scoring server;
editing this copy changes nothing except your own understanding.
"""

import jax, jax.numpy as jnp
import numpy as np

NUM_USERS = 100000
NUM_PLACE = 100000
EMBED = 64
BATCH = 16384

def setup_inputs(seed: int = 0) -> dict:
    key = jax.random.key(seed)
    k1, k2, k3, k4, k5 = jax.random.split(key, 5)
    inputs = jax.random.randint(k1, (BATCH, 2), 0, NUM_USERS, dtype=jnp.int64) if jax.config.jax_enable_x64 else jax.random.randint(k1, (BATCH, 2), 0, NUM_USERS, dtype=jnp.int32)
    # he_normal-ish init for embedding tables
    user_embedding = jax.random.normal(k2, (NUM_USERS, EMBED), dtype=jnp.float32) * np.sqrt(2.0 / EMBED)
    place_embedding = jax.random.normal(k3, (NUM_PLACE, EMBED), dtype=jnp.float32) * np.sqrt(2.0 / EMBED)
    user_bias = jax.random.normal(k4, (NUM_USERS, 1), dtype=jnp.float32) * 0.01
    place_bias = jax.random.normal(k5, (NUM_PLACE, 1), dtype=jnp.float32) * 0.01
    return {
        'inputs': inputs,
        'user_embedding': user_embedding,
        'user_bias_table': user_bias,
        'place_embedding': place_embedding,
        'place_bias_table': place_bias,
    }

def reference(inputs, user_embedding, user_bias_table, place_embedding, place_bias_table):
    user_vector = jnp.take(user_embedding, inputs[:, 0], axis=0)      # [B, E]
    user_bias = jnp.take(user_bias_table, inputs[:, 0], axis=0)       # [B, 1]
    place_vector = jnp.take(place_embedding, inputs[:, 1], axis=0)    # [B, E]
    place_bias = jnp.take(place_bias_table, inputs[:, 1], axis=0)     # [B, 1]
    # tf.tensordot(user_vector, place_vector, 2) contracts over BOTH axes -> scalar
    dot_user_place = jnp.tensordot(user_vector, place_vector, 2)      # scalar
    x = dot_user_place + user_bias + place_bias                        # [B, 1] via broadcast
    return jax.nn.sigmoid(x)

if __name__ == "__main__":
    import jax
    _d = setup_inputs()
    print(jax.jit(kernel)(*tuple(_d.values())))

</pallas_src>

<mosaic_0001>
#map = affine_map<(d0, d1) -> (0)>
module attributes {stable_mosaic.version = 14 : i64} {
  func.func @_sc_index_bias(%arg0: i32, %arg1: i32, %arg2: memref<32768xi32, #tpu.memory_space<hbm>>, %arg3: memref<100000xf32, #tpu.memory_space<hbm>>, %arg4: memref<100000xf32, #tpu.memory_space<hbm>>, %arg5: memref<16384xi32, #tpu.memory_space<hbm>>, %arg6: memref<16384xi32, #tpu.memory_space<hbm>>, %arg7: memref<16384xf32, #tpu.memory_space<hbm>>, %arg8: memref<1024xi32, #tpu.memory_space<vmem>>, %arg9: memref<4x128xi32, #tpu.memory_space<vmem>>, %arg10: memref<4x128xi32, #tpu.memory_space<vmem>>, %arg11: memref<4x128xf32, #tpu.memory_space<vmem>>, %arg12: memref<4x128xf32, #tpu.memory_space<vmem>>, %arg13: memref<512xf32, #tpu.memory_space<vmem>>, %arg14: memref<!tpu.dma_semaphore, #tpu.memory_space<semaphore_mem>>) attributes {dimension_semantics = [#tpu.dimension_semantics<core_parallel>, #tpu.dimension_semantics<subcore_parallel>], iteration_bounds = array<i64: 2, 16>, scalar_prefetch = 0 : i64, scratch_operands = 7 : i64, tpu.core_type = #tpu.core_type<sc_vector_subcore>, window_params = [{transform_indices = #map}, {transform_indices = #map}, {transform_indices = #map}, {transform_indices = #map}, {transform_indices = #map}, {transform_indices = #map}]} {
    %mul3A = arith.constant 2 : i32
    %mul3A_0 = arith.muli %arg1, %mul3A : i32
    %add3A = arith.addi %mul3A_0, %arg0 : i32
    %mul3A_1 = arith.constant 512 : i32
    %mul3A_2 = arith.muli %add3A, %mul3A_1 : i32
    %mul3A_3 = arith.constant 2 : i32
    %mul3A_4 = arith.muli %mul3A_2, %mul3A_3 : i32
    "tpu.region"() ({
      %run_scoped3A_1174 = tpu.sem_alloc : memref<!tpu.dma_semaphore, #tpu.memory_space<semaphore_mem>>
      %dma_start3A_1175 = tpu.memref_slice %arg2[%mul3A_4] : memref<32768xi32, #tpu.memory_space<hbm>> -> memref<1024xi32, #tpu.memory_space<hbm>>
      %dma_start3A_1176 = tpu.memref_slice %arg2[%mul3A_4] : memref<32768xi32, #tpu.memory_space<hbm>> -> memref<1024xi32, #tpu.memory_space<hbm>>
      tpu.enqueue_dma source(%dma_start3A_1176 : memref<1024xi32, #tpu.memory_space<hbm>>) target(%arg8 : memref<1024xi32, #tpu.memory_space<vmem>>) target_semaphore(%run_scoped3A_1174 : memref<!tpu.dma_semaphore, #tpu.memory_space<semaphore_mem>>)
      %dma_wait3A_1177 = tpu.memref_slice %arg2[%mul3A_4] : memref<32768xi32, #tpu.memory_space<hbm>> -> memref<1024xi32, #tpu.memory_space<hbm>>
      %dma_wait3A_1178 = tpu.memref_slice %arg2[%mul3A_4] : memref<32768xi32, #tpu.memory_space<hbm>> -> memref<1024xi32, #tpu.memory_space<hbm>>
      tpu.wait_dma2 semaphore(%run_scoped3A_1174 : memref<!tpu.dma_semaphore, #tpu.memory_space<semaphore_mem>>) src(%dma_wait3A_1178 : memref<1024xi32, #tpu.memory_space<hbm>>) dst(%arg8 : memref<1024xi32, #tpu.memory_space<vmem>>)
      tpu.yield
    }) : () -> ()
    %iota3A = tpu.iota {dimensions = array<i32: 0>} : vector<16xi32>
    %add3A_5 = arith.constant 0 : i32
    %add3A_6 = vector.broadcast %add3A_5 : i32 to vector<16xi32>
    %add3A_7 = arith.addi %iota3A, %add3A_6 : vector<16xi32>
    %mul3A_8 = arith.constant 2 : i32
    %mul3A_9 = vector.broadcast %mul3A_8 : i32 to vector<16xi32>
    %mul3A_10 = arith.muli %add3A_7, %mul3A_9 : vector<16xi32>
    %gather3A = tpu.vector_load_idx %arg8[%mul3A_10] : memref<1024xi32, #tpu.memory_space<vmem>>[vector<16xi32>], vector<16xi32>,
    %swap3A = arith.constant 0 : i32
    %swap3A_11 = arith.index_cast %swap3A : i32 to index
    %swap3A_12 = arith.constant 0 : index
    %swap3A_13 = tpu.vector_load %arg9[%swap3A_11, %swap3A_12] {strides = array<i32>} : memref<4x128xi32, #tpu.memory_space<vmem>>, vector<16xi32>,
    tpu.vector_store %arg9[%swap3A_11, %swap3A_12], %gather3A {strides = array<i32>} : memref<4x128xi32, #tpu.memory_space<vmem>>, vector<16xi32>,
    %add3A_14 = arith.constant 1 : i32
    %add3A_15 = vector.broadcast %add3A_14 : i32 to vector<16xi32>
    %add3A_16 = arith.addi %mul3A_10, %add3A_15 : vector<16xi32>
    %gather3A_17 = tpu.vector_load_idx %arg8[%add3A_16] : memref<1024xi32, #tpu.memory_space<vmem>>[vector<16xi32>], vector<16xi32>,
    %swap3A_18 = arith.constant 0 : i32
    %swap3A_19 = arith.index_cast %swap3A_18 : i32 to index
    %swap3A_20 = arith.constant 0 : index
    %swap3A_21 = tpu.vector_load %arg10[%swap3A_19, %swap3A_20] {strides = array<i32>} : memref<4x128xi32, #tpu.memory_space<vmem>>, vector<16xi32>,
    tpu.vector_store %arg10[%swap3A_19, %swap3A_20], %gather3A_17 {strides = array<i32>} : memref<4x128xi32, #tpu.memory_space<vmem>>, vector<16xi32>,
    %iota3A_22 = tpu.iota {dimensions = array<i32: 0>} : vector<16xi32>
    %add3A_23 = arith.constant 16 : i32
    %add3A_24 = vector.broadcast %add3A_23 : i32 to vector<16xi32>
    %add3A_25 = arith.addi %iota3A_22, %add3A_24 : vector<16xi32>
    %mul3A_26 = arith.constant 2 : i32
    %mul3A_27 = vector.broadcast %mul3A_26 : i32 to vector<16xi32>
    %mul3A_28 = arith.muli %add3A_25, %mul3A_27 : vector<16xi32>
    %gather3A_29 = tpu.vector_load_idx %arg8[%mul3A_28] : memref<1024xi32, #tpu.memory_space<vmem>>[vector<16xi32>], vector<16xi32>,
    %swap3A_30 = arith.constant 0 : i32
    %swap3A_31 = arith.index_cast %swap3A_30 : i32 to index
    %swap3A_32 = arith.constant 16 : index
    %swap3A_33 = tpu.vector_load %arg9[%swap3A_31, %swap3A_32] {strides = array<i32>} : memref<4x128xi32, #tpu.memory_space<vmem>>, vector<16xi32>,
    tpu.vector_store %arg9[%swap3A_31, %swap3A_32], %gather3A_29 {strides = array<i32>} : memref<4x128xi32, #tpu.memory_space<vmem>>, vector<16xi32>,
    %add3A_34 = arith.constant 1 : i32
    %add3A_35 = vector.broadcast %add3A_34 : i32 to vector<16xi32>
    %add3A_36 = arith.addi %mul3A_28, %add3A_35 : vector<16xi32>
    %gather3A_37 = tpu.vector_load_idx %arg8[%add3A_36] : memref<1024xi32, #tpu.memory_space<vmem>>[vector<16xi32>], vector<16xi32>,
    %swap3A_38 = arith.constant 0 : i32
    %swap3A_39 = arith.index_cast %swap3A_38 : i32 to index
    %swap3A_40 = arith.constant 16 : index
    %swap3A_41 = tpu.vector_load %arg10[%swap3A_39, %swap3A_40] {strides = array<i32>} : memref<4x128xi32, #tpu.memory_space<vmem>>, vector<16xi32>,
    tpu.vector_store %arg10[%swap3A_39, %swap3A_40], %gather3A_37 {strides = array<i32>} : memref<4x128xi32, #tpu.memory_space<vmem>>, vector<16xi32>,
    %iota3A_42 = tpu.iota {dimensions = array<i32: 0>} : vector<16xi32>
    %add3A_43 = arith.constant 32 : i32
    %add3A_44 = vector.broadcast %add3A_43 : i32 to vector<16xi32>
    %add3A_45 = arith.addi %iota3A_42, %add3A_44 : vector<16xi32>
    %mul3A_46 = arith.constant 2 : i32
    %mul3A_47 = vector.broadcast %mul3A_46 : i32 to vector<16xi32>
    %mul3A_48 = arith.muli %add3A_45, %mul3A_47 : vector<16xi32>
    %gather3A_49 = tpu.vector_load_idx %arg8[%mul3A_48] : memref<1024xi32, #tpu.memory_space<vmem>>[vector<16xi32>], vector<16xi32>,
    %swap3A_50 = arith.constant 0 : i32
    %swap3A_51 = arith.index_cast %swap3A_50 : i32 to index
    %swap3A_52 = arith.constant 32 : index
    %swap3A_53 = tpu.vector_load %arg9[%swap3A_51, %swap3A_52] {strides = array<i32>} : memref<4x128xi32, #tpu.memory_space<vmem>>, vector<16xi32>,
    tpu.vector_store %arg9[%swap3A_51, %swap3A_52], %gather3A_49 {strides = array<i32>} : memref<4x128xi32, #tpu.memory_space<vmem>>, vector<16xi32>,
    %add3A_54 = arith.constant 1 : i32
    %add3A_55 = vector.broadcast %add3A_54 : i32 to vector<16xi32>
    %add3A_56 = arith.addi %mul3A_48, %add3A_55 : vector<16xi32>
    %gather3A_57 = tpu.vector_load_idx %arg8[%add3A_56] : memref<1024xi32, #tpu.memory_space<vmem>>[vector<16xi32>], vector<16xi32>,
    %swap3A_58 = arith.constant 0 : i32
    %swap3A_59 = arith.index_cast %swap3A_58 : i32 to index
    %swap3A_60 = arith.constant 32 : index
    %swap3A_61 = tpu.vector_load %arg10[%swap3A_59, %swap3A_60] {strides = array<i32>} : memref<4x128xi32, #tpu.memory_space<vmem>>, vector<16xi32>,
    tpu.vector_store %arg10[%swap3A_59, %swap3A_60], %gather3A_57 {strides = array<i32>} : memref<4x128xi32, #tpu.memory_space<vmem>>, vector<16xi32>,
    %iota3A_62 = tpu.iota {dimensions = array<i32: 0>} : vector<16xi32>
    %add3A_63 = arith.constant 48 : i32
    %add3A_64 = vector.broadcast %add3A_63 : i32 to vector<16xi32>
    %add3A_65 = arith.addi %iota3A_62, %add3A_64 : vector<16xi32>
    %mul3A_66 = arith.constant 2 : i32
    %mul3A_67 = vector.broadcast %mul3A_66 : i32 to vector<16xi32>
    %mul3A_68 = arith.muli %add3A_65, %mul3A_67 : vector<16xi32>
    %gather3A_69 = tpu.vector_load_idx %arg8[%mul3A_68] : memref<1024xi32, #tpu.memory_space<vmem>>[vector<16xi32>], vector<16xi32>,
    %swap3A_70 = arith.constant 0 : i32
    %swap3A_71 = arith.index_cast %swap3A_70 : i32 to index
    %swap3A_72 = arith.constant 48 : index
    %swap3A_73 = tpu.vector_load %arg9[%swap3A_71, %swap3A_72] {strides = array<i32>} : memref<4x128xi32, #tpu.memory_space<vmem>>, vector<16xi32>,
    tpu.vector_store %arg9[%swap3A_71, %swap3A_72], %gather3A_69 {strides = array<i32>} : memref<4x128xi32, #tpu.memory_space<vmem>>, vector<16xi32>,
    %add3A_74 = arith.constant 1 : i32
    %add3A_75 = vector.broadcast %add3A_74 : i32 to vector<16xi32>
    %add3A_76 = arith.addi %mul3A_68, %add3A_75 : vector<16xi32>
    %gather3A_77 = tpu.vector_load_idx %arg8[%add3A_76] : memref<1024xi32, #tpu.memory_space<vmem>>[vector<16xi32>], vector<16xi32>,
    %swap3A_78 = arith.constant 0 : i32
    %swap3A_79 = arith.index_cast %swap3A_78 : i32 to index
    %swap3A_80 = arith.constant 48 : index
    %swap3A_81 = tpu.vector_load %arg10[%swap3A_79, %swap3A_80] {strides = array<i32>} : memref<4x128xi32, #tpu.memory_space<vmem>>, vector<16xi32>,
    tpu.vector_store %arg10[%swap3A_79, %swap3A_80], %gather3A_77 {strides = array<i32>} : memref<4x128xi32, #tpu.memory_space<vmem>>, vector<16xi32>,
    %iota3A_82 = tpu.iota {dimensions = array<i32: 0>} : vector<16xi32>
    %add3A_83 = arith.constant 64 : i32
    %add3A_84 = vector.broadcast %add3A_83 : i32 to vector<16xi32>
    %add3A_85 = arith.addi %iota3A_82, %add3A_84 : vector<16xi32>
    %mul3A_86 = arith.constant 2 : i32
    %mul3A_87 = vector.broadcast %mul3A_86 : i32 to vector<16xi32>
    %mul3A_88 = arith.muli %add3A_85, %mul3A_87 : vector<16xi32>
    %gather3A_89 = tpu.vector_load_idx %arg8[%mul3A_88] : memref<1024xi32, #tpu.memory_space<vmem>>[vector<16xi32>], vector<16xi32>,
    %swap3A_90 = arith.constant 0 : i32
    %swap3A_91 = arith.index_cast %swap3A_90 : i32 to index
    %swap3A_92 = arith.constant 64 : index
    %swap3A_93 = tpu.vector_load %arg9[%swap3A_91, %swap3A_92] {strides = array<i32>} : memref<4x128xi32, #tpu.memory_space<vmem>>, vector<16xi32>,
    tpu.vector_store %arg9[%swap3A_91, %swap3A_92], %gather3A_89 {strides = array<i32>} : memref<4x128xi32, #tpu.memory_space<vmem>>, vector<16xi32>,
    %add3A_94 = arith.constant 1 : i32
    %add3A_95 = vector.broadcast %add3A_94 : i32 to vector<16xi32>
    %add3A_96 = arith.addi %mul3A_88, %add3A_95 : vector<16xi32>
    %gather3A_97 = tpu.vector_load_idx %arg8[%add3A_96] : memref<1024xi32, #tpu.memory_space<vmem>>[vector<16xi32>], vector<16xi32>,
    %swap3A_98 = arith.constant 0 : i32
    %swap3A_99 = arith.index_cast %swap3A_98 : i32 to index
    %swap3A_100 = arith.constant 64 : index
    %swap3A_101 = tpu.vector_load %arg10[%swap3A_99, %swap3A_100] {strides = array<i32>} : memref<4x128xi32, #tpu.memory_space<vmem>>, vector<16xi32>,
    tpu.vector_store %arg10[%swap3A_99, %swap3A_100], %gather3A_97 {strides = array<i32>} : memref<4x128xi32, #tpu.memory_space<vmem>>, vector<16xi32>,
    %iota3A_102 = tpu.iota {dimensions = array<i32: 0>} : vector<16xi32>
    %add3A_103 = arith.constant 80 : i32
    %add3A_104 = vector.broadcast %add3A_103 : i32 to vector<16xi32>
    %add3A_105 = arith.addi %iota3A_102, %add3A_104 : vector<16xi32>
    %mul3A_106 = arith.constant 2 : i32
    %mul3A_107 = vector.broadcast %mul3A_106 : i32 to vector<16xi32>
    %mul3A_108 = arith.muli %add3A_105, %mul3A_107 : vector<16xi32>
    %gather3A_109 = tpu.vector_load_idx %arg8[%mul3A_108] : memref<1024xi32, #tpu.memory_space<vmem>>[vector<16xi32>], vector<16xi32>,
    %swap3A_110 = arith.constant 0 : i32
    %swap3A_111 = arith.index_cast %swap3A_110 : i32 to index
    %swap3A_112 = arith.constant 80 : index
    %swap3A_113 = tpu.vector_load %arg9[%swap3A_111, %swap3A_112] {strides = array<i32>} : memref<4x128xi32, #tpu.memory_space<vmem>>, vector<16xi32>,
    tpu.vector_store %arg9[%swap3A_111, %swap3A_112], %gather3A_109 {strides = array<i32>} : memref<4x128xi32, #tpu.memory_space<vmem>>, vector<16xi32>,
    %add3A_114 = arith.constant 1 : i32
    %add3A_115 = vector.broadcast %add3A_114 : i32 to vector<16xi32>
    %add3A_116 = arith.addi %mul3A_108, %add3A_115 : vector<16xi32>
    %gather3A_117 = tpu.vector_load_idx %arg8[%add3A_116] : memref<1024xi32, #tpu.memory_space<vmem>>[vector<16xi32>], vector<16xi32>,
    %swap3A_118 = arith.constant 0 : i32
    %swap3A_119 = arith.index_cast %swap3A_118 : i32 to index
    %swap3A_120 = arith.constant 80 : index
    %swap3A_121 = tpu.vector_load %arg10[%swap3A_119, %swap3A_120] {strides = array<i32>} : memref<4x128xi32, #tpu.memory_space<vmem>>, vector<16xi32>,
    tpu.vector_store %arg10[%swap3A_119, %swap3A_120], %gather3A_117 {strides = array<i32>} : memref<4x128xi32, #tpu.memory_space<vmem>>, vector<16xi32>,
    %iota3A_122 = tpu.iota {dimensions = array<i32: 0>} : vector<16xi32>
    %add3A_123 = arith.constant 96 : i32
    %add3A_124 = vector.broadcast %add3A_123 : i32 to vector<16xi32>
    %add3A_125 = arith.addi %iota3A_122, %add3A_124 : vector<16xi32>
    %mul3A_126 = arith.constant 2 : i32
    %mul3A_127 = vector.broadcast %mul3A_126 : i32 to vector<16xi32>
    %mul3A_128 = arith.muli %add3A_125, %mul3A_127 : vector<16xi32>
    %gather3A_129 = tpu.vector_load_idx %arg8[%mul3A_128] : memref<1024xi32, #tpu.memory_space<vmem>>[vector<16xi32>], vector<16xi32>,
    %swap3A_130 = arith.constant 0 : i32
    %swap3A_131 = arith.index_cast %swap3A_130 : i32 to index
    %swap3A_132 = arith.constant 96 : index
    %swap3A_133 = tpu.vector_load %arg9[%swap3A_131, %swap3A_132] {strides = array<i32>} : memref<4x128xi32, #tpu.memory_space<vmem>>, vector<16xi32>,
    tpu.vector_store %arg9[%swap3A_131, %swap3A_132], %gather3A_129 {strides = array<i32>} : memref<4x128xi32, #tpu.memory_space<vmem>>, vector<16xi32>,
    %add3A_134 = arith.constant 1 : i32
    %add3A_135 = vector.broadcast %add3A_134 : i32 to vector<16xi32>
    %add3A_136 = arith.addi %mul3A_128, %add3A_135 : vector<16xi32>
    %gather3A_137 = tpu.vector_load_idx %arg8[%add3A_136] : memref<1024xi32, #tpu.memory_space<vmem>>[vector<16xi32>], vector<16xi32>,
    %swap3A_138 = arith.constant 0 : i32
    %swap3A_139 = arith.index_cast %swap3A_138 : i32 to index
    %swap3A_140 = arith.constant 96 : index
    %swap3A_141 = tpu.vector_load %arg10[%swap3A_139, %swap3A_140] {strides = array<i32>} : memref<4x128xi32, #tpu.memory_space<vmem>>, vector<16xi32>,
    tpu.vector_store %arg10[%swap3A_139, %swap3A_140], %gather3A_137 {strides = array<i32>} : memref<4x128xi32, #tpu.memory_space<vmem>>, vector<16xi32>,
    %iota3A_142 = tpu.iota {dimensions = array<i32: 0>} : vector<16xi32>
    %add3A_143 = arith.constant 112 : i32
    %add3A_144 = vector.broadcast %add3A_143 : i32 to vector<16xi32>
    %add3A_145 = arith.addi %iota3A_142, %add3A_144 : vector<16xi32>
    %mul3A_146 = arith.constant 2 : i32
    %mul3A_147 = vector.broadcast %mul3A_146 : i32 to vector<16xi32>
    %mul3A_148 = arith.muli %add3A_145, %mul3A_147 : vector<16xi32>
    %gather3A_149 = tpu.vector_load_idx %arg8[%mul3A_148] : memref<1024xi32, #tpu.memory_space<vmem>>[vector<16xi32>], vector<16xi32>,
    %swap3A_150 = arith.constant 0 : i32
    %swap3A_151 = arith.index_cast %swap3A_150 : i32 to index
    %swap3A_152 = arith.constant 112 : index
    %swap3A_153 = tpu.vector_load %arg9[%swap3A_151, %swap3A_152] {strides = array<i32>} : memref<4x128xi32, #tpu.memory_space<vmem>>, vector<16xi32>,
    tpu.vector_store %arg9[%swap3A_151, %swap3A_152], %gather3A_149 {strides = array<i32>} : memref<4x128xi32, #tpu.memory_space<vmem>>, vector<16xi32>,
    %add3A_154 = arith.constant 1 : i32
    %add3A_155 = vector.broadcast %add3A_154 : i32 to vector<16xi32>
    %add3A_156 = arith.addi %mul3A_148, %add3A_155 : vector<16xi32>
    %gather3A_157 = tpu.vector_load_idx %arg8[%add3A_156] : memref<1024xi32, #tpu.memory_space<vmem>>[vector<16xi32>], vector<16xi32>,
    %swap3A_158 = arith.constant 0 : i32
    %swap3A_159 = arith.index_cast %swap3A_158 : i32 to index
    %swap3A_160 = arith.constant 112 : index
    %swap3A_161 = tpu.vector_load %arg10[%swap3A_159, %swap3A_160] {strides = array<i32>} : memref<4x128xi32, #tpu.memory_space<vmem>>, vector<16xi32>,
    tpu.vector_store %arg10[%swap3A_159, %swap3A_160], %gather3A_157 {strides = array<i32>} : memref<4x128xi32, #tpu.memory_space<vmem>>, vector<16xi32>,
    %iota3A_162 = tpu.iota {dimensions = array<i32: 0>} : vector<16xi32>
    %add3A_163 = arith.constant 128 : i32
    %add3A_164 = vector.broadcast %add3A_163 : i32 to vector<16xi32>
    %add3A_165 = arith.addi %iota3A_162, %add3A_164 : vector<16xi32>
    %mul3A_166 = arith.constant 2 : i32
    %mul3A_167 = vector.broadcast %mul3A_166 : i32 to vector<16xi32>
    %mul3A_168 = arith.muli %add3A_165, %mul3A_167 : vector<16xi32>
    %gather3A_169 = tpu.vector_load_idx %arg8[%mul3A_168] : memref<1024xi32, #tpu.memory_space<vmem>>[vector<16xi32>], vector<16xi32>,
    %swap3A_170 = arith.constant 1 : i32
    %swap3A_171 = arith.index_cast %swap3A_170 : i32 to index
    %swap3A_172 = arith.constant 0 : index
    %swap3A_173 = tpu.vector_load %arg9[%swap3A_171, %swap3A_172] {strides = array<i32>} : memref<4x128xi32, #tpu.memory_space<vmem>>, vector<16xi32>,
    tpu.vector_store %arg9[%swap3A_171, %swap3A_172], %gather3A_169 {strides = array<i32>} : memref<4x128xi32, #tpu.memory_space<vmem>>, vector<16xi32>,
    %add3A_174 = arith.constant 1 : i32
    %add3A_175 = vector.broadcast %add3A_174 : i32 to vector<16xi32>
    %add3A_176 = arith.addi %mul3A_168, %add3A_175 : vector<16xi32>
    %gather3A_177 = tpu.vector_load_idx %arg8[%add3A_176] : memref<1024xi32, #tpu.memory_space<vmem>>[vector<16xi32>], vector<16xi32>,
    %swap3A_178 = arith.constant 1 : i32
    %swap3A_179 = arith.index_cast %swap3A_178 : i32 to index
    %swap3A_180 = arith.constant 0 : index
    %swap3A_181 = tpu.vector_load %arg10[%swap3A_179, %swap3A_180] {strides = array<i32>} : memref<4x128xi32, #tpu.memory_space<vmem>>, vector<16xi32>,
    tpu.vector_store %arg10[%swap3A_179, %swap3A_180], %gather3A_177 {strides = array<i32>} : memref<4x128xi32, #tpu.memory_space<vmem>>, vector<16xi32>,
    %iota3A_182 = tpu.iota {dimensions = array<i32: 0>} : vector<16xi32>
    %add3A_183 = arith.constant 144 : i32
    %add3A_184 = vector.broadcast %add3A_183 : i32 to vector<16xi32>
    %add3A_185 = arith.addi %iota3A_182, %add3A_184 : vector<16xi32>
    %mul3A_186 = arith.constant 2 : i32
    %mul3A_187 = vector.broadcast %mul3A_186 : i32 to vector<16xi32>
    %mul3A_188 = arith.muli %add3A_185, %mul3A_187 : vector<16xi32>
    %gather3A_189 = tpu.vector_load_idx %arg8[%mul3A_188] : memref<1024xi32, #tpu.memory_space<vmem>>[vector<16xi32>], vector<16xi32>,
    %swap3A_190 = arith.constant 1 : i32
    %swap3A_191 = arith.index_cast %swap3A_190 : i32 to index
    %swap3A_192 = arith.constant 16 : index
    %swap3A_193 = tpu.vector_load %arg9[%swap3A_191, %swap3A_192] {strides = array<i32>} : memref<4x128xi32, #tpu.memory_space<vmem>>, vector<16xi32>,
    tpu.vector_store %arg9[%swap3A_191, %swap3A_192], %gather3A_189 {strides = array<i32>} : memref<4x128xi32, #tpu.memory_space<vmem>>, vector<16xi32>,
    %add3A_194 = arith.constant 1 : i32
    %add3A_195 = vector.broadcast %add3A_194 : i32 to vector<16xi32>
    %add3A_196 = arith.addi %mul3A_188, %add3A_195 : vector<16xi32>
    %gather3A_197 = tpu.vector_load_idx %arg8[%add3A_196] : memref<1024xi32, #tpu.memory_space<vmem>>[vector<16xi32>], vector<16xi32>,
    %swap3A_198 = arith.constant 1 : i32
    %swap3A_199 = arith.index_cast %swap3A_198 : i32 to index
    %swap3A_200 = arith.constant 16 : index
    %swap3A_201 = tpu.vector_load %arg10[%swap3A_199, %swap3A_200] {strides = array<i32>} : memref<4x128xi32, #tpu.memory_space<vmem>>, vector<16xi32>,
    tpu.vector_store %arg10[%swap3A_199, %swap3A_200], %gather3A_197 {strides = array<i32>} : memref<4x128xi32, #tpu.memory_space<vmem>>, vector<16xi32>,
    %iota3A_202 = tpu.iota {dimensions = array<i32: 0>} : vector<16xi32>
    %add3A_203 = arith.constant 160 : i32
    %add3A_204 = vector.broadcast %add3A_203 : i32 to vector<16xi32>
    %add3A_205 = arith.addi %iota3A_202, %add3A_204 : vector<16xi32>
    %mul3A_206 = arith.constant 2 : i32
    %mul3A_207 = vector.broadcast %mul3A_206 : i32 to vector<16xi32>
    %mul3A_208 = arith.muli %add3A_205, %mul3A_207 : vector<16xi32>
    %gather3A_209 = tpu.vector_load_idx %arg8[%mul3A_208] : memref<1024xi32, #tpu.memory_space<vmem>>[vector<16xi32>], vector<16xi32>,
    %swap3A_210 = arith.constant 1 : i32
    %swap3A_211 = arith.index_cast %swap3A_210 : i32 to index
    %swap3A_212 = arith.constant 32 : index
    %swap3A_213 = tpu.vector_load %arg9[%swap3A_211, %swap3A_212] {strides = array<i32>} : memref<4x128xi32, #tpu.memory_space<vmem>>, vector<16xi32>,
    tpu.vector_store %arg9[%swap3A_211, %swap3A_212], %gather3A_209 {strides = array<i32>} : memref<4x128xi32, #tpu.memory_space<vmem>>, vector<16xi32>,
    %add3A_214 = arith.constant 1 : i32
    %add3A_215 = vector.broadcast %add3A_214 : i32 to vector<16xi32>
    %add3A_216 = arith.addi %mul3A_208, %add3A_215 : vector<16xi32>
    %gather3A_217 = tpu.vector_load_idx %arg8[%add3A_216] : memref<1024xi32, #tpu.memory_space<vmem>>[vector<16xi32>], vector<16xi32>,
    %swap3A_218 = arith.constant 1 : i32
    %swap3A_219 = arith.index_cast %swap3A_218 : i32 to index
    %swap3A_220 = arith.constant 32 : index
    %swap3A_221 = tpu.vector_load %arg10[%swap3A_219, %swap3A_220] {strides = array<i32>} : memref<4x128xi32, #tpu.memory_space<vmem>>, vector<16xi32>,
    tpu.vector_store %arg10[%swap3A_219, %swap3A_220], %gather3A_217 {strides = array<i32>} : memref<4x128xi32, #tpu.memory_space<vmem>>, vector<16xi32>,
    %iota3A_222 = tpu.iota {dimensions = array<i32: 0>} : vector<16xi32>
    %add3A_223 = arith.constant 176 : i32
    %add3A_224 = vector.broadcast %add3A_223 : i32 to vector<16xi32>
    %add3A_225 = arith.addi %iota3A_222, %add3A_224 : vector<16xi32>
    %mul3A_226 = arith.constant 2 : i32
    %mul3A_227 = vector.broadcast %mul3A_226 : i32 to vector<16xi32>
    %mul3A_228 = arith.muli %add3A_225, %mul3A_227 : vector<16xi32>
    %gather3A_229 = tpu.vector_load_idx %arg8[%mul3A_228] : memref<1024xi32, #tpu.memory_space<vmem>>[vector<16xi32>], vector<16xi32>,
    %swap3A_230 = arith.constant 1 : i32
    %swap3A_231 = arith.index_cast %swap3A_230 : i32 to index
    %swap3A_232 = arith.constant 48 : index
    %swap3A_233 = tpu.vector_load %arg9[%swap3A_231, %swap3A_232] {strides = array<i32>} : memref<4x128xi32, #tpu.memory_space<vmem>>, vector<16xi32>,
    tpu.vector_store %arg9[%swap3A_231, %swap3A_232], %gather3A_229 {strides = array<i32>} : memref<4x128xi32, #tpu.memory_space<vmem>>, vector<16xi32>,
    %add3A_234 = arith.constant 1 : i32
    %add3A_235 = vector.broadcast %add3A_234 : i32 to vector<16xi32>
    %add3A_236 = arith.addi %mul3A_228, %add3A_235 : vector<16xi32>
    %gather3A_237 = tpu.vector_load_idx %arg8[%add3A_236] : memref<1024xi32, #tpu.memory_space<vmem>>[vector<16xi32>], vector<16xi32>,
    %swap3A_238 = arith.constant 1 : i32
    %swap3A_239 = arith.index_cast %swap3A_238 : i32 to index
    %swap3A_240 = arith.constant 48 : index
    %swap3A_241 = tpu.vector_load %arg10[%swap3A_239, %swap3A_240] {strides = array<i32>} : memref<4x128xi32, #tpu.memory_space<vmem>>, vector<16xi32>,
    tpu.vector_store %arg10[%swap3A_239, %swap3A_240], %gather3A_237 {strides = array<i32>} : memref<4x128xi32, #tpu.memory_space<vmem>>, vector<16xi32>,
    %iota3A_242 = tpu.iota {dimensions = array<i32: 0>} : vector<16xi32>
    %add3A_243 = arith.constant 192 : i32
    %add3A_244 = vector.broadcast %add3A_243 : i32 to vector<16xi32>
    %add3A_245 = arith.addi %iota3A_242, %add3A_244 : vector<16xi32>
    %mul3A_246 = arith.constant 2 : i32
    %mul3A_247 = vector.broadcast %mul3A_246 : i32 to vector<16xi32>
    %mul3A_248 = arith.muli %add3A_245, %mul3A_247 : vector<16xi32>
    %gather3A_249 = tpu.vector_load_idx %arg8[%mul3A_248] : memref<1024xi32, #tpu.memory_space<vmem>>[vector<16xi32>], vector<16xi32>,
    %swap3A_250 = arith.constant 1 : i32
    %swap3A_251 = arith.index_cast %swap3A_250 : i32 to index
    %swap3A_252 = arith.constant 64 : index
    %swap3A_253 = tpu.vector_load %arg9[%swap3A_251, %swap3A_252] {strides = array<i32>} : memref<4x128xi32, #tpu.memory_space<vmem>>, vector<16xi32>,
    tpu.vector_store %arg9[%swap3A_251, %swap3A_252], %gather3A_249 {strides = array<i32>} : memref<4x128xi32, #tpu.memory_space<vmem>>, vector<16xi32>,
    %add3A_254 = arith.constant 1 : i32
    %add3A_255 = vector.broadcast %add3A_254 : i32 to vector<16xi32>
    %add3A_256 = arith.addi %mul3A_248, %add3A_255 : vector<16xi32>
    %gather3A_257 = tpu.vector_load_idx %arg8[%add3A_256] : memref<1024xi32, #tpu.memory_space<vmem>>[vector<16xi32>], vector<16xi32>,
    %swap3A_258 = arith.constant 1 : i32
    %swap3A_259 = arith.index_cast %swap3A_258 : i32 to index
    %swap3A_260 = arith.constant 64 : index
    %swap3A_261 = tpu.vector_load %arg10[%swap3A_259, %swap3A_260] {strides = array<i32>} : memref<4x128xi32, #tpu.memory_space<vmem>>, vector<16xi32>,
    tpu.vector_store %arg10[%swap3A_259, %swap3A_260], %gather3A_257 {strides = array<i32>} : memref<4x128xi32, #tpu.memory_space<vmem>>, vector<16xi32>,
    %iota3A_262 = tpu.iota {dimensions = array<i32: 0>} : vector<16xi32>
    %add3A_263 = arith.constant 208 : i32
    %add3A_264 = vector.broadcast %add3A_263 : i32 to vector<16xi32>
    %add3A_265 = arith.addi %iota3A_262, %add3A_264 : vector<16xi32>
    %mul3A_266 = arith.constant 2 : i32
    %mul3A_267 = vector.broadcast %mul3A_266 : i32 to vector<16xi32>
    %mul3A_268 = arith.muli %add3A_265, %mul3A_267 : vector<16xi32>
    %gather3A_269 = tpu.vector_load_idx %arg8[%mul3A_268] : memref<1024xi32, #tpu.memory_space<vmem>>[vector<16xi32>], vector<16xi32>,
    %swap3A_270 = arith.constant 1 : i32
    %swap3A_271 = arith.index_cast %swap3A_270 : i32 to index
    %swap3A_272 = arith.constant 80 : index
    %swap3A_273 = tpu.vector_load %arg9[%swap3A_271, %swap3A_272] {strides = array<i32>} : memref<4x128xi32, #tpu.memory_space<vmem>>, vector<16xi32>,
    tpu.vector_store %arg9[%swap3A_271, %swap3A_272], %gather3A_269 {strides = array<i32>} : memref<4x128xi32, #tpu.memory_space<vmem>>, vector<16xi32>,
    %add3A_274 = arith.constant 1 : i32
    %add3A_275 = vector.broadcast %add3A_274 : i32 to vector<16xi32>
    %add3A_276 = arith.addi %mul3A_268, %add3A_275 : vector<16xi32>
    %gather3A_277 = tpu.vector_load_idx %arg8[%add3A_276] : memref<1024xi32, #tpu.memory_space<vmem>>[vector<16xi32>], vector<16xi32>,
    %swap3A_278 = arith.constant 1 : i32
    %swap3A_279 = arith.index_cast %swap3A_278 : i32 to index
    %swap3A_280 = arith.constant 80 : index
    %swap3A_281 = tpu.vector_load %arg10[%swap3A_279, %swap3A_280] {strides = array<i32>} : memref<4x128xi32, #tpu.memory_space<vmem>>, vector<16xi32>,
    tpu.vector_store %arg10[%swap3A_279, %swap3A_280], %gather3A_277 {strides = array<i32>} : memref<4x128xi32, #tpu.memory_space<vmem>>, vector<16xi32>,
    %iota3A_282 = tpu.iota {dimensions = array<i32: 0>} : vector<16xi32>
    %add3A_283 = arith.constant 224 : i32
    %add3A_284 = vector.broadcast %add3A_283 : i32 to vector<16xi32>
    %add3A_285 = arith.addi %iota3A_282, %add3A_284 : vector<16xi32>
    %mul3A_286 = arith.constant 2 : i32
    %mul3A_287 = vector.broadcast %mul3A_286 : i32 to vector<16xi32>
    %mul3A_288 = arith.muli %add3A_285, %mul3A_287 : vector<16xi32>
    %gather3A_289 = tpu.vector_load_idx %arg8[%mul3A_288] : memref<1024xi32, #tpu.memory_space<vmem>>[vector<16xi32>], vector<16xi32>,
    %swap3A_290 = arith.constant 1 : i32
    %swap3A_291 = arith.index_cast %swap3A_290 : i32 to index
    %swap3A_292 = arith.constant 96 : index
    %swap3A_293 = tpu.vector_load %arg9[%swap3A_291, %swap3A_292] {strides = array<i32>} : memref<4x128xi32, #tpu.memory_space<vmem>>, vector<16xi32>,
    tpu.vector_store %arg9[%swap3A_291, %swap3A_292], %gather3A_289 {strides = array<i32>} : memref<4x128xi32, #tpu.memory_space<vmem>>, vector<16xi32>,
    %add3A_294 = arith.constant 1 : i32
    %add3A_295 = vector.broadcast %add3A_294 : i32 to vector<16xi32>
    %add3A_296 = arith.addi %mul3A_288, %add3A_295 : vector<16xi32>
    %gather3A_297 = tpu.vector_load_idx %arg8[%add3A_296] : memref<1024xi32, #tpu.memory_space<vmem>>[vector<16xi32>], vector<16xi32>,
    %swap3A_298 = arith.constant 1 : i32
    %swap3A_299 = arith.index_cast %swap3A_298 : i32 to index
    %swap3A_300 = arith.constant 96 : index
    %swap3A_301 = tpu.vector_load %arg10[%swap3A_299, %swap3A_300] {strides = array<i32>} : memref<4x128xi32, #tpu.memory_space<vmem>>, vector<16xi32>,
    tpu.vector_store %arg10[%swap3A_299, %swap3A_300], %gather3A_297 {strides = array<i32>} : memref<4x128xi32, #tpu.memory_space<vmem>>, vector<16xi32>,
    %iota3A_302 = tpu.iota {dimensions = array<i32: 0>} : vector<16xi32>
    %add3A_303 = arith.constant 240 : i32
    %add3A_304 = vector.broadcast %add3A_303 : i32 to vector<16xi32>
    %add3A_305 = arith.addi %iota3A_302, %add3A_304 : vector<16xi32>
    %mul3A_306 = arith.constant 2 : i32
    %mul3A_307 = vector.broadcast %mul3A_306 : i32 to vector<16xi32>
    %mul3A_308 = arith.muli %add3A_305, %mul3A_307 : vector<16xi32>
    %gather3A_309 = tpu.vector_load_idx %arg8[%mul3A_308] : memref<1024xi32, #tpu.memory_space<vmem>>[vector<16xi32>], vector<16xi32>,
    %swap3A_310 = arith.constant 1 : i32
    %swap3A_311 = arith.index_cast %swap3A_310 : i32 to index
    %swap3A_312 = arith.constant 112 : index
    %swap3A_313 = tpu.vector_load %arg9[%swap3A_311, %swap3A_312] {strides = array<i32>} : memref<4x128xi32, #tpu.memory_space<vmem>>, vector<16xi32>,
    tpu.vector_store %arg9[%swap3A_311, %swap3A_312], %gather3A_309 {strides = array<i32>} : memref<4x128xi32, #tpu.memory_space<vmem>>, vector<16xi32>,
    %add3A_314 = arith.constant 1 : i32
    %add3A_315 = vector.broadcast %add3A_314 : i32 to vector<16xi32>
    %add3A_316 = arith.addi %mul3A_308, %add3A_315 : vector<16xi32>
    %gather3A_317 = tpu.vector_load_idx %arg8[%add3A_316] : memref<1024xi32, #tpu.memory_space<vmem>>[vector<16xi32>], vector<16xi32>,
    %swap3A_318 = arith.constant 1 : i32
    %swap3A_319 = arith.index_cast %swap3A_318 : i32 to index
    %swap3A_320 = arith.constant 112 : index
    %swap3A_321 = tpu.vector_load %arg10[%swap3A_319, %swap3A_320] {strides = array<i32>} : memref<4x128xi32, #tpu.memory_space<vmem>>, vector<16xi32>,
    tpu.vector_store %arg10[%swap3A_319, %swap3A_320], %gather3A_317 {strides = array<i32>} : memref<4x128xi32, #tpu.memory_space<vmem>>, vector<16xi32>,
    %iota3A_322 = tpu.iota {dimensions = array<i32: 0>} : vector<16xi32>
    %add3A_323 = arith.constant 256 : i32
    %add3A_324 = vector.broadcast %add3A_323 : i32 to vector<16xi32>
    %add3A_325 = arith.addi %iota3A_322, %add3A_324 : vector<16xi32>
    %mul3A_326 = arith.constant 2 : i32
    %mul3A_327 = vector.broadcast %mul3A_326 : i32 to vector<16xi32>
    %mul3A_328 = arith.muli %add3A_325, %mul3A_327 : vector<16xi32>
    %gather3A_329 = tpu.vector_load_idx %arg8[%mul3A_328] : memref<1024xi32, #tpu.memory_space<vmem>>[vector<16xi32>], vector<16xi32>,
    %swap3A_330 = arith.constant 2 : i32
    %swap3A_331 = arith.index_cast %swap3A_330 : i32 to index
    %swap3A_332 = arith.constant 0 : index
    %swap3A_333 = tpu.vector_load %arg9[%swap3A_331, %swap3A_332] {strides = array<i32>} : memref<4x128xi32, #tpu.memory_space<vmem>>, vector<16xi32>,
    tpu.vector_store %arg9[%swap3A_331, %swap3A_332], %gather3A_329 {strides = array<i32>} : memref<4x128xi32, #tpu.memory_space<vmem>>, vector<16xi32>,
    %add3A_334 = arith.constant 1 : i32
    %add3A_335 = vector.broadcast %add3A_334 : i32 to vector<16xi32>
    %add3A_336 = arith.addi %mul3A_328, %add3A_335 : vector<16xi32>
    %gather3A_337 = tpu.vector_load_idx %arg8[%add3A_336] : memref<1024xi32, #tpu.memory_space<vmem>>[vector<16xi32>], vector<16xi32>,
    %swap3A_338 = arith.constant 2 : i32
    %swap3A_339 = arith.index_cast %swap3A_338 : i32 to index
    %swap3A_340 = arith.constant 0 : index
    %swap3A_341 = tpu.vector_load %arg10[%swap3A_339, %swap3A_340] {strides = array<i32>} : memref<4x128xi32, #tpu.memory_space<vmem>>, vector<16xi32>,
    tpu.vector_store %arg10[%swap3A_339, %swap3A_340], %gather3A_337 {strides = array<i32>} : memref<4x128xi32, #tpu.memory_space<vmem>>, vector<16xi32>,
    %iota3A_342 = tpu.iota {dimensions = array<i32: 0>} : vector<16xi32>
    %add3A_343 = arith.constant 272 : i32
    %add3A_344 = vector.broadcast %add3A_343 : i32 to vector<16xi32>
    %add3A_345 = arith.addi %iota3A_342, %add3A_344 : vector<16xi32>
    %mul3A_346 = arith.constant 2 : i32
    %mul3A_347 = vector.broadcast %mul3A_346 : i32 to vector<16xi32>
    %mul3A_348 = arith.muli %add3A_345, %mul3A_347 : vector<16xi32>
    %gather3A_349 = tpu.vector_load_idx %arg8[%mul3A_348] : memref<1024xi32, #tpu.memory_space<vmem>>[vector<16xi32>], vector<16xi32>,
    %swap3A_350 = arith.constant 2 : i32
    %swap3A_351 = arith.index_cast %swap3A_350 : i32 to index
    %swap3A_352 = arith.constant 16 : index
    %swap3A_353 = tpu.vector_load %arg9[%swap3A_351, %swap3A_352] {strides = array<i32>} : memref<4x128xi32, #tpu.memory_space<vmem>>, vector<16xi32>,
    tpu.vector_store %arg9[%swap3A_351, %swap3A_352], %gather3A_349 {strides = array<i32>} : memref<4x128xi32, #tpu.memory_space<vmem>>, vector<16xi32>,
    %add3A_354 = arith.constant 1 : i32
    %add3A_355 = vector.broadcast %add3A_354 : i32 to vector<16xi32>
    %add3A_356 = arith.addi %mul3A_348, %add3A_355 : vector<16xi32>
    %gather3A_357 = tpu.vector_load_idx %arg8[%add3A_356] : memref<1024xi32, #tpu.memory_space<vmem>>[vector<16xi32>], vector<16xi32>,
    %swap3A_358 = arith.constant 2 : i32
    %swap3A_359 = arith.index_cast %swap3A_358 : i32 to index
    %swap3A_360 = arith.constant 16 : index
    %swap3A_361 = tpu.vector_load %arg10[%swap3A_359, %swap3A_360] {strides = array<i32>} : memref<4x128xi32, #tpu.memory_space<vmem>>, vector<16xi32>,
    tpu.vector_store %arg10[%swap3A_359, %swap3A_360], %gather3A_357 {strides = array<i32>} : memref<4x128xi32, #tpu.memory_space<vmem>>, vector<16xi32>,
    %iota3A_362 = tpu.iota {dimensions = array<i32: 0>} : vector<16xi32>
    %add3A_363 = arith.constant 288 : i32
    %add3A_364 = vector.broadcast %add3A_363 : i32 to vector<16xi32>
    %add3A_365 = arith.addi %iota3A_362, %add3A_364 : vector<16xi32>
    %mul3A_366 = arith.constant 2 : i32
    %mul3A_367 = vector.broadcast %mul3A_366 : i32 to vector<16xi32>
    %mul3A_368 = arith.muli %add3A_365, %mul3A_367 : vector<16xi32>
    %gather3A_369 = tpu.vector_load_idx %arg8[%mul3A_368] : memref<1024xi32, #tpu.memory_space<vmem>>[vector<16xi32>], vector<16xi32>,
    %swap3A_370 = arith.constant 2 : i32
    %swap3A_371 = arith.index_cast %swap3A_370 : i32 to index
    %swap3A_372 = arith.constant 32 : index
    %swap3A_373 = tpu.vector_load %arg9[%swap3A_371, %swap3A_372] {strides = array<i32>} : memref<4x128xi32, #tpu.memory_space<vmem>>, vector<16xi32>,
    tpu.vector_store %arg9[%swap3A_371, %swap3A_372], %gather3A_369 {strides = array<i32>} : memref<4x128xi32, #tpu.memory_space<vmem>>, vector<16xi32>,
    %add3A_374 = arith.constant 1 : i32
    %add3A_375 = vector.broadcast %add3A_374 : i32 to vector<16xi32>
    %add3A_376 = arith.addi %mul3A_368, %add3A_375 : vector<16xi32>
    %gather3A_377 = tpu.vector_load_idx %arg8[%add3A_376] : memref<1024xi32, #tpu.memory_space<vmem>>[vector<16xi32>], vector<16xi32>,
    %swap3A_378 = arith.constant 2 : i32
    %swap3A_379 = arith.index_cast %swap3A_378 : i32 to index
    %swap3A_380 = arith.constant 32 : index
    %swap3A_381 = tpu.vector_load %arg10[%swap3A_379, %swap3A_380] {strides = array<i32>} : memref<4x128xi32, #tpu.memory_space<vmem>>, vector<16xi32>,
    tpu.vector_store %arg10[%swap3A_379, %swap3A_380], %gather3A_377 {strides = array<i32>} : memref<4x128xi32, #tpu.memory_space<vmem>>, vector<16xi32>,
    %iota3A_382 = tpu.iota {dimensions = array<i32: 0>} : vector<16xi32>
    %add3A_383 = arith.constant 304 : i32
    %add3A_384 = vector.broadcast %add3A_383 : i32 to vector<16xi32>
    %add3A_385 = arith.addi %iota3A_382, %add3A_384 : vector<16xi32>
    %mul3A_386 = arith.constant 2 : i32
    %mul3A_387 = vector.broadcast %mul3A_386 : i32 to vector<16xi32>
    %mul3A_388 = arith.muli %add3A_385, %mul3A_387 : vector<16xi32>
    %gather3A_389 = tpu.vector_load_idx %arg8[%mul3A_388] : memref<1024xi32, #tpu.memory_space<vmem>>[vector<16xi32>], vector<16xi32>,
    %swap3A_390 = arith.constant 2 : i32
    %swap3A_391 = arith.index_cast %swap3A_390 : i32 to index
    %swap3A_392 = arith.constant 48 : index
    %swap3A_393 = tpu.vector_load %arg9[%swap3A_391, %swap3A_392] {strides = array<i32>} : memref<4x128xi32, #tpu.memory_space<vmem>>, vector<16xi32>,
    tpu.vector_store %arg9[%swap3A_391, %swap3A_392], %gather3A_389 {strides = array<i32>} : memref<4x128xi32, #tpu.memory_space<vmem>>, vector<16xi32>,
    %add3A_394 = arith.constant 1 : i32
    %add3A_395 = vector.broadcast %add3A_394 : i32 to vector<16xi32>
    %add3A_396 = arith.addi %mul3A_388, %add3A_395 : vector<16xi32>
    %gather3A_397 = tpu.vector_load_idx %arg8[%add3A_396] : memref<1024xi32, #tpu.memory_space<vmem>>[vector<16xi32>], vector<16xi32>,
    %swap3A_398 = arith.constant 2 : i32
    %swap3A_399 = arith.index_cast %swap3A_398 : i32 to index
    %swap3A_400 = arith.constant 48 : index
    %swap3A_401 = tpu.vector_load %arg10[%swap3A_399, %swap3A_400] {strides = array<i32>} : memref<4x128xi32, #tpu.memory_space<vmem>>, vector<16xi32>,
    tpu.vector_store %arg10[%swap3A_399, %swap3A_400], %gather3A_397 {strides = array<i32>} : memref<4x128xi32, #tpu.memory_space<vmem>>, vector<16xi32>,
    %iota3A_402 = tpu.iota {dimensions = array<i32: 0>} : vector<16xi32>
    %add3A_403 = arith.constant 320 : i32
    %add3A_404 = vector.broadcast %add3A_403 : i32 to vector<16xi32>
    %add3A_405 = arith.addi %iota3A_402, %add3A_404 : vector<16xi32>
    %mul3A_406 = arith.constant 2 : i32
    %mul3A_407 = vector.broadcast %mul3A_406 : i32 to vector<16xi32>
    %mul3A_408 = arith.muli %add3A_405, %mul3A_407 : vector<16xi32>
    %gather3A_409 = tpu.vector_load_idx %arg8[%mul3A_408] : memref<1024xi32, #tpu.memory_space<vmem>>[vector<16xi32>], vector<16xi32>,
    %swap3A_410 = arith.constant 2 : i32
    %swap3A_411 = arith.index_cast %swap3A_410 : i32 to index
    %swap3A_412 = arith.constant 64 : index
    %swap3A_413 = tpu.vector_load %arg9[%swap3A_411, %swap3A_412] {strides = array<i32>} : memref<4x128xi32, #tpu.memory_space<vmem>>, vector<16xi32>,
    tpu.vector_store %arg9[%swap3A_411, %swap3A_412], %gather3A_409 {strides = array<i32>} : memref<4x128xi32, #tpu.memory_space<vmem>>, vector<16xi32>,
    %add3A_414 = arith.constant 1 : i32
    %add3A_415 = vector.broadcast %add3A_414 : i32 to vector<16xi32>
    %add3A_416 = arith.addi %mul3A_408, %add3A_415 : vector<16xi32>
    %gather3A_417 = tpu.vector_load_idx %arg8[%add3A_416] : memref<1024xi32, #tpu.memory_space<vmem>>[vector<16xi32>], vector<16xi32>,
    %swap3A_418 = arith.constant 2 : i32
    %swap3A_419 = arith.index_cast %swap3A_418 : i32 to index
    %swap3A_420 = arith.constant 64 : index
    %swap3A_421 = tpu.vector_load %arg10[%swap3A_419, %swap3A_420] {strides = array<i32>} : memref<4x128xi32, #tpu.memory_space<vmem>>, vector<16xi32>,
    tpu.vector_store %arg10[%swap3A_419, %swap3A_420], %gather3A_417 {strides = array<i32>} : memref<4x128xi32, #tpu.memory_space<vmem>>, vector<16xi32>,
    %iota3A_422 = tpu.iota {dimensions = array<i32: 0>} : vector<16xi32>
    %add3A_423 = arith.constant 336 : i32
    %add3A_424 = vector.broadcast %add3A_423 : i32 to vector<16xi32>
    %add3A_425 = arith.addi %iota3A_422, %add3A_424 : vector<16xi32>
    %mul3A_426 = arith.constant 2 : i32
    %mul3A_427 = vector.broadcast %mul3A_426 : i32 to vector<16xi32>
    %mul3A_428 = arith.muli %add3A_425, %mul3A_427 : vector<16xi32>
    %gather3A_429 = tpu.vector_load_idx %arg8[%mul3A_428] : memref<1024xi32, #tpu.memory_space<vmem>>[vector<16xi32>], vector<16xi32>,
    %swap3A_430 = arith.constant 2 : i32
    %swap3A_431 = arith.index_cast %swap3A_430 : i32 to index
    %swap3A_432 = arith.constant 80 : index
    %swap3A_433 = tpu.vector_load %arg9[%swap3A_431, %swap3A_432] {strides = array<i32>} : memref<4x128xi32, #tpu.memory_space<vmem>>, vector<16xi32>,
    tpu.vector_store %arg9[%swap3A_431, %swap3A_432], %gather3A_429 {strides = array<i32>} : memref<4x128xi32, #tpu.memory_space<vmem>>, vector<16xi32>,
    %add3A_434 = arith.constant 1 : i32
    %add3A_435 = vector.broadcast %add3A_434 : i32 to vector<16xi32>
    %add3A_436 = arith.addi %mul3A_428, %add3A_435 : vector<16xi32>
    %gather3A_437 = tpu.vector_load_idx %arg8[%add3A_436] : memref<1024xi32, #tpu.memory_space<vmem>>[vector<16xi32>], vector<16xi32>,
    %swap3A_438 = arith.constant 2 : i32
    %swap3A_439 = arith.index_cast %swap3A_438 : i32 to index
    %swap3A_440 = arith.constant 80 : index
    %swap3A_441 = tpu.vector_load %arg10[%swap3A_439, %swap3A_440] {strides = array<i32>} : memref<4x128xi32, #tpu.memory_space<vmem>>, vector<16xi32>,
    tpu.vector_store %arg10[%swap3A_439, %swap3A_440], %gather3A_437 {strides = array<i32>} : memref<4x128xi32, #tpu.memory_space<vmem>>, vector<16xi32>,
    %iota3A_442 = tpu.iota {dimensions = array<i32: 0>} : vector<16xi32>
    %add3A_443 = arith.constant 352 : i32
    %add3A_444 = vector.broadcast %add3A_443 : i32 to vector<16xi32>
    %add3A_445 = arith.addi %iota3A_442, %add3A_444 : vector<16xi32>
    %mul3A_446 = arith.constant 2 : i32
    %mul3A_447 = vector.broadcast %mul3A_446 : i32 to vector<16xi32>
    %mul3A_448 = arith.muli %add3A_445, %mul3A_447 : vector<16xi32>
    %gather3A_449 = tpu.vector_load_idx %arg8[%mul3A_448] : memref<1024xi32, #tpu.memory_space<vmem>>[vector<16xi32>], vector<16xi32>,
    %swap3A_450 = arith.constant 2 : i32
    %swap3A_451 = arith.index_cast %swap3A_450 : i32 to index
    %swap3A_452 = arith.constant 96 : index
    %swap3A_453 = tpu.vector_load %arg9[%swap3A_451, %swap3A_452] {strides = array<i32>} : memref<4x128xi32, #tpu.memory_space<vmem>>, vector<16xi32>,
    tpu.vector_store %arg9[%swap3A_451, %swap3A_452], %gather3A_449 {strides = array<i32>} : memref<4x128xi32, #tpu.memory_space<vmem>>, vector<16xi32>,
    %add3A_454 = arith.constant 1 : i32
    %add3A_455 = vector.broadcast %add3A_454 : i32 to vector<16xi32>
    %add3A_456 = arith.addi %mul3A_448, %add3A_455 : vector<16xi32>
    %gather3A_457 = tpu.vector_load_idx %arg8[%add3A_456] : memref<1024xi32, #tpu.memory_space<vmem>>[vector<16xi32>], vector<16xi32>,
    %swap3A_458 = arith.constant 2 : i32
    %swap3A_459 = arith.index_cast %swap3A_458 : i32 to index
    %swap3A_460 = arith.constant 96 : index
    %swap3A_461 = tpu.vector_load %arg10[%swap3A_459, %swap3A_460] {strides = array<i32>} : memref<4x128xi32, #tpu.memory_space<vmem>>, vector<16xi32>,
    tpu.vector_store %arg10[%swap3A_459, %swap3A_460], %gather3A_457 {strides = array<i32>} : memref<4x128xi32, #tpu.memory_space<vmem>>, vector<16xi32>,
    %iota3A_462 = tpu.iota {dimensions = array<i32: 0>} : vector<16xi32>
    %add3A_463 = arith.constant 368 : i32
    %add3A_464 = vector.broadcast %add3A_463 : i32 to vector<16xi32>
    %add3A_465 = arith.addi %iota3A_462, %add3A_464 : vector<16xi32>
    %mul3A_466 = arith.constant 2 : i32
    %mul3A_467 = vector.broadcast %mul3A_466 : i32 to vector<16xi32>
    %mul3A_468 = arith.muli %add3A_465, %mul3A_467 : vector<16xi32>
    %gather3A_469 = tpu.vector_load_idx %arg8[%mul3A_468] : memref<1024xi32, #tpu.memory_space<vmem>>[vector<16xi32>], vector<16xi32>,
    %swap3A_470 = arith.constant 2 : i32
    %swap3A_471 = arith.index_cast %swap3A_470 : i32 to index
    %swap3A_472 = arith.constant 112 : index
    %swap3A_473 = tpu.vector_load %arg9[%swap3A_471, %swap3A_472] {strides = array<i32>} : memref<4x128xi32, #tpu.memory_space<vmem>>, vector<16xi32>,
    tpu.vector_store %arg9[%swap3A_471, %swap3A_472], %gather3A_469 {strides = array<i32>} : memref<4x128xi32, #tpu.memory_space<vmem>>, vector<16xi32>,
    %add3A_474 = arith.constant 1 : i32
    %add3A_475 = vector.broadcast %add3A_474 : i32 to vector<16xi32>
    %add3A_476 = arith.addi %mul3A_468, %add3A_475 : vector<16xi32>
    %gather3A_477 = tpu.vector_load_idx %arg8[%add3A_476] : memref<1024xi32, #tpu.memory_space<vmem>>[vector<16xi32>], vector<16xi32>,
    %swap3A_478 = arith.constant 2 : i32
    %swap3A_479 = arith.index_cast %swap3A_478 : i32 to index
    %swap3A_480 = arith.constant 112 : index
    %swap3A_481 = tpu.vector_load %arg10[%swap3A_479, %swap3A_480] {strides = array<i32>} : memref<4x128xi32, #tpu.memory_space<vmem>>, vector<16xi32>,
    tpu.vector_store %arg10[%swap3A_479, %swap3A_480], %gather3A_477 {strides = array<i32>} : memref<4x128xi32, #tpu.memory_space<vmem>>, vector<16xi32>,
    %iota3A_482 = tpu.iota {dimensions = array<i32: 0>} : vector<16xi32>
    %add3A_483 = arith.constant 384 : i32
    %add3A_484 = vector.broadcast %add3A_483 : i32 to vector<16xi32>
    %add3A_485 = arith.addi %iota3A_482, %add3A_484 : vector<16xi32>
    %mul3A_486 = arith.constant 2 : i32
    %mul3A_487 = vector.broadcast %mul3A_486 : i32 to vector<16xi32>
    %mul3A_488 = arith.muli %add3A_485, %mul3A_487 : vector<16xi32>
    %gather3A_489 = tpu.vector_load_idx %arg8[%mul3A_488] : memref<1024xi32, #tpu.memory_space<vmem>>[vector<16xi32>], vector<16xi32>,
    %swap3A_490 = arith.constant 3 : i32
    %swap3A_491 = arith.index_cast %swap3A_490 : i32 to index
    %swap3A_492 = arith.constant 0 : index
    %swap3A_493 = tpu.vector_load %arg9[%swap3A_491, %swap3A_492] {strides = array<i32>} : memref<4x128xi32, #tpu.memory_space<vmem>>, vector<16xi32>,
    tpu.vector_store %arg9[%swap3A_491, %swap3A_492], %gather3A_489 {strides = array<i32>} : memref<4x128xi32, #tpu.memory_space<vmem>>, vector<16xi32>,
    %add3A_494 = arith.constant 1 : i32
    %add3A_495 = vector.broadcast %add3A_494 : i32 to vector<16xi32>
    %add3A_496 = arith.addi %mul3A_488, %add3A_495 : vector<16xi32>
    %gather3A_497 = tpu.vector_load_idx %arg8[%add3A_496] : memref<1024xi32, #tpu.memory_space<vmem>>[vector<16xi32>], vector<16xi32>,
    %swap3A_498 = arith.constant 3 : i32
    %swap3A_499 = arith.index_cast %swap3A_498 : i32 to index
    %swap3A_500 = arith.constant 0 : index
    %swap3A_501 = tpu.vector_load %arg10[%swap3A_499, %swap3A_500] {strides = array<i32>} : memref<4x128xi32, #tpu.memory_space<vmem>>, vector<16xi32>,
    tpu.vector_store %arg10[%swap3A_499, %swap3A_500], %gather3A_497 {strides = array<i32>} : memref<4x128xi32, #tpu.memory_space<vmem>>, vector<16xi32>,
    %iota3A_502 = tpu.iota {dimensions = array<i32: 0>} : vector<16xi32>
    %add3A_503 = arith.constant 400 : i32
    %add3A_504 = vector.broadcast %add3A_503 : i32 to vector<16xi32>
    %add3A_505 = arith.addi %iota3A_502, %add3A_504 : vector<16xi32>
    %mul3A_506 = arith.constant 2 : i32
    %mul3A_507 = vector.broadcast %mul3A_506 : i32 to vector<16xi32>
    %mul3A_508 = arith.muli %add3A_505, %mul3A_507 : vector<16xi32>
    %gather3A_509 = tpu.vector_load_idx %arg8[%mul3A_508] : memref<1024xi32, #tpu.memory_space<vmem>>[vector<16xi32>], vector<16xi32>,
    %swap3A_510 = arith.constant 3 : i32
    %swap3A_511 = arith.index_cast %swap3A_510 : i32 to index
    %swap3A_512 = arith.constant 16 : index
    %swap3A_513 = tpu.vector_load %arg9[%swap3A_511, %swap3A_512] {strides = array<i32>} : memref<4x128xi32, #tpu.memory_space<vmem>>, vector<16xi32>,
    tpu.vector_store %arg9[%swap3A_511, %swap3A_512], %gather3A_509 {strides = array<i32>} : memref<4x128xi32, #tpu.memory_space<vmem>>, vector<16xi32>,
    %add3A_514 = arith.constant 1 : i32
    %add3A_515 = vector.broadcast %add3A_514 : i32 to vector<16xi32>
    %add3A_516 = arith.addi %mul3A_508, %add3A_515 : vector<16xi32>
    %gather3A_517 = tpu.vector_load_idx %arg8[%add3A_516] : memref<1024xi32, #tpu.memory_space<vmem>>[vector<16xi32>], vector<16xi32>,
    %swap3A_518 = arith.constant 3 : i32
    %swap3A_519 = arith.index_cast %swap3A_518 : i32 to index
    %swap3A_520 = arith.constant 16 : index
    %swap3A_521 = tpu.vector_load %arg10[%swap3A_519, %swap3A_520] {strides = array<i32>} : memref<4x128xi32, #tpu.memory_space<vmem>>, vector<16xi32>,
    tpu.vector_store %arg10[%swap3A_519, %swap3A_520], %gather3A_517 {strides = array<i32>} : memref<4x128xi32, #tpu.memory_space<vmem>>, vector<16xi32>,
    %iota3A_522 = tpu.iota {dimensions = array<i32: 0>} : vector<16xi32>
    %add3A_523 = arith.constant 416 : i32
    %add3A_524 = vector.broadcast %add3A_523 : i32 to vector<16xi32>
    %add3A_525 = arith.addi %iota3A_522, %add3A_524 : vector<16xi32>
    %mul3A_526 = arith.constant 2 : i32
    %mul3A_527 = vector.broadcast %mul3A_526 : i32 to vector<16xi32>
    %mul3A_528 = arith.muli %add3A_525, %mul3A_527 : vector<16xi32>
    %gather3A_529 = tpu.vector_load_idx %arg8[%mul3A_528] : memref<1024xi32, #tpu.memory_space<vmem>>[vector<16xi32>], vector<16xi32>,
    %swap3A_530 = arith.constant 3 : i32
    %swap3A_531 = arith.index_cast %swap3A_530 : i32 to index
    %swap3A_532 = arith.constant 32 : index
    %swap3A_533 = tpu.vector_load %arg9[%swap3A_531, %swap3A_532] {strides = array<i32>} : memref<4x128xi32, #tpu.memory_space<vmem>>, vector<16xi32>,
    tpu.vector_store %arg9[%swap3A_531, %swap3A_532], %gather3A_529 {strides = array<i32>} : memref<4x128xi32, #tpu.memory_space<vmem>>, vector<16xi32>,
    %add3A_534 = arith.constant 1 : i32
    %add3A_535 = vector.broadcast %add3A_534 : i32 to vector<16xi32>
    %add3A_536 = arith.addi %mul3A_528, %add3A_535 : vector<16xi32>
    %gather3A_537 = tpu.vector_load_idx %arg8[%add3A_536] : memref<1024xi32, #tpu.memory_space<vmem>>[vector<16xi32>], vector<16xi32>,
    %swap3A_538 = arith.constant 3 : i32
    %swap3A_539 = arith.index_cast %swap3A_538 : i32 to index
    %swap3A_540 = arith.constant 32 : index
    %swap3A_541 = tpu.vector_load %arg10[%swap3A_539, %swap3A_540] {strides = array<i32>} : memref<4x128xi32, #tpu.memory_space<vmem>>, vector<16xi32>,
    tpu.vector_store %arg10[%swap3A_539, %swap3A_540], %gather3A_537 {strides = array<i32>} : memref<4x128xi32, #tpu.memory_space<vmem>>, vector<16xi32>,
    %iota3A_542 = tpu.iota {dimensions = array<i32: 0>} : vector<16xi32>
    %add3A_543 = arith.constant 432 : i32
    %add3A_544 = vector.broadcast %add3A_543 : i32 to vector<16xi32>
    %add3A_545 = arith.addi %iota3A_542, %add3A_544 : vector<16xi32>
    %mul3A_546 = arith.constant 2 : i32
    %mul3A_547 = vector.broadcast %mul3A_546 : i32 to vector<16xi32>
    %mul3A_548 = arith.muli %add3A_545, %mul3A_547 : vector<16xi32>
    %gather3A_549 = tpu.vector_load_idx %arg8[%mul3A_548] : memref<1024xi32, #tpu.memory_space<vmem>>[vector<16xi32>], vector<16xi32>,
    %swap3A_550 = arith.constant 3 : i32
    %swap3A_551 = arith.index_cast %swap3A_550 : i32 to index
    %swap3A_552 = arith.constant 48 : index
    %swap3A_553 = tpu.vector_load %arg9[%swap3A_551, %swap3A_552] {strides = array<i32>} : memref<4x128xi32, #tpu.memory_space<vmem>>, vector<16xi32>,
    tpu.vector_store %arg9[%swap3A_551, %swap3A_552], %gather3A_549 {strides = array<i32>} : memref<4x128xi32, #tpu.memory_space<vmem>>, vector<16xi32>,
    %add3A_554 = arith.constant 1 : i32
    %add3A_555 = vector.broadcast %add3A_554 : i32 to vector<16xi32>
    %add3A_556 = arith.addi %mul3A_548, %add3A_555 : vector<16xi32>
    %gather3A_557 = tpu.vector_load_idx %arg8[%add3A_556] : memref<1024xi32, #tpu.memory_space<vmem>>[vector<16xi32>], vector<16xi32>,
    %swap3A_558 = arith.constant 3 : i32
    %swap3A_559 = arith.index_cast %swap3A_558 : i32 to index
    %swap3A_560 = arith.constant 48 : index
    %swap3A_561 = tpu.vector_load %arg10[%swap3A_559, %swap3A_560] {strides = array<i32>} : memref<4x128xi32, #tpu.memory_space<vmem>>, vector<16xi32>,
    tpu.vector_store %arg10[%swap3A_559, %swap3A_560], %gather3A_557 {strides = array<i32>} : memref<4x128xi32, #tpu.memory_space<vmem>>, vector<16xi32>,
    %iota3A_562 = tpu.iota {dimensions = array<i32: 0>} : vector<16xi32>
    %add3A_563 = arith.constant 448 : i32
    %add3A_564 = vector.broadcast %add3A_563 : i32 to vector<16xi32>
    %add3A_565 = arith.addi %iota3A_562, %add3A_564 : vector<16xi32>
    %mul3A_566 = arith.constant 2 : i32
    %mul3A_567 = vector.broadcast %mul3A_566 : i32 to vector<16xi32>
    %mul3A_568 = arith.muli %add3A_565, %mul3A_567 : vector<16xi32>
    %gather3A_569 = tpu.vector_load_idx %arg8[%mul3A_568] : memref<1024xi32, #tpu.memory_space<vmem>>[vector<16xi32>], vector<16xi32>,
    %swap3A_570 = arith.constant 3 : i32
    %swap3A_571 = arith.index_cast %swap3A_570 : i32 to index
    %swap3A_572 = arith.constant 64 : index
    %swap3A_573 = tpu.vector_load %arg9[%swap3A_571, %swap3A_572] {strides = array<i32>} : memref<4x128xi32, #tpu.memory_space<vmem>>, vector<16xi32>,
    tpu.vector_store %arg9[%swap3A_571, %swap3A_572], %gather3A_569 {strides = array<i32>} : memref<4x128xi32, #tpu.memory_space<vmem>>, vector<16xi32>,
    %add3A_574 = arith.constant 1 : i32
    %add3A_575 = vector.broadcast %add3A_574 : i32 to vector<16xi32>
    %add3A_576 = arith.addi %mul3A_568, %add3A_575 : vector<16xi32>
    %gather3A_577 = tpu.vector_load_idx %arg8[%add3A_576] : memref<1024xi32, #tpu.memory_space<vmem>>[vector<16xi32>], vector<16xi32>,
    %swap3A_578 = arith.constant 3 : i32
    %swap3A_579 = arith.index_cast %swap3A_578 : i32 to index
    %swap3A_580 = arith.constant 64 : index
    %swap3A_581 = tpu.vector_load %arg10[%swap3A_579, %swap3A_580] {strides = array<i32>} : memref<4x128xi32, #tpu.memory_space<vmem>>, vector<16xi32>,
    tpu.vector_store %arg10[%swap3A_579, %swap3A_580], %gather3A_577 {strides = array<i32>} : memref<4x128xi32, #tpu.memory_space<vmem>>, vector<16xi32>,
    %iota3A_582 = tpu.iota {dimensions = array<i32: 0>} : vector<16xi32>
    %add3A_583 = arith.constant 464 : i32
    %add3A_584 = vector.broadcast %add3A_583 : i32 to vector<16xi32>
    %add3A_585 = arith.addi %iota3A_582, %add3A_584 : vector<16xi32>
    %mul3A_586 = arith.constant 2 : i32
    %mul3A_587 = vector.broadcast %mul3A_586 : i32 to vector<16xi32>
    %mul3A_588 = arith.muli %add3A_585, %mul3A_587 : vector<16xi32>
    %gather3A_589 = tpu.vector_load_idx %arg8[%mul3A_588] : memref<1024xi32, #tpu.memory_space<vmem>>[vector<16xi32>], vector<16xi32>,
    %swap3A_590 = arith.constant 3 : i32
    %swap3A_591 = arith.index_cast %swap3A_590 : i32 to index
    %swap3A_592 = arith.constant 80 : index
    %swap3A_593 = tpu.vector_load %arg9[%swap3A_591, %swap3A_592] {strides = array<i32>} : memref<4x128xi32, #tpu.memory_space<vmem>>, vector<16xi32>,
    tpu.vector_store %arg9[%swap3A_591, %swap3A_592], %gather3A_589 {strides = array<i32>} : memref<4x128xi32, #tpu.memory_space<vmem>>, vector<16xi32>,
    %add3A_594 = arith.constant 1 : i32
    %add3A_595 = vector.broadcast %add3A_594 : i32 to vector<16xi32>
    %add3A_596 = arith.addi %mul3A_588, %add3A_595 : vector<16xi32>
    %gather3A_597 = tpu.vector_load_idx %arg8[%add3A_596] : memref<1024xi32, #tpu.memory_space<vmem>>[vector<16xi32>], vector<16xi32>,
    %swap3A_598 = arith.constant 3 : i32
    %swap3A_599 = arith.index_cast %swap3A_598 : i32 to index
    %swap3A_600 = arith.constant 80 : index
    %swap3A_601 = tpu.vector_load %arg10[%swap3A_599, %swap3A_600] {strides = array<i32>} : memref<4x128xi32, #tpu.memory_space<vmem>>, vector<16xi32>,
    tpu.vector_store %arg10[%swap3A_599, %swap3A_600], %gather3A_597 {strides = array<i32>} : memref<4x128xi32, #tpu.memory_space<vmem>>, vector<16xi32>,
    %iota3A_602 = tpu.iota {dimensions = array<i32: 0>} : vector<16xi32>
    %add3A_603 = arith.constant 480 : i32
    %add3A_604 = vector.broadcast %add3A_603 : i32 to vector<16xi32>
    %add3A_605 = arith.addi %iota3A_602, %add3A_604 : vector<16xi32>
    %mul3A_606 = arith.constant 2 : i32
    %mul3A_607 = vector.broadcast %mul3A_606 : i32 to vector<16xi32>
    %mul3A_608 = arith.muli %add3A_605, %mul3A_607 : vector<16xi32>
    %gather3A_609 = tpu.vector_load_idx %arg8[%mul3A_608] : memref<1024xi32, #tpu.memory_space<vmem>>[vector<16xi32>], vector<16xi32>,
    %swap3A_610 = arith.constant 3 : i32
    %swap3A_611 = arith.index_cast %swap3A_610 : i32 to index
    %swap3A_612 = arith.constant 96 : index
    %swap3A_613 = tpu.vector_load %arg9[%swap3A_611, %swap3A_612] {strides = array<i32>} : memref<4x128xi32, #tpu.memory_space<vmem>>, vector<16xi32>,
    tpu.vector_store %arg9[%swap3A_611, %swap3A_612], %gather3A_609 {strides = array<i32>} : memref<4x128xi32, #tpu.memory_space<vmem>>, vector<16xi32>,
    %add3A_614 = arith.constant 1 : i32
    %add3A_615 = vector.broadcast %add3A_614 : i32 to vector<16xi32>
    %add3A_616 = arith.addi %mul3A_608, %add3A_615 : vector<16xi32>
    %gather3A_617 = tpu.vector_load_idx %arg8[%add3A_616] : memref<1024xi32, #tpu.memory_space<vmem>>[vector<16xi32>], vector<16xi32>,
    %swap3A_618 = arith.constant 3 : i32
    %swap3A_619 = arith.index_cast %swap3A_618 : i32 to index
    %swap3A_620 = arith.constant 96 : index
    %swap3A_621 = tpu.vector_load %arg10[%swap3A_619, %swap3A_620] {strides = array<i32>} : memref<4x128xi32, #tpu.memory_space<vmem>>, vector<16xi32>,
    tpu.vector_store %arg10[%swap3A_619, %swap3A_620], %gather3A_617 {strides = array<i32>} : memref<4x128xi32, #tpu.memory_space<vmem>>, vector<16xi32>,
    %iota3A_622 = tpu.iota {dimensions = array<i32: 0>} : vector<16xi32>
    %add3A_623 = arith.constant 496 : i32
    %add3A_624 = vector.broadcast %add3A_623 : i32 to vector<16xi32>
    %add3A_625 = arith.addi %iota3A_622, %add3A_624 : vector<16xi32>
    %mul3A_626 = arith.constant 2 : i32
    %mul3A_627 = vector.broadcast %mul3A_626 : i32 to vector<16xi32>
    %mul3A_628 = arith.muli %add3A_625, %mul3A_627 : vector<16xi32>
    %gather3A_629 = tpu.vector_load_idx %arg8[%mul3A_628] : memref<1024xi32, #tpu.memory_space<vmem>>[vector<16xi32>], vector<16xi32>,
    %swap3A_630 = arith.constant 3 : i32
    %swap3A_631 = arith.index_cast %swap3A_630 : i32 to index
    %swap3A_632 = arith.constant 112 : index
    %swap3A_633 = tpu.vector_load %arg9[%swap3A_631, %swap3A_632] {strides = array<i32>} : memref<4x128xi32, #tpu.memory_space<vmem>>, vector<16xi32>,
    tpu.vector_store %arg9[%swap3A_631, %swap3A_632], %gather3A_629 {strides = array<i32>} : memref<4x128xi32, #tpu.memory_space<vmem>>, vector<16xi32>,
    %add3A_634 = arith.constant 1 : i32
    %add3A_635 = vector.broadcast %add3A_634 : i32 to vector<16xi32>
    %add3A_636 = arith.addi %mul3A_628, %add3A_635 : vector<16xi32>
    %gather3A_637 = tpu.vector_load_idx %arg8[%add3A_636] : memref<1024xi32, #tpu.memory_space<vmem>>[vector<16xi32>], vector<16xi32>,
    %swap3A_638 = arith.constant 3 : i32
    %swap3A_639 = arith.index_cast %swap3A_638 : i32 to index
    %swap3A_640 = arith.constant 112 : index
    %swap3A_641 = tpu.vector_load %arg10[%swap3A_639, %swap3A_640] {strides = array<i32>} : memref<4x128xi32, #tpu.memory_space<vmem>>, vector<16xi32>,
    tpu.vector_store %arg10[%swap3A_639, %swap3A_640], %gather3A_637 {strides = array<i32>} : memref<4x128xi32, #tpu.memory_space<vmem>>, vector<16xi32>,
    %dma_start3A = arith.constant 0 : i32
    %dma_start3A_642 = arith.constant 0 : i32
    %dma_start3A_643 = arith.constant 0 : i32
    %dma_start3A_644 = tpu.memref_slice %arg11[%dma_start3A_642, %dma_start3A_643] : memref<4x128xf32, #tpu.memory_space<vmem>> -> memref<1x128xf32, #tpu.memory_space<vmem>>
    %dma_start3A_645 = tpu.memref_squeeze %dma_start3A_644 : memref<1x128xf32, #tpu.memory_space<vmem>> -> memref<128xf32, #tpu.memory_space<vmem>>
    %dma_start3A_646 = arith.constant 0 : i32
    %dma_start3A_647 = tpu.memref_slice %arg9[%dma_start3A, %dma_start3A_646] : memref<4x128xi32, #tpu.memory_space<vmem>> -> memref<1x128xi32, #tpu.memory_space<vmem>>
    %dma_start3A_648 = tpu.memref_squeeze %dma_start3A_647 : memref<1x128xi32, #tpu.memory_space<vmem>> -> memref<128xi32, #tpu.memory_space<vmem>>
    %dma_start3A_649 = arith.constant 0 : i32
    %dma_start3A_650 = tpu.memref_slice %arg3[%dma_start3A_649] : memref<100000xf32, #tpu.memory_space<hbm>> -> memref<100000xf32, #tpu.memory_space<hbm>>
    tpu.enqueue_indirect_dma source(%dma_start3A_650 : memref<100000xf32, #tpu.memory_space<hbm>>) target(%dma_start3A_645 : memref<128xf32, #tpu.memory_space<vmem>>) offsets(%dma_start3A_648 : memref<128xi32, #tpu.memory_space<vmem>>) semaphore(%arg14 : memref<!tpu.dma_semaphore, #tpu.memory_space<semaphore_mem>>)
    %dma_start3A_651 = arith.constant 0 : i32
    %dma_start3A_652 = arith.constant 0 : i32
    %dma_start3A_653 = arith.constant 0 : i32
    %dma_start3A_654 = tpu.memref_slice %arg12[%dma_start3A_652, %dma_start3A_653] : memref<4x128xf32, #tpu.memory_space<vmem>> -> memref<1x128xf32, #tpu.memory_space<vmem>>
    %dma_start3A_655 = tpu.memref_squeeze %dma_start3A_654 : memref<1x128xf32, #tpu.memory_space<vmem>> -> memref<128xf32, #tpu.memory_space<vmem>>
    %dma_start3A_656 = arith.constant 0 : i32
    %dma_start3A_657 = tpu.memref_slice %arg10[%dma_start3A_651, %dma_start3A_656] : memref<4x128xi32, #tpu.memory_space<vmem>> -> memref<1x128xi32, #tpu.memory_space<vmem>>
    %dma_start3A_658 = tpu.memref_squeeze %dma_start3A_657 : memref<1x128xi32, #tpu.memory_space<vmem>> -> memref<128xi32, #tpu.memory_space<vmem>>
    %dma_start3A_659 = arith.constant 0 : i32
    %dma_start3A_660 = tpu.memref_slice %arg4[%dma_start3A_659] : memref<100000xf32, #tpu.memory_space<hbm>> -> memref<100000xf32, #tpu.memory_space<hbm>>
    tpu.enqueue_indirect_dma source(%dma_start3A_660 : memref<100000xf32, #tpu.memory_space<hbm>>) target(%dma_start3A_655 : memref<128xf32, #tpu.memory_space<vmem>>) offsets(%dma_start3A_658 : memref<128xi32, #tpu.memory_space<vmem>>) semaphore(%arg14 : memref<!tpu.dma_semaphore, #tpu.memory_space<semaphore_mem>>)
    %dma_start3A_661 = arith.constant 1 : i32
    %dma_start3A_662 = arith.constant 1 : i32
    %dma_start3A_663 = arith.constant 0 : i32
    %dma_start3A_664 = tpu.memref_slice %arg11[%dma_start3A_662, %dma_start3A_663] : memref<4x128xf32, #tpu.memory_space<vmem>> -> memref<1x128xf32, #tpu.memory_space<vmem>>
    %dma_start3A_665 = tpu.memref_squeeze %dma_start3A_664 : memref<1x128xf32, #tpu.memory_space<vmem>> -> memref<128xf32, #tpu.memory_space<vmem>>
    %dma_start3A_666 = arith.constant 0 : i32
    %dma_start3A_667 = tpu.memref_slice %arg9[%dma_start3A_661, %dma_start3A_666] : memref<4x128xi32, #tpu.memory_space<vmem>> -> memref<1x128xi32, #tpu.memory_space<vmem>>
    %dma_start3A_668 = tpu.memref_squeeze %dma_start3A_667 : memref<1x128xi32, #tpu.memory_space<vmem>> -> memref<128xi32, #tpu.memory_space<vmem>>
    %dma_start3A_669 = arith.constant 0 : i32
    %dma_start3A_670 = tpu.memref_slice %arg3[%dma_start3A_669] : memref<100000xf32, #tpu.memory_space<hbm>> -> memref<100000xf32, #tpu.memory_space<hbm>>
    tpu.enqueue_indirect_dma source(%dma_start3A_670 : memref<100000xf32, #tpu.memory_space<hbm>>) target(%dma_start3A_665 : memref<128xf32, #tpu.memory_space<vmem>>) offsets(%dma_start3A_668 : memref<128xi32, #tpu.memory_space<vmem>>) semaphore(%arg14 : memref<!tpu.dma_semaphore, #tpu.memory_space<semaphore_mem>>)
    %dma_start3A_671 = arith.constant 1 : i32
    %dma_start3A_672 = arith.constant 1 : i32
    %dma_start3A_673 = arith.constant 0 : i32
    %dma_start3A_674 = tpu.memref_slice %arg12[%dma_start3A_672, %dma_start3A_673] : memref<4x128xf32, #tpu.memory_space<vmem>> -> memref<1x128xf32, #tpu.memory_space<vmem>>
    %dma_start3A_675 = tpu.memref_squeeze %dma_start3A_674 : memref<1x128xf32, #tpu.memory_space<vmem>> -> memref<128xf32, #tpu.memory_space<vmem>>
    %dma_start3A_676 = arith.constant 0 : i32
    %dma_start3A_677 = tpu.memref_slice %arg10[%dma_start3A_671, %dma_start3A_676] : memref<4x128xi32, #tpu.memory_space<vmem>> -> memref<1x128xi32, #tpu.memory_space<vmem>>
    %dma_start3A_678 = tpu.memref_squeeze %dma_start3A_677 : memref<1x128xi32, #tpu.memory_space<vmem>> -> memref<128xi32, #tpu.memory_space<vmem>>
    %dma_start3A_679 = arith.constant 0 : i32
    %dma_start3A_680 = tpu.memref_slice %arg4[%dma_start3A_679] : memref<100000xf32, #tpu.memory_space<hbm>> -> memref<100000xf32, #tpu.memory_space<hbm>>
    tpu.enqueue_indirect_dma source(%dma_start3A_680 : memref<100000xf32, #tpu.memory_space<hbm>>) target(%dma_start3A_675 : memref<128xf32, #tpu.memory_space<vmem>>) offsets(%dma_start3A_678 : memref<128xi32, #tpu.memory_space<vmem>>) semaphore(%arg14 : memref<!tpu.dma_semaphore, #tpu.memory_space<semaphore_mem>>)
    %dma_start3A_681 = arith.constant 2 : i32
    %dma_start3A_682 = arith.constant 2 : i32
    %dma_start3A_683 = arith.constant 0 : i32
    %dma_start3A_684 = tpu.memref_slice %arg11[%dma_start3A_682, %dma_start3A_683] : memref<4x128xf32, #tpu.memory_space<vmem>> -> memref<1x128xf32, #tpu.memory_space<vmem>>
    %dma_start3A_685 = tpu.memref_squeeze %dma_start3A_684 : memref<1x128xf32, #tpu.memory_space<vmem>> -> memref<128xf32, #tpu.memory_space<vmem>>
    %dma_start3A_686 = arith.constant 0 : i32
    %dma_start3A_687 = tpu.memref_slice %arg9[%dma_start3A_681, %dma_start3A_686] : memref<4x128xi32, #tpu.memory_space<vmem>> -> memref<1x128xi32, #tpu.memory_space<vmem>>
    %dma_start3A_688 = tpu.memref_squeeze %dma_start3A_687 : memref<1x128xi32, #tpu.memory_space<vmem>> -> memref<128xi32, #tpu.memory_space<vmem>>
    %dma_start3A_689 = arith.constant 0 : i32
    %dma_start3A_690 = tpu.memref_slice %arg3[%dma_start3A_689] : memref<100000xf32, #tpu.memory_space<hbm>> -> memref<100000xf32, #tpu.memory_space<hbm>>
    tpu.enqueue_indirect_dma source(%dma_start3A_690 : memref<100000xf32, #tpu.memory_space<hbm>>) target(%dma_start3A_685 : memref<128xf32, #tpu.memory_space<vmem>>) offsets(%dma_start3A_688 : memref<128xi32, #tpu.memory_space<vmem>>) semaphore(%arg14 : memref<!tpu.dma_semaphore, #tpu.memory_space<semaphore_mem>>)
    %dma_start3A_691 = arith.constant 2 : i32
    %dma_start3A_692 = arith.constant 2 : i32
    %dma_start3A_693 = arith.constant 0 : i32
    %dma_start3A_694 = tpu.memref_slice %arg12[%dma_start3A_692, %dma_start3A_693] : memref<4x128xf32, #tpu.memory_space<vmem>> -> memref<1x128xf32, #tpu.memory_space<vmem>>
    %dma_start3A_695 = tpu.memref_squeeze %dma_start3A_694 : memref<1x128xf32, #tpu.memory_space<vmem>> -> memref<128xf32, #tpu.memory_space<vmem>>
    %dma_start3A_696 = arith.constant 0 : i32
    %dma_start3A_697 = tpu.memref_slice %arg10[%dma_start3A_691, %dma_start3A_696] : memref<4x128xi32, #tpu.memory_space<vmem>> -> memref<1x128xi32, #tpu.memory_space<vmem>>
    %dma_start3A_698 = tpu.memref_squeeze %dma_start3A_697 : memref<1x128xi32, #tpu.memory_space<vmem>> -> memref<128xi32, #tpu.memory_space<vmem>>
    %dma_start3A_699 = arith.constant 0 : i32
    %dma_start3A_700 = tpu.memref_slice %arg4[%dma_start3A_699] : memref<100000xf32, #tpu.memory_space<hbm>> -> memref<100000xf32, #tpu.memory_space<hbm>>
    tpu.enqueue_indirect_dma source(%dma_start3A_700 : memref<100000xf32, #tpu.memory_space<hbm>>) target(%dma_start3A_695 : memref<128xf32, #tpu.memory_space<vmem>>) offsets(%dma_start3A_698 : memref<128xi32, #tpu.memory_space<vmem>>) semaphore(%arg14 : memref<!tpu.dma_semaphore, #tpu.memory_space<semaphore_mem>>)
    %dma_start3A_701 = arith.constant 3 : i32
    %dma_start3A_702 = arith.constant 3 : i32
    %dma_start3A_703 = arith.constant 0 : i32
    %dma_start3A_704 = tpu.memref_slice %arg11[%dma_start3A_702, %dma_start3A_703] : memref<4x128xf32, #tpu.memory_space<vmem>> -> memref<1x128xf32, #tpu.memory_space<vmem>>
    %dma_start3A_705 = tpu.memref_squeeze %dma_start3A_704 : memref<1x128xf32, #tpu.memory_space<vmem>> -> memref<128xf32, #tpu.memory_space<vmem>>
    %dma_start3A_706 = arith.constant 0 : i32
    %dma_start3A_707 = tpu.memref_slice %arg9[%dma_start3A_701, %dma_start3A_706] : memref<4x128xi32, #tpu.memory_space<vmem>> -> memref<1x128xi32, #tpu.memory_space<vmem>>
    %dma_start3A_708 = tpu.memref_squeeze %dma_start3A_707 : memref<1x128xi32, #tpu.memory_space<vmem>> -> memref<128xi32, #tpu.memory_space<vmem>>
    %dma_start3A_709 = arith.constant 0 : i32
    %dma_start3A_710 = tpu.memref_slice %arg3[%dma_start3A_709] : memref<100000xf32, #tpu.memory_space<hbm>> -> memref<100000xf32, #tpu.memory_space<hbm>>
    tpu.enqueue_indirect_dma source(%dma_start3A_710 : memref<100000xf32, #tpu.memory_space<hbm>>) target(%dma_start3A_705 : memref<128xf32, #tpu.memory_space<vmem>>) offsets(%dma_start3A_708 : memref<128xi32, #tpu.memory_space<vmem>>) semaphore(%arg14 : memref<!tpu.dma_semaphore, #tpu.memory_space<semaphore_mem>>)
    %dma_start3A_711 = arith.constant 3 : i32
    %dma_start3A_712 = arith.constant 3 : i32
    %dma_start3A_713 = arith.constant 0 : i32
    %dma_start3A_714 = tpu.memref_slice %arg12[%dma_start3A_712, %dma_start3A_713] : memref<4x128xf32, #tpu.memory_space<vmem>> -> memref<1x128xf32, #tpu.memory_space<vmem>>
    %dma_start3A_715 = tpu.memref_squeeze %dma_start3A_714 : memref<1x128xf32, #tpu.memory_space<vmem>> -> memref<128xf32, #tpu.memory_space<vmem>>
    %dma_start3A_716 = arith.constant 0 : i32
    %dma_start3A_717 = tpu.memref_slice %arg10[%dma_start3A_711, %dma_start3A_716] : memref<4x128xi32, #tpu.memory_space<vmem>> -> memref<1x128xi32, #tpu.memory_space<vmem>>
    %dma_start3A_718 = tpu.memref_squeeze %dma_start3A_717 : memref<1x128xi32, #tpu.memory_space<vmem>> -> memref<128xi32, #tpu.memory_space<vmem>>
    %dma_start3A_719 = arith.constant 0 : i32
    %dma_start3A_720 = tpu.memref_slice %arg4[%dma_start3A_719] : memref<100000xf32, #tpu.memory_space<hbm>> -> memref<100000xf32, #tpu.memory_space<hbm>>
    tpu.enqueue_indirect_dma source(%dma_start3A_720 : memref<100000xf32, #tpu.memory_space<hbm>>) target(%dma_start3A_715 : memref<128xf32, #tpu.memory_space<vmem>>) offsets(%dma_start3A_718 : memref<128xi32, #tpu.memory_space<vmem>>) semaphore(%arg14 : memref<!tpu.dma_semaphore, #tpu.memory_space<semaphore_mem>>)
    %dma_wait3A = arith.constant 0 : i32
    %dma_wait3A_721 = arith.constant 0 : i32
    %dma_wait3A_722 = arith.constant 0 : i32
    %dma_wait3A_723 = tpu.memref_slice %arg11[%dma_wait3A_721, %dma_wait3A_722] : memref<4x128xf32, #tpu.memory_space<vmem>> -> memref<1x128xf32, #tpu.memory_space<vmem>>
    %dma_wait3A_724 = tpu.memref_squeeze %dma_wait3A_723 : memref<1x128xf32, #tpu.memory_space<vmem>> -> memref<128xf32, #tpu.memory_space<vmem>>
    %dma_wait3A_725 = arith.constant 0 : i32
    %dma_wait3A_726 = tpu.memref_slice %arg9[%dma_wait3A, %dma_wait3A_725] : memref<4x128xi32, #tpu.memory_space<vmem>> -> memref<1x128xi32, #tpu.memory_space<vmem>>
    %dma_wait3A_727 = tpu.memref_squeeze %dma_wait3A_726 : memref<1x128xi32, #tpu.memory_space<vmem>> -> memref<128xi32, #tpu.memory_space<vmem>>
    %dma_wait3A_728 = arith.constant 0 : i32
    %dma_wait3A_729 = tpu.memref_slice %arg3[%dma_wait3A_728] : memref<100000xf32, #tpu.memory_space<hbm>> -> memref<100000xf32, #tpu.memory_space<hbm>>
    tpu.wait_indirect_dma semaphore(%arg14 : memref<!tpu.dma_semaphore, #tpu.memory_space<semaphore_mem>>) src(%dma_wait3A_729 : memref<100000xf32, #tpu.memory_space<hbm>>) dst(%dma_wait3A_724 : memref<128xf32, #tpu.memory_space<vmem>>)
    %dma_wait3A_730 = arith.constant 0 : i32
    %dma_wait3A_731 = arith.constant 0 : i32
    %dma_wait3A_732 = arith.constant 0 : i32
    %dma_wait3A_733 = tpu.memref_slice %arg12[%dma_wait3A_731, %dma_wait3A_732] : memref<4x128xf32, #tpu.memory_space<vmem>> -> memref<1x128xf32, #tpu.memory_space<vmem>>
    %dma_wait3A_734 = tpu.memref_squeeze %dma_wait3A_733 : memref<1x128xf32, #tpu.memory_space<vmem>> -> memref<128xf32, #tpu.memory_space<vmem>>
    %dma_wait3A_735 = arith.constant 0 : i32
    %dma_wait3A_736 = tpu.memref_slice %arg10[%dma_wait3A_730, %dma_wait3A_735] : memref<4x128xi32, #tpu.memory_space<vmem>> -> memref<1x128xi32, #tpu.memory_space<vmem>>
    %dma_wait3A_737 = tpu.memref_squeeze %dma_wait3A_736 : memref<1x128xi32, #tpu.memory_space<vmem>> -> memref<128xi32, #tpu.memory_space<vmem>>
    %dma_wait3A_738 = arith.constant 0 : i32
    %dma_wait3A_739 = tpu.memref_slice %arg4[%dma_wait3A_738] : memref<100000xf32, #tpu.memory_space<hbm>> -> memref<100000xf32, #tpu.memory_space<hbm>>
    tpu.wait_indirect_dma semaphore(%arg14 : memref<!tpu.dma_semaphore, #tpu.memory_space<semaphore_mem>>) src(%dma_wait3A_739 : memref<100000xf32, #tpu.memory_space<hbm>>) dst(%dma_wait3A_734 : memref<128xf32, #tpu.memory_space<vmem>>)
    %dma_wait3A_740 = arith.constant 1 : i32
    %dma_wait3A_741 = arith.constant 1 : i32
    %dma_wait3A_742 = arith.constant 0 : i32
    %dma_wait3A_743 = tpu.memref_slice %arg11[%dma_wait3A_741, %dma_wait3A_742] : memref<4x128xf32, #tpu.memory_space<vmem>> -> memref<1x128xf32, #tpu.memory_space<vmem>>
    %dma_wait3A_744 = tpu.memref_squeeze %dma_wait3A_743 : memref<1x128xf32, #tpu.memory_space<vmem>> -> memref<128xf32, #tpu.memory_space<vmem>>
    %dma_wait3A_745 = arith.constant 0 : i32
    %dma_wait3A_746 = tpu.memref_slice %arg9[%dma_wait3A_740, %dma_wait3A_745] : memref<4x128xi32, #tpu.memory_space<vmem>> -> memref<1x128xi32, #tpu.memory_space<vmem>>
    %dma_wait3A_747 = tpu.memref_squeeze %dma_wait3A_746 : memref<1x128xi32, #tpu.memory_space<vmem>> -> memref<128xi32, #tpu.memory_space<vmem>>
    %dma_wait3A_748 = arith.constant 0 : i32
    %dma_wait3A_749 = tpu.memref_slice %arg3[%dma_wait3A_748] : memref<100000xf32, #tpu.memory_space<hbm>> -> memref<100000xf32, #tpu.memory_space<hbm>>
    tpu.wait_indirect_dma semaphore(%arg14 : memref<!tpu.dma_semaphore, #tpu.memory_space<semaphore_mem>>) src(%dma_wait3A_749 : memref<100000xf32, #tpu.memory_space<hbm>>) dst(%dma_wait3A_744 : memref<128xf32, #tpu.memory_space<vmem>>)
    %dma_wait3A_750 = arith.constant 1 : i32
    %dma_wait3A_751 = arith.constant 1 : i32
    %dma_wait3A_752 = arith.constant 0 : i32
    %dma_wait3A_753 = tpu.memref_slice %arg12[%dma_wait3A_751, %dma_wait3A_752] : memref<4x128xf32, #tpu.memory_space<vmem>> -> memref<1x128xf32, #tpu.memory_space<vmem>>
    %dma_wait3A_754 = tpu.memref_squeeze %dma_wait3A_753 : memref<1x128xf32, #tpu.memory_space<vmem>> -> memref<128xf32, #tpu.memory_space<vmem>>
    %dma_wait3A_755 = arith.constant 0 : i32
    %dma_wait3A_756 = tpu.memref_slice %arg10[%dma_wait3A_750, %dma_wait3A_755] : memref<4x128xi32, #tpu.memory_space<vmem>> -> memref<1x128xi32, #tpu.memory_space<vmem>>
    %dma_wait3A_757 = tpu.memref_squeeze %dma_wait3A_756 : memref<1x128xi32, #tpu.memory_space<vmem>> -> memref<128xi32, #tpu.memory_space<vmem>>
    %dma_wait3A_758 = arith.constant 0 : i32
    %dma_wait3A_759 = tpu.memref_slice %arg4[%dma_wait3A_758] : memref<100000xf32, #tpu.memory_space<hbm>> -> memref<100000xf32, #tpu.memory_space<hbm>>
    tpu.wait_indirect_dma semaphore(%arg14 : memref<!tpu.dma_semaphore, #tpu.memory_space<semaphore_mem>>) src(%dma_wait3A_759 : memref<100000xf32, #tpu.memory_space<hbm>>) dst(%dma_wait3A_754 : memref<128xf32, #tpu.memory_space<vmem>>)
    %dma_wait3A_760 = arith.constant 2 : i32
    %dma_wait3A_761 = arith.constant 2 : i32
    %dma_wait3A_762 = arith.constant 0 : i32
    %dma_wait3A_763 = tpu.memref_slice %arg11[%dma_wait3A_761, %dma_wait3A_762] : memref<4x128xf32, #tpu.memory_space<vmem>> -> memref<1x128xf32, #tpu.memory_space<vmem>>
    %dma_wait3A_764 = tpu.memref_squeeze %dma_wait3A_763 : memref<1x128xf32, #tpu.memory_space<vmem>> -> memref<128xf32, #tpu.memory_space<vmem>>
    %dma_wait3A_765 = arith.constant 0 : i32
    %dma_wait3A_766 = tpu.memref_slice %arg9[%dma_wait3A_760, %dma_wait3A_765] : memref<4x128xi32, #tpu.memory_space<vmem>> -> memref<1x128xi32, #tpu.memory_space<vmem>>
    %dma_wait3A_767 = tpu.memref_squeeze %dma_wait3A_766 : memref<1x128xi32, #tpu.memory_space<vmem>> -> memref<128xi32, #tpu.memory_space<vmem>>
    %dma_wait3A_768 = arith.constant 0 : i32
    %dma_wait3A_769 = tpu.memref_slice %arg3[%dma_wait3A_768] : memref<100000xf32, #tpu.memory_space<hbm>> -> memref<100000xf32, #tpu.memory_space<hbm>>
    tpu.wait_indirect_dma semaphore(%arg14 : memref<!tpu.dma_semaphore, #tpu.memory_space<semaphore_mem>>) src(%dma_wait3A_769 : memref<100000xf32, #tpu.memory_space<hbm>>) dst(%dma_wait3A_764 : memref<128xf32, #tpu.memory_space<vmem>>)
    %dma_wait3A_770 = arith.constant 2 : i32
    %dma_wait3A_771 = arith.constant 2 : i32
    %dma_wait3A_772 = arith.constant 0 : i32
    %dma_wait3A_773 = tpu.memref_slice %arg12[%dma_wait3A_771, %dma_wait3A_772] : memref<4x128xf32, #tpu.memory_space<vmem>> -> memref<1x128xf32, #tpu.memory_space<vmem>>
    %dma_wait3A_774 = tpu.memref_squeeze %dma_wait3A_773 : memref<1x128xf32, #tpu.memory_space<vmem>> -> memref<128xf32, #tpu.memory_space<vmem>>
    %dma_wait3A_775 = arith.constant 0 : i32
    %dma_wait3A_776 = tpu.memref_slice %arg10[%dma_wait3A_770, %dma_wait3A_775] : memref<4x128xi32, #tpu.memory_space<vmem>> -> memref<1x128xi32, #tpu.memory_space<vmem>>
    %dma_wait3A_777 = tpu.memref_squeeze %dma_wait3A_776 : memref<1x128xi32, #tpu.memory_space<vmem>> -> memref<128xi32, #tpu.memory_space<vmem>>
    %dma_wait3A_778 = arith.constant 0 : i32
    %dma_wait3A_779 = tpu.memref_slice %arg4[%dma_wait3A_778] : memref<100000xf32, #tpu.memory_space<hbm>> -> memref<100000xf32, #tpu.memory_space<hbm>>
    tpu.wait_indirect_dma semaphore(%arg14 : memref<!tpu.dma_semaphore, #tpu.memory_space<semaphore_mem>>) src(%dma_wait3A_779 : memref<100000xf32, #tpu.memory_space<hbm>>) dst(%dma_wait3A_774 : memref<128xf32, #tpu.memory_space<vmem>>)
    %dma_wait3A_780 = arith.constant 3 : i32
    %dma_wait3A_781 = arith.constant 3 : i32
    %dma_wait3A_782 = arith.constant 0 : i32
    %dma_wait3A_783 = tpu.memref_slice %arg11[%dma_wait3A_781, %dma_wait3A_782] : memref<4x128xf32, #tpu.memory_space<vmem>> -> memref<1x128xf32, #tpu.memory_space<vmem>>
    %dma_wait3A_784 = tpu.memref_squeeze %dma_wait3A_783 : memref<1x128xf32, #tpu.memory_space<vmem>> -> memref<128xf32, #tpu.memory_space<vmem>>
    %dma_wait3A_785 = arith.constant 0 : i32
    %dma_wait3A_786 = tpu.memref_slice %arg9[%dma_wait3A_780, %dma_wait3A_785] : memref<4x128xi32, #tpu.memory_space<vmem>> -> memref<1x128xi32, #tpu.memory_space<vmem>>
    %dma_wait3A_787 = tpu.memref_squeeze %dma_wait3A_786 : memref<1x128xi32, #tpu.memory_space<vmem>> -> memref<128xi32, #tpu.memory_space<vmem>>
    %dma_wait3A_788 = arith.constant 0 : i32
    %dma_wait3A_789 = tpu.memref_slice %arg3[%dma_wait3A_788] : memref<100000xf32, #tpu.memory_space<hbm>> -> memref<100000xf32, #tpu.memory_space<hbm>>
    tpu.wait_indirect_dma semaphore(%arg14 : memref<!tpu.dma_semaphore, #tpu.memory_space<semaphore_mem>>) src(%dma_wait3A_789 : memref<100000xf32, #tpu.memory_space<hbm>>) dst(%dma_wait3A_784 : memref<128xf32, #tpu.memory_space<vmem>>)
    %dma_wait3A_790 = arith.constant 3 : i32
    %dma_wait3A_791 = arith.constant 3 : i32
    %dma_wait3A_792 = arith.constant 0 : i32
    %dma_wait3A_793 = tpu.memref_slice %arg12[%dma_wait3A_791, %dma_wait3A_792] : memref<4x128xf32, #tpu.memory_space<vmem>> -> memref<1x128xf32, #tpu.memory_space<vmem>>
    %dma_wait3A_794 = tpu.memref_squeeze %dma_wait3A_793 : memref<1x128xf32, #tpu.memory_space<vmem>> -> memref<128xf32, #tpu.memory_space<vmem>>
    %dma_wait3A_795 = arith.constant 0 : i32
    %dma_wait3A_796 = tpu.memref_slice %arg10[%dma_wait3A_790, %dma_wait3A_795] : memref<4x128xi32, #tpu.memory_space<vmem>> -> memref<1x128xi32, #tpu.memory_space<vmem>>
    %dma_wait3A_797 = tpu.memref_squeeze %dma_wait3A_796 : memref<1x128xi32, #tpu.memory_space<vmem>> -> memref<128xi32, #tpu.memory_space<vmem>>
    %dma_wait3A_798 = arith.constant 0 : i32
    %dma_wait3A_799 = tpu.memref_slice %arg4[%dma_wait3A_798] : memref<100000xf32, #tpu.memory_space<hbm>> -> memref<100000xf32, #tpu.memory_space<hbm>>
    tpu.wait_indirect_dma semaphore(%arg14 : memref<!tpu.dma_semaphore, #tpu.memory_space<semaphore_mem>>) src(%dma_wait3A_799 : memref<100000xf32, #tpu.memory_space<hbm>>) dst(%dma_wait3A_794 : memref<128xf32, #tpu.memory_space<vmem>>)
    %get3A = arith.constant 0 : i32
    %get3A_800 = arith.index_cast %get3A : i32 to index
    %get3A_801 = arith.constant 0 : index
    %get3A_802 = tpu.vector_load %arg11[%get3A_800, %get3A_801] {strides = array<i32>} : memref<4x128xf32, #tpu.memory_space<vmem>>, vector<16xf32>,
    %get3A_803 = arith.constant 0 : i32
    %get3A_804 = arith.index_cast %get3A_803 : i32 to index
    %get3A_805 = arith.constant 0 : index
    %get3A_806 = tpu.vector_load %arg12[%get3A_804, %get3A_805] {strides = array<i32>} : memref<4x128xf32, #tpu.memory_space<vmem>>, vector<16xf32>,
    %add3A_807 = arith.addf %get3A_802, %get3A_806 : vector<16xf32>
    %swap3A_808 = arith.constant 0 : index
    %swap3A_809 = tpu.vector_load %arg13[%swap3A_808] {strides = array<i32>} : memref<512xf32, #tpu.memory_space<vmem>>, vector<16xf32>,
    tpu.vector_store %arg13[%swap3A_808], %add3A_807 {strides = array<i32>} : memref<512xf32, #tpu.memory_space<vmem>>, vector<16xf32>,
    %get3A_810 = arith.constant 0 : i32
    %get3A_811 = arith.index_cast %get3A_810 : i32 to index
    %get3A_812 = arith.constant 16 : index
    %get3A_813 = tpu.vector_load %arg11[%get3A_811, %get3A_812] {strides = array<i32>} : memref<4x128xf32, #tpu.memory_space<vmem>>, vector<16xf32>,
    %get3A_814 = arith.constant 0 : i32
    %get3A_815 = arith.index_cast %get3A_814 : i32 to index
    %get3A_816 = arith.constant 16 : index
    %get3A_817 = tpu.vector_load %arg12[%get3A_815, %get3A_816] {strides = array<i32>} : memref<4x128xf32, #tpu.memory_space<vmem>>, vector<16xf32>,
    %add3A_818 = arith.addf %get3A_813, %get3A_817 : vector<16xf32>
    %swap3A_819 = arith.constant 16 : index
    %swap3A_820 = tpu.vector_load %arg13[%swap3A_819] {strides = array<i32>} : memref<512xf32, #tpu.memory_space<vmem>>, vector<16xf32>,
    tpu.vector_store %arg13[%swap3A_819], %add3A_818 {strides = array<i32>} : memref<512xf32, #tpu.memory_space<vmem>>, vector<16xf32>,
    %get3A_821 = arith.constant 0 : i32
    %get3A_822 = arith.index_cast %get3A_821 : i32 to index
    %get3A_823 = arith.constant 32 : index
    %get3A_824 = tpu.vector_load %arg11[%get3A_822, %get3A_823] {strides = array<i32>} : memref<4x128xf32, #tpu.memory_space<vmem>>, vector<16xf32>,
    %get3A_825 = arith.constant 0 : i32
    %get3A_826 = arith.index_cast %get3A_825 : i32 to index
    %get3A_827 = arith.constant 32 : index
    %get3A_828 = tpu.vector_load %arg12[%get3A_826, %get3A_827] {strides = array<i32>} : memref<4x128xf32, #tpu.memory_space<vmem>>, vector<16xf32>,
    %add3A_829 = arith.addf %get3A_824, %get3A_828 : vector<16xf32>
    %swap3A_830 = arith.constant 32 : index
    %swap3A_831 = tpu.vector_load %arg13[%swap3A_830] {strides = array<i32>} : memref<512xf32, #tpu.memory_space<vmem>>, vector<16xf32>,
    tpu.vector_store %arg13[%swap3A_830], %add3A_829 {strides = array<i32>} : memref<512xf32, #tpu.memory_space<vmem>>, vector<16xf32>,
    %get3A_832 = arith.constant 0 : i32
    %get3A_833 = arith.index_cast %get3A_832 : i32 to index
    %get3A_834 = arith.constant 48 : index
    %get3A_835 = tpu.vector_load %arg11[%get3A_833, %get3A_834] {strides = array<i32>} : memref<4x128xf32, #tpu.memory_space<vmem>>, vector<16xf32>,
    %get3A_836 = arith.constant 0 : i32
    %get3A_837 = arith.index_cast %get3A_836 : i32 to index
    %get3A_838 = arith.constant 48 : index
    %get3A_839 = tpu.vector_load %arg12[%get3A_837, %get3A_838] {strides = array<i32>} : memref<4x128xf32, #tpu.memory_space<vmem>>, vector<16xf32>,
    %add3A_840 = arith.addf %get3A_835, %get3A_839 : vector<16xf32>
    %swap3A_841 = arith.constant 48 : index
    %swap3A_842 = tpu.vector_load %arg13[%swap3A_841] {strides = array<i32>} : memref<512xf32, #tpu.memory_space<vmem>>, vector<16xf32>,
    tpu.vector_store %arg13[%swap3A_841], %add3A_840 {strides = array<i32>} : memref<512xf32, #tpu.memory_space<vmem>>, vector<16xf32>,
    %get3A_843 = arith.constant 0 : i32
    %get3A_844 = arith.index_cast %get3A_843 : i32 to index
    %get3A_845 = arith.constant 64 : index
    %get3A_846 = tpu.vector_load %arg11[%get3A_844, %get3A_845] {strides = array<i32>} : memref<4x128xf32, #tpu.memory_space<vmem>>, vector<16xf32>,
    %get3A_847 = arith.constant 0 : i32
    %get3A_848 = arith.index_cast %get3A_847 : i32 to index
    %get3A_849 = arith.constant 64 : index
    %get3A_850 = tpu.vector_load %arg12[%get3A_848, %get3A_849] {strides = array<i32>} : memref<4x128xf32, #tpu.memory_space<vmem>>, vector<16xf32>,
    %add3A_851 = arith.addf %get3A_846, %get3A_850 : vector<16xf32>
    %swap3A_852 = arith.constant 64 : index
    %swap3A_853 = tpu.vector_load %arg13[%swap3A_852] {strides = array<i32>} : memref<512xf32, #tpu.memory_space<vmem>>, vector<16xf32>,
    tpu.vector_store %arg13[%swap3A_852], %add3A_851 {strides = array<i32>} : memref<512xf32, #tpu.memory_space<vmem>>, vector<16xf32>,
    %get3A_854 = arith.constant 0 : i32
    %get3A_855 = arith.index_cast %get3A_854 : i32 to index
    %get3A_856 = arith.constant 80 : index
    %get3A_857 = tpu.vector_load %arg11[%get3A_855, %get3A_856] {strides = array<i32>} : memref<4x128xf32, #tpu.memory_space<vmem>>, vector<16xf32>,
    %get3A_858 = arith.constant 0 : i32
    %get3A_859 = arith.index_cast %get3A_858 : i32 to index
    %get3A_860 = arith.constant 80 : index
    %get3A_861 = tpu.vector_load %arg12[%get3A_859, %get3A_860] {strides = array<i32>} : memref<4x128xf32, #tpu.memory_space<vmem>>, vector<16xf32>,
    %add3A_862 = arith.addf %get3A_857, %get3A_861 : vector<16xf32>
    %swap3A_863 = arith.constant 80 : index
    %swap3A_864 = tpu.vector_load %arg13[%swap3A_863] {strides = array<i32>} : memref<512xf32, #tpu.memory_space<vmem>>, vector<16xf32>,
    tpu.vector_store %arg13[%swap3A_863], %add3A_862 {strides = array<i32>} : memref<512xf32, #tpu.memory_space<vmem>>, vector<16xf32>,
    %get3A_865 = arith.constant 0 : i32
    %get3A_866 = arith.index_cast %get3A_865 : i32 to index
    %get3A_867 = arith.constant 96 : index
    %get3A_868 = tpu.vector_load %arg11[%get3A_866, %get3A_867] {strides = array<i32>} : memref<4x128xf32, #tpu.memory_space<vmem>>, vector<16xf32>,
    %get3A_869 = arith.constant 0 : i32
    %get3A_870 = arith.index_cast %get3A_869 : i32 to index
    %get3A_871 = arith.constant 96 : index
    %get3A_872 = tpu.vector_load %arg12[%get3A_870, %get3A_871] {strides = array<i32>} : memref<4x128xf32, #tpu.memory_space<vmem>>, vector<16xf32>,
    %add3A_873 = arith.addf %get3A_868, %get3A_872 : vector<16xf32>
    %swap3A_874 = arith.constant 96 : index
    %swap3A_875 = tpu.vector_load %arg13[%swap3A_874] {strides = array<i32>} : memref<512xf32, #tpu.memory_space<vmem>>, vector<16xf32>,
    tpu.vector_store %arg13[%swap3A_874], %add3A_873 {strides = array<i32>} : memref<512xf32, #tpu.memory_space<vmem>>, vector<16xf32>,
    %get3A_876 = arith.constant 0 : i32
    %get3A_877 = arith.index_cast %get3A_876 : i32 to index
    %get3A_878 = arith.constant 112 : index
    %get3A_879 = tpu.vector_load %arg11[%get3A_877, %get3A_878] {strides = array<i32>} : memref<4x128xf32, #tpu.memory_space<vmem>>, vector<16xf32>,
    %get3A_880 = arith.constant 0 : i32
    %get3A_881 = arith.index_cast %get3A_880 : i32 to index
    %get3A_882 = arith.constant 112 : index
    %get3A_883 = tpu.vector_load %arg12[%get3A_881, %get3A_882] {strides = array<i32>} : memref<4x128xf32, #tpu.memory_space<vmem>>, vector<16xf32>,
    %add3A_884 = arith.addf %get3A_879, %get3A_883 : vector<16xf32>
    %swap3A_885 = arith.constant 112 : index
    %swap3A_886 = tpu.vector_load %arg13[%swap3A_885] {strides = array<i32>} : memref<512xf32, #tpu.memory_space<vmem>>, vector<16xf32>,
    tpu.vector_store %arg13[%swap3A_885], %add3A_884 {strides = array<i32>} : memref<512xf32, #tpu.memory_space<vmem>>, vector<16xf32>,
    %get3A_887 = arith.constant 1 : i32
    %get3A_888 = arith.index_cast %get3A_887 : i32 to index
    %get3A_889 = arith.constant 0 : index
    %get3A_890 = tpu.vector_load %arg11[%get3A_888, %get3A_889] {strides = array<i32>} : memref<4x128xf32, #tpu.memory_space<vmem>>, vector<16xf32>,
    %get3A_891 = arith.constant 1 : i32
    %get3A_892 = arith.index_cast %get3A_891 : i32 to index
    %get3A_893 = arith.constant 0 : index
    %get3A_894 = tpu.vector_load %arg12[%get3A_892, %get3A_893] {strides = array<i32>} : memref<4x128xf32, #tpu.memory_space<vmem>>, vector<16xf32>,
    %add3A_895 = arith.addf %get3A_890, %get3A_894 : vector<16xf32>
    %swap3A_896 = arith.constant 128 : index
    %swap3A_897 = tpu.vector_load %arg13[%swap3A_896] {strides = array<i32>} : memref<512xf32, #tpu.memory_space<vmem>>, vector<16xf32>,
    tpu.vector_store %arg13[%swap3A_896], %add3A_895 {strides = array<i32>} : memref<512xf32, #tpu.memory_space<vmem>>, vector<16xf32>,
    %get3A_898 = arith.constant 1 : i32
    %get3A_899 = arith.index_cast %get3A_898 : i32 to index
    %get3A_900 = arith.constant 16 : index
    %get3A_901 = tpu.vector_load %arg11[%get3A_899, %get3A_900] {strides = array<i32>} : memref<4x128xf32, #tpu.memory_space<vmem>>, vector<16xf32>,
    %get3A_902 = arith.constant 1 : i32
    %get3A_903 = arith.index_cast %get3A_902 : i32 to index
    %get3A_904 = arith.constant 16 : index
    %get3A_905 = tpu.vector_load %arg12[%get3A_903, %get3A_904] {strides = array<i32>} : memref<4x128xf32, #tpu.memory_space<vmem>>, vector<16xf32>,
    %add3A_906 = arith.addf %get3A_901, %get3A_905 : vector<16xf32>
    %swap3A_907 = arith.constant 144 : index
    %swap3A_908 = tpu.vector_load %arg13[%swap3A_907] {strides = array<i32>} : memref<512xf32, #tpu.memory_space<vmem>>, vector<16xf32>,
    tpu.vector_store %arg13[%swap3A_907], %add3A_906 {strides = array<i32>} : memref<512xf32, #tpu.memory_space<vmem>>, vector<16xf32>,
    %get3A_909 = arith.constant 1 : i32
    %get3A_910 = arith.index_cast %get3A_909 : i32 to index
    %get3A_911 = arith.constant 32 : index
    %get3A_912 = tpu.vector_load %arg11[%get3A_910, %get3A_911] {strides = array<i32>} : memref<4x128xf32, #tpu.memory_space<vmem>>, vector<16xf32>,
    %get3A_913 = arith.constant 1 : i32
    %get3A_914 = arith.index_cast %get3A_913 : i32 to index
    %get3A_915 = arith.constant 32 : index
    %get3A_916 = tpu.vector_load %arg12[%get3A_914, %get3A_915] {strides = array<i32>} : memref<4x128xf32, #tpu.memory_space<vmem>>, vector<16xf32>,
    %add3A_917 = arith.addf %get3A_912, %get3A_916 : vector<16xf32>
    %swap3A_918 = arith.constant 160 : index
    %swap3A_919 = tpu.vector_load %arg13[%swap3A_918] {strides = array<i32>} : memref<512xf32, #tpu.memory_space<vmem>>, vector<16xf32>,
    tpu.vector_store %arg13[%swap3A_918], %add3A_917 {strides = array<i32>} : memref<512xf32, #tpu.memory_space<vmem>>, vector<16xf32>,
    %get3A_920 = arith.constant 1 : i32
    %get3A_921 = arith.index_cast %get3A_920 : i32 to index
    %get3A_922 = arith.constant 48 : index
    %get3A_923 = tpu.vector_load %arg11[%get3A_921, %get3A_922] {strides = array<i32>} : memref<4x128xf32, #tpu.memory_space<vmem>>, vector<16xf32>,
    %get3A_924 = arith.constant 1 : i32
    %get3A_925 = arith.index_cast %get3A_924 : i32 to index
    %get3A_926 = arith.constant 48 : index
    %get3A_927 = tpu.vector_load %arg12[%get3A_925, %get3A_926] {strides = array<i32>} : memref<4x128xf32, #tpu.memory_space<vmem>>, vector<16xf32>,
    %add3A_928 = arith.addf %get3A_923, %get3A_927 : vector<16xf32>
    %swap3A_929 = arith.constant 176 : index
    %swap3A_930 = tpu.vector_load %arg13[%swap3A_929] {strides = array<i32>} : memref<512xf32, #tpu.memory_space<vmem>>, vector<16xf32>,
    tpu.vector_store %arg13[%swap3A_929], %add3A_928 {strides = array<i32>} : memref<512xf32, #tpu.memory_space<vmem>>, vector<16xf32>,
    %get3A_931 = arith.constant 1 : i32
    %get3A_932 = arith.index_cast %get3A_931 : i32 to index
    %get3A_933 = arith.constant 64 : index
    %get3A_934 = tpu.vector_load %arg11[%get3A_932, %get3A_933] {strides = array<i32>} : memref<4x128xf32, #tpu.memory_space<vmem>>, vector<16xf32>,
    %get3A_935 = arith.constant 1 : i32
    %get3A_936 = arith.index_cast %get3A_935 : i32 to index
    %get3A_937 = arith.constant 64 : index
    %get3A_938 = tpu.vector_load %arg12[%get3A_936, %get3A_937] {strides = array<i32>} : memref<4x128xf32, #tpu.memory_space<vmem>>, vector<16xf32>,
    %add3A_939 = arith.addf %get3A_934, %get3A_938 : vector<16xf32>
    %swap3A_940 = arith.constant 192 : index
    %swap3A_941 = tpu.vector_load %arg13[%swap3A_940] {strides = array<i32>} : memref<512xf32, #tpu.memory_space<vmem>>, vector<16xf32>,
    tpu.vector_store %arg13[%swap3A_940], %add3A_939 {strides = array<i32>} : memref<512xf32, #tpu.memory_space<vmem>>, vector<16xf32>,
    %get3A_942 = arith.constant 1 : i32
    %get3A_943 = arith.index_cast %get3A_942 : i32 to index
    %get3A_944 = arith.constant 80 : index
    %get3A_945 = tpu.vector_load %arg11[%get3A_943, %get3A_944] {strides = array<i32>} : memref<4x128xf32, #tpu.memory_space<vmem>>, vector<16xf32>,
    %get3A_946 = arith.constant 1 : i32
    %get3A_947 = arith.index_cast %get3A_946 : i32 to index
    %get3A_948 = arith.constant 80 : index
    %get3A_949 = tpu.vector_load %arg12[%get3A_947, %get3A_948] {strides = array<i32>} : memref<4x128xf32, #tpu.memory_space<vmem>>, vector<16xf32>,
    %add3A_950 = arith.addf %get3A_945, %get3A_949 : vector<16xf32>
    %swap3A_951 = arith.constant 208 : index
    %swap3A_952 = tpu.vector_load %arg13[%swap3A_951] {strides = array<i32>} : memref<512xf32, #tpu.memory_space<vmem>>, vector<16xf32>,
    tpu.vector_store %arg13[%swap3A_951], %add3A_950 {strides = array<i32>} : memref<512xf32, #tpu.memory_space<vmem>>, vector<16xf32>,
    %get3A_953 = arith.constant 1 : i32
    %get3A_954 = arith.index_cast %get3A_953 : i32 to index
    %get3A_955 = arith.constant 96 : index
    %get3A_956 = tpu.vector_load %arg11[%get3A_954, %get3A_955] {strides = array<i32>} : memref<4x128xf32, #tpu.memory_space<vmem>>, vector<16xf32>,
    %get3A_957 = arith.constant 1 : i32
    %get3A_958 = arith.index_cast %get3A_957 : i32 to index
    %get3A_959 = arith.constant 96 : index
    %get3A_960 = tpu.vector_load %arg12[%get3A_958, %get3A_959] {strides = array<i32>} : memref<4x128xf32, #tpu.memory_space<vmem>>, vector<16xf32>,
    %add3A_961 = arith.addf %get3A_956, %get3A_960 : vector<16xf32>
    %swap3A_962 = arith.constant 224 : index
    %swap3A_963 = tpu.vector_load %arg13[%swap3A_962] {strides = array<i32>} : memref<512xf32, #tpu.memory_space<vmem>>, vector<16xf32>,
    tpu.vector_store %arg13[%swap3A_962], %add3A_961 {strides = array<i32>} : memref<512xf32, #tpu.memory_space<vmem>>, vector<16xf32>,
    %get3A_964 = arith.constant 1 : i32
    %get3A_965 = arith.index_cast %get3A_964 : i32 to index
    %get3A_966 = arith.constant 112 : index
    %get3A_967 = tpu.vector_load %arg11[%get3A_965, %get3A_966] {strides = array<i32>} : memref<4x128xf32, #tpu.memory_space<vmem>>, vector<16xf32>,
    %get3A_968 = arith.constant 1 : i32
    %get3A_969 = arith.index_cast %get3A_968 : i32 to index
    %get3A_970 = arith.constant 112 : index
    %get3A_971 = tpu.vector_load %arg12[%get3A_969, %get3A_970] {strides = array<i32>} : memref<4x128xf32, #tpu.memory_space<vmem>>, vector<16xf32>,
    %add3A_972 = arith.addf %get3A_967, %get3A_971 : vector<16xf32>
    %swap3A_973 = arith.constant 240 : index
    %swap3A_974 = tpu.vector_load %arg13[%swap3A_973] {strides = array<i32>} : memref<512xf32, #tpu.memory_space<vmem>>, vector<16xf32>,
    tpu.vector_store %arg13[%swap3A_973], %add3A_972 {strides = array<i32>} : memref<512xf32, #tpu.memory_space<vmem>>, vector<16xf32>,
    %get3A_975 = arith.constant 2 : i32
    %get3A_976 = arith.index_cast %get3A_975 : i32 to index
    %get3A_977 = arith.constant 0 : index
    %get3A_978 = tpu.vector_load %arg11[%get3A_976, %get3A_977] {strides = array<i32>} : memref<4x128xf32, #tpu.memory_space<vmem>>, vector<16xf32>,
    %get3A_979 = arith.constant 2 : i32
    %get3A_980 = arith.index_cast %get3A_979 : i32 to index
    %get3A_981 = arith.constant 0 : index
    %get3A_982 = tpu.vector_load %arg12[%get3A_980, %get3A_981] {strides = array<i32>} : memref<4x128xf32, #tpu.memory_space<vmem>>, vector<16xf32>,
    %add3A_983 = arith.addf %get3A_978, %get3A_982 : vector<16xf32>
    %swap3A_984 = arith.constant 256 : index
    %swap3A_985 = tpu.vector_load %arg13[%swap3A_984] {strides = array<i32>} : memref<512xf32, #tpu.memory_space<vmem>>, vector<16xf32>,
    tpu.vector_store %arg13[%swap3A_984], %add3A_983 {strides = array<i32>} : memref<512xf32, #tpu.memory_space<vmem>>, vector<16xf32>,
    %get3A_986 = arith.constant 2 : i32
    %get3A_987 = arith.index_cast %get3A_986 : i32 to index
    %get3A_988 = arith.constant 16 : index
    %get3A_989 = tpu.vector_load %arg11[%get3A_987, %get3A_988] {strides = array<i32>} : memref<4x128xf32, #tpu.memory_space<vmem>>, vector<16xf32>,
    %get3A_990 = arith.constant 2 : i32
    %get3A_991 = arith.index_cast %get3A_990 : i32 to index
    %get3A_992 = arith.constant 16 : index
    %get3A_993 = tpu.vector_load %arg12[%get3A_991, %get3A_992] {strides = array<i32>} : memref<4x128xf32, #tpu.memory_space<vmem>>, vector<16xf32>,
    %add3A_994 = arith.addf %get3A_989, %get3A_993 : vector<16xf32>
    %swap3A_995 = arith.constant 272 : index
    %swap3A_996 = tpu.vector_load %arg13[%swap3A_995] {strides = array<i32>} : memref<512xf32, #tpu.memory_space<vmem>>, vector<16xf32>,
    tpu.vector_store %arg13[%swap3A_995], %add3A_994 {strides = array<i32>} : memref<512xf32, #tpu.memory_space<vmem>>, vector<16xf32>,
    %get3A_997 = arith.constant 2 : i32
    %get3A_998 = arith.index_cast %get3A_997 : i32 to index
    %get3A_999 = arith.constant 32 : index
    %get3A_1000 = tpu.vector_load %arg11[%get3A_998, %get3A_999] {strides = array<i32>} : memref<4x128xf32, #tpu.memory_space<vmem>>, vector<16xf32>,
    %get3A_1001 = arith.constant 2 : i32
    %get3A_1002 = arith.index_cast %get3A_1001 : i32 to index
    %get3A_1003 = arith.constant 32 : index
    %get3A_1004 = tpu.vector_load %arg12[%get3A_1002, %get3A_1003] {strides = array<i32>} : memref<4x128xf32, #tpu.memory_space<vmem>>, vector<16xf32>,
    %add3A_1005 = arith.addf %get3A_1000, %get3A_1004 : vector<16xf32>
    %swap3A_1006 = arith.constant 288 : index
    %swap3A_1007 = tpu.vector_load %arg13[%swap3A_1006] {strides = array<i32>} : memref<512xf32, #tpu.memory_space<vmem>>, vector<16xf32>,
    tpu.vector_store %arg13[%swap3A_1006], %add3A_1005 {strides = array<i32>} : memref<512xf32, #tpu.memory_space<vmem>>, vector<16xf32>,
    %get3A_1008 = arith.constant 2 : i32
    %get3A_1009 = arith.index_cast %get3A_1008 : i32 to index
    %get3A_1010 = arith.constant 48 : index
    %get3A_1011 = tpu.vector_load %arg11[%get3A_1009, %get3A_1010] {strides = array<i32>} : memref<4x128xf32, #tpu.memory_space<vmem>>, vector<16xf32>,
    %get3A_1012 = arith.constant 2 : i32
    %get3A_1013 = arith.index_cast %get3A_1012 : i32 to index
    %get3A_1014 = arith.constant 48 : index
    %get3A_1015 = tpu.vector_load %arg12[%get3A_1013, %get3A_1014] {strides = array<i32>} : memref<4x128xf32, #tpu.memory_space<vmem>>, vector<16xf32>,
    %add3A_1016 = arith.addf %get3A_1011, %get3A_1015 : vector<16xf32>
    %swap3A_1017 = arith.constant 304 : index
    %swap3A_1018 = tpu.vector_load %arg13[%swap3A_1017] {strides = array<i32>} : memref<512xf32, #tpu.memory_space<vmem>>, vector<16xf32>,
    tpu.vector_store %arg13[%swap3A_1017], %add3A_1016 {strides = array<i32>} : memref<512xf32, #tpu.memory_space<vmem>>, vector<16xf32>,
    %get3A_1019 = arith.constant 2 : i32
    %get3A_1020 = arith.index_cast %get3A_1019 : i32 to index
    %get3A_1021 = arith.constant 64 : index
    %get3A_1022 = tpu.vector_load %arg11[%get3A_1020, %get3A_1021] {strides = array<i32>} : memref<4x128xf32, #tpu.memory_space<vmem>>, vector<16xf32>,
    %get3A_1023 = arith.constant 2 : i32
    %get3A_1024 = arith.index_cast %get3A_1023 : i32 to index
    %get3A_1025 = arith.constant 64 : index
    %get3A_1026 = tpu.vector_load %arg12[%get3A_1024, %get3A_1025] {strides = array<i32>} : memref<4x128xf32, #tpu.memory_space<vmem>>, vector<16xf32>,
    %add3A_1027 = arith.addf %get3A_1022, %get3A_1026 : vector<16xf32>
    %swap3A_1028 = arith.constant 320 : index
    %swap3A_1029 = tpu.vector_load %arg13[%swap3A_1028] {strides = array<i32>} : memref<512xf32, #tpu.memory_space<vmem>>, vector<16xf32>,
    tpu.vector_store %arg13[%swap3A_1028], %add3A_1027 {strides = array<i32>} : memref<512xf32, #tpu.memory_space<vmem>>, vector<16xf32>,
    %get3A_1030 = arith.constant 2 : i32
    %get3A_1031 = arith.index_cast %get3A_1030 : i32 to index
    %get3A_1032 = arith.constant 80 : index
    %get3A_1033 = tpu.vector_load %arg11[%get3A_1031, %get3A_1032] {strides = array<i32>} : memref<4x128xf32, #tpu.memory_space<vmem>>, vector<16xf32>,
    %get3A_1034 = arith.constant 2 : i32
    %get3A_1035 = arith.index_cast %get3A_1034 : i32 to index
    %get3A_1036 = arith.constant 80 : index
    %get3A_1037 = tpu.vector_load %arg12[%get3A_1035, %get3A_1036] {strides = array<i32>} : memref<4x128xf32, #tpu.memory_space<vmem>>, vector<16xf32>,
    %add3A_1038 = arith.addf %get3A_1033, %get3A_1037 : vector<16xf32>
    %swap3A_1039 = arith.constant 336 : index
    %swap3A_1040 = tpu.vector_load %arg13[%swap3A_1039] {strides = array<i32>} : memref<512xf32, #tpu.memory_space<vmem>>, vector<16xf32>,
    tpu.vector_store %arg13[%swap3A_1039], %add3A_1038 {strides = array<i32>} : memref<512xf32, #tpu.memory_space<vmem>>, vector<16xf32>,
    %get3A_1041 = arith.constant 2 : i32
    %get3A_1042 = arith.index_cast %get3A_1041 : i32 to index
    %get3A_1043 = arith.constant 96 : index
    %get3A_1044 = tpu.vector_load %arg11[%get3A_1042, %get3A_1043] {strides = array<i32>} : memref<4x128xf32, #tpu.memory_space<vmem>>, vector<16xf32>,
    %get3A_1045 = arith.constant 2 : i32
    %get3A_1046 = arith.index_cast %get3A_1045 : i32 to index
    %get3A_1047 = arith.constant 96 : index
    %get3A_1048 = tpu.vector_load %arg12[%get3A_1046, %get3A_1047] {strides = array<i32>} : memref<4x128xf32, #tpu.memory_space<vmem>>, vector<16xf32>,
    %add3A_1049 = arith.addf %get3A_1044, %get3A_1048 : vector<16xf32>
    %swap3A_1050 = arith.constant 352 : index
    %swap3A_1051 = tpu.vector_load %arg13[%swap3A_1050] {strides = array<i32>} : memref<512xf32, #tpu.memory_space<vmem>>, vector<16xf32>,
    tpu.vector_store %arg13[%swap3A_1050], %add3A_1049 {strides = array<i32>} : memref<512xf32, #tpu.memory_space<vmem>>, vector<16xf32>,
    %get3A_1052 = arith.constant 2 : i32
    %get3A_1053 = arith.index_cast %get3A_1052 : i32 to index
    %get3A_1054 = arith.constant 112 : index
    %get3A_1055 = tpu.vector_load %arg11[%get3A_1053, %get3A_1054] {strides = array<i32>} : memref<4x128xf32, #tpu.memory_space<vmem>>, vector<16xf32>,
    %get3A_1056 = arith.constant 2 : i32
    %get3A_1057 = arith.index_cast %get3A_1056 : i32 to index
    %get3A_1058 = arith.constant 112 : index
    %get3A_1059 = tpu.vector_load %arg12[%get3A_1057, %get3A_1058] {strides = array<i32>} : memref<4x128xf32, #tpu.memory_space<vmem>>, vector<16xf32>,
    %add3A_1060 = arith.addf %get3A_1055, %get3A_1059 : vector<16xf32>
    %swap3A_1061 = arith.constant 368 : index
    %swap3A_1062 = tpu.vector_load %arg13[%swap3A_1061] {strides = array<i32>} : memref<512xf32, #tpu.memory_space<vmem>>, vector<16xf32>,
    tpu.vector_store %arg13[%swap3A_1061], %add3A_1060 {strides = array<i32>} : memref<512xf32, #tpu.memory_space<vmem>>, vector<16xf32>,
    %get3A_1063 = arith.constant 3 : i32
    %get3A_1064 = arith.index_cast %get3A_1063 : i32 to index
    %get3A_1065 = arith.constant 0 : index
    %get3A_1066 = tpu.vector_load %arg11[%get3A_1064, %get3A_1065] {strides = array<i32>} : memref<4x128xf32, #tpu.memory_space<vmem>>, vector<16xf32>,
    %get3A_1067 = arith.constant 3 : i32
    %get3A_1068 = arith.index_cast %get3A_1067 : i32 to index
    %get3A_1069 = arith.constant 0 : index
    %get3A_1070 = tpu.vector_load %arg12[%get3A_1068, %get3A_1069] {strides = array<i32>} : memref<4x128xf32, #tpu.memory_space<vmem>>, vector<16xf32>,
    %add3A_1071 = arith.addf %get3A_1066, %get3A_1070 : vector<16xf32>
    %swap3A_1072 = arith.constant 384 : index
    %swap3A_1073 = tpu.vector_load %arg13[%swap3A_1072] {strides = array<i32>} : memref<512xf32, #tpu.memory_space<vmem>>, vector<16xf32>,
    tpu.vector_store %arg13[%swap3A_1072], %add3A_1071 {strides = array<i32>} : memref<512xf32, #tpu.memory_space<vmem>>, vector<16xf32>,
    %get3A_1074 = arith.constant 3 : i32
    %get3A_1075 = arith.index_cast %get3A_1074 : i32 to index
    %get3A_1076 = arith.constant 16 : index
    %get3A_1077 = tpu.vector_load %arg11[%get3A_1075, %get3A_1076] {strides = array<i32>} : memref<4x128xf32, #tpu.memory_space<vmem>>, vector<16xf32>,
    %get3A_1078 = arith.constant 3 : i32
    %get3A_1079 = arith.index_cast %get3A_1078 : i32 to index
    %get3A_1080 = arith.constant 16 : index
    %get3A_1081 = tpu.vector_load %arg12[%get3A_1079, %get3A_1080] {strides = array<i32>} : memref<4x128xf32, #tpu.memory_space<vmem>>, vector<16xf32>,
    %add3A_1082 = arith.addf %get3A_1077, %get3A_1081 : vector<16xf32>
    %swap3A_1083 = arith.constant 400 : index
    %swap3A_1084 = tpu.vector_load %arg13[%swap3A_1083] {strides = array<i32>} : memref<512xf32, #tpu.memory_space<vmem>>, vector<16xf32>,
    tpu.vector_store %arg13[%swap3A_1083], %add3A_1082 {strides = array<i32>} : memref<512xf32, #tpu.memory_space<vmem>>, vector<16xf32>,
    %get3A_1085 = arith.constant 3 : i32
    %get3A_1086 = arith.index_cast %get3A_1085 : i32 to index
    %get3A_1087 = arith.constant 32 : index
    %get3A_1088 = tpu.vector_load %arg11[%get3A_1086, %get3A_1087] {strides = array<i32>} : memref<4x128xf32, #tpu.memory_space<vmem>>, vector<16xf32>,
    %get3A_1089 = arith.constant 3 : i32
    %get3A_1090 = arith.index_cast %get3A_1089 : i32 to index
    %get3A_1091 = arith.constant 32 : index
    %get3A_1092 = tpu.vector_load %arg12[%get3A_1090, %get3A_1091] {strides = array<i32>} : memref<4x128xf32, #tpu.memory_space<vmem>>, vector<16xf32>,
    %add3A_1093 = arith.addf %get3A_1088, %get3A_1092 : vector<16xf32>
    %swap3A_1094 = arith.constant 416 : index
    %swap3A_1095 = tpu.vector_load %arg13[%swap3A_1094] {strides = array<i32>} : memref<512xf32, #tpu.memory_space<vmem>>, vector<16xf32>,
    tpu.vector_store %arg13[%swap3A_1094], %add3A_1093 {strides = array<i32>} : memref<512xf32, #tpu.memory_space<vmem>>, vector<16xf32>,
    %get3A_1096 = arith.constant 3 : i32
    %get3A_1097 = arith.index_cast %get3A_1096 : i32 to index
    %get3A_1098 = arith.constant 48 : index
    %get3A_1099 = tpu.vector_load %arg11[%get3A_1097, %get3A_1098] {strides = array<i32>} : memref<4x128xf32, #tpu.memory_space<vmem>>, vector<16xf32>,
    %get3A_1100 = arith.constant 3 : i32
    %get3A_1101 = arith.index_cast %get3A_1100 : i32 to index
    %get3A_1102 = arith.constant 48 : index
    %get3A_1103 = tpu.vector_load %arg12[%get3A_1101, %get3A_1102] {strides = array<i32>} : memref<4x128xf32, #tpu.memory_space<vmem>>, vector<16xf32>,
    %add3A_1104 = arith.addf %get3A_1099, %get3A_1103 : vector<16xf32>
    %swap3A_1105 = arith.constant 432 : index
    %swap3A_1106 = tpu.vector_load %arg13[%swap3A_1105] {strides = array<i32>} : memref<512xf32, #tpu.memory_space<vmem>>, vector<16xf32>,
    tpu.vector_store %arg13[%swap3A_1105], %add3A_1104 {strides = array<i32>} : memref<512xf32, #tpu.memory_space<vmem>>, vector<16xf32>,
    %get3A_1107 = arith.constant 3 : i32
    %get3A_1108 = arith.index_cast %get3A_1107 : i32 to index
    %get3A_1109 = arith.constant 64 : index
    %get3A_1110 = tpu.vector_load %arg11[%get3A_1108, %get3A_1109] {strides = array<i32>} : memref<4x128xf32, #tpu.memory_space<vmem>>, vector<16xf32>,
    %get3A_1111 = arith.constant 3 : i32
    %get3A_1112 = arith.index_cast %get3A_1111 : i32 to index
    %get3A_1113 = arith.constant 64 : index
    %get3A_1114 = tpu.vector_load %arg12[%get3A_1112, %get3A_1113] {strides = array<i32>} : memref<4x128xf32, #tpu.memory_space<vmem>>, vector<16xf32>,
    %add3A_1115 = arith.addf %get3A_1110, %get3A_1114 : vector<16xf32>
    %swap3A_1116 = arith.constant 448 : index
    %swap3A_1117 = tpu.vector_load %arg13[%swap3A_1116] {strides = array<i32>} : memref<512xf32, #tpu.memory_space<vmem>>, vector<16xf32>,
    tpu.vector_store %arg13[%swap3A_1116], %add3A_1115 {strides = array<i32>} : memref<512xf32, #tpu.memory_space<vmem>>, vector<16xf32>,
    %get3A_1118 = arith.constant 3 : i32
    %get3A_1119 = arith.index_cast %get3A_1118 : i32 to index
    %get3A_1120 = arith.constant 80 : index
    %get3A_1121 = tpu.vector_load %arg11[%get3A_1119, %get3A_1120] {strides = array<i32>} : memref<4x128xf32, #tpu.memory_space<vmem>>, vector<16xf32>,
    %get3A_1122 = arith.constant 3 : i32
    %get3A_1123 = arith.index_cast %get3A_1122 : i32 to index
    %get3A_1124 = arith.constant 80 : index
    %get3A_1125 = tpu.vector_load %arg12[%get3A_1123, %get3A_1124] {strides = array<i32>} : memref<4x128xf32, #tpu.memory_space<vmem>>, vector<16xf32>,
    %add3A_1126 = arith.addf %get3A_1121, %get3A_1125 : vector<16xf32>
    %swap3A_1127 = arith.constant 464 : index
    %swap3A_1128 = tpu.vector_load %arg13[%swap3A_1127] {strides = array<i32>} : memref<512xf32, #tpu.memory_space<vmem>>, vector<16xf32>,
    tpu.vector_store %arg13[%swap3A_1127], %add3A_1126 {strides = array<i32>} : memref<512xf32, #tpu.memory_space<vmem>>, vector<16xf32>,
    %get3A_1129 = arith.constant 3 : i32
    %get3A_1130 = arith.index_cast %get3A_1129 : i32 to index
    %get3A_1131 = arith.constant 96 : index
    %get3A_1132 = tpu.vector_load %arg11[%get3A_1130, %get3A_1131] {strides = array<i32>} : memref<4x128xf32, #tpu.memory_space<vmem>>, vector<16xf32>,
    %get3A_1133 = arith.constant 3 : i32
    %get3A_1134 = arith.index_cast %get3A_1133 : i32 to index
    %get3A_1135 = arith.constant 96 : index
    %get3A_1136 = tpu.vector_load %arg12[%get3A_1134, %get3A_1135] {strides = array<i32>} : memref<4x128xf32, #tpu.memory_space<vmem>>, vector<16xf32>,
    %add3A_1137 = arith.addf %get3A_1132, %get3A_1136 : vector<16xf32>
    %swap3A_1138 = arith.constant 480 : index
    %swap3A_1139 = tpu.vector_load %arg13[%swap3A_1138] {strides = array<i32>} : memref<512xf32, #tpu.memory_space<vmem>>, vector<16xf32>,
    tpu.vector_store %arg13[%swap3A_1138], %add3A_1137 {strides = array<i32>} : memref<512xf32, #tpu.memory_space<vmem>>, vector<16xf32>,
    %get3A_1140 = arith.constant 3 : i32
    %get3A_1141 = arith.index_cast %get3A_1140 : i32 to index
    %get3A_1142 = arith.constant 112 : index
    %get3A_1143 = tpu.vector_load %arg11[%get3A_1141, %get3A_1142] {strides = array<i32>} : memref<4x128xf32, #tpu.memory_space<vmem>>, vector<16xf32>,
    %get3A_1144 = arith.constant 3 : i32
    %get3A_1145 = arith.index_cast %get3A_1144 : i32 to index
    %get3A_1146 = arith.constant 112 : index
    %get3A_1147 = tpu.vector_load %arg12[%get3A_1145, %get3A_1146] {strides = array<i32>} : memref<4x128xf32, #tpu.memory_space<vmem>>, vector<16xf32>,
    %add3A_1148 = arith.addf %get3A_1143, %get3A_1147 : vector<16xf32>
    %swap3A_1149 = arith.constant 496 : index
    %swap3A_1150 = tpu.vector_load %arg13[%swap3A_1149] {strides = array<i32>} : memref<512xf32, #tpu.memory_space<vmem>>, vector<16xf32>,
    tpu.vector_store %arg13[%swap3A_1149], %add3A_1148 {strides = array<i32>} : memref<512xf32, #tpu.memory_space<vmem>>, vector<16xf32>,
    "tpu.region"() ({
      %run_scoped3A_1174 = tpu.sem_alloc : memref<!tpu.dma_semaphore, #tpu.memory_space<semaphore_mem>>
      %dma_start3A_1175 = tpu.memref_slice %arg7[%mul3A_2] : memref<16384xf32, #tpu.memory_space<hbm>> -> memref<512xf32, #tpu.memory_space<hbm>>
      %dma_start3A_1176 = tpu.memref_slice %arg7[%mul3A_2] : memref<16384xf32, #tpu.memory_space<hbm>> -> memref<512xf32, #tpu.memory_space<hbm>>
      tpu.enqueue_dma source(%arg13 : memref<512xf32, #tpu.memory_space<vmem>>) target(%dma_start3A_1176 : memref<512xf32, #tpu.memory_space<hbm>>) target_semaphore(%run_scoped3A_1174 : memref<!tpu.dma_semaphore, #tpu.memory_space<semaphore_mem>>)
      %dma_wait3A_1177 = tpu.memref_slice %arg7[%mul3A_2] : memref<16384xf32, #tpu.memory_space<hbm>> -> memref<512xf32, #tpu.memory_space<hbm>>
      %dma_wait3A_1178 = tpu.memref_slice %arg7[%mul3A_2] : memref<16384xf32, #tpu.memory_space<hbm>> -> memref<512xf32, #tpu.memory_space<hbm>>
      tpu.wait_dma2 semaphore(%run_scoped3A_1174 : memref<!tpu.dma_semaphore, #tpu.memory_space<semaphore_mem>>) src(%arg13 : memref<512xf32, #tpu.memory_space<vmem>>) dst(%dma_wait3A_1178 : memref<512xf32, #tpu.memory_space<hbm>>)
      tpu.yield
    }) : () -> ()
    %add3A_1151 = arith.constant 0 : i32
    %add3A_1152 = arith.addi %mul3A_2, %add3A_1151 : i32
    %run_scoped3A = arith.constant 0 : i32
    "tpu.region"() ({
      %run_scoped3A_1174 = tpu.sem_alloc : memref<!tpu.dma_semaphore, #tpu.memory_space<semaphore_mem>>
      %dma_start3A_1175 = arith.constant 0 : i32
      %dma_start3A_1176 = tpu.memref_slice %arg9[%run_scoped3A, %dma_start3A_1175] : memref<4x128xi32, #tpu.memory_space<vmem>> -> memref<1x128xi32, #tpu.memory_space<vmem>>
      %dma_start3A_1177 = tpu.memref_squeeze %dma_start3A_1176 : memref<1x128xi32, #tpu.memory_space<vmem>> -> memref<128xi32, #tpu.memory_space<vmem>>
      %dma_start3A_1178 = tpu.memref_slice %arg5[%add3A_1152] : memref<16384xi32, #tpu.memory_space<hbm>> -> memref<128xi32, #tpu.memory_space<hbm>>
      %dma_start3A_1179 = tpu.memref_slice %arg5[%add3A_1152] : memref<16384xi32, #tpu.memory_space<hbm>> -> memref<128xi32, #tpu.memory_space<hbm>>
      %dma_start3A_1180 = arith.constant 0 : i32
      %dma_start3A_1181 = tpu.memref_slice %arg9[%run_scoped3A, %dma_start3A_1180] : memref<4x128xi32, #tpu.memory_space<vmem>> -> memref<1x128xi32, #tpu.memory_space<vmem>>
      %dma_start3A_1182 = tpu.memref_squeeze %dma_start3A_1181 : memref<1x128xi32, #tpu.memory_space<vmem>> -> memref<128xi32, #tpu.memory_space<vmem>>
      tpu.enqueue_dma source(%dma_start3A_1182 : memref<128xi32, #tpu.memory_space<vmem>>) target(%dma_start3A_1179 : memref<128xi32, #tpu.memory_space<hbm>>) target_semaphore(%run_scoped3A_1174 : memref<!tpu.dma_semaphore, #tpu.memory_space<semaphore_mem>>)
      %dma_wait3A_1183 = arith.constant 0 : i32
      %dma_wait3A_1184 = tpu.memref_slice %arg9[%run_scoped3A, %dma_wait3A_1183] : memref<4x128xi32, #tpu.memory_space<vmem>> -> memref<1x128xi32, #tpu.memory_space<vmem>>
      %dma_wait3A_1185 = tpu.memref_squeeze %dma_wait3A_1184 : memref<1x128xi32, #tpu.memory_space<vmem>> -> memref<128xi32, #tpu.memory_space<vmem>>
      %dma_wait3A_1186 = tpu.memref_slice %arg5[%add3A_1152] : memref<16384xi32, #tpu.memory_space<hbm>> -> memref<128xi32, #tpu.memory_space<hbm>>
      %dma_wait3A_1187 = tpu.memref_slice %arg5[%add3A_1152] : memref<16384xi32, #tpu.memory_space<hbm>> -> memref<128xi32, #tpu.memory_space<hbm>>
      %dma_wait3A_1188 = arith.constant 0 : i32
      %dma_wait3A_1189 = tpu.memref_slice %arg9[%run_scoped3A, %dma_wait3A_1188] : memref<4x128xi32, #tpu.memory_space<vmem>> -> memref<1x128xi32, #tpu.memory_space<vmem>>
      %dma_wait3A_1190 = tpu.memref_squeeze %dma_wait3A_1189 : memref<1x128xi32, #tpu.memory_space<vmem>> -> memref<128xi32, #tpu.memory_space<vmem>>
      tpu.wait_dma2 semaphore(%run_scoped3A_1174 : memref<!tpu.dma_semaphore, #tpu.memory_space<semaphore_mem>>) src(%dma_wait3A_1190 : memref<128xi32, #tpu.memory_space<vmem>>) dst(%dma_wait3A_1187 : memref<128xi32, #tpu.memory_space<hbm>>)
      tpu.yield
    }) : () -> ()
    %add3A_1153 = arith.constant 0 : i32
    %add3A_1154 = arith.addi %mul3A_2, %add3A_1153 : i32
    %run_scoped3A_1155 = arith.constant 0 : i32
    "tpu.region"() ({
      %run_scoped3A_1174 = tpu.sem_alloc : memref<!tpu.dma_semaphore, #tpu.memory_space<semaphore_mem>>
      %dma_start3A_1175 = arith.constant 0 : i32
      %dma_start3A_1176 = tpu.memref_slice %arg10[%run_scoped3A_1155, %dma_start3A_1175] : memref<4x128xi32, #tpu.memory_space<vmem>> -> memref<1x128xi32, #tpu.memory_space<vmem>>
      %dma_start3A_1177 = tpu.memref_squeeze %dma_start3A_1176 : memref<1x128xi32, #tpu.memory_space<vmem>> -> memref<128xi32, #tpu.memory_space<vmem>>
      %dma_start3A_1178 = tpu.memref_slice %arg6[%add3A_1154] : memref<16384xi32, #tpu.memory_space<hbm>> -> memref<128xi32, #tpu.memory_space<hbm>>
      %dma_start3A_1179 = tpu.memref_slice %arg6[%add3A_1154] : memref<16384xi32, #tpu.memory_space<hbm>> -> memref<128xi32, #tpu.memory_space<hbm>>
      %dma_start3A_1180 = arith.constant 0 : i32
      %dma_start3A_1181 = tpu.memref_slice %arg10[%run_scoped3A_1155, %dma_start3A_1180] : memref<4x128xi32, #tpu.memory_space<vmem>> -> memref<1x128xi32, #tpu.memory_space<vmem>>
      %dma_start3A_1182 = tpu.memref_squeeze %dma_start3A_1181 : memref<1x128xi32, #tpu.memory_space<vmem>> -> memref<128xi32, #tpu.memory_space<vmem>>
      tpu.enqueue_dma source(%dma_start3A_1182 : memref<128xi32, #tpu.memory_space<vmem>>) target(%dma_start3A_1179 : memref<128xi32, #tpu.memory_space<hbm>>) target_semaphore(%run_scoped3A_1174 : memref<!tpu.dma_semaphore, #tpu.memory_space<semaphore_mem>>)
      %dma_wait3A_1183 = arith.constant 0 : i32
      %dma_wait3A_1184 = tpu.memref_slice %arg10[%run_scoped3A_1155, %dma_wait3A_1183] : memref<4x128xi32, #tpu.memory_space<vmem>> -> memref<1x128xi32, #tpu.memory_space<vmem>>
      %dma_wait3A_1185 = tpu.memref_squeeze %dma_wait3A_1184 : memref<1x128xi32, #tpu.memory_space<vmem>> -> memref<128xi32, #tpu.memory_space<vmem>>
      %dma_wait3A_1186 = tpu.memref_slice %arg6[%add3A_1154] : memref<16384xi32, #tpu.memory_space<hbm>> -> memref<128xi32, #tpu.memory_space<hbm>>
      %dma_wait3A_1187 = tpu.memref_slice %arg6[%add3A_1154] : memref<16384xi32, #tpu.memory_space<hbm>> -> memref<128xi32, #tpu.memory_space<hbm>>
      %dma_wait3A_1188 = arith.constant 0 : i32
      %dma_wait3A_1189 = tpu.memref_slice %arg10[%run_scoped3A_1155, %dma_wait3A_1188] : memref<4x128xi32, #tpu.memory_space<vmem>> -> memref<1x128xi32, #tpu.memory_space<vmem>>
      %dma_wait3A_1190 = tpu.memref_squeeze %dma_wait3A_1189 : memref<1x128xi32, #tpu.memory_space<vmem>> -> memref<128xi32, #tpu.memory_space<vmem>>
      tpu.wait_dma2 semaphore(%run_scoped3A_1174 : memref<!tpu.dma_semaphore, #tpu.memory_space<semaphore_mem>>) src(%dma_wait3A_1190 : memref<128xi32, #tpu.memory_space<vmem>>) dst(%dma_wait3A_1187 : memref<128xi32, #tpu.memory_space<hbm>>)
      tpu.yield
    }) : () -> ()
    %add3A_1156 = arith.constant 128 : i32
    %add3A_1157 = arith.addi %mul3A_2, %add3A_1156 : i32
    %run_scoped3A_1158 = arith.constant 1 : i32
    "tpu.region"() ({
      %run_scoped3A_1174 = tpu.sem_alloc : memref<!tpu.dma_semaphore, #tpu.memory_space<semaphore_mem>>
      %dma_start3A_1175 = arith.constant 0 : i32
      %dma_start3A_1176 = tpu.memref_slice %arg9[%run_scoped3A_1158, %dma_start3A_1175] : memref<4x128xi32, #tpu.memory_space<vmem>> -> memref<1x128xi32, #tpu.memory_space<vmem>>
      %dma_start3A_1177 = tpu.memref_squeeze %dma_start3A_1176 : memref<1x128xi32, #tpu.memory_space<vmem>> -> memref<128xi32, #tpu.memory_space<vmem>>
      %dma_start3A_1178 = tpu.memref_slice %arg5[%add3A_1157] : memref<16384xi32, #tpu.memory_space<hbm>> -> memref<128xi32, #tpu.memory_space<hbm>>
      %dma_start3A_1179 = tpu.memref_slice %arg5[%add3A_1157] : memref<16384xi32, #tpu.memory_space<hbm>> -> memref<128xi32, #tpu.memory_space<hbm>>
      %dma_start3A_1180 = arith.constant 0 : i32
      %dma_start3A_1181 = tpu.memref_slice %arg9[%run_scoped3A_1158, %dma_start3A_1180] : memref<4x128xi32, #tpu.memory_space<vmem>> -> memref<1x128xi32, #tpu.memory_space<vmem>>
      %dma_start3A_1182 = tpu.memref_squeeze %dma_start3A_1181 : memref<1x128xi32, #tpu.memory_space<vmem>> -> memref<128xi32, #tpu.memory_space<vmem>>
      tpu.enqueue_dma source(%dma_start3A_1182 : memref<128xi32, #tpu.memory_space<vmem>>) target(%dma_start3A_1179 : memref<128xi32, #tpu.memory_space<hbm>>) target_semaphore(%run_scoped3A_1174 : memref<!tpu.dma_semaphore, #tpu.memory_space<semaphore_mem>>)
      %dma_wait3A_1183 = arith.constant 0 : i32
      %dma_wait3A_1184 = tpu.memref_slice %arg9[%run_scoped3A_1158, %dma_wait3A_1183] : memref<4x128xi32, #tpu.memory_space<vmem>> -> memref<1x128xi32, #tpu.memory_space<vmem>>
      %dma_wait3A_1185 = tpu.memref_squeeze %dma_wait3A_1184 : memref<1x128xi32, #tpu.memory_space<vmem>> -> memref<128xi32, #tpu.memory_space<vmem>>
      %dma_wait3A_1186 = tpu.memref_slice %arg5[%add3A_1157] : memref<16384xi32, #tpu.memory_space<hbm>> -> memref<128xi32, #tpu.memory_space<hbm>>
      %dma_wait3A_1187 = tpu.memref_slice %arg5[%add3A_1157] : memref<16384xi32, #tpu.memory_space<hbm>> -> memref<128xi32, #tpu.memory_space<hbm>>
      %dma_wait3A_1188 = arith.constant 0 : i32
      %dma_wait3A_1189 = tpu.memref_slice %arg9[%run_scoped3A_1158, %dma_wait3A_1188] : memref<4x128xi32, #tpu.memory_space<vmem>> -> memref<1x128xi32, #tpu.memory_space<vmem>>
      %dma_wait3A_1190 = tpu.memref_squeeze %dma_wait3A_1189 : memref<1x128xi32, #tpu.memory_space<vmem>> -> memref<128xi32, #tpu.memory_space<vmem>>
      tpu.wait_dma2 semaphore(%run_scoped3A_1174 : memref<!tpu.dma_semaphore, #tpu.memory_space<semaphore_mem>>) src(%dma_wait3A_1190 : memref<128xi32, #tpu.memory_space<vmem>>) dst(%dma_wait3A_1187 : memref<128xi32, #tpu.memory_space<hbm>>)
      tpu.yield
    }) : () -> ()
    %add3A_1159 = arith.constant 128 : i32
    %add3A_1160 = arith.addi %mul3A_2, %add3A_1159 : i32
    %run_scoped3A_1161 = arith.constant 1 : i32
    "tpu.region"() ({
      %run_scoped3A_1174 = tpu.sem_alloc : memref<!tpu.dma_semaphore, #tpu.memory_space<semaphore_mem>>
      %dma_start3A_1175 = arith.constant 0 : i32
      %dma_start3A_1176 = tpu.memref_slice %arg10[%run_scoped3A_1161, %dma_start3A_1175] : memref<4x128xi32, #tpu.memory_space<vmem>> -> memref<1x128xi32, #tpu.memory_space<vmem>>
      %dma_start3A_1177 = tpu.memref_squeeze %dma_start3A_1176 : memref<1x128xi32, #tpu.memory_space<vmem>> -> memref<128xi32, #tpu.memory_space<vmem>>
      %dma_start3A_1178 = tpu.memref_slice %arg6[%add3A_1160] : memref<16384xi32, #tpu.memory_space<hbm>> -> memref<128xi32, #tpu.memory_space<hbm>>
      %dma_start3A_1179 = tpu.memref_slice %arg6[%add3A_1160] : memref<16384xi32, #tpu.memory_space<hbm>> -> memref<128xi32, #tpu.memory_space<hbm>>
      %dma_start3A_1180 = arith.constant 0 : i32
      %dma_start3A_1181 = tpu.memref_slice %arg10[%run_scoped3A_1161, %dma_start3A_1180] : memref<4x128xi32, #tpu.memory_space<vmem>> -> memref<1x128xi32, #tpu.memory_space<vmem>>
      %dma_start3A_1182 = tpu.memref_squeeze %dma_start3A_1181 : memref<1x128xi32, #tpu.memory_space<vmem>> -> memref<128xi32, #tpu.memory_space<vmem>>
      tpu.enqueue_dma source(%dma_start3A_1182 : memref<128xi32, #tpu.memory_space<vmem>>) target(%dma_start3A_1179 : memref<128xi32, #tpu.memory_space<hbm>>) target_semaphore(%run_scoped3A_1174 : memref<!tpu.dma_semaphore, #tpu.memory_space<semaphore_mem>>)
      %dma_wait3A_1183 = arith.constant 0 : i32
      %dma_wait3A_1184 = tpu.memref_slice %arg10[%run_scoped3A_1161, %dma_wait3A_1183] : memref<4x128xi32, #tpu.memory_space<vmem>> -> memref<1x128xi32, #tpu.memory_space<vmem>>
      %dma_wait3A_1185 = tpu.memref_squeeze %dma_wait3A_1184 : memref<1x128xi32, #tpu.memory_space<vmem>> -> memref<128xi32, #tpu.memory_space<vmem>>
      %dma_wait3A_1186 = tpu.memref_slice %arg6[%add3A_1160] : memref<16384xi32, #tpu.memory_space<hbm>> -> memref<128xi32, #tpu.memory_space<hbm>>
      %dma_wait3A_1187 = tpu.memref_slice %arg6[%add3A_1160] : memref<16384xi32, #tpu.memory_space<hbm>> -> memref<128xi32, #tpu.memory_space<hbm>>
      %dma_wait3A_1188 = arith.constant 0 : i32
      %dma_wait3A_1189 = tpu.memref_slice %arg10[%run_scoped3A_1161, %dma_wait3A_1188] : memref<4x128xi32, #tpu.memory_space<vmem>> -> memref<1x128xi32, #tpu.memory_space<vmem>>
      %dma_wait3A_1190 = tpu.memref_squeeze %dma_wait3A_1189 : memref<1x128xi32, #tpu.memory_space<vmem>> -> memref<128xi32, #tpu.memory_space<vmem>>
      tpu.wait_dma2 semaphore(%run_scoped3A_1174 : memref<!tpu.dma_semaphore, #tpu.memory_space<semaphore_mem>>) src(%dma_wait3A_1190 : memref<128xi32, #tpu.memory_space<vmem>>) dst(%dma_wait3A_1187 : memref<128xi32, #tpu.memory_space<hbm>>)
      tpu.yield
    }) : () -> ()
    %add3A_1162 = arith.constant 256 : i32
    %add3A_1163 = arith.addi %mul3A_2, %add3A_1162 : i32
    %run_scoped3A_1164 = arith.constant 2 : i32
    "tpu.region"() ({
      %run_scoped3A_1174 = tpu.sem_alloc : memref<!tpu.dma_semaphore, #tpu.memory_space<semaphore_mem>>
      %dma_start3A_1175 = arith.constant 0 : i32
      %dma_start3A_1176 = tpu.memref_slice %arg9[%run_scoped3A_1164, %dma_start3A_1175] : memref<4x128xi32, #tpu.memory_space<vmem>> -> memref<1x128xi32, #tpu.memory_space<vmem>>
      %dma_start3A_1177 = tpu.memref_squeeze %dma_start3A_1176 : memref<1x128xi32, #tpu.memory_space<vmem>> -> memref<128xi32, #tpu.memory_space<vmem>>
      %dma_start3A_1178 = tpu.memref_slice %arg5[%add3A_1163] : memref<16384xi32, #tpu.memory_space<hbm>> -> memref<128xi32, #tpu.memory_space<hbm>>
      %dma_start3A_1179 = tpu.memref_slice %arg5[%add3A_1163] : memref<16384xi32, #tpu.memory_space<hbm>> -> memref<128xi32, #tpu.memory_space<hbm>>
      %dma_start3A_1180 = arith.constant 0 : i32
      %dma_start3A_1181 = tpu.memref_slice %arg9[%run_scoped3A_1164, %dma_start3A_1180] : memref<4x128xi32, #tpu.memory_space<vmem>> -> memref<1x128xi32, #tpu.memory_space<vmem>>
      %dma_start3A_1182 = tpu.memref_squeeze %dma_start3A_1181 : memref<1x128xi32, #tpu.memory_space<vmem>> -> memref<128xi32, #tpu.memory_space<vmem>>
      tpu.enqueue_dma source(%dma_start3A_1182 : memref<128xi32, #tpu.memory_space<vmem>>) target(%dma_start3A_1179 : memref<128xi32, #tpu.memory_space<hbm>>) target_semaphore(%run_scoped3A_1174 : memref<!tpu.dma_semaphore, #tpu.memory_space<semaphore_mem>>)
      %dma_wait3A_1183 = arith.constant 0 : i32
      %dma_wait3A_1184 = tpu.memref_slice %arg9[%run_scoped3A_1164, %dma_wait3A_1183] : memref<4x128xi32, #tpu.memory_space<vmem>> -> memref<1x128xi32, #tpu.memory_space<vmem>>
      %dma_wait3A_1185 = tpu.memref_squeeze %dma_wait3A_1184 : memref<1x128xi32, #tpu.memory_space<vmem>> -> memref<128xi32, #tpu.memory_space<vmem>>
      %dma_wait3A_1186 = tpu.memref_slice %arg5[%add3A_1163] : memref<16384xi32, #tpu.memory_space<hbm>> -> memref<128xi32, #tpu.memory_space<hbm>>
      %dma_wait3A_1187 = tpu.memref_slice %arg5[%add3A_1163] : memref<16384xi32, #tpu.memory_space<hbm>> -> memref<128xi32, #tpu.memory_space<hbm>>
      %dma_wait3A_1188 = arith.constant 0 : i32
      %dma_wait3A_1189 = tpu.memref_slice %arg9[%run_scoped3A_1164, %dma_wait3A_1188] : memref<4x128xi32, #tpu.memory_space<vmem>> -> memref<1x128xi32, #tpu.memory_space<vmem>>
      %dma_wait3A_1190 = tpu.memref_squeeze %dma_wait3A_1189 : memref<1x128xi32, #tpu.memory_space<vmem>> -> memref<128xi32, #tpu.memory_space<vmem>>
      tpu.wait_dma2 semaphore(%run_scoped3A_1174 : memref<!tpu.dma_semaphore, #tpu.memory_space<semaphore_mem>>) src(%dma_wait3A_1190 : memref<128xi32, #tpu.memory_space<vmem>>) dst(%dma_wait3A_1187 : memref<128xi32, #tpu.memory_space<hbm>>)
      tpu.yield
    }) : () -> ()
    %add3A_1165 = arith.constant 256 : i32
    %add3A_1166 = arith.addi %mul3A_2, %add3A_1165 : i32
    %run_scoped3A_1167 = arith.constant 2 : i32
    "tpu.region"() ({
      %run_scoped3A_1174 = tpu.sem_alloc : memref<!tpu.dma_semaphore, #tpu.memory_space<semaphore_mem>>
      %dma_start3A_1175 = arith.constant 0 : i32
      %dma_start3A_1176 = tpu.memref_slice %arg10[%run_scoped3A_1167, %dma_start3A_1175] : memref<4x128xi32, #tpu.memory_space<vmem>> -> memref<1x128xi32, #tpu.memory_space<vmem>>
      %dma_start3A_1177 = tpu.memref_squeeze %dma_start3A_1176 : memref<1x128xi32, #tpu.memory_space<vmem>> -> memref<128xi32, #tpu.memory_space<vmem>>
      %dma_start3A_1178 = tpu.memref_slice %arg6[%add3A_1166] : memref<16384xi32, #tpu.memory_space<hbm>> -> memref<128xi32, #tpu.memory_space<hbm>>
      %dma_start3A_1179 = tpu.memref_slice %arg6[%add3A_1166] : memref<16384xi32, #tpu.memory_space<hbm>> -> memref<128xi32, #tpu.memory_space<hbm>>
      %dma_start3A_1180 = arith.constant 0 : i32
      %dma_start3A_1181 = tpu.memref_slice %arg10[%run_scoped3A_1167, %dma_start3A_1180] : memref<4x128xi32, #tpu.memory_space<vmem>> -> memref<1x128xi32, #tpu.memory_space<vmem>>
      %dma_start3A_1182 = tpu.memref_squeeze %dma_start3A_1181 : memref<1x128xi32, #tpu.memory_space<vmem>> -> memref<128xi32, #tpu.memory_space<vmem>>
      tpu.enqueue_dma source(%dma_start3A_1182 : memref<128xi32, #tpu.memory_space<vmem>>) target(%dma_start3A_1179 : memref<128xi32, #tpu.memory_space<hbm>>) target_semaphore(%run_scoped3A_1174 : memref<!tpu.dma_semaphore, #tpu.memory_space<semaphore_mem>>)
      %dma_wait3A_1183 = arith.constant 0 : i32
      %dma_wait3A_1184 = tpu.memref_slice %arg10[%run_scoped3A_1167, %dma_wait3A_1183] : memref<4x128xi32, #tpu.memory_space<vmem>> -> memref<1x128xi32, #tpu.memory_space<vmem>>
      %dma_wait3A_1185 = tpu.memref_squeeze %dma_wait3A_1184 : memref<1x128xi32, #tpu.memory_space<vmem>> -> memref<128xi32, #tpu.memory_space<vmem>>
      %dma_wait3A_1186 = tpu.memref_slice %arg6[%add3A_1166] : memref<16384xi32, #tpu.memory_space<hbm>> -> memref<128xi32, #tpu.memory_space<hbm>>
      %dma_wait3A_1187 = tpu.memref_slice %arg6[%add3A_1166] : memref<16384xi32, #tpu.memory_space<hbm>> -> memref<128xi32, #tpu.memory_space<hbm>>
      %dma_wait3A_1188 = arith.constant 0 : i32
      %dma_wait3A_1189 = tpu.memref_slice %arg10[%run_scoped3A_1167, %dma_wait3A_1188] : memref<4x128xi32, #tpu.memory_space<vmem>> -> memref<1x128xi32, #tpu.memory_space<vmem>>
      %dma_wait3A_1190 = tpu.memref_squeeze %dma_wait3A_1189 : memref<1x128xi32, #tpu.memory_space<vmem>> -> memref<128xi32, #tpu.memory_space<vmem>>
      tpu.wait_dma2 semaphore(%run_scoped3A_1174 : memref<!tpu.dma_semaphore, #tpu.memory_space<semaphore_mem>>) src(%dma_wait3A_1190 : memref<128xi32, #tpu.memory_space<vmem>>) dst(%dma_wait3A_1187 : memref<128xi32, #tpu.memory_space<hbm>>)
      tpu.yield
    }) : () -> ()
    %add3A_1168 = arith.constant 384 : i32
    %add3A_1169 = arith.addi %mul3A_2, %add3A_1168 : i32
    %run_scoped3A_1170 = arith.constant 3 : i32
    "tpu.region"() ({
      %run_scoped3A_1174 = tpu.sem_alloc : memref<!tpu.dma_semaphore, #tpu.memory_space<semaphore_mem>>
      %dma_start3A_1175 = arith.constant 0 : i32
      %dma_start3A_1176 = tpu.memref_slice %arg9[%run_scoped3A_1170, %dma_start3A_1175] : memref<4x128xi32, #tpu.memory_space<vmem>> -> memref<1x128xi32, #tpu.memory_space<vmem>>
      %dma_start3A_1177 = tpu.memref_squeeze %dma_start3A_1176 : memref<1x128xi32, #tpu.memory_space<vmem>> -> memref<128xi32, #tpu.memory_space<vmem>>
      %dma_start3A_1178 = tpu.memref_slice %arg5[%add3A_1169] : memref<16384xi32, #tpu.memory_space<hbm>> -> memref<128xi32, #tpu.memory_space<hbm>>
      %dma_start3A_1179 = tpu.memref_slice %arg5[%add3A_1169] : memref<16384xi32, #tpu.memory_space<hbm>> -> memref<128xi32, #tpu.memory_space<hbm>>
      %dma_start3A_1180 = arith.constant 0 : i32
      %dma_start3A_1181 = tpu.memref_slice %arg9[%run_scoped3A_1170, %dma_start3A_1180] : memref<4x128xi32, #tpu.memory_space<vmem>> -> memref<1x128xi32, #tpu.memory_space<vmem>>
      %dma_start3A_1182 = tpu.memref_squeeze %dma_start3A_1181 : memref<1x128xi32, #tpu.memory_space<vmem>> -> memref<128xi32, #tpu.memory_space<vmem>>
      tpu.enqueue_dma source(%dma_start3A_1182 : memref<128xi32, #tpu.memory_space<vmem>>) target(%dma_start3A_1179 : memref<128xi32, #tpu.memory_space<hbm>>) target_semaphore(%run_scoped3A_1174 : memref<!tpu.dma_semaphore, #tpu.memory_space<semaphore_mem>>)
      %dma_wait3A_1183 = arith.constant 0 : i32
      %dma_wait3A_1184 = tpu.memref_slice %arg9[%run_scoped3A_1170, %dma_wait3A_1183] : memref<4x128xi32, #tpu.memory_space<vmem>> -> memref<1x128xi32, #tpu.memory_space<vmem>>
      %dma_wait3A_1185 = tpu.memref_squeeze %dma_wait3A_1184 : memref<1x128xi32, #tpu.memory_space<vmem>> -> memref<128xi32, #tpu.memory_space<vmem>>
      %dma_wait3A_1186 = tpu.memref_slice %arg5[%add3A_1169] : memref<16384xi32, #tpu.memory_space<hbm>> -> memref<128xi32, #tpu.memory_space<hbm>>
      %dma_wait3A_1187 = tpu.memref_slice %arg5[%add3A_1169] : memref<16384xi32, #tpu.memory_space<hbm>> -> memref<128xi32, #tpu.memory_space<hbm>>
      %dma_wait3A_1188 = arith.constant 0 : i32
      %dma_wait3A_1189 = tpu.memref_slice %arg9[%run_scoped3A_1170, %dma_wait3A_1188] : memref<4x128xi32, #tpu.memory_space<vmem>> -> memref<1x128xi32, #tpu.memory_space<vmem>>
      %dma_wait3A_1190 = tpu.memref_squeeze %dma_wait3A_1189 : memref<1x128xi32, #tpu.memory_space<vmem>> -> memref<128xi32, #tpu.memory_space<vmem>>
      tpu.wait_dma2 semaphore(%run_scoped3A_1174 : memref<!tpu.dma_semaphore, #tpu.memory_space<semaphore_mem>>) src(%dma_wait3A_1190 : memref<128xi32, #tpu.memory_space<vmem>>) dst(%dma_wait3A_1187 : memref<128xi32, #tpu.memory_space<hbm>>)
      tpu.yield
    }) : () -> ()
    %add3A_1171 = arith.constant 384 : i32
    %add3A_1172 = arith.addi %mul3A_2, %add3A_1171 : i32
    %run_scoped3A_1173 = arith.constant 3 : i32
    "tpu.region"() ({
      %run_scoped3A_1174 = tpu.sem_alloc : memref<!tpu.dma_semaphore, #tpu.memory_space<semaphore_mem>>
      %dma_start3A_1175 = arith.constant 0 : i32
      %dma_start3A_1176 = tpu.memref_slice %arg10[%run_scoped3A_1173, %dma_start3A_1175] : memref<4x128xi32, #tpu.memory_space<vmem>> -> memref<1x128xi32, #tpu.memory_space<vmem>>
      %dma_start3A_1177 = tpu.memref_squeeze %dma_start3A_1176 : memref<1x128xi32, #tpu.memory_space<vmem>> -> memref<128xi32, #tpu.memory_space<vmem>>
      %dma_start3A_1178 = tpu.memref_slice %arg6[%add3A_1172] : memref<16384xi32, #tpu.memory_space<hbm>> -> memref<128xi32, #tpu.memory_space<hbm>>
      %dma_start3A_1179 = tpu.memref_slice %arg6[%add3A_1172] : memref<16384xi32, #tpu.memory_space<hbm>> -> memref<128xi32, #tpu.memory_space<hbm>>
      %dma_start3A_1180 = arith.constant 0 : i32
      %dma_start3A_1181 = tpu.memref_slice %arg10[%run_scoped3A_1173, %dma_start3A_1180] : memref<4x128xi32, #tpu.memory_space<vmem>> -> memref<1x128xi32, #tpu.memory_space<vmem>>
      %dma_start3A_1182 = tpu.memref_squeeze %dma_start3A_1181 : memref<1x128xi32, #tpu.memory_space<vmem>> -> memref<128xi32, #tpu.memory_space<vmem>>
      tpu.enqueue_dma source(%dma_start3A_1182 : memref<128xi32, #tpu.memory_space<vmem>>) target(%dma_start3A_1179 : memref<128xi32, #tpu.memory_space<hbm>>) target_semaphore(%run_scoped3A_1174 : memref<!tpu.dma_semaphore, #tpu.memory_space<semaphore_mem>>)
      %dma_wait3A_1183 = arith.constant 0 : i32
      %dma_wait3A_1184 = tpu.memref_slice %arg10[%run_scoped3A_1173, %dma_wait3A_1183] : memref<4x128xi32, #tpu.memory_space<vmem>> -> memref<1x128xi32, #tpu.memory_space<vmem>>
      %dma_wait3A_1185 = tpu.memref_squeeze %dma_wait3A_1184 : memref<1x128xi32, #tpu.memory_space<vmem>> -> memref<128xi32, #tpu.memory_space<vmem>>
      %dma_wait3A_1186 = tpu.memref_slice %arg6[%add3A_1172] : memref<16384xi32, #tpu.memory_space<hbm>> -> memref<128xi32, #tpu.memory_space<hbm>>
      %dma_wait3A_1187 = tpu.memref_slice %arg6[%add3A_1172] : memref<16384xi32, #tpu.memory_space<hbm>> -> memref<128xi32, #tpu.memory_space<hbm>>
      %dma_wait3A_1188 = arith.constant 0 : i32
      %dma_wait3A_1189 = tpu.memref_slice %arg10[%run_scoped3A_1173, %dma_wait3A_1188] : memref<4x128xi32, #tpu.memory_space<vmem>> -> memref<1x128xi32, #tpu.memory_space<vmem>>
      %dma_wait3A_1190 = tpu.memref_squeeze %dma_wait3A_1189 : memref<1x128xi32, #tpu.memory_space<vmem>> -> memref<128xi32, #tpu.memory_space<vmem>>
      tpu.wait_dma2 semaphore(%run_scoped3A_1174 : memref<!tpu.dma_semaphore, #tpu.memory_space<semaphore_mem>>) src(%dma_wait3A_1190 : memref<128xi32, #tpu.memory_space<vmem>>) dst(%dma_wait3A_1187 : memref<128xi32, #tpu.memory_space<hbm>>)
      tpu.yield
    }) : () -> ()
    return
  }
}

#map = affine_map<(d0, d1) -> (0)>
#map1 = affine_map<(d0, d1) -> (0, 0)>
module attributes {stable_mosaic.version = 14 : i64} {
  func.func @_sc_row_dot(%arg0: i32, %arg1: i32, %arg2: memref<16384xi32, #tpu.memory_space<hbm>>, %arg3: memref<16384xi32, #tpu.memory_space<hbm>>, %arg4: memref<100000x64xf32, #tpu.memory_space<hbm>>, %arg5: memref<100000x64xf32, #tpu.memory_space<hbm>>, %arg6: memref<512xf32, #tpu.memory_space<hbm>>, %arg7: memref<512xi32, #tpu.memory_space<vmem>>, %arg8: memref<512xi32, #tpu.memory_space<vmem>>, %arg9: memref<256x64xf32, #tpu.memory_space<vmem>>, %arg10: memref<256x64xf32, #tpu.memory_space<vmem>>, %arg11: memref<16xf32, #tpu.memory_space<vmem>>, %arg12: memref<!tpu.dma_semaphore, #tpu.memory_space<semaphore_mem>>, %arg13: memref<!tpu.dma_semaphore, #tpu.memory_space<semaphore_mem>>) attributes {dimension_semantics = [#tpu.dimension_semantics<core_parallel>, #tpu.dimension_semantics<subcore_parallel>], iteration_bounds = array<i64: 2, 16>, scalar_prefetch = 0 : i64, scratch_operands = 7 : i64, tpu.core_type = #tpu.core_type<sc_vector_subcore>, window_params = [{transform_indices = #map}, {transform_indices = #map}, {transform_indices = #map1}, {transform_indices = #map1}, {transform_indices = #map}]} {
    %mul3A = arith.constant 2 : i32
    %mul3A_0 = arith.muli %arg1, %mul3A : i32
    %add3A = arith.addi %mul3A_0, %arg0 : i32
    %mul3A_1 = arith.constant 512 : i32
    %mul3A_2 = arith.muli %add3A, %mul3A_1 : i32
    "tpu.region"() ({
      %run_scoped3A = tpu.sem_alloc : memref<!tpu.dma_semaphore, #tpu.memory_space<semaphore_mem>>
      %dma_start3A = tpu.memref_slice %arg2[%mul3A_2] : memref<16384xi32, #tpu.memory_space<hbm>> -> memref<512xi32, #tpu.memory_space<hbm>>
      %dma_start3A_42 = tpu.memref_slice %arg2[%mul3A_2] : memref<16384xi32, #tpu.memory_space<hbm>> -> memref<512xi32, #tpu.memory_space<hbm>>
      tpu.enqueue_dma source(%dma_start3A_42 : memref<512xi32, #tpu.memory_space<hbm>>) target(%arg7 : memref<512xi32, #tpu.memory_space<vmem>>) target_semaphore(%run_scoped3A : memref<!tpu.dma_semaphore, #tpu.memory_space<semaphore_mem>>)
      %dma_wait3A = tpu.memref_slice %arg2[%mul3A_2] : memref<16384xi32, #tpu.memory_space<hbm>> -> memref<512xi32, #tpu.memory_space<hbm>>
      %dma_wait3A_43 = tpu.memref_slice %arg2[%mul3A_2] : memref<16384xi32, #tpu.memory_space<hbm>> -> memref<512xi32, #tpu.memory_space<hbm>>
      tpu.wait_dma2 semaphore(%run_scoped3A : memref<!tpu.dma_semaphore, #tpu.memory_space<semaphore_mem>>) src(%dma_wait3A_43 : memref<512xi32, #tpu.memory_space<hbm>>) dst(%arg7 : memref<512xi32, #tpu.memory_space<vmem>>)
      tpu.yield
    }) : () -> ()
    "tpu.region"() ({
      %run_scoped3A = tpu.sem_alloc : memref<!tpu.dma_semaphore, #tpu.memory_space<semaphore_mem>>
      %dma_start3A = tpu.memref_slice %arg3[%mul3A_2] : memref<16384xi32, #tpu.memory_space<hbm>> -> memref<512xi32, #tpu.memory_space<hbm>>
      %dma_start3A_42 = tpu.memref_slice %arg3[%mul3A_2] : memref<16384xi32, #tpu.memory_space<hbm>> -> memref<512xi32, #tpu.memory_space<hbm>>
      tpu.enqueue_dma source(%dma_start3A_42 : memref<512xi32, #tpu.memory_space<hbm>>) target(%arg8 : memref<512xi32, #tpu.memory_space<vmem>>) target_semaphore(%run_scoped3A : memref<!tpu.dma_semaphore, #tpu.memory_space<semaphore_mem>>)
      %dma_wait3A = tpu.memref_slice %arg3[%mul3A_2] : memref<16384xi32, #tpu.memory_space<hbm>> -> memref<512xi32, #tpu.memory_space<hbm>>
      %dma_wait3A_43 = tpu.memref_slice %arg3[%mul3A_2] : memref<16384xi32, #tpu.memory_space<hbm>> -> memref<512xi32, #tpu.memory_space<hbm>>
      tpu.wait_dma2 semaphore(%run_scoped3A : memref<!tpu.dma_semaphore, #tpu.memory_space<semaphore_mem>>) src(%dma_wait3A_43 : memref<512xi32, #tpu.memory_space<hbm>>) dst(%arg8 : memref<512xi32, #tpu.memory_space<vmem>>)
      tpu.yield
    }) : () -> ()
    %broadcast_in_dim3A = arith.constant 0.000000e+00 : f32
    %broadcast_in_dim3A_3 = vector.broadcast %broadcast_in_dim3A : f32 to vector<16xf32>
    %scan3A = arith.constant 0 : i32
    %scan3A_4 = arith.constant 0 : i32
    %scan3A_5 = arith.constant 16 : i32
    %scan3A_6 = arith.addi %scan3A_4, %scan3A_5 : i32
    %scan3A_7 = arith.constant 1 : i32
    scf.for %scan3A_42 = %scan3A_4 to %scan3A_6 step %scan3A_7  : i32 {
      %mul3A_43 = arith.constant 16 : i32
      %mul3A_44 = arith.muli %scan3A_42, %mul3A_43 : i32
      %add3A_45 = arith.constant 0 : i32
      %add3A_46 = arith.addi %add3A_45, %mul3A_44 : i32
      %get3A = arith.index_cast %add3A_46 : i32 to index
      %get3A_47 = tpu.vector_load %arg7[%get3A] {strides = array<i32>} : memref<512xi32, #tpu.memory_space<vmem>>, vector<16xi32>,
      %mul3A_48 = arith.constant 16 : i32
      %mul3A_49 = arith.muli %scan3A_42, %mul3A_48 : i32
      %add3A_50 = arith.constant 0 : i32
      %add3A_51 = arith.addi %add3A_50, %mul3A_49 : i32
      %get3A_52 = arith.index_cast %add3A_51 : i32 to index
      %get3A_53 = tpu.vector_load %arg8[%get3A_52] {strides = array<i32>} : memref<512xi32, #tpu.memory_space<vmem>>, vector<16xi32>,
      %mul3A_54 = arith.constant 16 : i32
      %mul3A_55 = arith.muli %scan3A_42, %mul3A_54 : i32
      %add3A_56 = arith.constant 0 : i32
      %add3A_57 = arith.addi %mul3A_55, %add3A_56 : i32
      %slice3A = vector.extract_strided_slice %get3A_47 {offsets = [0], sizes = [1], strides = [1]} : vector<16xi32> to vector<1xi32>
      %squeeze3A = vector.extract %slice3A[0] : i32 from vector<1xi32>
      %dma_start3A = arith.constant 0 : i32
      %dma_start3A_58 = tpu.memref_slice %arg9[%add3A_57, %dma_start3A] : memref<256x64xf32, #tpu.memory_space<vmem>> -> memref<1x64xf32, #tpu.memory_space<vmem>>
      %dma_start3A_59 = arith.constant 0 : i32
      %dma_start3A_60 = tpu.memref_slice %arg4[%squeeze3A, %dma_start3A_59] : memref<100000x64xf32, #tpu.memory_space<hbm>> -> memref<1x64xf32, #tpu.memory_space<hbm>>
      %dma_start3A_61 = arith.constant 0 : i32
      %dma_start3A_62 = tpu.memref_slice %arg9[%add3A_57, %dma_start3A_61] : memref<256x64xf32, #tpu.memory_space<vmem>> -> memref<1x64xf32, #tpu.memory_space<vmem>>
      %dma_start3A_63 = arith.constant 0 : i32
      %dma_start3A_64 = tpu.memref_slice %arg4[%squeeze3A, %dma_start3A_63] : memref<100000x64xf32, #tpu.memory_space<hbm>> -> memref<1x64xf32, #tpu.memory_space<hbm>>
      tpu.enqueue_dma source(%dma_start3A_64 : memref<1x64xf32, #tpu.memory_space<hbm>>) target(%dma_start3A_62 : memref<1x64xf32, #tpu.memory_space<vmem>>) target_semaphore(%arg12 : memref<!tpu.dma_semaphore, #tpu.memory_space<semaphore_mem>>)
      %slice3A_65 = vector.extract_strided_slice %get3A_53 {offsets = [0], sizes = [1], strides = [1]} : vector<16xi32> to vector<1xi32>
      %squeeze3A_66 = vector.extract %slice3A_65[0] : i32 from vector<1xi32>
      %dma_start3A_67 = arith.constant 0 : i32
      %dma_start3A_68 = tpu.memref_slice %arg10[%add3A_57, %dma_start3A_67] : memref<256x64xf32, #tpu.memory_space<vmem>> -> memref<1x64xf32, #tpu.memory_space<vmem>>
      %dma_start3A_69 = arith.constant 0 : i32
      %dma_start3A_70 = tpu.memref_slice %arg5[%squeeze3A_66, %dma_start3A_69] : memref<100000x64xf32, #tpu.memory_space<hbm>> -> memref<1x64xf32, #tpu.memory_space<hbm>>
      %dma_start3A_71 = arith.constant 0 : i32
      %dma_start3A_72 = tpu.memref_slice %arg10[%add3A_57, %dma_start3A_71] : memref<256x64xf32, #tpu.memory_space<vmem>> -> memref<1x64xf32, #tpu.memory_space<vmem>>
      %dma_start3A_73 = arith.constant 0 : i32
      %dma_start3A_74 = tpu.memref_slice %arg5[%squeeze3A_66, %dma_start3A_73] : memref<100000x64xf32, #tpu.memory_space<hbm>> -> memref<1x64xf32, #tpu.memory_space<hbm>>
      tpu.enqueue_dma source(%dma_start3A_74 : memref<1x64xf32, #tpu.memory_space<hbm>>) target(%dma_start3A_72 : memref<1x64xf32, #tpu.memory_space<vmem>>) target_semaphore(%arg13 : memref<!tpu.dma_semaphore, #tpu.memory_space<semaphore_mem>>)
      %mul3A_75 = arith.constant 16 : i32
      %mul3A_76 = arith.muli %scan3A_42, %mul3A_75 : i32
      %add3A_77 = arith.constant 1 : i32
      %add3A_78 = arith.addi %mul3A_76, %add3A_77 : i32
      %slice3A_79 = vector.extract_strided_slice %get3A_47 {offsets = [1], sizes = [1], strides = [1]} : vector<16xi32> to vector<1xi32>
      %squeeze3A_80 = vector.extract %slice3A_79[0] : i32 from vector<1xi32>
      %dma_start3A_81 = arith.constant 0 : i32
      %dma_start3A_82 = tpu.memref_slice %arg9[%add3A_78, %dma_start3A_81] : memref<256x64xf32, #tpu.memory_space<vmem>> -> memref<1x64xf32, #tpu.memory_space<vmem>>
      %dma_start3A_83 = arith.constant 0 : i32
      %dma_start3A_84 = tpu.memref_slice %arg4[%squeeze3A_80, %dma_start3A_83] : memref<100000x64xf32, #tpu.memory_space<hbm>> -> memref<1x64xf32, #tpu.memory_space<hbm>>
      %dma_start3A_85 = arith.constant 0 : i32
      %dma_start3A_86 = tpu.memref_slice %arg9[%add3A_78, %dma_start3A_85] : memref<256x64xf32, #tpu.memory_space<vmem>> -> memref<1x64xf32, #tpu.memory_space<vmem>>
      %dma_start3A_87 = arith.constant 0 : i32
      %dma_start3A_88 = tpu.memref_slice %arg4[%squeeze3A_80, %dma_start3A_87] : memref<100000x64xf32, #tpu.memory_space<hbm>> -> memref<1x64xf32, #tpu.memory_space<hbm>>
      tpu.enqueue_dma source(%dma_start3A_88 : memref<1x64xf32, #tpu.memory_space<hbm>>) target(%dma_start3A_86 : memref<1x64xf32, #tpu.memory_space<vmem>>) target_semaphore(%arg12 : memref<!tpu.dma_semaphore, #tpu.memory_space<semaphore_mem>>)
      %slice3A_89 = vector.extract_strided_slice %get3A_53 {offsets = [1], sizes = [1], strides = [1]} : vector<16xi32> to vector<1xi32>
      %squeeze3A_90 = vector.extract %slice3A_89[0] : i32 from vector<1xi32>
      %dma_start3A_91 = arith.constant 0 : i32
      %dma_start3A_92 = tpu.memref_slice %arg10[%add3A_78, %dma_start3A_91] : memref<256x64xf32, #tpu.memory_space<vmem>> -> memref<1x64xf32, #tpu.memory_space<vmem>>
      %dma_start3A_93 = arith.constant 0 : i32
      %dma_start3A_94 = tpu.memref_slice %arg5[%squeeze3A_90, %dma_start3A_93] : memref<100000x64xf32, #tpu.memory_space<hbm>> -> memref<1x64xf32, #tpu.memory_space<hbm>>
      %dma_start3A_95 = arith.constant 0 : i32
      %dma_start3A_96 = tpu.memref_slice %arg10[%add3A_78, %dma_start3A_95] : memref<256x64xf32, #tpu.memory_space<vmem>> -> memref<1x64xf32, #tpu.memory_space<vmem>>
      %dma_start3A_97 = arith.constant 0 : i32
      %dma_start3A_98 = tpu.memref_slice %arg5[%squeeze3A_90, %dma_start3A_97] : memref<100000x64xf32, #tpu.memory_space<hbm>> -> memref<1x64xf32, #tpu.memory_space<hbm>>
      tpu.enqueue_dma source(%dma_start3A_98 : memref<1x64xf32, #tpu.memory_space<hbm>>) target(%dma_start3A_96 : memref<1x64xf32, #tpu.memory_space<vmem>>) target_semaphore(%arg13 : memref<!tpu.dma_semaphore, #tpu.memory_space<semaphore_mem>>)
      %mul3A_99 = arith.constant 16 : i32
      %mul3A_100 = arith.muli %scan3A_42, %mul3A_99 : i32
      %add3A_101 = arith.constant 2 : i32
      %add3A_102 = arith.addi %mul3A_100, %add3A_101 : i32
      %slice3A_103 = vector.extract_strided_slice %get3A_47 {offsets = [2], sizes = [1], strides = [1]} : vector<16xi32> to vector<1xi32>
      %squeeze3A_104 = vector.extract %slice3A_103[0] : i32 from vector<1xi32>
      %dma_start3A_105 = arith.constant 0 : i32
      %dma_start3A_106 = tpu.memref_slice %arg9[%add3A_102, %dma_start3A_105] : memref<256x64xf32, #tpu.memory_space<vmem>> -> memref<1x64xf32, #tpu.memory_space<vmem>>
      %dma_start3A_107 = arith.constant 0 : i32
      %dma_start3A_108 = tpu.memref_slice %arg4[%squeeze3A_104, %dma_start3A_107] : memref<100000x64xf32, #tpu.memory_space<hbm>> -> memref<1x64xf32, #tpu.memory_space<hbm>>
      %dma_start3A_109 = arith.constant 0 : i32
      %dma_start3A_110 = tpu.memref_slice %arg9[%add3A_102, %dma_start3A_109] : memref<256x64xf32, #tpu.memory_space<vmem>> -> memref<1x64xf32, #tpu.memory_space<vmem>>
      %dma_start3A_111 = arith.constant 0 : i32
      %dma_start3A_112 = tpu.memref_slice %arg4[%squeeze3A_104, %dma_start3A_111] : memref<100000x64xf32, #tpu.memory_space<hbm>> -> memref<1x64xf32, #tpu.memory_space<hbm>>
      tpu.enqueue_dma source(%dma_start3A_112 : memref<1x64xf32, #tpu.memory_space<hbm>>) target(%dma_start3A_110 : memref<1x64xf32, #tpu.memory_space<vmem>>) target_semaphore(%arg12 : memref<!tpu.dma_semaphore, #tpu.memory_space<semaphore_mem>>)
      %slice3A_113 = vector.extract_strided_slice %get3A_53 {offsets = [2], sizes = [1], strides = [1]} : vector<16xi32> to vector<1xi32>
      %squeeze3A_114 = vector.extract %slice3A_113[0] : i32 from vector<1xi32>
      %dma_start3A_115 = arith.constant 0 : i32
      %dma_start3A_116 = tpu.memref_slice %arg10[%add3A_102, %dma_start3A_115] : memref<256x64xf32, #tpu.memory_space<vmem>> -> memref<1x64xf32, #tpu.memory_space<vmem>>
      %dma_start3A_117 = arith.constant 0 : i32
      %dma_start3A_118 = tpu.memref_slice %arg5[%squeeze3A_114, %dma_start3A_117] : memref<100000x64xf32, #tpu.memory_space<hbm>> -> memref<1x64xf32, #tpu.memory_space<hbm>>
      %dma_start3A_119 = arith.constant 0 : i32
      %dma_start3A_120 = tpu.memref_slice %arg10[%add3A_102, %dma_start3A_119] : memref<256x64xf32, #tpu.memory_space<vmem>> -> memref<1x64xf32, #tpu.memory_space<vmem>>
      %dma_start3A_121 = arith.constant 0 : i32
      %dma_start3A_122 = tpu.memref_slice %arg5[%squeeze3A_114, %dma_start3A_121] : memref<100000x64xf32, #tpu.memory_space<hbm>> -> memref<1x64xf32, #tpu.memory_space<hbm>>
      tpu.enqueue_dma source(%dma_start3A_122 : memref<1x64xf32, #tpu.memory_space<hbm>>) target(%dma_start3A_120 : memref<1x64xf32, #tpu.memory_space<vmem>>) target_semaphore(%arg13 : memref<!tpu.dma_semaphore, #tpu.memory_space<semaphore_mem>>)
      %mul3A_123 = arith.constant 16 : i32
      %mul3A_124 = arith.muli %scan3A_42, %mul3A_123 : i32
      %add3A_125 = arith.constant 3 : i32
      %add3A_126 = arith.addi %mul3A_124, %add3A_125 : i32
      %slice3A_127 = vector.extract_strided_slice %get3A_47 {offsets = [3], sizes = [1], strides = [1]} : vector<16xi32> to vector<1xi32>
      %squeeze3A_128 = vector.extract %slice3A_127[0] : i32 from vector<1xi32>
      %dma_start3A_129 = arith.constant 0 : i32
      %dma_start3A_130 = tpu.memref_slice %arg9[%add3A_126, %dma_start3A_129] : memref<256x64xf32, #tpu.memory_space<vmem>> -> memref<1x64xf32, #tpu.memory_space<vmem>>
      %dma_start3A_131 = arith.constant 0 : i32
      %dma_start3A_132 = tpu.memref_slice %arg4[%squeeze3A_128, %dma_start3A_131] : memref<100000x64xf32, #tpu.memory_space<hbm>> -> memref<1x64xf32, #tpu.memory_space<hbm>>
      %dma_start3A_133 = arith.constant 0 : i32
      %dma_start3A_134 = tpu.memref_slice %arg9[%add3A_126, %dma_start3A_133] : memref<256x64xf32, #tpu.memory_space<vmem>> -> memref<1x64xf32, #tpu.memory_space<vmem>>
      %dma_start3A_135 = arith.constant 0 : i32
      %dma_start3A_136 = tpu.memref_slice %arg4[%squeeze3A_128, %dma_start3A_135] : memref<100000x64xf32, #tpu.memory_space<hbm>> -> memref<1x64xf32, #tpu.memory_space<hbm>>
      tpu.enqueue_dma source(%dma_start3A_136 : memref<1x64xf32, #tpu.memory_space<hbm>>) target(%dma_start3A_134 : memref<1x64xf32, #tpu.memory_space<vmem>>) target_semaphore(%arg12 : memref<!tpu.dma_semaphore, #tpu.memory_space<semaphore_mem>>)
      %slice3A_137 = vector.extract_strided_slice %get3A_53 {offsets = [3], sizes = [1], strides = [1]} : vector<16xi32> to vector<1xi32>
      %squeeze3A_138 = vector.extract %slice3A_137[0] : i32 from vector<1xi32>
      %dma_start3A_139 = arith.constant 0 : i32
      %dma_start3A_140 = tpu.memref_slice %arg10[%add3A_126, %dma_start3A_139] : memref<256x64xf32, #tpu.memory_space<vmem>> -> memref<1x64xf32, #tpu.memory_space<vmem>>
      %dma_start3A_141 = arith.constant 0 : i32
      %dma_start3A_142 = tpu.memref_slice %arg5[%squeeze3A_138, %dma_start3A_141] : memref<100000x64xf32, #tpu.memory_space<hbm>> -> memref<1x64xf32, #tpu.memory_space<hbm>>
      %dma_start3A_143 = arith.constant 0 : i32
      %dma_start3A_144 = tpu.memref_slice %arg10[%add3A_126, %dma_start3A_143] : memref<256x64xf32, #tpu.memory_space<vmem>> -> memref<1x64xf32, #tpu.memory_space<vmem>>
      %dma_start3A_145 = arith.constant 0 : i32
      %dma_start3A_146 = tpu.memref_slice %arg5[%squeeze3A_138, %dma_start3A_145] : memref<100000x64xf32, #tpu.memory_space<hbm>> -> memref<1x64xf32, #tpu.memory_space<hbm>>
      tpu.enqueue_dma source(%dma_start3A_146 : memref<1x64xf32, #tpu.memory_space<hbm>>) target(%dma_start3A_144 : memref<1x64xf32, #tpu.memory_space<vmem>>) target_semaphore(%arg13 : memref<!tpu.dma_semaphore, #tpu.memory_space<semaphore_mem>>)
      %mul3A_147 = arith.constant 16 : i32
      %mul3A_148 = arith.muli %scan3A_42, %mul3A_147 : i32
      %add3A_149 = arith.constant 4 : i32
      %add3A_150 = arith.addi %mul3A_148, %add3A_149 : i32
      %slice3A_151 = vector.extract_strided_slice %get3A_47 {offsets = [4], sizes = [1], strides = [1]} : vector<16xi32> to vector<1xi32>
      %squeeze3A_152 = vector.extract %slice3A_151[0] : i32 from vector<1xi32>
      %dma_start3A_153 = arith.constant 0 : i32
      %dma_start3A_154 = tpu.memref_slice %arg9[%add3A_150, %dma_start3A_153] : memref<256x64xf32, #tpu.memory_space<vmem>> -> memref<1x64xf32, #tpu.memory_space<vmem>>
      %dma_start3A_155 = arith.constant 0 : i32
      %dma_start3A_156 = tpu.memref_slice %arg4[%squeeze3A_152, %dma_start3A_155] : memref<100000x64xf32, #tpu.memory_space<hbm>> -> memref<1x64xf32, #tpu.memory_space<hbm>>
      %dma_start3A_157 = arith.constant 0 : i32
      %dma_start3A_158 = tpu.memref_slice %arg9[%add3A_150, %dma_start3A_157] : memref<256x64xf32, #tpu.memory_space<vmem>> -> memref<1x64xf32, #tpu.memory_space<vmem>>
      %dma_start3A_159 = arith.constant 0 : i32
      %dma_start3A_160 = tpu.memref_slice %arg4[%squeeze3A_152, %dma_start3A_159] : memref<100000x64xf32, #tpu.memory_space<hbm>> -> memref<1x64xf32, #tpu.memory_space<hbm>>
      tpu.enqueue_dma source(%dma_start3A_160 : memref<1x64xf32, #tpu.memory_space<hbm>>) target(%dma_start3A_158 : memref<1x64xf32, #tpu.memory_space<vmem>>) target_semaphore(%arg12 : memref<!tpu.dma_semaphore, #tpu.memory_space<semaphore_mem>>)
      %slice3A_161 = vector.extract_strided_slice %get3A_53 {offsets = [4], sizes = [1], strides = [1]} : vector<16xi32> to vector<1xi32>
      %squeeze3A_162 = vector.extract %slice3A_161[0] : i32 from vector<1xi32>
      %dma_start3A_163 = arith.constant 0 : i32
      %dma_start3A_164 = tpu.memref_slice %arg10[%add3A_150, %dma_start3A_163] : memref<256x64xf32, #tpu.memory_space<vmem>> -> memref<1x64xf32, #tpu.memory_space<vmem>>
      %dma_start3A_165 = arith.constant 0 : i32
      %dma_start3A_166 = tpu.memref_slice %arg5[%squeeze3A_162, %dma_start3A_165] : memref<100000x64xf32, #tpu.memory_space<hbm>> -> memref<1x64xf32, #tpu.memory_space<hbm>>
      %dma_start3A_167 = arith.constant 0 : i32
      %dma_start3A_168 = tpu.memref_slice %arg10[%add3A_150, %dma_start3A_167] : memref<256x64xf32, #tpu.memory_space<vmem>> -> memref<1x64xf32, #tpu.memory_space<vmem>>
      %dma_start3A_169 = arith.constant 0 : i32
      %dma_start3A_170 = tpu.memref_slice %arg5[%squeeze3A_162, %dma_start3A_169] : memref<100000x64xf32, #tpu.memory_space<hbm>> -> memref<1x64xf32, #tpu.memory_space<hbm>>
      tpu.enqueue_dma source(%dma_start3A_170 : memref<1x64xf32, #tpu.memory_space<hbm>>) target(%dma_start3A_168 : memref<1x64xf32, #tpu.memory_space<vmem>>) target_semaphore(%arg13 : memref<!tpu.dma_semaphore, #tpu.memory_space<semaphore_mem>>)
      %mul3A_171 = arith.constant 16 : i32
      %mul3A_172 = arith.muli %scan3A_42, %mul3A_171 : i32
      %add3A_173 = arith.constant 5 : i32
      %add3A_174 = arith.addi %mul3A_172, %add3A_173 : i32
      %slice3A_175 = vector.extract_strided_slice %get3A_47 {offsets = [5], sizes = [1], strides = [1]} : vector<16xi32> to vector<1xi32>
      %squeeze3A_176 = vector.extract %slice3A_175[0] : i32 from vector<1xi32>
      %dma_start3A_177 = arith.constant 0 : i32
      %dma_start3A_178 = tpu.memref_slice %arg9[%add3A_174, %dma_start3A_177] : memref<256x64xf32, #tpu.memory_space<vmem>> -> memref<1x64xf32, #tpu.memory_space<vmem>>
      %dma_start3A_179 = arith.constant 0 : i32
      %dma_start3A_180 = tpu.memref_slice %arg4[%squeeze3A_176, %dma_start3A_179] : memref<100000x64xf32, #tpu.memory_space<hbm>> -> memref<1x64xf32, #tpu.memory_space<hbm>>
      %dma_start3A_181 = arith.constant 0 : i32
      %dma_start3A_182 = tpu.memref_slice %arg9[%add3A_174, %dma_start3A_181] : memref<256x64xf32, #tpu.memory_space<vmem>> -> memref<1x64xf32, #tpu.memory_space<vmem>>
      %dma_start3A_183 = arith.constant 0 : i32
      %dma_start3A_184 = tpu.memref_slice %arg4[%squeeze3A_176, %dma_start3A_183] : memref<100000x64xf32, #tpu.memory_space<hbm>> -> memref<1x64xf32, #tpu.memory_space<hbm>>
      tpu.enqueue_dma source(%dma_start3A_184 : memref<1x64xf32, #tpu.memory_space<hbm>>) target(%dma_start3A_182 : memref<1x64xf32, #tpu.memory_space<vmem>>) target_semaphore(%arg12 : memref<!tpu.dma_semaphore, #tpu.memory_space<semaphore_mem>>)
      %slice3A_185 = vector.extract_strided_slice %get3A_53 {offsets = [5], sizes = [1], strides = [1]} : vector<16xi32> to vector<1xi32>
      %squeeze3A_186 = vector.extract %slice3A_185[0] : i32 from vector<1xi32>
      %dma_start3A_187 = arith.constant 0 : i32
      %dma_start3A_188 = tpu.memref_slice %arg10[%add3A_174, %dma_start3A_187] : memref<256x64xf32, #tpu.memory_space<vmem>> -> memref<1x64xf32, #tpu.memory_space<vmem>>
      %dma_start3A_189 = arith.constant 0 : i32
      %dma_start3A_190 = tpu.memref_slice %arg5[%squeeze3A_186, %dma_start3A_189] : memref<100000x64xf32, #tpu.memory_space<hbm>> -> memref<1x64xf32, #tpu.memory_space<hbm>>
      %dma_start3A_191 = arith.constant 0 : i32
      %dma_start3A_192 = tpu.memref_slice %arg10[%add3A_174, %dma_start3A_191] : memref<256x64xf32, #tpu.memory_space<vmem>> -> memref<1x64xf32, #tpu.memory_space<vmem>>
      %dma_start3A_193 = arith.constant 0 : i32
      %dma_start3A_194 = tpu.memref_slice %arg5[%squeeze3A_186, %dma_start3A_193] : memref<100000x64xf32, #tpu.memory_space<hbm>> -> memref<1x64xf32, #tpu.memory_space<hbm>>
      tpu.enqueue_dma source(%dma_start3A_194 : memref<1x64xf32, #tpu.memory_space<hbm>>) target(%dma_start3A_192 : memref<1x64xf32, #tpu.memory_space<vmem>>) target_semaphore(%arg13 : memref<!tpu.dma_semaphore, #tpu.memory_space<semaphore_mem>>)
      %mul3A_195 = arith.constant 16 : i32
      %mul3A_196 = arith.muli %scan3A_42, %mul3A_195 : i32
      %add3A_197 = arith.constant 6 : i32
      %add3A_198 = arith.addi %mul3A_196, %add3A_197 : i32
      %slice3A_199 = vector.extract_strided_slice %get3A_47 {offsets = [6], sizes = [1], strides = [1]} : vector<16xi32> to vector<1xi32>
      %squeeze3A_200 = vector.extract %slice3A_199[0] : i32 from vector<1xi32>
      %dma_start3A_201 = arith.constant 0 : i32
      %dma_start3A_202 = tpu.memref_slice %arg9[%add3A_198, %dma_start3A_201] : memref<256x64xf32, #tpu.memory_space<vmem>> -> memref<1x64xf32, #tpu.memory_space<vmem>>
      %dma_start3A_203 = arith.constant 0 : i32
      %dma_start3A_204 = tpu.memref_slice %arg4[%squeeze3A_200, %dma_start3A_203] : memref<100000x64xf32, #tpu.memory_space<hbm>> -> memref<1x64xf32, #tpu.memory_space<hbm>>
      %dma_start3A_205 = arith.constant 0 : i32
      %dma_start3A_206 = tpu.memref_slice %arg9[%add3A_198, %dma_start3A_205] : memref<256x64xf32, #tpu.memory_space<vmem>> -> memref<1x64xf32, #tpu.memory_space<vmem>>
      %dma_start3A_207 = arith.constant 0 : i32
      %dma_start3A_208 = tpu.memref_slice %arg4[%squeeze3A_200, %dma_start3A_207] : memref<100000x64xf32, #tpu.memory_space<hbm>> -> memref<1x64xf32, #tpu.memory_space<hbm>>
      tpu.enqueue_dma source(%dma_start3A_208 : memref<1x64xf32, #tpu.memory_space<hbm>>) target(%dma_start3A_206 : memref<1x64xf32, #tpu.memory_space<vmem>>) target_semaphore(%arg12 : memref<!tpu.dma_semaphore, #tpu.memory_space<semaphore_mem>>)
      %slice3A_209 = vector.extract_strided_slice %get3A_53 {offsets = [6], sizes = [1], strides = [1]} : vector<16xi32> to vector<1xi32>
      %squeeze3A_210 = vector.extract %slice3A_209[0] : i32 from vector<1xi32>
      %dma_start3A_211 = arith.constant 0 : i32
      %dma_start3A_212 = tpu.memref_slice %arg10[%add3A_198, %dma_start3A_211] : memref<256x64xf32, #tpu.memory_space<vmem>> -> memref<1x64xf32, #tpu.memory_space<vmem>>
      %dma_start3A_213 = arith.constant 0 : i32
      %dma_start3A_214 = tpu.memref_slice %arg5[%squeeze3A_210, %dma_start3A_213] : memref<100000x64xf32, #tpu.memory_space<hbm>> -> memref<1x64xf32, #tpu.memory_space<hbm>>
      %dma_start3A_215 = arith.constant 0 : i32
      %dma_start3A_216 = tpu.memref_slice %arg10[%add3A_198, %dma_start3A_215] : memref<256x64xf32, #tpu.memory_space<vmem>> -> memref<1x64xf32, #tpu.memory_space<vmem>>
      %dma_start3A_217 = arith.constant 0 : i32
      %dma_start3A_218 = tpu.memref_slice %arg5[%squeeze3A_210, %dma_start3A_217] : memref<100000x64xf32, #tpu.memory_space<hbm>> -> memref<1x64xf32, #tpu.memory_space<hbm>>
      tpu.enqueue_dma source(%dma_start3A_218 : memref<1x64xf32, #tpu.memory_space<hbm>>) target(%dma_start3A_216 : memref<1x64xf32, #tpu.memory_space<vmem>>) target_semaphore(%arg13 : memref<!tpu.dma_semaphore, #tpu.memory_space<semaphore_mem>>)
      %mul3A_219 = arith.constant 16 : i32
      %mul3A_220 = arith.muli %scan3A_42, %mul3A_219 : i32
      %add3A_221 = arith.constant 7 : i32
      %add3A_222 = arith.addi %mul3A_220, %add3A_221 : i32
      %slice3A_223 = vector.extract_strided_slice %get3A_47 {offsets = [7], sizes = [1], strides = [1]} : vector<16xi32> to vector<1xi32>
      %squeeze3A_224 = vector.extract %slice3A_223[0] : i32 from vector<1xi32>
      %dma_start3A_225 = arith.constant 0 : i32
      %dma_start3A_226 = tpu.memref_slice %arg9[%add3A_222, %dma_start3A_225] : memref<256x64xf32, #tpu.memory_space<vmem>> -> memref<1x64xf32, #tpu.memory_space<vmem>>
      %dma_start3A_227 = arith.constant 0 : i32
      %dma_start3A_228 = tpu.memref_slice %arg4[%squeeze3A_224, %dma_start3A_227] : memref<100000x64xf32, #tpu.memory_space<hbm>> -> memref<1x64xf32, #tpu.memory_space<hbm>>
      %dma_start3A_229 = arith.constant 0 : i32
      %dma_start3A_230 = tpu.memref_slice %arg9[%add3A_222, %dma_start3A_229] : memref<256x64xf32, #tpu.memory_space<vmem>> -> memref<1x64xf32, #tpu.memory_space<vmem>>
      %dma_start3A_231 = arith.constant 0 : i32
      %dma_start3A_232 = tpu.memref_slice %arg4[%squeeze3A_224, %dma_start3A_231] : memref<100000x64xf32, #tpu.memory_space<hbm>> -> memref<1x64xf32, #tpu.memory_space<hbm>>
      tpu.enqueue_dma source(%dma_start3A_232 : memref<1x64xf32, #tpu.memory_space<hbm>>) target(%dma_start3A_230 : memref<1x64xf32, #tpu.memory_space<vmem>>) target_semaphore(%arg12 : memref<!tpu.dma_semaphore, #tpu.memory_space<semaphore_mem>>)
      %slice3A_233 = vector.extract_strided_slice %get3A_53 {offsets = [7], sizes = [1], strides = [1]} : vector<16xi32> to vector<1xi32>
      %squeeze3A_234 = vector.extract %slice3A_233[0] : i32 from vector<1xi32>
      %dma_start3A_235 = arith.constant 0 : i32
      %dma_start3A_236 = tpu.memref_slice %arg10[%add3A_222, %dma_start3A_235] : memref<256x64xf32, #tpu.memory_space<vmem>> -> memref<1x64xf32, #tpu.memory_space<vmem>>
      %dma_start3A_237 = arith.constant 0 : i32
      %dma_start3A_238 = tpu.memref_slice %arg5[%squeeze3A_234, %dma_start3A_237] : memref<100000x64xf32, #tpu.memory_space<hbm>> -> memref<1x64xf32, #tpu.memory_space<hbm>>
      %dma_start3A_239 = arith.constant 0 : i32
      %dma_start3A_240 = tpu.memref_slice %arg10[%add3A_222, %dma_start3A_239] : memref<256x64xf32, #tpu.memory_space<vmem>> -> memref<1x64xf32, #tpu.memory_space<vmem>>
      %dma_start3A_241 = arith.constant 0 : i32
      %dma_start3A_242 = tpu.memref_slice %arg5[%squeeze3A_234, %dma_start3A_241] : memref<100000x64xf32, #tpu.memory_space<hbm>> -> memref<1x64xf32, #tpu.memory_space<hbm>>
      tpu.enqueue_dma source(%dma_start3A_242 : memref<1x64xf32, #tpu.memory_space<hbm>>) target(%dma_start3A_240 : memref<1x64xf32, #tpu.memory_space<vmem>>) target_semaphore(%arg13 : memref<!tpu.dma_semaphore, #tpu.memory_space<semaphore_mem>>)
      %mul3A_243 = arith.constant 16 : i32
      %mul3A_244 = arith.muli %scan3A_42, %mul3A_243 : i32
      %add3A_245 = arith.constant 8 : i32
      %add3A_246 = arith.addi %mul3A_244, %add3A_245 : i32
      %slice3A_247 = vector.extract_strided_slice %get3A_47 {offsets = [8], sizes = [1], strides = [1]} : vector<16xi32> to vector<1xi32>
      %squeeze3A_248 = vector.extract %slice3A_247[0] : i32 from vector<1xi32>
      %dma_start3A_249 = arith.constant 0 : i32
      %dma_start3A_250 = tpu.memref_slice %arg9[%add3A_246, %dma_start3A_249] : memref<256x64xf32, #tpu.memory_space<vmem>> -> memref<1x64xf32, #tpu.memory_space<vmem>>
      %dma_start3A_251 = arith.constant 0 : i32
      %dma_start3A_252 = tpu.memref_slice %arg4[%squeeze3A_248, %dma_start3A_251] : memref<100000x64xf32, #tpu.memory_space<hbm>> -> memref<1x64xf32, #tpu.memory_space<hbm>>
      %dma_start3A_253 = arith.constant 0 : i32
      %dma_start3A_254 = tpu.memref_slice %arg9[%add3A_246, %dma_start3A_253] : memref<256x64xf32, #tpu.memory_space<vmem>> -> memref<1x64xf32, #tpu.memory_space<vmem>>
      %dma_start3A_255 = arith.constant 0 : i32
      %dma_start3A_256 = tpu.memref_slice %arg4[%squeeze3A_248, %dma_start3A_255] : memref<100000x64xf32, #tpu.memory_space<hbm>> -> memref<1x64xf32, #tpu.memory_space<hbm>>
      tpu.enqueue_dma source(%dma_start3A_256 : memref<1x64xf32, #tpu.memory_space<hbm>>) target(%dma_start3A_254 : memref<1x64xf32, #tpu.memory_space<vmem>>) target_semaphore(%arg12 : memref<!tpu.dma_semaphore, #tpu.memory_space<semaphore_mem>>)
      %slice3A_257 = vector.extract_strided_slice %get3A_53 {offsets = [8], sizes = [1], strides = [1]} : vector<16xi32> to vector<1xi32>
      %squeeze3A_258 = vector.extract %slice3A_257[0] : i32 from vector<1xi32>
      %dma_start3A_259 = arith.constant 0 : i32
      %dma_start3A_260 = tpu.memref_slice %arg10[%add3A_246, %dma_start3A_259] : memref<256x64xf32, #tpu.memory_space<vmem>> -> memref<1x64xf32, #tpu.memory_space<vmem>>
      %dma_start3A_261 = arith.constant 0 : i32
      %dma_start3A_262 = tpu.memref_slice %arg5[%squeeze3A_258, %dma_start3A_261] : memref<100000x64xf32, #tpu.memory_space<hbm>> -> memref<1x64xf32, #tpu.memory_space<hbm>>
      %dma_start3A_263 = arith.constant 0 : i32
      %dma_start3A_264 = tpu.memref_slice %arg10[%add3A_246, %dma_start3A_263] : memref<256x64xf32, #tpu.memory_space<vmem>> -> memref<1x64xf32, #tpu.memory_space<vmem>>
      %dma_start3A_265 = arith.constant 0 : i32
      %dma_start3A_266 = tpu.memref_slice %arg5[%squeeze3A_258, %dma_start3A_265] : memref<100000x64xf32, #tpu.memory_space<hbm>> -> memref<1x64xf32, #tpu.memory_space<hbm>>
      tpu.enqueue_dma source(%dma_start3A_266 : memref<1x64xf32, #tpu.memory_space<hbm>>) target(%dma_start3A_264 : memref<1x64xf32, #tpu.memory_space<vmem>>) target_semaphore(%arg13 : memref<!tpu.dma_semaphore, #tpu.memory_space<semaphore_mem>>)
      %mul3A_267 = arith.constant 16 : i32
      %mul3A_268 = arith.muli %scan3A_42, %mul3A_267 : i32
      %add3A_269 = arith.constant 9 : i32
      %add3A_270 = arith.addi %mul3A_268, %add3A_269 : i32
      %slice3A_271 = vector.extract_strided_slice %get3A_47 {offsets = [9], sizes = [1], strides = [1]} : vector<16xi32> to vector<1xi32>
      %squeeze3A_272 = vector.extract %slice3A_271[0] : i32 from vector<1xi32>
      %dma_start3A_273 = arith.constant 0 : i32
      %dma_start3A_274 = tpu.memref_slice %arg9[%add3A_270, %dma_start3A_273] : memref<256x64xf32, #tpu.memory_space<vmem>> -> memref<1x64xf32, #tpu.memory_space<vmem>>
      %dma_start3A_275 = arith.constant 0 : i32
      %dma_start3A_276 = tpu.memref_slice %arg4[%squeeze3A_272, %dma_start3A_275] : memref<100000x64xf32, #tpu.memory_space<hbm>> -> memref<1x64xf32, #tpu.memory_space<hbm>>
      %dma_start3A_277 = arith.constant 0 : i32
      %dma_start3A_278 = tpu.memref_slice %arg9[%add3A_270, %dma_start3A_277] : memref<256x64xf32, #tpu.memory_space<vmem>> -> memref<1x64xf32, #tpu.memory_space<vmem>>
      %dma_start3A_279 = arith.constant 0 : i32
      %dma_start3A_280 = tpu.memref_slice %arg4[%squeeze3A_272, %dma_start3A_279] : memref<100000x64xf32, #tpu.memory_space<hbm>> -> memref<1x64xf32, #tpu.memory_space<hbm>>
      tpu.enqueue_dma source(%dma_start3A_280 : memref<1x64xf32, #tpu.memory_space<hbm>>) target(%dma_start3A_278 : memref<1x64xf32, #tpu.memory_space<vmem>>) target_semaphore(%arg12 : memref<!tpu.dma_semaphore, #tpu.memory_space<semaphore_mem>>)
      %slice3A_281 = vector.extract_strided_slice %get3A_53 {offsets = [9], sizes = [1], strides = [1]} : vector<16xi32> to vector<1xi32>
      %squeeze3A_282 = vector.extract %slice3A_281[0] : i32 from vector<1xi32>
      %dma_start3A_283 = arith.constant 0 : i32
      %dma_start3A_284 = tpu.memref_slice %arg10[%add3A_270, %dma_start3A_283] : memref<256x64xf32, #tpu.memory_space<vmem>> -> memref<1x64xf32, #tpu.memory_space<vmem>>
      %dma_start3A_285 = arith.constant 0 : i32
      %dma_start3A_286 = tpu.memref_slice %arg5[%squeeze3A_282, %dma_start3A_285] : memref<100000x64xf32, #tpu.memory_space<hbm>> -> memref<1x64xf32, #tpu.memory_space<hbm>>
      %dma_start3A_287 = arith.constant 0 : i32
      %dma_start3A_288 = tpu.memref_slice %arg10[%add3A_270, %dma_start3A_287] : memref<256x64xf32, #tpu.memory_space<vmem>> -> memref<1x64xf32, #tpu.memory_space<vmem>>
      %dma_start3A_289 = arith.constant 0 : i32
      %dma_start3A_290 = tpu.memref_slice %arg5[%squeeze3A_282, %dma_start3A_289] : memref<100000x64xf32, #tpu.memory_space<hbm>> -> memref<1x64xf32, #tpu.memory_space<hbm>>
      tpu.enqueue_dma source(%dma_start3A_290 : memref<1x64xf32, #tpu.memory_space<hbm>>) target(%dma_start3A_288 : memref<1x64xf32, #tpu.memory_space<vmem>>) target_semaphore(%arg13 : memref<!tpu.dma_semaphore, #tpu.memory_space<semaphore_mem>>)
      %mul3A_291 = arith.constant 16 : i32
      %mul3A_292 = arith.muli %scan3A_42, %mul3A_291 : i32
      %add3A_293 = arith.constant 10 : i32
      %add3A_294 = arith.addi %mul3A_292, %add3A_293 : i32
      %slice3A_295 = vector.extract_strided_slice %get3A_47 {offsets = [10], sizes = [1], strides = [1]} : vector<16xi32> to vector<1xi32>
      %squeeze3A_296 = vector.extract %slice3A_295[0] : i32 from vector<1xi32>
      %dma_start3A_297 = arith.constant 0 : i32
      %dma_start3A_298 = tpu.memref_slice %arg9[%add3A_294, %dma_start3A_297] : memref<256x64xf32, #tpu.memory_space<vmem>> -> memref<1x64xf32, #tpu.memory_space<vmem>>
      %dma_start3A_299 = arith.constant 0 : i32
      %dma_start3A_300 = tpu.memref_slice %arg4[%squeeze3A_296, %dma_start3A_299] : memref<100000x64xf32, #tpu.memory_space<hbm>> -> memref<1x64xf32, #tpu.memory_space<hbm>>
      %dma_start3A_301 = arith.constant 0 : i32
      %dma_start3A_302 = tpu.memref_slice %arg9[%add3A_294, %dma_start3A_301] : memref<256x64xf32, #tpu.memory_space<vmem>> -> memref<1x64xf32, #tpu.memory_space<vmem>>
      %dma_start3A_303 = arith.constant 0 : i32
      %dma_start3A_304 = tpu.memref_slice %arg4[%squeeze3A_296, %dma_start3A_303] : memref<100000x64xf32, #tpu.memory_space<hbm>> -> memref<1x64xf32, #tpu.memory_space<hbm>>
      tpu.enqueue_dma source(%dma_start3A_304 : memref<1x64xf32, #tpu.memory_space<hbm>>) target(%dma_start3A_302 : memref<1x64xf32, #tpu.memory_space<vmem>>) target_semaphore(%arg12 : memref<!tpu.dma_semaphore, #tpu.memory_space<semaphore_mem>>)
      %slice3A_305 = vector.extract_strided_slice %get3A_53 {offsets = [10], sizes = [1], strides = [1]} : vector<16xi32> to vector<1xi32>
      %squeeze3A_306 = vector.extract %slice3A_305[0] : i32 from vector<1xi32>
      %dma_start3A_307 = arith.constant 0 : i32
      %dma_start3A_308 = tpu.memref_slice %arg10[%add3A_294, %dma_start3A_307] : memref<256x64xf32, #tpu.memory_space<vmem>> -> memref<1x64xf32, #tpu.memory_space<vmem>>
      %dma_start3A_309 = arith.constant 0 : i32
      %dma_start3A_310 = tpu.memref_slice %arg5[%squeeze3A_306, %dma_start3A_309] : memref<100000x64xf32, #tpu.memory_space<hbm>> -> memref<1x64xf32, #tpu.memory_space<hbm>>
      %dma_start3A_311 = arith.constant 0 : i32
      %dma_start3A_312 = tpu.memref_slice %arg10[%add3A_294, %dma_start3A_311] : memref<256x64xf32, #tpu.memory_space<vmem>> -> memref<1x64xf32, #tpu.memory_space<vmem>>
      %dma_start3A_313 = arith.constant 0 : i32
      %dma_start3A_314 = tpu.memref_slice %arg5[%squeeze3A_306, %dma_start3A_313] : memref<100000x64xf32, #tpu.memory_space<hbm>> -> memref<1x64xf32, #tpu.memory_space<hbm>>
      tpu.enqueue_dma source(%dma_start3A_314 : memref<1x64xf32, #tpu.memory_space<hbm>>) target(%dma_start3A_312 : memref<1x64xf32, #tpu.memory_space<vmem>>) target_semaphore(%arg13 : memref<!tpu.dma_semaphore, #tpu.memory_space<semaphore_mem>>)
      %mul3A_315 = arith.constant 16 : i32
      %mul3A_316 = arith.muli %scan3A_42, %mul3A_315 : i32
      %add3A_317 = arith.constant 11 : i32
      %add3A_318 = arith.addi %mul3A_316, %add3A_317 : i32
      %slice3A_319 = vector.extract_strided_slice %get3A_47 {offsets = [11], sizes = [1], strides = [1]} : vector<16xi32> to vector<1xi32>
      %squeeze3A_320 = vector.extract %slice3A_319[0] : i32 from vector<1xi32>
      %dma_start3A_321 = arith.constant 0 : i32
      %dma_start3A_322 = tpu.memref_slice %arg9[%add3A_318, %dma_start3A_321] : memref<256x64xf32, #tpu.memory_space<vmem>> -> memref<1x64xf32, #tpu.memory_space<vmem>>
      %dma_start3A_323 = arith.constant 0 : i32
      %dma_start3A_324 = tpu.memref_slice %arg4[%squeeze3A_320, %dma_start3A_323] : memref<100000x64xf32, #tpu.memory_space<hbm>> -> memref<1x64xf32, #tpu.memory_space<hbm>>
      %dma_start3A_325 = arith.constant 0 : i32
      %dma_start3A_326 = tpu.memref_slice %arg9[%add3A_318, %dma_start3A_325] : memref<256x64xf32, #tpu.memory_space<vmem>> -> memref<1x64xf32, #tpu.memory_space<vmem>>
      %dma_start3A_327 = arith.constant 0 : i32
      %dma_start3A_328 = tpu.memref_slice %arg4[%squeeze3A_320, %dma_start3A_327] : memref<100000x64xf32, #tpu.memory_space<hbm>> -> memref<1x64xf32, #tpu.memory_space<hbm>>
      tpu.enqueue_dma source(%dma_start3A_328 : memref<1x64xf32, #tpu.memory_space<hbm>>) target(%dma_start3A_326 : memref<1x64xf32, #tpu.memory_space<vmem>>) target_semaphore(%arg12 : memref<!tpu.dma_semaphore, #tpu.memory_space<semaphore_mem>>)
      %slice3A_329 = vector.extract_strided_slice %get3A_53 {offsets = [11], sizes = [1], strides = [1]} : vector<16xi32> to vector<1xi32>
      %squeeze3A_330 = vector.extract %slice3A_329[0] : i32 from vector<1xi32>
      %dma_start3A_331 = arith.constant 0 : i32
      %dma_start3A_332 = tpu.memref_slice %arg10[%add3A_318, %dma_start3A_331] : memref<256x64xf32, #tpu.memory_space<vmem>> -> memref<1x64xf32, #tpu.memory_space<vmem>>
      %dma_start3A_333 = arith.constant 0 : i32
      %dma_start3A_334 = tpu.memref_slice %arg5[%squeeze3A_330, %dma_start3A_333] : memref<100000x64xf32, #tpu.memory_space<hbm>> -> memref<1x64xf32, #tpu.memory_space<hbm>>
      %dma_start3A_335 = arith.constant 0 : i32
      %dma_start3A_336 = tpu.memref_slice %arg10[%add3A_318, %dma_start3A_335] : memref<256x64xf32, #tpu.memory_space<vmem>> -> memref<1x64xf32, #tpu.memory_space<vmem>>
      %dma_start3A_337 = arith.constant 0 : i32
      %dma_start3A_338 = tpu.memref_slice %arg5[%squeeze3A_330, %dma_start3A_337] : memref<100000x64xf32, #tpu.memory_space<hbm>> -> memref<1x64xf32, #tpu.memory_space<hbm>>
      tpu.enqueue_dma source(%dma_start3A_338 : memref<1x64xf32, #tpu.memory_space<hbm>>) target(%dma_start3A_336 : memref<1x64xf32, #tpu.memory_space<vmem>>) target_semaphore(%arg13 : memref<!tpu.dma_semaphore, #tpu.memory_space<semaphore_mem>>)
      %mul3A_339 = arith.constant 16 : i32
      %mul3A_340 = arith.muli %scan3A_42, %mul3A_339 : i32
      %add3A_341 = arith.constant 12 : i32
      %add3A_342 = arith.addi %mul3A_340, %add3A_341 : i32
      %slice3A_343 = vector.extract_strided_slice %get3A_47 {offsets = [12], sizes = [1], strides = [1]} : vector<16xi32> to vector<1xi32>
      %squeeze3A_344 = vector.extract %slice3A_343[0] : i32 from vector<1xi32>
      %dma_start3A_345 = arith.constant 0 : i32
      %dma_start3A_346 = tpu.memref_slice %arg9[%add3A_342, %dma_start3A_345] : memref<256x64xf32, #tpu.memory_space<vmem>> -> memref<1x64xf32, #tpu.memory_space<vmem>>
      %dma_start3A_347 = arith.constant 0 : i32
      %dma_start3A_348 = tpu.memref_slice %arg4[%squeeze3A_344, %dma_start3A_347] : memref<100000x64xf32, #tpu.memory_space<hbm>> -> memref<1x64xf32, #tpu.memory_space<hbm>>
      %dma_start3A_349 = arith.constant 0 : i32
      %dma_start3A_350 = tpu.memref_slice %arg9[%add3A_342, %dma_start3A_349] : memref<256x64xf32, #tpu.memory_space<vmem>> -> memref<1x64xf32, #tpu.memory_space<vmem>>
      %dma_start3A_351 = arith.constant 0 : i32
      %dma_start3A_352 = tpu.memref_slice %arg4[%squeeze3A_344, %dma_start3A_351] : memref<100000x64xf32, #tpu.memory_space<hbm>> -> memref<1x64xf32, #tpu.memory_space<hbm>>
      tpu.enqueue_dma source(%dma_start3A_352 : memref<1x64xf32, #tpu.memory_space<hbm>>) target(%dma_start3A_350 : memref<1x64xf32, #tpu.memory_space<vmem>>) target_semaphore(%arg12 : memref<!tpu.dma_semaphore, #tpu.memory_space<semaphore_mem>>)
      %slice3A_353 = vector.extract_strided_slice %get3A_53 {offsets = [12], sizes = [1], strides = [1]} : vector<16xi32> to vector<1xi32>
      %squeeze3A_354 = vector.extract %slice3A_353[0] : i32 from vector<1xi32>
      %dma_start3A_355 = arith.constant 0 : i32
      %dma_start3A_356 = tpu.memref_slice %arg10[%add3A_342, %dma_start3A_355] : memref<256x64xf32, #tpu.memory_space<vmem>> -> memref<1x64xf32, #tpu.memory_space<vmem>>
      %dma_start3A_357 = arith.constant 0 : i32
      %dma_start3A_358 = tpu.memref_slice %arg5[%squeeze3A_354, %dma_start3A_357] : memref<100000x64xf32, #tpu.memory_space<hbm>> -> memref<1x64xf32, #tpu.memory_space<hbm>>
      %dma_start3A_359 = arith.constant 0 : i32
      %dma_start3A_360 = tpu.memref_slice %arg10[%add3A_342, %dma_start3A_359] : memref<256x64xf32, #tpu.memory_space<vmem>> -> memref<1x64xf32, #tpu.memory_space<vmem>>
      %dma_start3A_361 = arith.constant 0 : i32
      %dma_start3A_362 = tpu.memref_slice %arg5[%squeeze3A_354, %dma_start3A_361] : memref<100000x64xf32, #tpu.memory_space<hbm>> -> memref<1x64xf32, #tpu.memory_space<hbm>>
      tpu.enqueue_dma source(%dma_start3A_362 : memref<1x64xf32, #tpu.memory_space<hbm>>) target(%dma_start3A_360 : memref<1x64xf32, #tpu.memory_space<vmem>>) target_semaphore(%arg13 : memref<!tpu.dma_semaphore, #tpu.memory_space<semaphore_mem>>)
      %mul3A_363 = arith.constant 16 : i32
      %mul3A_364 = arith.muli %scan3A_42, %mul3A_363 : i32
      %add3A_365 = arith.constant 13 : i32
      %add3A_366 = arith.addi %mul3A_364, %add3A_365 : i32
      %slice3A_367 = vector.extract_strided_slice %get3A_47 {offsets = [13], sizes = [1], strides = [1]} : vector<16xi32> to vector<1xi32>
      %squeeze3A_368 = vector.extract %slice3A_367[0] : i32 from vector<1xi32>
      %dma_start3A_369 = arith.constant 0 : i32
      %dma_start3A_370 = tpu.memref_slice %arg9[%add3A_366, %dma_start3A_369] : memref<256x64xf32, #tpu.memory_space<vmem>> -> memref<1x64xf32, #tpu.memory_space<vmem>>
      %dma_start3A_371 = arith.constant 0 : i32
      %dma_start3A_372 = tpu.memref_slice %arg4[%squeeze3A_368, %dma_start3A_371] : memref<100000x64xf32, #tpu.memory_space<hbm>> -> memref<1x64xf32, #tpu.memory_space<hbm>>
      %dma_start3A_373 = arith.constant 0 : i32
      %dma_start3A_374 = tpu.memref_slice %arg9[%add3A_366, %dma_start3A_373] : memref<256x64xf32, #tpu.memory_space<vmem>> -> memref<1x64xf32, #tpu.memory_space<vmem>>
      %dma_start3A_375 = arith.constant 0 : i32
      %dma_start3A_376 = tpu.memref_slice %arg4[%squeeze3A_368, %dma_start3A_375] : memref<100000x64xf32, #tpu.memory_space<hbm>> -> memref<1x64xf32, #tpu.memory_space<hbm>>
      tpu.enqueue_dma source(%dma_start3A_376 : memref<1x64xf32, #tpu.memory_space<hbm>>) target(%dma_start3A_374 : memref<1x64xf32, #tpu.memory_space<vmem>>) target_semaphore(%arg12 : memref<!tpu.dma_semaphore, #tpu.memory_space<semaphore_mem>>)
      %slice3A_377 = vector.extract_strided_slice %get3A_53 {offsets = [13], sizes = [1], strides = [1]} : vector<16xi32> to vector<1xi32>
      %squeeze3A_378 = vector.extract %slice3A_377[0] : i32 from vector<1xi32>
      %dma_start3A_379 = arith.constant 0 : i32
      %dma_start3A_380 = tpu.memref_slice %arg10[%add3A_366, %dma_start3A_379] : memref<256x64xf32, #tpu.memory_space<vmem>> -> memref<1x64xf32, #tpu.memory_space<vmem>>
      %dma_start3A_381 = arith.constant 0 : i32
      %dma_start3A_382 = tpu.memref_slice %arg5[%squeeze3A_378, %dma_start3A_381] : memref<100000x64xf32, #tpu.memory_space<hbm>> -> memref<1x64xf32, #tpu.memory_space<hbm>>
      %dma_start3A_383 = arith.constant 0 : i32
      %dma_start3A_384 = tpu.memref_slice %arg10[%add3A_366, %dma_start3A_383] : memref<256x64xf32, #tpu.memory_space<vmem>> -> memref<1x64xf32, #tpu.memory_space<vmem>>
      %dma_start3A_385 = arith.constant 0 : i32
      %dma_start3A_386 = tpu.memref_slice %arg5[%squeeze3A_378, %dma_start3A_385] : memref<100000x64xf32, #tpu.memory_space<hbm>> -> memref<1x64xf32, #tpu.memory_space<hbm>>
      tpu.enqueue_dma source(%dma_start3A_386 : memref<1x64xf32, #tpu.memory_space<hbm>>) target(%dma_start3A_384 : memref<1x64xf32, #tpu.memory_space<vmem>>) target_semaphore(%arg13 : memref<!tpu.dma_semaphore, #tpu.memory_space<semaphore_mem>>)
      %mul3A_387 = arith.constant 16 : i32
      %mul3A_388 = arith.muli %scan3A_42, %mul3A_387 : i32
      %add3A_389 = arith.constant 14 : i32
      %add3A_390 = arith.addi %mul3A_388, %add3A_389 : i32
      %slice3A_391 = vector.extract_strided_slice %get3A_47 {offsets = [14], sizes = [1], strides = [1]} : vector<16xi32> to vector<1xi32>
      %squeeze3A_392 = vector.extract %slice3A_391[0] : i32 from vector<1xi32>
      %dma_start3A_393 = arith.constant 0 : i32
      %dma_start3A_394 = tpu.memref_slice %arg9[%add3A_390, %dma_start3A_393] : memref<256x64xf32, #tpu.memory_space<vmem>> -> memref<1x64xf32, #tpu.memory_space<vmem>>
      %dma_start3A_395 = arith.constant 0 : i32
      %dma_start3A_396 = tpu.memref_slice %arg4[%squeeze3A_392, %dma_start3A_395] : memref<100000x64xf32, #tpu.memory_space<hbm>> -> memref<1x64xf32, #tpu.memory_space<hbm>>
      %dma_start3A_397 = arith.constant 0 : i32
      %dma_start3A_398 = tpu.memref_slice %arg9[%add3A_390, %dma_start3A_397] : memref<256x64xf32, #tpu.memory_space<vmem>> -> memref<1x64xf32, #tpu.memory_space<vmem>>
      %dma_start3A_399 = arith.constant 0 : i32
      %dma_start3A_400 = tpu.memref_slice %arg4[%squeeze3A_392, %dma_start3A_399] : memref<100000x64xf32, #tpu.memory_space<hbm>> -> memref<1x64xf32, #tpu.memory_space<hbm>>
      tpu.enqueue_dma source(%dma_start3A_400 : memref<1x64xf32, #tpu.memory_space<hbm>>) target(%dma_start3A_398 : memref<1x64xf32, #tpu.memory_space<vmem>>) target_semaphore(%arg12 : memref<!tpu.dma_semaphore, #tpu.memory_space<semaphore_mem>>)
      %slice3A_401 = vector.extract_strided_slice %get3A_53 {offsets = [14], sizes = [1], strides = [1]} : vector<16xi32> to vector<1xi32>
      %squeeze3A_402 = vector.extract %slice3A_401[0] : i32 from vector<1xi32>
      %dma_start3A_403 = arith.constant 0 : i32
      %dma_start3A_404 = tpu.memref_slice %arg10[%add3A_390, %dma_start3A_403] : memref<256x64xf32, #tpu.memory_space<vmem>> -> memref<1x64xf32, #tpu.memory_space<vmem>>
      %dma_start3A_405 = arith.constant 0 : i32
      %dma_start3A_406 = tpu.memref_slice %arg5[%squeeze3A_402, %dma_start3A_405] : memref<100000x64xf32, #tpu.memory_space<hbm>> -> memref<1x64xf32, #tpu.memory_space<hbm>>
      %dma_start3A_407 = arith.constant 0 : i32
      %dma_start3A_408 = tpu.memref_slice %arg10[%add3A_390, %dma_start3A_407] : memref<256x64xf32, #tpu.memory_space<vmem>> -> memref<1x64xf32, #tpu.memory_space<vmem>>
      %dma_start3A_409 = arith.constant 0 : i32
      %dma_start3A_410 = tpu.memref_slice %arg5[%squeeze3A_402, %dma_start3A_409] : memref<100000x64xf32, #tpu.memory_space<hbm>> -> memref<1x64xf32, #tpu.memory_space<hbm>>
      tpu.enqueue_dma source(%dma_start3A_410 : memref<1x64xf32, #tpu.memory_space<hbm>>) target(%dma_start3A_408 : memref<1x64xf32, #tpu.memory_space<vmem>>) target_semaphore(%arg13 : memref<!tpu.dma_semaphore, #tpu.memory_space<semaphore_mem>>)
      %mul3A_411 = arith.constant 16 : i32
      %mul3A_412 = arith.muli %scan3A_42, %mul3A_411 : i32
      %add3A_413 = arith.constant 15 : i32
      %add3A_414 = arith.addi %mul3A_412, %add3A_413 : i32
      %slice3A_415 = vector.extract_strided_slice %get3A_47 {offsets = [15], sizes = [1], strides = [1]} : vector<16xi32> to vector<1xi32>
      %squeeze3A_416 = vector.extract %slice3A_415[0] : i32 from vector<1xi32>
      %dma_start3A_417 = arith.constant 0 : i32
      %dma_start3A_418 = tpu.memref_slice %arg9[%add3A_414, %dma_start3A_417] : memref<256x64xf32, #tpu.memory_space<vmem>> -> memref<1x64xf32, #tpu.memory_space<vmem>>
      %dma_start3A_419 = arith.constant 0 : i32
      %dma_start3A_420 = tpu.memref_slice %arg4[%squeeze3A_416, %dma_start3A_419] : memref<100000x64xf32, #tpu.memory_space<hbm>> -> memref<1x64xf32, #tpu.memory_space<hbm>>
      %dma_start3A_421 = arith.constant 0 : i32
      %dma_start3A_422 = tpu.memref_slice %arg9[%add3A_414, %dma_start3A_421] : memref<256x64xf32, #tpu.memory_space<vmem>> -> memref<1x64xf32, #tpu.memory_space<vmem>>
      %dma_start3A_423 = arith.constant 0 : i32
      %dma_start3A_424 = tpu.memref_slice %arg4[%squeeze3A_416, %dma_start3A_423] : memref<100000x64xf32, #tpu.memory_space<hbm>> -> memref<1x64xf32, #tpu.memory_space<hbm>>
      tpu.enqueue_dma source(%dma_start3A_424 : memref<1x64xf32, #tpu.memory_space<hbm>>) target(%dma_start3A_422 : memref<1x64xf32, #tpu.memory_space<vmem>>) target_semaphore(%arg12 : memref<!tpu.dma_semaphore, #tpu.memory_space<semaphore_mem>>)
      %slice3A_425 = vector.extract_strided_slice %get3A_53 {offsets = [15], sizes = [1], strides = [1]} : vector<16xi32> to vector<1xi32>
      %squeeze3A_426 = vector.extract %slice3A_425[0] : i32 from vector<1xi32>
      %dma_start3A_427 = arith.constant 0 : i32
      %dma_start3A_428 = tpu.memref_slice %arg10[%add3A_414, %dma_start3A_427] : memref<256x64xf32, #tpu.memory_space<vmem>> -> memref<1x64xf32, #tpu.memory_space<vmem>>
      %dma_start3A_429 = arith.constant 0 : i32
      %dma_start3A_430 = tpu.memref_slice %arg5[%squeeze3A_426, %dma_start3A_429] : memref<100000x64xf32, #tpu.memory_space<hbm>> -> memref<1x64xf32, #tpu.memory_space<hbm>>
      %dma_start3A_431 = arith.constant 0 : i32
      %dma_start3A_432 = tpu.memref_slice %arg10[%add3A_414, %dma_start3A_431] : memref<256x64xf32, #tpu.memory_space<vmem>> -> memref<1x64xf32, #tpu.memory_space<vmem>>
      %dma_start3A_433 = arith.constant 0 : i32
      %dma_start3A_434 = tpu.memref_slice %arg5[%squeeze3A_426, %dma_start3A_433] : memref<100000x64xf32, #tpu.memory_space<hbm>> -> memref<1x64xf32, #tpu.memory_space<hbm>>
      tpu.enqueue_dma source(%dma_start3A_434 : memref<1x64xf32, #tpu.memory_space<hbm>>) target(%dma_start3A_432 : memref<1x64xf32, #tpu.memory_space<vmem>>) target_semaphore(%arg13 : memref<!tpu.dma_semaphore, #tpu.memory_space<semaphore_mem>>)
    }
    %scan3A_8 = arith.constant 16 : i32
    %scan3A_9 = arith.constant 0 : i32
    %scan3A_10 = arith.constant 0 : i32
    %scan3A_11 = arith.constant 256 : i32
    %scan3A_12 = arith.addi %scan3A_10, %scan3A_11 : i32
    %scan3A_13 = arith.constant 1 : i32
    scf.for %scan3A_42 = %scan3A_10 to %scan3A_12 step %scan3A_13  : i32 {
      %dma_wait3A = arith.constant 0 : i32
      %dma_wait3A_43 = arith.constant 0 : i32
      %dma_wait3A_44 = tpu.memref_slice %arg9[%dma_wait3A, %dma_wait3A_43] : memref<256x64xf32, #tpu.memory_space<vmem>> -> memref<1x64xf32, #tpu.memory_space<vmem>>
      %dma_wait3A_45 = arith.constant 0 : i32
      %dma_wait3A_46 = arith.constant 0 : i32
      %dma_wait3A_47 = tpu.memref_slice %arg4[%dma_wait3A_45, %dma_wait3A_46] : memref<100000x64xf32, #tpu.memory_space<hbm>> -> memref<1x64xf32, #tpu.memory_space<hbm>>
      %dma_wait3A_48 = arith.constant 0 : i32
      %dma_wait3A_49 = arith.constant 0 : i32
      %dma_wait3A_50 = tpu.memref_slice %arg9[%dma_wait3A_48, %dma_wait3A_49] : memref<256x64xf32, #tpu.memory_space<vmem>> -> memref<1x64xf32, #tpu.memory_space<vmem>>
      %dma_wait3A_51 = arith.constant 0 : i32
      %dma_wait3A_52 = arith.constant 0 : i32
      %dma_wait3A_53 = tpu.memref_slice %arg4[%dma_wait3A_51, %dma_wait3A_52] : memref<100000x64xf32, #tpu.memory_space<hbm>> -> memref<1x64xf32, #tpu.memory_space<hbm>>
      tpu.wait_dma2 semaphore(%arg12 : memref<!tpu.dma_semaphore, #tpu.memory_space<semaphore_mem>>) src(%dma_wait3A_53 : memref<1x64xf32, #tpu.memory_space<hbm>>) dst(%dma_wait3A_50 : memref<1x64xf32, #tpu.memory_space<vmem>>)
      %dma_wait3A_54 = arith.constant 0 : i32
      %dma_wait3A_55 = arith.constant 0 : i32
      %dma_wait3A_56 = tpu.memref_slice %arg10[%dma_wait3A_54, %dma_wait3A_55] : memref<256x64xf32, #tpu.memory_space<vmem>> -> memref<1x64xf32, #tpu.memory_space<vmem>>
      %dma_wait3A_57 = arith.constant 0 : i32
      %dma_wait3A_58 = arith.constant 0 : i32
      %dma_wait3A_59 = tpu.memref_slice %arg5[%dma_wait3A_57, %dma_wait3A_58] : memref<100000x64xf32, #tpu.memory_space<hbm>> -> memref<1x64xf32, #tpu.memory_space<hbm>>
      %dma_wait3A_60 = arith.constant 0 : i32
      %dma_wait3A_61 = arith.constant 0 : i32
      %dma_wait3A_62 = tpu.memref_slice %arg10[%dma_wait3A_60, %dma_wait3A_61] : memref<256x64xf32, #tpu.memory_space<vmem>> -> memref<1x64xf32, #tpu.memory_space<vmem>>
      %dma_wait3A_63 = arith.constant 0 : i32
      %dma_wait3A_64 = arith.constant 0 : i32
      %dma_wait3A_65 = tpu.memref_slice %arg5[%dma_wait3A_63, %dma_wait3A_64] : memref<100000x64xf32, #tpu.memory_space<hbm>> -> memref<1x64xf32, #tpu.memory_space<hbm>>
      tpu.wait_dma2 semaphore(%arg13 : memref<!tpu.dma_semaphore, #tpu.memory_space<semaphore_mem>>) src(%dma_wait3A_65 : memref<1x64xf32, #tpu.memory_space<hbm>>) dst(%dma_wait3A_62 : memref<1x64xf32, #tpu.memory_space<vmem>>)
    }
    %scan3A_14 = arith.constant 256 : i32
    %scan3A_15 = arith.constant 0 : i32
    %scan3A_16 = arith.constant 256 : i32
    %scan3A_17 = arith.addi %scan3A_15, %scan3A_16 : i32
    %scan3A_18 = arith.constant 1 : i32
    %scan3A_19 = scf.for %scan3A_42 = %scan3A_15 to %scan3A_17 step %scan3A_18 iter_args(%scan3A_43 = %broadcast_in_dim3A_3) -> (vector<16xf32>)  : i32 {
      %get3A = arith.index_cast %scan3A_42 : i32 to index
      %get3A_44 = arith.constant 0 : index
      %get3A_45 = tpu.vector_load %arg9[%get3A, %get3A_44] {strides = array<i32>} : memref<256x64xf32, #tpu.memory_space<vmem>>, vector<16xf32>,
      %get3A_46 = arith.index_cast %scan3A_42 : i32 to index
      %get3A_47 = arith.constant 0 : index
      %get3A_48 = tpu.vector_load %arg10[%get3A_46, %get3A_47] {strides = array<i32>} : memref<256x64xf32, #tpu.memory_space<vmem>>, vector<16xf32>,
      %mul3A_49 = arith.mulf %get3A_45, %get3A_48 : vector<16xf32>
      %add3A_50 = arith.addf %scan3A_43, %mul3A_49 : vector<16xf32>
      %get3A_51 = arith.index_cast %scan3A_42 : i32 to index
      %get3A_52 = arith.constant 16 : index
      %get3A_53 = tpu.vector_load %arg9[%get3A_51, %get3A_52] {strides = array<i32>} : memref<256x64xf32, #tpu.memory_space<vmem>>, vector<16xf32>,
      %get3A_54 = arith.index_cast %scan3A_42 : i32 to index
      %get3A_55 = arith.constant 16 : index
      %get3A_56 = tpu.vector_load %arg10[%get3A_54, %get3A_55] {strides = array<i32>} : memref<256x64xf32, #tpu.memory_space<vmem>>, vector<16xf32>,
      %mul3A_57 = arith.mulf %get3A_53, %get3A_56 : vector<16xf32>
      %add3A_58 = arith.addf %add3A_50, %mul3A_57 : vector<16xf32>
      %get3A_59 = arith.index_cast %scan3A_42 : i32 to index
      %get3A_60 = arith.constant 32 : index
      %get3A_61 = tpu.vector_load %arg9[%get3A_59, %get3A_60] {strides = array<i32>} : memref<256x64xf32, #tpu.memory_space<vmem>>, vector<16xf32>,
      %get3A_62 = arith.index_cast %scan3A_42 : i32 to index
      %get3A_63 = arith.constant 32 : index
      %get3A_64 = tpu.vector_load %arg10[%get3A_62, %get3A_63] {strides = array<i32>} : memref<256x64xf32, #tpu.memory_space<vmem>>, vector<16xf32>,
      %mul3A_65 = arith.mulf %get3A_61, %get3A_64 : vector<16xf32>
      %add3A_66 = arith.addf %add3A_58, %mul3A_65 : vector<16xf32>
      %get3A_67 = arith.index_cast %scan3A_42 : i32 to index
      %get3A_68 = arith.constant 48 : index
      %get3A_69 = tpu.vector_load %arg9[%get3A_67, %get3A_68] {strides = array<i32>} : memref<256x64xf32, #tpu.memory_space<vmem>>, vector<16xf32>,
      %get3A_70 = arith.index_cast %scan3A_42 : i32 to index
      %get3A_71 = arith.constant 48 : index
      %get3A_72 = tpu.vector_load %arg10[%get3A_70, %get3A_71] {strides = array<i32>} : memref<256x64xf32, #tpu.memory_space<vmem>>, vector<16xf32>,
      %mul3A_73 = arith.mulf %get3A_69, %get3A_72 : vector<16xf32>
      %add3A_74 = arith.addf %add3A_66, %mul3A_73 : vector<16xf32>
      scf.yield %add3A_74 : vector<16xf32>
    }
    %scan3A_20 = arith.constant 256 : i32
    %scan3A_21 = arith.constant 0 : i32
    %scan3A_22 = arith.constant 0 : i32
    %scan3A_23 = arith.constant 16 : i32
    %scan3A_24 = arith.addi %scan3A_22, %scan3A_23 : i32
    %scan3A_25 = arith.constant 1 : i32
    scf.for %scan3A_42 = %scan3A_22 to %scan3A_24 step %scan3A_25  : i32 {
      %mul3A_43 = arith.constant 16 : i32
      %mul3A_44 = arith.muli %scan3A_42, %mul3A_43 : i32
      %add3A_45 = arith.constant 256 : i32
      %add3A_46 = arith.addi %add3A_45, %mul3A_44 : i32
      %get3A = arith.index_cast %add3A_46 : i32 to index
      %get3A_47 = tpu.vector_load %arg7[%get3A] {strides = array<i32>} : memref<512xi32, #tpu.memory_space<vmem>>, vector<16xi32>,
      %mul3A_48 = arith.constant 16 : i32
      %mul3A_49 = arith.muli %scan3A_42, %mul3A_48 : i32
      %add3A_50 = arith.constant 256 : i32
      %add3A_51 = arith.addi %add3A_50, %mul3A_49 : i32
      %get3A_52 = arith.index_cast %add3A_51 : i32 to index
      %get3A_53 = tpu.vector_load %arg8[%get3A_52] {strides = array<i32>} : memref<512xi32, #tpu.memory_space<vmem>>, vector<16xi32>,
      %mul3A_54 = arith.constant 16 : i32
      %mul3A_55 = arith.muli %scan3A_42, %mul3A_54 : i32
      %add3A_56 = arith.constant 0 : i32
      %add3A_57 = arith.addi %mul3A_55, %add3A_56 : i32
      %slice3A = vector.extract_strided_slice %get3A_47 {offsets = [0], sizes = [1], strides = [1]} : vector<16xi32> to vector<1xi32>
      %squeeze3A = vector.extract %slice3A[0] : i32 from vector<1xi32>
      %dma_start3A = arith.constant 0 : i32
      %dma_start3A_58 = tpu.memref_slice %arg9[%add3A_57, %dma_start3A] : memref<256x64xf32, #tpu.memory_space<vmem>> -> memref<1x64xf32, #tpu.memory_space<vmem>>
      %dma_start3A_59 = arith.constant 0 : i32
      %dma_start3A_60 = tpu.memref_slice %arg4[%squeeze3A, %dma_start3A_59] : memref<100000x64xf32, #tpu.memory_space<hbm>> -> memref<1x64xf32, #tpu.memory_space<hbm>>
      %dma_start3A_61 = arith.constant 0 : i32
      %dma_start3A_62 = tpu.memref_slice %arg9[%add3A_57, %dma_start3A_61] : memref<256x64xf32, #tpu.memory_space<vmem>> -> memref<1x64xf32, #tpu.memory_space<vmem>>
      %dma_start3A_63 = arith.constant 0 : i32
      %dma_start3A_64 = tpu.memref_slice %arg4[%squeeze3A, %dma_start3A_63] : memref<100000x64xf32, #tpu.memory_space<hbm>> -> memref<1x64xf32, #tpu.memory_space<hbm>>
      tpu.enqueue_dma source(%dma_start3A_64 : memref<1x64xf32, #tpu.memory_space<hbm>>) target(%dma_start3A_62 : memref<1x64xf32, #tpu.memory_space<vmem>>) target_semaphore(%arg12 : memref<!tpu.dma_semaphore, #tpu.memory_space<semaphore_mem>>)
      %slice3A_65 = vector.extract_strided_slice %get3A_53 {offsets = [0], sizes = [1], strides = [1]} : vector<16xi32> to vector<1xi32>
      %squeeze3A_66 = vector.extract %slice3A_65[0] : i32 from vector<1xi32>
      %dma_start3A_67 = arith.constant 0 : i32
      %dma_start3A_68 = tpu.memref_slice %arg10[%add3A_57, %dma_start3A_67] : memref<256x64xf32, #tpu.memory_space<vmem>> -> memref<1x64xf32, #tpu.memory_space<vmem>>
      %dma_start3A_69 = arith.constant 0 : i32
      %dma_start3A_70 = tpu.memref_slice %arg5[%squeeze3A_66, %dma_start3A_69] : memref<100000x64xf32, #tpu.memory_space<hbm>> -> memref<1x64xf32, #tpu.memory_space<hbm>>
      %dma_start3A_71 = arith.constant 0 : i32
      %dma_start3A_72 = tpu.memref_slice %arg10[%add3A_57, %dma_start3A_71] : memref<256x64xf32, #tpu.memory_space<vmem>> -> memref<1x64xf32, #tpu.memory_space<vmem>>
      %dma_start3A_73 = arith.constant 0 : i32
      %dma_start3A_74 = tpu.memref_slice %arg5[%squeeze3A_66, %dma_start3A_73] : memref<100000x64xf32, #tpu.memory_space<hbm>> -> memref<1x64xf32, #tpu.memory_space<hbm>>
      tpu.enqueue_dma source(%dma_start3A_74 : memref<1x64xf32, #tpu.memory_space<hbm>>) target(%dma_start3A_72 : memref<1x64xf32, #tpu.memory_space<vmem>>) target_semaphore(%arg13 : memref<!tpu.dma_semaphore, #tpu.memory_space<semaphore_mem>>)
      %mul3A_75 = arith.constant 16 : i32
      %mul3A_76 = arith.muli %scan3A_42, %mul3A_75 : i32
      %add3A_77 = arith.constant 1 : i32
      %add3A_78 = arith.addi %mul3A_76, %add3A_77 : i32
      %slice3A_79 = vector.extract_strided_slice %get3A_47 {offsets = [1], sizes = [1], strides = [1]} : vector<16xi32> to vector<1xi32>
      %squeeze3A_80 = vector.extract %slice3A_79[0] : i32 from vector<1xi32>
      %dma_start3A_81 = arith.constant 0 : i32
      %dma_start3A_82 = tpu.memref_slice %arg9[%add3A_78, %dma_start3A_81] : memref<256x64xf32, #tpu.memory_space<vmem>> -> memref<1x64xf32, #tpu.memory_space<vmem>>
      %dma_start3A_83 = arith.constant 0 : i32
      %dma_start3A_84 = tpu.memref_slice %arg4[%squeeze3A_80, %dma_start3A_83] : memref<100000x64xf32, #tpu.memory_space<hbm>> -> memref<1x64xf32, #tpu.memory_space<hbm>>
      %dma_start3A_85 = arith.constant 0 : i32
      %dma_start3A_86 = tpu.memref_slice %arg9[%add3A_78, %dma_start3A_85] : memref<256x64xf32, #tpu.memory_space<vmem>> -> memref<1x64xf32, #tpu.memory_space<vmem>>
      %dma_start3A_87 = arith.constant 0 : i32
      %dma_start3A_88 = tpu.memref_slice %arg4[%squeeze3A_80, %dma_start3A_87] : memref<100000x64xf32, #tpu.memory_space<hbm>> -> memref<1x64xf32, #tpu.memory_space<hbm>>
      tpu.enqueue_dma source(%dma_start3A_88 : memref<1x64xf32, #tpu.memory_space<hbm>>) target(%dma_start3A_86 : memref<1x64xf32, #tpu.memory_space<vmem>>) target_semaphore(%arg12 : memref<!tpu.dma_semaphore, #tpu.memory_space<semaphore_mem>>)
      %slice3A_89 = vector.extract_strided_slice %get3A_53 {offsets = [1], sizes = [1], strides = [1]} : vector<16xi32> to vector<1xi32>
      %squeeze3A_90 = vector.extract %slice3A_89[0] : i32 from vector<1xi32>
      %dma_start3A_91 = arith.constant 0 : i32
      %dma_start3A_92 = tpu.memref_slice %arg10[%add3A_78, %dma_start3A_91] : memref<256x64xf32, #tpu.memory_space<vmem>> -> memref<1x64xf32, #tpu.memory_space<vmem>>
      %dma_start3A_93 = arith.constant 0 : i32
      %dma_start3A_94 = tpu.memref_slice %arg5[%squeeze3A_90, %dma_start3A_93] : memref<100000x64xf32, #tpu.memory_space<hbm>> -> memref<1x64xf32, #tpu.memory_space<hbm>>
      %dma_start3A_95 = arith.constant 0 : i32
      %dma_start3A_96 = tpu.memref_slice %arg10[%add3A_78, %dma_start3A_95] : memref<256x64xf32, #tpu.memory_space<vmem>> -> memref<1x64xf32, #tpu.memory_space<vmem>>
      %dma_start3A_97 = arith.constant 0 : i32
      %dma_start3A_98 = tpu.memref_slice %arg5[%squeeze3A_90, %dma_start3A_97] : memref<100000x64xf32, #tpu.memory_space<hbm>> -> memref<1x64xf32, #tpu.memory_space<hbm>>
      tpu.enqueue_dma source(%dma_start3A_98 : memref<1x64xf32, #tpu.memory_space<hbm>>) target(%dma_start3A_96 : memref<1x64xf32, #tpu.memory_space<vmem>>) target_semaphore(%arg13 : memref<!tpu.dma_semaphore, #tpu.memory_space<semaphore_mem>>)
      %mul3A_99 = arith.constant 16 : i32
      %mul3A_100 = arith.muli %scan3A_42, %mul3A_99 : i32
      %add3A_101 = arith.constant 2 : i32
      %add3A_102 = arith.addi %mul3A_100, %add3A_101 : i32
      %slice3A_103 = vector.extract_strided_slice %get3A_47 {offsets = [2], sizes = [1], strides = [1]} : vector<16xi32> to vector<1xi32>
      %squeeze3A_104 = vector.extract %slice3A_103[0] : i32 from vector<1xi32>
      %dma_start3A_105 = arith.constant 0 : i32
      %dma_start3A_106 = tpu.memref_slice %arg9[%add3A_102, %dma_start3A_105] : memref<256x64xf32, #tpu.memory_space<vmem>> -> memref<1x64xf32, #tpu.memory_space<vmem>>
      %dma_start3A_107 = arith.constant 0 : i32
      %dma_start3A_108 = tpu.memref_slice %arg4[%squeeze3A_104, %dma_start3A_107] : memref<100000x64xf32, #tpu.memory_space<hbm>> -> memref<1x64xf32, #tpu.memory_space<hbm>>
      %dma_start3A_109 = arith.constant 0 : i32
      %dma_start3A_110 = tpu.memref_slice %arg9[%add3A_102, %dma_start3A_109] : memref<256x64xf32, #tpu.memory_space<vmem>> -> memref<1x64xf32, #tpu.memory_space<vmem>>
      %dma_start3A_111 = arith.constant 0 : i32
      %dma_start3A_112 = tpu.memref_slice %arg4[%squeeze3A_104, %dma_start3A_111] : memref<100000x64xf32, #tpu.memory_space<hbm>> -> memref<1x64xf32, #tpu.memory_space<hbm>>
      tpu.enqueue_dma source(%dma_start3A_112 : memref<1x64xf32, #tpu.memory_space<hbm>>) target(%dma_start3A_110 : memref<1x64xf32, #tpu.memory_space<vmem>>) target_semaphore(%arg12 : memref<!tpu.dma_semaphore, #tpu.memory_space<semaphore_mem>>)
      %slice3A_113 = vector.extract_strided_slice %get3A_53 {offsets = [2], sizes = [1], strides = [1]} : vector<16xi32> to vector<1xi32>
      %squeeze3A_114 = vector.extract %slice3A_113[0] : i32 from vector<1xi32>
      %dma_start3A_115 = arith.constant 0 : i32
      %dma_start3A_116 = tpu.memref_slice %arg10[%add3A_102, %dma_start3A_115] : memref<256x64xf32, #tpu.memory_space<vmem>> -> memref<1x64xf32, #tpu.memory_space<vmem>>
      %dma_start3A_117 = arith.constant 0 : i32
      %dma_start3A_118 = tpu.memref_slice %arg5[%squeeze3A_114, %dma_start3A_117] : memref<100000x64xf32, #tpu.memory_space<hbm>> -> memref<1x64xf32, #tpu.memory_space<hbm>>
      %dma_start3A_119 = arith.constant 0 : i32
      %dma_start3A_120 = tpu.memref_slice %arg10[%add3A_102, %dma_start3A_119] : memref<256x64xf32, #tpu.memory_space<vmem>> -> memref<1x64xf32, #tpu.memory_space<vmem>>
      %dma_start3A_121 = arith.constant 0 : i32
      %dma_start3A_122 = tpu.memref_slice %arg5[%squeeze3A_114, %dma_start3A_121] : memref<100000x64xf32, #tpu.memory_space<hbm>> -> memref<1x64xf32, #tpu.memory_space<hbm>>
      tpu.enqueue_dma source(%dma_start3A_122 : memref<1x64xf32, #tpu.memory_space<hbm>>) target(%dma_start3A_120 : memref<1x64xf32, #tpu.memory_space<vmem>>) target_semaphore(%arg13 : memref<!tpu.dma_semaphore, #tpu.memory_space<semaphore_mem>>)
      %mul3A_123 = arith.constant 16 : i32
      %mul3A_124 = arith.muli %scan3A_42, %mul3A_123 : i32
      %add3A_125 = arith.constant 3 : i32
      %add3A_126 = arith.addi %mul3A_124, %add3A_125 : i32
      %slice3A_127 = vector.extract_strided_slice %get3A_47 {offsets = [3], sizes = [1], strides = [1]} : vector<16xi32> to vector<1xi32>
      %squeeze3A_128 = vector.extract %slice3A_127[0] : i32 from vector<1xi32>
      %dma_start3A_129 = arith.constant 0 : i32
      %dma_start3A_130 = tpu.memref_slice %arg9[%add3A_126, %dma_start3A_129] : memref<256x64xf32, #tpu.memory_space<vmem>> -> memref<1x64xf32, #tpu.memory_space<vmem>>
      %dma_start3A_131 = arith.constant 0 : i32
      %dma_start3A_132 = tpu.memref_slice %arg4[%squeeze3A_128, %dma_start3A_131] : memref<100000x64xf32, #tpu.memory_space<hbm>> -> memref<1x64xf32, #tpu.memory_space<hbm>>
      %dma_start3A_133 = arith.constant 0 : i32
      %dma_start3A_134 = tpu.memref_slice %arg9[%add3A_126, %dma_start3A_133] : memref<256x64xf32, #tpu.memory_space<vmem>> -> memref<1x64xf32, #tpu.memory_space<vmem>>
      %dma_start3A_135 = arith.constant 0 : i32
      %dma_start3A_136 = tpu.memref_slice %arg4[%squeeze3A_128, %dma_start3A_135] : memref<100000x64xf32, #tpu.memory_space<hbm>> -> memref<1x64xf32, #tpu.memory_space<hbm>>
      tpu.enqueue_dma source(%dma_start3A_136 : memref<1x64xf32, #tpu.memory_space<hbm>>) target(%dma_start3A_134 : memref<1x64xf32, #tpu.memory_space<vmem>>) target_semaphore(%arg12 : memref<!tpu.dma_semaphore, #tpu.memory_space<semaphore_mem>>)
      %slice3A_137 = vector.extract_strided_slice %get3A_53 {offsets = [3], sizes = [1], strides = [1]} : vector<16xi32> to vector<1xi32>
      %squeeze3A_138 = vector.extract %slice3A_137[0] : i32 from vector<1xi32>
      %dma_start3A_139 = arith.constant 0 : i32
      %dma_start3A_140 = tpu.memref_slice %arg10[%add3A_126, %dma_start3A_139] : memref<256x64xf32, #tpu.memory_space<vmem>> -> memref<1x64xf32, #tpu.memory_space<vmem>>
      %dma_start3A_141 = arith.constant 0 : i32
      %dma_start3A_142 = tpu.memref_slice %arg5[%squeeze3A_138, %dma_start3A_141] : memref<100000x64xf32, #tpu.memory_space<hbm>> -> memref<1x64xf32, #tpu.memory_space<hbm>>
      %dma_start3A_143 = arith.constant 0 : i32
      %dma_start3A_144 = tpu.memref_slice %arg10[%add3A_126, %dma_start3A_143] : memref<256x64xf32, #tpu.memory_space<vmem>> -> memref<1x64xf32, #tpu.memory_space<vmem>>
      %dma_start3A_145 = arith.constant 0 : i32
      %dma_start3A_146 = tpu.memref_slice %arg5[%squeeze3A_138, %dma_start3A_145] : memref<100000x64xf32, #tpu.memory_space<hbm>> -> memref<1x64xf32, #tpu.memory_space<hbm>>
      tpu.enqueue_dma source(%dma_start3A_146 : memref<1x64xf32, #tpu.memory_space<hbm>>) target(%dma_start3A_144 : memref<1x64xf32, #tpu.memory_space<vmem>>) target_semaphore(%arg13 : memref<!tpu.dma_semaphore, #tpu.memory_space<semaphore_mem>>)
      %mul3A_147 = arith.constant 16 : i32
      %mul3A_148 = arith.muli %scan3A_42, %mul3A_147 : i32
      %add3A_149 = arith.constant 4 : i32
      %add3A_150 = arith.addi %mul3A_148, %add3A_149 : i32
      %slice3A_151 = vector.extract_strided_slice %get3A_47 {offsets = [4], sizes = [1], strides = [1]} : vector<16xi32> to vector<1xi32>
      %squeeze3A_152 = vector.extract %slice3A_151[0] : i32 from vector<1xi32>
      %dma_start3A_153 = arith.constant 0 : i32
      %dma_start3A_154 = tpu.memref_slice %arg9[%add3A_150, %dma_start3A_153] : memref<256x64xf32, #tpu.memory_space<vmem>> -> memref<1x64xf32, #tpu.memory_space<vmem>>
      %dma_start3A_155 = arith.constant 0 : i32
      %dma_start3A_156 = tpu.memref_slice %arg4[%squeeze3A_152, %dma_start3A_155] : memref<100000x64xf32, #tpu.memory_space<hbm>> -> memref<1x64xf32, #tpu.memory_space<hbm>>
      %dma_start3A_157 = arith.constant 0 : i32
      %dma_start3A_158 = tpu.memref_slice %arg9[%add3A_150, %dma_start3A_157] : memref<256x64xf32, #tpu.memory_space<vmem>> -> memref<1x64xf32, #tpu.memory_space<vmem>>
      %dma_start3A_159 = arith.constant 0 : i32
      %dma_start3A_160 = tpu.memref_slice %arg4[%squeeze3A_152, %dma_start3A_159] : memref<100000x64xf32, #tpu.memory_space<hbm>> -> memref<1x64xf32, #tpu.memory_space<hbm>>
      tpu.enqueue_dma source(%dma_start3A_160 : memref<1x64xf32, #tpu.memory_space<hbm>>) target(%dma_start3A_158 : memref<1x64xf32, #tpu.memory_space<vmem>>) target_semaphore(%arg12 : memref<!tpu.dma_semaphore, #tpu.memory_space<semaphore_mem>>)
      %slice3A_161 = vector.extract_strided_slice %get3A_53 {offsets = [4], sizes = [1], strides = [1]} : vector<16xi32> to vector<1xi32>
      %squeeze3A_162 = vector.extract %slice3A_161[0] : i32 from vector<1xi32>
      %dma_start3A_163 = arith.constant 0 : i32
      %dma_start3A_164 = tpu.memref_slice %arg10[%add3A_150, %dma_start3A_163] : memref<256x64xf32, #tpu.memory_space<vmem>> -> memref<1x64xf32, #tpu.memory_space<vmem>>
      %dma_start3A_165 = arith.constant 0 : i32
      %dma_start3A_166 = tpu.memref_slice %arg5[%squeeze3A_162, %dma_start3A_165] : memref<100000x64xf32, #tpu.memory_space<hbm>> -> memref<1x64xf32, #tpu.memory_space<hbm>>
      %dma_start3A_167 = arith.constant 0 : i32
      %dma_start3A_168 = tpu.memref_slice %arg10[%add3A_150, %dma_start3A_167] : memref<256x64xf32, #tpu.memory_space<vmem>> -> memref<1x64xf32, #tpu.memory_space<vmem>>
      %dma_start3A_169 = arith.constant 0 : i32
      %dma_start3A_170 = tpu.memref_slice %arg5[%squeeze3A_162, %dma_start3A_169] : memref<100000x64xf32, #tpu.memory_space<hbm>> -> memref<1x64xf32, #tpu.memory_space<hbm>>
      tpu.enqueue_dma source(%dma_start3A_170 : memref<1x64xf32, #tpu.memory_space<hbm>>) target(%dma_start3A_168 : memref<1x64xf32, #tpu.memory_space<vmem>>) target_semaphore(%arg13 : memref<!tpu.dma_semaphore, #tpu.memory_space<semaphore_mem>>)
      %mul3A_171 = arith.constant 16 : i32
      %mul3A_172 = arith.muli %scan3A_42, %mul3A_171 : i32
      %add3A_173 = arith.constant 5 : i32
      %add3A_174 = arith.addi %mul3A_172, %add3A_173 : i32
      %slice3A_175 = vector.extract_strided_slice %get3A_47 {offsets = [5], sizes = [1], strides = [1]} : vector<16xi32> to vector<1xi32>
      %squeeze3A_176 = vector.extract %slice3A_175[0] : i32 from vector<1xi32>
      %dma_start3A_177 = arith.constant 0 : i32
      %dma_start3A_178 = tpu.memref_slice %arg9[%add3A_174, %dma_start3A_177] : memref<256x64xf32, #tpu.memory_space<vmem>> -> memref<1x64xf32, #tpu.memory_space<vmem>>
      %dma_start3A_179 = arith.constant 0 : i32
      %dma_start3A_180 = tpu.memref_slice %arg4[%squeeze3A_176, %dma_start3A_179] : memref<100000x64xf32, #tpu.memory_space<hbm>> -> memref<1x64xf32, #tpu.memory_space<hbm>>
      %dma_start3A_181 = arith.constant 0 : i32
      %dma_start3A_182 = tpu.memref_slice %arg9[%add3A_174, %dma_start3A_181] : memref<256x64xf32, #tpu.memory_space<vmem>> -> memref<1x64xf32, #tpu.memory_space<vmem>>
      %dma_start3A_183 = arith.constant 0 : i32
      %dma_start3A_184 = tpu.memref_slice %arg4[%squeeze3A_176, %dma_start3A_183] : memref<100000x64xf32, #tpu.memory_space<hbm>> -> memref<1x64xf32, #tpu.memory_space<hbm>>
      tpu.enqueue_dma source(%dma_start3A_184 : memref<1x64xf32, #tpu.memory_space<hbm>>) target(%dma_start3A_182 : memref<1x64xf32, #tpu.memory_space<vmem>>) target_semaphore(%arg12 : memref<!tpu.dma_semaphore, #tpu.memory_space<semaphore_mem>>)
      %slice3A_185 = vector.extract_strided_slice %get3A_53 {offsets = [5], sizes = [1], strides = [1]} : vector<16xi32> to vector<1xi32>
      %squeeze3A_186 = vector.extract %slice3A_185[0] : i32 from vector<1xi32>
      %dma_start3A_187 = arith.constant 0 : i32
      %dma_start3A_188 = tpu.memref_slice %arg10[%add3A_174, %dma_start3A_187] : memref<256x64xf32, #tpu.memory_space<vmem>> -> memref<1x64xf32, #tpu.memory_space<vmem>>
      %dma_start3A_189 = arith.constant 0 : i32
      %dma_start3A_190 = tpu.memref_slice %arg5[%squeeze3A_186, %dma_start3A_189] : memref<100000x64xf32, #tpu.memory_space<hbm>> -> memref<1x64xf32, #tpu.memory_space<hbm>>
      %dma_start3A_191 = arith.constant 0 : i32
      %dma_start3A_192 = tpu.memref_slice %arg10[%add3A_174, %dma_start3A_191] : memref<256x64xf32, #tpu.memory_space<vmem>> -> memref<1x64xf32, #tpu.memory_space<vmem>>
      %dma_start3A_193 = arith.constant 0 : i32
      %dma_start3A_194 = tpu.memref_slice %arg5[%squeeze3A_186, %dma_start3A_193] : memref<100000x64xf32, #tpu.memory_space<hbm>> -> memref<1x64xf32, #tpu.memory_space<hbm>>
      tpu.enqueue_dma source(%dma_start3A_194 : memref<1x64xf32, #tpu.memory_space<hbm>>) target(%dma_start3A_192 : memref<1x64xf32, #tpu.memory_space<vmem>>) target_semaphore(%arg13 : memref<!tpu.dma_semaphore, #tpu.memory_space<semaphore_mem>>)
      %mul3A_195 = arith.constant 16 : i32
      %mul3A_196 = arith.muli %scan3A_42, %mul3A_195 : i32
      %add3A_197 = arith.constant 6 : i32
      %add3A_198 = arith.addi %mul3A_196, %add3A_197 : i32
      %slice3A_199 = vector.extract_strided_slice %get3A_47 {offsets = [6], sizes = [1], strides = [1]} : vector<16xi32> to vector<1xi32>
      %squeeze3A_200 = vector.extract %slice3A_199[0] : i32 from vector<1xi32>
      %dma_start3A_201 = arith.constant 0 : i32
      %dma_start3A_202 = tpu.memref_slice %arg9[%add3A_198, %dma_start3A_201] : memref<256x64xf32, #tpu.memory_space<vmem>> -> memref<1x64xf32, #tpu.memory_space<vmem>>
      %dma_start3A_203 = arith.constant 0 : i32
      %dma_start3A_204 = tpu.memref_slice %arg4[%squeeze3A_200, %dma_start3A_203] : memref<100000x64xf32, #tpu.memory_space<hbm>> -> memref<1x64xf32, #tpu.memory_space<hbm>>
      %dma_start3A_205 = arith.constant 0 : i32
      %dma_start3A_206 = tpu.memref_slice %arg9[%add3A_198, %dma_start3A_205] : memref<256x64xf32, #tpu.memory_space<vmem>> -> memref<1x64xf32, #tpu.memory_space<vmem>>
      %dma_start3A_207 = arith.constant 0 : i32
      %dma_start3A_208 = tpu.memref_slice %arg4[%squeeze3A_200, %dma_start3A_207] : memref<100000x64xf32, #tpu.memory_space<hbm>> -> memref<1x64xf32, #tpu.memory_space<hbm>>
      tpu.enqueue_dma source(%dma_start3A_208 : memref<1x64xf32, #tpu.memory_space<hbm>>) target(%dma_start3A_206 : memref<1x64xf32, #tpu.memory_space<vmem>>) target_semaphore(%arg12 : memref<!tpu.dma_semaphore, #tpu.memory_space<semaphore_mem>>)
      %slice3A_209 = vector.extract_strided_slice %get3A_53 {offsets = [6], sizes = [1], strides = [1]} : vector<16xi32> to vector<1xi32>
      %squeeze3A_210 = vector.extract %slice3A_209[0] : i32 from vector<1xi32>
      %dma_start3A_211 = arith.constant 0 : i32
      %dma_start3A_212 = tpu.memref_slice %arg10[%add3A_198, %dma_start3A_211] : memref<256x64xf32, #tpu.memory_space<vmem>> -> memref<1x64xf32, #tpu.memory_space<vmem>>
      %dma_start3A_213 = arith.constant 0 : i32
      %dma_start3A_214 = tpu.memref_slice %arg5[%squeeze3A_210, %dma_start3A_213] : memref<100000x64xf32, #tpu.memory_space<hbm>> -> memref<1x64xf32, #tpu.memory_space<hbm>>
      %dma_start3A_215 = arith.constant 0 : i32
      %dma_start3A_216 = tpu.memref_slice %arg10[%add3A_198, %dma_start3A_215] : memref<256x64xf32, #tpu.memory_space<vmem>> -> memref<1x64xf32, #tpu.memory_space<vmem>>
      %dma_start3A_217 = arith.constant 0 : i32
      %dma_start3A_218 = tpu.memref_slice %arg5[%squeeze3A_210, %dma_start3A_217] : memref<100000x64xf32, #tpu.memory_space<hbm>> -> memref<1x64xf32, #tpu.memory_space<hbm>>
      tpu.enqueue_dma source(%dma_start3A_218 : memref<1x64xf32, #tpu.memory_space<hbm>>) target(%dma_start3A_216 : memref<1x64xf32, #tpu.memory_space<vmem>>) target_semaphore(%arg13 : memref<!tpu.dma_semaphore, #tpu.memory_space<semaphore_mem>>)
      %mul3A_219 = arith.constant 16 : i32
      %mul3A_220 = arith.muli %scan3A_42, %mul3A_219 : i32
      %add3A_221 = arith.constant 7 : i32
      %add3A_222 = arith.addi %mul3A_220, %add3A_221 : i32
      %slice3A_223 = vector.extract_strided_slice %get3A_47 {offsets = [7], sizes = [1], strides = [1]} : vector<16xi32> to vector<1xi32>
      %squeeze3A_224 = vector.extract %slice3A_223[0] : i32 from vector<1xi32>
      %dma_start3A_225 = arith.constant 0 : i32
      %dma_start3A_226 = tpu.memref_slice %arg9[%add3A_222, %dma_start3A_225] : memref<256x64xf32, #tpu.memory_space<vmem>> -> memref<1x64xf32, #tpu.memory_space<vmem>>
      %dma_start3A_227 = arith.constant 0 : i32
      %dma_start3A_228 = tpu.memref_slice %arg4[%squeeze3A_224, %dma_start3A_227] : memref<100000x64xf32, #tpu.memory_space<hbm>> -> memref<1x64xf32, #tpu.memory_space<hbm>>
      %dma_start3A_229 = arith.constant 0 : i32
      %dma_start3A_230 = tpu.memref_slice %arg9[%add3A_222, %dma_start3A_229] : memref<256x64xf32, #tpu.memory_space<vmem>> -> memref<1x64xf32, #tpu.memory_space<vmem>>
      %dma_start3A_231 = arith.constant 0 : i32
      %dma_start3A_232 = tpu.memref_slice %arg4[%squeeze3A_224, %dma_start3A_231] : memref<100000x64xf32, #tpu.memory_space<hbm>> -> memref<1x64xf32, #tpu.memory_space<hbm>>
      tpu.enqueue_dma source(%dma_start3A_232 : memref<1x64xf32, #tpu.memory_space<hbm>>) target(%dma_start3A_230 : memref<1x64xf32, #tpu.memory_space<vmem>>) target_semaphore(%arg12 : memref<!tpu.dma_semaphore, #tpu.memory_space<semaphore_mem>>)
      %slice3A_233 = vector.extract_strided_slice %get3A_53 {offsets = [7], sizes = [1], strides = [1]} : vector<16xi32> to vector<1xi32>
      %squeeze3A_234 = vector.extract %slice3A_233[0] : i32 from vector<1xi32>
      %dma_start3A_235 = arith.constant 0 : i32
      %dma_start3A_236 = tpu.memref_slice %arg10[%add3A_222, %dma_start3A_235] : memref<256x64xf32, #tpu.memory_space<vmem>> -> memref<1x64xf32, #tpu.memory_space<vmem>>
      %dma_start3A_237 = arith.constant 0 : i32
      %dma_start3A_238 = tpu.memref_slice %arg5[%squeeze3A_234, %dma_start3A_237] : memref<100000x64xf32, #tpu.memory_space<hbm>> -> memref<1x64xf32, #tpu.memory_space<hbm>>
      %dma_start3A_239 = arith.constant 0 : i32
      %dma_start3A_240 = tpu.memref_slice %arg10[%add3A_222, %dma_start3A_239] : memref<256x64xf32, #tpu.memory_space<vmem>> -> memref<1x64xf32, #tpu.memory_space<vmem>>
      %dma_start3A_241 = arith.constant 0 : i32
      %dma_start3A_242 = tpu.memref_slice %arg5[%squeeze3A_234, %dma_start3A_241] : memref<100000x64xf32, #tpu.memory_space<hbm>> -> memref<1x64xf32, #tpu.memory_space<hbm>>
      tpu.enqueue_dma source(%dma_start3A_242 : memref<1x64xf32, #tpu.memory_space<hbm>>) target(%dma_start3A_240 : memref<1x64xf32, #tpu.memory_space<vmem>>) target_semaphore(%arg13 : memref<!tpu.dma_semaphore, #tpu.memory_space<semaphore_mem>>)
      %mul3A_243 = arith.constant 16 : i32
      %mul3A_244 = arith.muli %scan3A_42, %mul3A_243 : i32
      %add3A_245 = arith.constant 8 : i32
      %add3A_246 = arith.addi %mul3A_244, %add3A_245 : i32
      %slice3A_247 = vector.extract_strided_slice %get3A_47 {offsets = [8], sizes = [1], strides = [1]} : vector<16xi32> to vector<1xi32>
      %squeeze3A_248 = vector.extract %slice3A_247[0] : i32 from vector<1xi32>
      %dma_start3A_249 = arith.constant 0 : i32
      %dma_start3A_250 = tpu.memref_slice %arg9[%add3A_246, %dma_start3A_249] : memref<256x64xf32, #tpu.memory_space<vmem>> -> memref<1x64xf32, #tpu.memory_space<vmem>>
      %dma_start3A_251 = arith.constant 0 : i32
      %dma_start3A_252 = tpu.memref_slice %arg4[%squeeze3A_248, %dma_start3A_251] : memref<100000x64xf32, #tpu.memory_space<hbm>> -> memref<1x64xf32, #tpu.memory_space<hbm>>
      %dma_start3A_253 = arith.constant 0 : i32
      %dma_start3A_254 = tpu.memref_slice %arg9[%add3A_246, %dma_start3A_253] : memref<256x64xf32, #tpu.memory_space<vmem>> -> memref<1x64xf32, #tpu.memory_space<vmem>>
      %dma_start3A_255 = arith.constant 0 : i32
      %dma_start3A_256 = tpu.memref_slice %arg4[%squeeze3A_248, %dma_start3A_255] : memref<100000x64xf32, #tpu.memory_space<hbm>> -> memref<1x64xf32, #tpu.memory_space<hbm>>
      tpu.enqueue_dma source(%dma_start3A_256 : memref<1x64xf32, #tpu.memory_space<hbm>>) target(%dma_start3A_254 : memref<1x64xf32, #tpu.memory_space<vmem>>) target_semaphore(%arg12 : memref<!tpu.dma_semaphore, #tpu.memory_space<semaphore_mem>>)
      %slice3A_257 = vector.extract_strided_slice %get3A_53 {offsets = [8], sizes = [1], strides = [1]} : vector<16xi32> to vector<1xi32>
      %squeeze3A_258 = vector.extract %slice3A_257[0] : i32 from vector<1xi32>
      %dma_start3A_259 = arith.constant 0 : i32
      %dma_start3A_260 = tpu.memref_slice %arg10[%add3A_246, %dma_start3A_259] : memref<256x64xf32, #tpu.memory_space<vmem>> -> memref<1x64xf32, #tpu.memory_space<vmem>>
      %dma_start3A_261 = arith.constant 0 : i32
      %dma_start3A_262 = tpu.memref_slice %arg5[%squeeze3A_258, %dma_start3A_261] : memref<100000x64xf32, #tpu.memory_space<hbm>> -> memref<1x64xf32, #tpu.memory_space<hbm>>
      %dma_start3A_263 = arith.constant 0 : i32
      %dma_start3A_264 = tpu.memref_slice %arg10[%add3A_246, %dma_start3A_263] : memref<256x64xf32, #tpu.memory_space<vmem>> -> memref<1x64xf32, #tpu.memory_space<vmem>>
      %dma_start3A_265 = arith.constant 0 : i32
      %dma_start3A_266 = tpu.memref_slice %arg5[%squeeze3A_258, %dma_start3A_265] : memref<100000x64xf32, #tpu.memory_space<hbm>> -> memref<1x64xf32, #tpu.memory_space<hbm>>
      tpu.enqueue_dma source(%dma_start3A_266 : memref<1x64xf32, #tpu.memory_space<hbm>>) target(%dma_start3A_264 : memref<1x64xf32, #tpu.memory_space<vmem>>) target_semaphore(%arg13 : memref<!tpu.dma_semaphore, #tpu.memory_space<semaphore_mem>>)
      %mul3A_267 = arith.constant 16 : i32
      %mul3A_268 = arith.muli %scan3A_42, %mul3A_267 : i32
      %add3A_269 = arith.constant 9 : i32
      %add3A_270 = arith.addi %mul3A_268, %add3A_269 : i32
      %slice3A_271 = vector.extract_strided_slice %get3A_47 {offsets = [9], sizes = [1], strides = [1]} : vector<16xi32> to vector<1xi32>
      %squeeze3A_272 = vector.extract %slice3A_271[0] : i32 from vector<1xi32>
      %dma_start3A_273 = arith.constant 0 : i32
      %dma_start3A_274 = tpu.memref_slice %arg9[%add3A_270, %dma_start3A_273] : memref<256x64xf32, #tpu.memory_space<vmem>> -> memref<1x64xf32, #tpu.memory_space<vmem>>
      %dma_start3A_275 = arith.constant 0 : i32
      %dma_start3A_276 = tpu.memref_slice %arg4[%squeeze3A_272, %dma_start3A_275] : memref<100000x64xf32, #tpu.memory_space<hbm>> -> memref<1x64xf32, #tpu.memory_space<hbm>>
      %dma_start3A_277 = arith.constant 0 : i32
      %dma_start3A_278 = tpu.memref_slice %arg9[%add3A_270, %dma_start3A_277] : memref<256x64xf32, #tpu.memory_space<vmem>> -> memref<1x64xf32, #tpu.memory_space<vmem>>
      %dma_start3A_279 = arith.constant 0 : i32
      %dma_start3A_280 = tpu.memref_slice %arg4[%squeeze3A_272, %dma_start3A_279] : memref<100000x64xf32, #tpu.memory_space<hbm>> -> memref<1x64xf32, #tpu.memory_space<hbm>>
      tpu.enqueue_dma source(%dma_start3A_280 : memref<1x64xf32, #tpu.memory_space<hbm>>) target(%dma_start3A_278 : memref<1x64xf32, #tpu.memory_space<vmem>>) target_semaphore(%arg12 : memref<!tpu.dma_semaphore, #tpu.memory_space<semaphore_mem>>)
      %slice3A_281 = vector.extract_strided_slice %get3A_53 {offsets = [9], sizes = [1], strides = [1]} : vector<16xi32> to vector<1xi32>
      %squeeze3A_282 = vector.extract %slice3A_281[0] : i32 from vector<1xi32>
      %dma_start3A_283 = arith.constant 0 : i32
      %dma_start3A_284 = tpu.memref_slice %arg10[%add3A_270, %dma_start3A_283] : memref<256x64xf32, #tpu.memory_space<vmem>> -> memref<1x64xf32, #tpu.memory_space<vmem>>
      %dma_start3A_285 = arith.constant 0 : i32
      %dma_start3A_286 = tpu.memref_slice %arg5[%squeeze3A_282, %dma_start3A_285] : memref<100000x64xf32, #tpu.memory_space<hbm>> -> memref<1x64xf32, #tpu.memory_space<hbm>>
      %dma_start3A_287 = arith.constant 0 : i32
      %dma_start3A_288 = tpu.memref_slice %arg10[%add3A_270, %dma_start3A_287] : memref<256x64xf32, #tpu.memory_space<vmem>> -> memref<1x64xf32, #tpu.memory_space<vmem>>
      %dma_start3A_289 = arith.constant 0 : i32
      %dma_start3A_290 = tpu.memref_slice %arg5[%squeeze3A_282, %dma_start3A_289] : memref<100000x64xf32, #tpu.memory_space<hbm>> -> memref<1x64xf32, #tpu.memory_space<hbm>>
      tpu.enqueue_dma source(%dma_start3A_290 : memref<1x64xf32, #tpu.memory_space<hbm>>) target(%dma_start3A_288 : memref<1x64xf32, #tpu.memory_space<vmem>>) target_semaphore(%arg13 : memref<!tpu.dma_semaphore, #tpu.memory_space<semaphore_mem>>)
      %mul3A_291 = arith.constant 16 : i32
      %mul3A_292 = arith.muli %scan3A_42, %mul3A_291 : i32
      %add3A_293 = arith.constant 10 : i32
      %add3A_294 = arith.addi %mul3A_292, %add3A_293 : i32
      %slice3A_295 = vector.extract_strided_slice %get3A_47 {offsets = [10], sizes = [1], strides = [1]} : vector<16xi32> to vector<1xi32>
      %squeeze3A_296 = vector.extract %slice3A_295[0] : i32 from vector<1xi32>
      %dma_start3A_297 = arith.constant 0 : i32
      %dma_start3A_298 = tpu.memref_slice %arg9[%add3A_294, %dma_start3A_297] : memref<256x64xf32, #tpu.memory_space<vmem>> -> memref<1x64xf32, #tpu.memory_space<vmem>>
      %dma_start3A_299 = arith.constant 0 : i32
      %dma_start3A_300 = tpu.memref_slice %arg4[%squeeze3A_296, %dma_start3A_299] : memref<100000x64xf32, #tpu.memory_space<hbm>> -> memref<1x64xf32, #tpu.memory_space<hbm>>
      %dma_start3A_301 = arith.constant 0 : i32
      %dma_start3A_302 = tpu.memref_slice %arg9[%add3A_294, %dma_start3A_301] : memref<256x64xf32, #tpu.memory_space<vmem>> -> memref<1x64xf32, #tpu.memory_space<vmem>>
      %dma_start3A_303 = arith.constant 0 : i32
      %dma_start3A_304 = tpu.memref_slice %arg4[%squeeze3A_296, %dma_start3A_303] : memref<100000x64xf32, #tpu.memory_space<hbm>> -> memref<1x64xf32, #tpu.memory_space<hbm>>
      tpu.enqueue_dma source(%dma_start3A_304 : memref<1x64xf32, #tpu.memory_space<hbm>>) target(%dma_start3A_302 : memref<1x64xf32, #tpu.memory_space<vmem>>) target_semaphore(%arg12 : memref<!tpu.dma_semaphore, #tpu.memory_space<semaphore_mem>>)
      %slice3A_305 = vector.extract_strided_slice %get3A_53 {offsets = [10], sizes = [1], strides = [1]} : vector<16xi32> to vector<1xi32>
      %squeeze3A_306 = vector.extract %slice3A_305[0] : i32 from vector<1xi32>
      %dma_start3A_307 = arith.constant 0 : i32
      %dma_start3A_308 = tpu.memref_slice %arg10[%add3A_294, %dma_start3A_307] : memref<256x64xf32, #tpu.memory_space<vmem>> -> memref<1x64xf32, #tpu.memory_space<vmem>>
      %dma_start3A_309 = arith.constant 0 : i32
      %dma_start3A_310 = tpu.memref_slice %arg5[%squeeze3A_306, %dma_start3A_309] : memref<100000x64xf32, #tpu.memory_space<hbm>> -> memref<1x64xf32, #tpu.memory_space<hbm>>
      %dma_start3A_311 = arith.constant 0 : i32
      %dma_start3A_312 = tpu.memref_slice %arg10[%add3A_294, %dma_start3A_311] : memref<256x64xf32, #tpu.memory_space<vmem>> -> memref<1x64xf32, #tpu.memory_space<vmem>>
      %dma_start3A_313 = arith.constant 0 : i32
      %dma_start3A_314 = tpu.memref_slice %arg5[%squeeze3A_306, %dma_start3A_313] : memref<100000x64xf32, #tpu.memory_space<hbm>> -> memref<1x64xf32, #tpu.memory_space<hbm>>
      tpu.enqueue_dma source(%dma_start3A_314 : memref<1x64xf32, #tpu.memory_space<hbm>>) target(%dma_start3A_312 : memref<1x64xf32, #tpu.memory_space<vmem>>) target_semaphore(%arg13 : memref<!tpu.dma_semaphore, #tpu.memory_space<semaphore_mem>>)
      %mul3A_315 = arith.constant 16 : i32
      %mul3A_316 = arith.muli %scan3A_42, %mul3A_315 : i32
      %add3A_317 = arith.constant 11 : i32
      %add3A_318 = arith.addi %mul3A_316, %add3A_317 : i32
      %slice3A_319 = vector.extract_strided_slice %get3A_47 {offsets = [11], sizes = [1], strides = [1]} : vector<16xi32> to vector<1xi32>
      %squeeze3A_320 = vector.extract %slice3A_319[0] : i32 from vector<1xi32>
      %dma_start3A_321 = arith.constant 0 : i32
      %dma_start3A_322 = tpu.memref_slice %arg9[%add3A_318, %dma_start3A_321] : memref<256x64xf32, #tpu.memory_space<vmem>> -> memref<1x64xf32, #tpu.memory_space<vmem>>
      %dma_start3A_323 = arith.constant 0 : i32
      %dma_start3A_324 = tpu.memref_slice %arg4[%squeeze3A_320, %dma_start3A_323] : memref<100000x64xf32, #tpu.memory_space<hbm>> -> memref<1x64xf32, #tpu.memory_space<hbm>>
      %dma_start3A_325 = arith.constant 0 : i32
      %dma_start3A_326 = tpu.memref_slice %arg9[%add3A_318, %dma_start3A_325] : memref<256x64xf32, #tpu.memory_space<vmem>> -> memref<1x64xf32, #tpu.memory_space<vmem>>
      %dma_start3A_327 = arith.constant 0 : i32
      %dma_start3A_328 = tpu.memref_slice %arg4[%squeeze3A_320, %dma_start3A_327] : memref<100000x64xf32, #tpu.memory_space<hbm>> -> memref<1x64xf32, #tpu.memory_space<hbm>>
      tpu.enqueue_dma source(%dma_start3A_328 : memref<1x64xf32, #tpu.memory_space<hbm>>) target(%dma_start3A_326 : memref<1x64xf32, #tpu.memory_space<vmem>>) target_semaphore(%arg12 : memref<!tpu.dma_semaphore, #tpu.memory_space<semaphore_mem>>)
      %slice3A_329 = vector.extract_strided_slice %get3A_53 {offsets = [11], sizes = [1], strides = [1]} : vector<16xi32> to vector<1xi32>
      %squeeze3A_330 = vector.extract %slice3A_329[0] : i32 from vector<1xi32>
      %dma_start3A_331 = arith.constant 0 : i32
      %dma_start3A_332 = tpu.memref_slice %arg10[%add3A_318, %dma_start3A_331] : memref<256x64xf32, #tpu.memory_space<vmem>> -> memref<1x64xf32, #tpu.memory_space<vmem>>
      %dma_start3A_333 = arith.constant 0 : i32
      %dma_start3A_334 = tpu.memref_slice %arg5[%squeeze3A_330, %dma_start3A_333] : memref<100000x64xf32, #tpu.memory_space<hbm>> -> memref<1x64xf32, #tpu.memory_space<hbm>>
      %dma_start3A_335 = arith.constant 0 : i32
      %dma_start3A_336 = tpu.memref_slice %arg10[%add3A_318, %dma_start3A_335] : memref<256x64xf32, #tpu.memory_space<vmem>> -> memref<1x64xf32, #tpu.memory_space<vmem>>
      %dma_start3A_337 = arith.constant 0 : i32
      %dma_start3A_338 = tpu.memref_slice %arg5[%squeeze3A_330, %dma_start3A_337] : memref<100000x64xf32, #tpu.memory_space<hbm>> -> memref<1x64xf32, #tpu.memory_space<hbm>>
      tpu.enqueue_dma source(%dma_start3A_338 : memref<1x64xf32, #tpu.memory_space<hbm>>) target(%dma_start3A_336 : memref<1x64xf32, #tpu.memory_space<vmem>>) target_semaphore(%arg13 : memref<!tpu.dma_semaphore, #tpu.memory_space<semaphore_mem>>)
      %mul3A_339 = arith.constant 16 : i32
      %mul3A_340 = arith.muli %scan3A_42, %mul3A_339 : i32
      %add3A_341 = arith.constant 12 : i32
      %add3A_342 = arith.addi %mul3A_340, %add3A_341 : i32
      %slice3A_343 = vector.extract_strided_slice %get3A_47 {offsets = [12], sizes = [1], strides = [1]} : vector<16xi32> to vector<1xi32>
      %squeeze3A_344 = vector.extract %slice3A_343[0] : i32 from vector<1xi32>
      %dma_start3A_345 = arith.constant 0 : i32
      %dma_start3A_346 = tpu.memref_slice %arg9[%add3A_342, %dma_start3A_345] : memref<256x64xf32, #tpu.memory_space<vmem>> -> memref<1x64xf32, #tpu.memory_space<vmem>>
      %dma_start3A_347 = arith.constant 0 : i32
      %dma_start3A_348 = tpu.memref_slice %arg4[%squeeze3A_344, %dma_start3A_347] : memref<100000x64xf32, #tpu.memory_space<hbm>> -> memref<1x64xf32, #tpu.memory_space<hbm>>
      %dma_start3A_349 = arith.constant 0 : i32
      %dma_start3A_350 = tpu.memref_slice %arg9[%add3A_342, %dma_start3A_349] : memref<256x64xf32, #tpu.memory_space<vmem>> -> memref<1x64xf32, #tpu.memory_space<vmem>>
      %dma_start3A_351 = arith.constant 0 : i32
      %dma_start3A_352 = tpu.memref_slice %arg4[%squeeze3A_344, %dma_start3A_351] : memref<100000x64xf32, #tpu.memory_space<hbm>> -> memref<1x64xf32, #tpu.memory_space<hbm>>
      tpu.enqueue_dma source(%dma_start3A_352 : memref<1x64xf32, #tpu.memory_space<hbm>>) target(%dma_start3A_350 : memref<1x64xf32, #tpu.memory_space<vmem>>) target_semaphore(%arg12 : memref<!tpu.dma_semaphore, #tpu.memory_space<semaphore_mem>>)
      %slice3A_353 = vector.extract_strided_slice %get3A_53 {offsets = [12], sizes = [1], strides = [1]} : vector<16xi32> to vector<1xi32>
      %squeeze3A_354 = vector.extract %slice3A_353[0] : i32 from vector<1xi32>
      %dma_start3A_355 = arith.constant 0 : i32
      %dma_start3A_356 = tpu.memref_slice %arg10[%add3A_342, %dma_start3A_355] : memref<256x64xf32, #tpu.memory_space<vmem>> -> memref<1x64xf32, #tpu.memory_space<vmem>>
      %dma_start3A_357 = arith.constant 0 : i32
      %dma_start3A_358 = tpu.memref_slice %arg5[%squeeze3A_354, %dma_start3A_357] : memref<100000x64xf32, #tpu.memory_space<hbm>> -> memref<1x64xf32, #tpu.memory_space<hbm>>
      %dma_start3A_359 = arith.constant 0 : i32
      %dma_start3A_360 = tpu.memref_slice %arg10[%add3A_342, %dma_start3A_359] : memref<256x64xf32, #tpu.memory_space<vmem>> -> memref<1x64xf32, #tpu.memory_space<vmem>>
      %dma_start3A_361 = arith.constant 0 : i32
      %dma_start3A_362 = tpu.memref_slice %arg5[%squeeze3A_354, %dma_start3A_361] : memref<100000x64xf32, #tpu.memory_space<hbm>> -> memref<1x64xf32, #tpu.memory_space<hbm>>
      tpu.enqueue_dma source(%dma_start3A_362 : memref<1x64xf32, #tpu.memory_space<hbm>>) target(%dma_start3A_360 : memref<1x64xf32, #tpu.memory_space<vmem>>) target_semaphore(%arg13 : memref<!tpu.dma_semaphore, #tpu.memory_space<semaphore_mem>>)
      %mul3A_363 = arith.constant 16 : i32
      %mul3A_364 = arith.muli %scan3A_42, %mul3A_363 : i32
      %add3A_365 = arith.constant 13 : i32
      %add3A_366 = arith.addi %mul3A_364, %add3A_365 : i32
      %slice3A_367 = vector.extract_strided_slice %get3A_47 {offsets = [13], sizes = [1], strides = [1]} : vector<16xi32> to vector<1xi32>
      %squeeze3A_368 = vector.extract %slice3A_367[0] : i32 from vector<1xi32>
      %dma_start3A_369 = arith.constant 0 : i32
      %dma_start3A_370 = tpu.memref_slice %arg9[%add3A_366, %dma_start3A_369] : memref<256x64xf32, #tpu.memory_space<vmem>> -> memref<1x64xf32, #tpu.memory_space<vmem>>
      %dma_start3A_371 = arith.constant 0 : i32
      %dma_start3A_372 = tpu.memref_slice %arg4[%squeeze3A_368, %dma_start3A_371] : memref<100000x64xf32, #tpu.memory_space<hbm>> -> memref<1x64xf32, #tpu.memory_space<hbm>>
      %dma_start3A_373 = arith.constant 0 : i32
      %dma_start3A_374 = tpu.memref_slice %arg9[%add3A_366, %dma_start3A_373] : memref<256x64xf32, #tpu.memory_space<vmem>> -> memref<1x64xf32, #tpu.memory_space<vmem>>
      %dma_start3A_375 = arith.constant 0 : i32
      %dma_start3A_376 = tpu.memref_slice %arg4[%squeeze3A_368, %dma_start3A_375] : memref<100000x64xf32, #tpu.memory_space<hbm>> -> memref<1x64xf32, #tpu.memory_space<hbm>>
      tpu.enqueue_dma source(%dma_start3A_376 : memref<1x64xf32, #tpu.memory_space<hbm>>) target(%dma_start3A_374 : memref<1x64xf32, #tpu.memory_space<vmem>>) target_semaphore(%arg12 : memref<!tpu.dma_semaphore, #tpu.memory_space<semaphore_mem>>)
      %slice3A_377 = vector.extract_strided_slice %get3A_53 {offsets = [13], sizes = [1], strides = [1]} : vector<16xi32> to vector<1xi32>
      %squeeze3A_378 = vector.extract %slice3A_377[0] : i32 from vector<1xi32>
      %dma_start3A_379 = arith.constant 0 : i32
      %dma_start3A_380 = tpu.memref_slice %arg10[%add3A_366, %dma_start3A_379] : memref<256x64xf32, #tpu.memory_space<vmem>> -> memref<1x64xf32, #tpu.memory_space<vmem>>
      %dma_start3A_381 = arith.constant 0 : i32
      %dma_start3A_382 = tpu.memref_slice %arg5[%squeeze3A_378, %dma_start3A_381] : memref<100000x64xf32, #tpu.memory_space<hbm>> -> memref<1x64xf32, #tpu.memory_space<hbm>>
      %dma_start3A_383 = arith.constant 0 : i32
      %dma_start3A_384 = tpu.memref_slice %arg10[%add3A_366, %dma_start3A_383] : memref<256x64xf32, #tpu.memory_space<vmem>> -> memref<1x64xf32, #tpu.memory_space<vmem>>
      %dma_start3A_385 = arith.constant 0 : i32
      %dma_start3A_386 = tpu.memref_slice %arg5[%squeeze3A_378, %dma_start3A_385] : memref<100000x64xf32, #tpu.memory_space<hbm>> -> memref<1x64xf32, #tpu.memory_space<hbm>>
      tpu.enqueue_dma source(%dma_start3A_386 : memref<1x64xf32, #tpu.memory_space<hbm>>) target(%dma_start3A_384 : memref<1x64xf32, #tpu.memory_space<vmem>>) target_semaphore(%arg13 : memref<!tpu.dma_semaphore, #tpu.memory_space<semaphore_mem>>)
      %mul3A_387 = arith.constant 16 : i32
      %mul3A_388 = arith.muli %scan3A_42, %mul3A_387 : i32
      %add3A_389 = arith.constant 14 : i32
      %add3A_390 = arith.addi %mul3A_388, %add3A_389 : i32
      %slice3A_391 = vector.extract_strided_slice %get3A_47 {offsets = [14], sizes = [1], strides = [1]} : vector<16xi32> to vector<1xi32>
      %squeeze3A_392 = vector.extract %slice3A_391[0] : i32 from vector<1xi32>
      %dma_start3A_393 = arith.constant 0 : i32
      %dma_start3A_394 = tpu.memref_slice %arg9[%add3A_390, %dma_start3A_393] : memref<256x64xf32, #tpu.memory_space<vmem>> -> memref<1x64xf32, #tpu.memory_space<vmem>>
      %dma_start3A_395 = arith.constant 0 : i32
      %dma_start3A_396 = tpu.memref_slice %arg4[%squeeze3A_392, %dma_start3A_395] : memref<100000x64xf32, #tpu.memory_space<hbm>> -> memref<1x64xf32, #tpu.memory_space<hbm>>
      %dma_start3A_397 = arith.constant 0 : i32
      %dma_start3A_398 = tpu.memref_slice %arg9[%add3A_390, %dma_start3A_397] : memref<256x64xf32, #tpu.memory_space<vmem>> -> memref<1x64xf32, #tpu.memory_space<vmem>>
      %dma_start3A_399 = arith.constant 0 : i32
      %dma_start3A_400 = tpu.memref_slice %arg4[%squeeze3A_392, %dma_start3A_399] : memref<100000x64xf32, #tpu.memory_space<hbm>> -> memref<1x64xf32, #tpu.memory_space<hbm>>
      tpu.enqueue_dma source(%dma_start3A_400 : memref<1x64xf32, #tpu.memory_space<hbm>>) target(%dma_start3A_398 : memref<1x64xf32, #tpu.memory_space<vmem>>) target_semaphore(%arg12 : memref<!tpu.dma_semaphore, #tpu.memory_space<semaphore_mem>>)
      %slice3A_401 = vector.extract_strided_slice %get3A_53 {offsets = [14], sizes = [1], strides = [1]} : vector<16xi32> to vector<1xi32>
      %squeeze3A_402 = vector.extract %slice3A_401[0] : i32 from vector<1xi32>
      %dma_start3A_403 = arith.constant 0 : i32
      %dma_start3A_404 = tpu.memref_slice %arg10[%add3A_390, %dma_start3A_403] : memref<256x64xf32, #tpu.memory_space<vmem>> -> memref<1x64xf32, #tpu.memory_space<vmem>>
      %dma_start3A_405 = arith.constant 0 : i32
      %dma_start3A_406 = tpu.memref_slice %arg5[%squeeze3A_402, %dma_start3A_405] : memref<100000x64xf32, #tpu.memory_space<hbm>> -> memref<1x64xf32, #tpu.memory_space<hbm>>
      %dma_start3A_407 = arith.constant 0 : i32
      %dma_start3A_408 = tpu.memref_slice %arg10[%add3A_390, %dma_start3A_407] : memref<256x64xf32, #tpu.memory_space<vmem>> -> memref<1x64xf32, #tpu.memory_space<vmem>>
      %dma_start3A_409 = arith.constant 0 : i32
      %dma_start3A_410 = tpu.memref_slice %arg5[%squeeze3A_402, %dma_start3A_409] : memref<100000x64xf32, #tpu.memory_space<hbm>> -> memref<1x64xf32, #tpu.memory_space<hbm>>
      tpu.enqueue_dma source(%dma_start3A_410 : memref<1x64xf32, #tpu.memory_space<hbm>>) target(%dma_start3A_408 : memref<1x64xf32, #tpu.memory_space<vmem>>) target_semaphore(%arg13 : memref<!tpu.dma_semaphore, #tpu.memory_space<semaphore_mem>>)
      %mul3A_411 = arith.constant 16 : i32
      %mul3A_412 = arith.muli %scan3A_42, %mul3A_411 : i32
      %add3A_413 = arith.constant 15 : i32
      %add3A_414 = arith.addi %mul3A_412, %add3A_413 : i32
      %slice3A_415 = vector.extract_strided_slice %get3A_47 {offsets = [15], sizes = [1], strides = [1]} : vector<16xi32> to vector<1xi32>
      %squeeze3A_416 = vector.extract %slice3A_415[0] : i32 from vector<1xi32>
      %dma_start3A_417 = arith.constant 0 : i32
      %dma_start3A_418 = tpu.memref_slice %arg9[%add3A_414, %dma_start3A_417] : memref<256x64xf32, #tpu.memory_space<vmem>> -> memref<1x64xf32, #tpu.memory_space<vmem>>
      %dma_start3A_419 = arith.constant 0 : i32
      %dma_start3A_420 = tpu.memref_slice %arg4[%squeeze3A_416, %dma_start3A_419] : memref<100000x64xf32, #tpu.memory_space<hbm>> -> memref<1x64xf32, #tpu.memory_space<hbm>>
      %dma_start3A_421 = arith.constant 0 : i32
      %dma_start3A_422 = tpu.memref_slice %arg9[%add3A_414, %dma_start3A_421] : memref<256x64xf32, #tpu.memory_space<vmem>> -> memref<1x64xf32, #tpu.memory_space<vmem>>
      %dma_start3A_423 = arith.constant 0 : i32
      %dma_start3A_424 = tpu.memref_slice %arg4[%squeeze3A_416, %dma_start3A_423] : memref<100000x64xf32, #tpu.memory_space<hbm>> -> memref<1x64xf32, #tpu.memory_space<hbm>>
      tpu.enqueue_dma source(%dma_start3A_424 : memref<1x64xf32, #tpu.memory_space<hbm>>) target(%dma_start3A_422 : memref<1x64xf32, #tpu.memory_space<vmem>>) target_semaphore(%arg12 : memref<!tpu.dma_semaphore, #tpu.memory_space<semaphore_mem>>)
      %slice3A_425 = vector.extract_strided_slice %get3A_53 {offsets = [15], sizes = [1], strides = [1]} : vector<16xi32> to vector<1xi32>
      %squeeze3A_426 = vector.extract %slice3A_425[0] : i32 from vector<1xi32>
      %dma_start3A_427 = arith.constant 0 : i32
      %dma_start3A_428 = tpu.memref_slice %arg10[%add3A_414, %dma_start3A_427] : memref<256x64xf32, #tpu.memory_space<vmem>> -> memref<1x64xf32, #tpu.memory_space<vmem>>
      %dma_start3A_429 = arith.constant 0 : i32
      %dma_start3A_430 = tpu.memref_slice %arg5[%squeeze3A_426, %dma_start3A_429] : memref<100000x64xf32, #tpu.memory_space<hbm>> -> memref<1x64xf32, #tpu.memory_space<hbm>>
      %dma_start3A_431 = arith.constant 0 : i32
      %dma_start3A_432 = tpu.memref_slice %arg10[%add3A_414, %dma_start3A_431] : memref<256x64xf32, #tpu.memory_space<vmem>> -> memref<1x64xf32, #tpu.memory_space<vmem>>
      %dma_start3A_433 = arith.constant 0 : i32
      %dma_start3A_434 = tpu.memref_slice %arg5[%squeeze3A_426, %dma_start3A_433] : memref<100000x64xf32, #tpu.memory_space<hbm>> -> memref<1x64xf32, #tpu.memory_space<hbm>>
      tpu.enqueue_dma source(%dma_start3A_434 : memref<1x64xf32, #tpu.memory_space<hbm>>) target(%dma_start3A_432 : memref<1x64xf32, #tpu.memory_space<vmem>>) target_semaphore(%arg13 : memref<!tpu.dma_semaphore, #tpu.memory_space<semaphore_mem>>)
    }
    %scan3A_26 = arith.constant 16 : i32
    %scan3A_27 = arith.constant 0 : i32
    %scan3A_28 = arith.constant 0 : i32
    %scan3A_29 = arith.constant 256 : i32
    %scan3A_30 = arith.addi %scan3A_28, %scan3A_29 : i32
    %scan3A_31 = arith.constant 1 : i32
    scf.for %scan3A_42 = %scan3A_28 to %scan3A_30 step %scan3A_31  : i32 {
      %dma_wait3A = arith.constant 0 : i32
      %dma_wait3A_43 = arith.constant 0 : i32
      %dma_wait3A_44 = tpu.memref_slice %arg9[%dma_wait3A, %dma_wait3A_43] : memref<256x64xf32, #tpu.memory_space<vmem>> -> memref<1x64xf32, #tpu.memory_space<vmem>>
      %dma_wait3A_45 = arith.constant 0 : i32
      %dma_wait3A_46 = arith.constant 0 : i32
      %dma_wait3A_47 = tpu.memref_slice %arg4[%dma_wait3A_45, %dma_wait3A_46] : memref<100000x64xf32, #tpu.memory_space<hbm>> -> memref<1x64xf32, #tpu.memory_space<hbm>>
      %dma_wait3A_48 = arith.constant 0 : i32
      %dma_wait3A_49 = arith.constant 0 : i32
      %dma_wait3A_50 = tpu.memref_slice %arg9[%dma_wait3A_48, %dma_wait3A_49] : memref<256x64xf32, #tpu.memory_space<vmem>> -> memref<1x64xf32, #tpu.memory_space<vmem>>
      %dma_wait3A_51 = arith.constant 0 : i32
      %dma_wait3A_52 = arith.constant 0 : i32
      %dma_wait3A_53 = tpu.memref_slice %arg4[%dma_wait3A_51, %dma_wait3A_52] : memref<100000x64xf32, #tpu.memory_space<hbm>> -> memref<1x64xf32, #tpu.memory_space<hbm>>
      tpu.wait_dma2 semaphore(%arg12 : memref<!tpu.dma_semaphore, #tpu.memory_space<semaphore_mem>>) src(%dma_wait3A_53 : memref<1x64xf32, #tpu.memory_space<hbm>>) dst(%dma_wait3A_50 : memref<1x64xf32, #tpu.memory_space<vmem>>)
      %dma_wait3A_54 = arith.constant 0 : i32
      %dma_wait3A_55 = arith.constant 0 : i32
      %dma_wait3A_56 = tpu.memref_slice %arg10[%dma_wait3A_54, %dma_wait3A_55] : memref<256x64xf32, #tpu.memory_space<vmem>> -> memref<1x64xf32, #tpu.memory_space<vmem>>
      %dma_wait3A_57 = arith.constant 0 : i32
      %dma_wait3A_58 = arith.constant 0 : i32
      %dma_wait3A_59 = tpu.memref_slice %arg5[%dma_wait3A_57, %dma_wait3A_58] : memref<100000x64xf32, #tpu.memory_space<hbm>> -> memref<1x64xf32, #tpu.memory_space<hbm>>
      %dma_wait3A_60 = arith.constant 0 : i32
      %dma_wait3A_61 = arith.constant 0 : i32
      %dma_wait3A_62 = tpu.memref_slice %arg10[%dma_wait3A_60, %dma_wait3A_61] : memref<256x64xf32, #tpu.memory_space<vmem>> -> memref<1x64xf32, #tpu.memory_space<vmem>>
      %dma_wait3A_63 = arith.constant 0 : i32
      %dma_wait3A_64 = arith.constant 0 : i32
      %dma_wait3A_65 = tpu.memref_slice %arg5[%dma_wait3A_63, %dma_wait3A_64] : memref<100000x64xf32, #tpu.memory_space<hbm>> -> memref<1x64xf32, #tpu.memory_space<hbm>>
      tpu.wait_dma2 semaphore(%arg13 : memref<!tpu.dma_semaphore, #tpu.memory_space<semaphore_mem>>) src(%dma_wait3A_65 : memref<1x64xf32, #tpu.memory_space<hbm>>) dst(%dma_wait3A_62 : memref<1x64xf32, #tpu.memory_space<vmem>>)
    }
    %scan3A_32 = arith.constant 256 : i32
    %scan3A_33 = arith.constant 0 : i32
    %scan3A_34 = arith.constant 256 : i32
    %scan3A_35 = arith.addi %scan3A_33, %scan3A_34 : i32
    %scan3A_36 = arith.constant 1 : i32
    %scan3A_37 = scf.for %scan3A_42 = %scan3A_33 to %scan3A_35 step %scan3A_36 iter_args(%scan3A_43 = %scan3A_19) -> (vector<16xf32>)  : i32 {
      %get3A = arith.index_cast %scan3A_42 : i32 to index
      %get3A_44 = arith.constant 0 : index
      %get3A_45 = tpu.vector_load %arg9[%get3A, %get3A_44] {strides = array<i32>} : memref<256x64xf32, #tpu.memory_space<vmem>>, vector<16xf32>,
      %get3A_46 = arith.index_cast %scan3A_42 : i32 to index
      %get3A_47 = arith.constant 0 : index
      %get3A_48 = tpu.vector_load %arg10[%get3A_46, %get3A_47] {strides = array<i32>} : memref<256x64xf32, #tpu.memory_space<vmem>>, vector<16xf32>,
      %mul3A_49 = arith.mulf %get3A_45, %get3A_48 : vector<16xf32>
      %add3A_50 = arith.addf %scan3A_43, %mul3A_49 : vector<16xf32>
      %get3A_51 = arith.index_cast %scan3A_42 : i32 to index
      %get3A_52 = arith.constant 16 : index
      %get3A_53 = tpu.vector_load %arg9[%get3A_51, %get3A_52] {strides = array<i32>} : memref<256x64xf32, #tpu.memory_space<vmem>>, vector<16xf32>,
      %get3A_54 = arith.index_cast %scan3A_42 : i32 to index
      %get3A_55 = arith.constant 16 : index
      %get3A_56 = tpu.vector_load %arg10[%get3A_54, %get3A_55] {strides = array<i32>} : memref<256x64xf32, #tpu.memory_space<vmem>>, vector<16xf32>,
      %mul3A_57 = arith.mulf %get3A_53, %get3A_56 : vector<16xf32>
      %add3A_58 = arith.addf %add3A_50, %mul3A_57 : vector<16xf32>
      %get3A_59 = arith.index_cast %scan3A_42 : i32 to index
      %get3A_60 = arith.constant 32 : index
      %get3A_61 = tpu.vector_load %arg9[%get3A_59, %get3A_60] {strides = array<i32>} : memref<256x64xf32, #tpu.memory_space<vmem>>, vector<16xf32>,
      %get3A_62 = arith.index_cast %scan3A_42 : i32 to index
      %get3A_63 = arith.constant 32 : index
      %get3A_64 = tpu.vector_load %arg10[%get3A_62, %get3A_63] {strides = array<i32>} : memref<256x64xf32, #tpu.memory_space<vmem>>, vector<16xf32>,
      %mul3A_65 = arith.mulf %get3A_61, %get3A_64 : vector<16xf32>
      %add3A_66 = arith.addf %add3A_58, %mul3A_65 : vector<16xf32>
      %get3A_67 = arith.index_cast %scan3A_42 : i32 to index
      %get3A_68 = arith.constant 48 : index
      %get3A_69 = tpu.vector_load %arg9[%get3A_67, %get3A_68] {strides = array<i32>} : memref<256x64xf32, #tpu.memory_space<vmem>>, vector<16xf32>,
      %get3A_70 = arith.index_cast %scan3A_42 : i32 to index
      %get3A_71 = arith.constant 48 : index
      %get3A_72 = tpu.vector_load %arg10[%get3A_70, %get3A_71] {strides = array<i32>} : memref<256x64xf32, #tpu.memory_space<vmem>>, vector<16xf32>,
      %mul3A_73 = arith.mulf %get3A_69, %get3A_72 : vector<16xf32>
      %add3A_74 = arith.addf %add3A_66, %mul3A_73 : vector<16xf32>
      scf.yield %add3A_74 : vector<16xf32>
    }
    %scan3A_38 = arith.constant 256 : i32
    %swap3A = arith.constant 0 : index
    %swap3A_39 = tpu.vector_load %arg11[%swap3A] {strides = array<i32>} : memref<16xf32, #tpu.memory_space<vmem>>, vector<16xf32>,
    tpu.vector_store %arg11[%swap3A], %scan3A_37 {strides = array<i32>} : memref<16xf32, #tpu.memory_space<vmem>>, vector<16xf32>,
    %mul3A_40 = arith.constant 16 : i32
    %mul3A_41 = arith.muli %add3A, %mul3A_40 : i32
    "tpu.region"() ({
      %run_scoped3A = tpu.sem_alloc : memref<!tpu.dma_semaphore, #tpu.memory_space<semaphore_mem>>
      %dma_start3A = tpu.memref_slice %arg6[%mul3A_41] : memref<512xf32, #tpu.memory_space<hbm>> -> memref<16xf32, #tpu.memory_space<hbm>>
      %dma_start3A_42 = tpu.memref_slice %arg6[%mul3A_41] : memref<512xf32, #tpu.memory_space<hbm>> -> memref<16xf32, #tpu.memory_space<hbm>>
      tpu.enqueue_dma source(%arg11 : memref<16xf32, #tpu.memory_space<vmem>>) target(%dma_start3A_42 : memref<16xf32, #tpu.memory_space<hbm>>) target_semaphore(%run_scoped3A : memref<!tpu.dma_semaphore, #tpu.memory_space<semaphore_mem>>)
      %dma_wait3A = tpu.memref_slice %arg6[%mul3A_41] : memref<512xf32, #tpu.memory_space<hbm>> -> memref<16xf32, #tpu.memory_space<hbm>>
      %dma_wait3A_43 = tpu.memref_slice %arg6[%mul3A_41] : memref<512xf32, #tpu.memory_space<hbm>> -> memref<16xf32, #tpu.memory_space<hbm>>
      tpu.wait_dma2 semaphore(%run_scoped3A : memref<!tpu.dma_semaphore, #tpu.memory_space<semaphore_mem>>) src(%arg11 : memref<16xf32, #tpu.memory_space<vmem>>) dst(%dma_wait3A_43 : memref<16xf32, #tpu.memory_space<hbm>>)
      tpu.yield
    }) : () -> ()
    return
  }
}

module attributes {stable_mosaic.version = 14 : i64} {
  func.func @_tc_finish(%arg0: memref<4x128xf32, #tpu.memory_space<vmem>>, %arg1: memref<128x128xf32, #tpu.memory_space<vmem>>, %arg2: memref<128x128xf32, #tpu.memory_space<vmem>>) attributes {dimension_semantics = [], scalar_prefetch = 0 : i64, scratch_operands = 0 : i64, tpu.core_type = #tpu.core_type<tc>} {
    %get3A = arith.constant 0 : index
    %get3A_0 = arith.constant 0 : index
    %get3A_1 = vector.load %arg0[%get3A, %get3A_0] : memref<4x128xf32, #tpu.memory_space<vmem>>, vector<4x128xf32>
    %reduce_sum3A = vector.shape_cast %get3A_1 : vector<4x128xf32> to vector<1x4x128xf32>
    %reduce_sum3A_2 = arith.constant dense<0.000000e+00> : vector<1xf32>
    %reduce_sum3A_3 = vector.multi_reduction <add>, %reduce_sum3A, %reduce_sum3A_2 [1, 2] : vector<1x4x128xf32> to vector<1xf32>
    %reduce_sum3A_4 = vector.shape_cast %reduce_sum3A_3 : vector<1xf32> to vector<1x1x1xf32>
    %reduce_sum3A_5 = vector.extract %reduce_sum3A_4[0, 0, 0] : f32 from vector<1x1x1xf32>
    %get3A_6 = arith.constant 0 : index
    %get3A_7 = arith.constant 0 : index
    %get3A_8 = vector.load %arg1[%get3A_6, %get3A_7] : memref<128x128xf32, #tpu.memory_space<vmem>>, vector<128x128xf32>
    %add3A = vector.broadcast %reduce_sum3A_5 : f32 to vector<128x128xf32>
    %add3A_9 = arith.addf %add3A, %get3A_8 : vector<128x128xf32>
    %neg3A = arith.constant 0.000000e+00 : f32
    %neg3A_10 = vector.broadcast %neg3A : f32 to vector<128x128xf32>
    %neg3A_11 = arith.subf %neg3A_10, %add3A_9 : vector<128x128xf32>
    %exp3A = math.exp %neg3A_11 : vector<128x128xf32>
    %add3A_12 = arith.constant 1.000000e+00 : f32
    %add3A_13 = vector.broadcast %add3A_12 : f32 to vector<128x128xf32>
    %add3A_14 = arith.addf %add3A_13, %exp3A : vector<128x128xf32>
    %div3A = arith.constant 1.000000e+00 : f32
    %div3A_15 = vector.broadcast %div3A : f32 to vector<128x128xf32>
    %div3A_16 = arith.divf %div3A_15, %add3A_14 : vector<128x128xf32>
    %swap3A = arith.constant 0 : index
    %swap3A_17 = arith.constant 0 : index
    %swap3A_18 = vector.load %arg2[%swap3A, %swap3A_17] : memref<128x128xf32, #tpu.memory_space<vmem>>, vector<128x128xf32>
    tpu.vector_store %arg2[%swap3A, %swap3A_17], %div3A_16 {strides = array<i32>} : memref<128x128xf32, #tpu.memory_space<vmem>>, vector<128x128xf32>,
    return
  }
}

</mosaic_0001>

<sc_bundles>
// kernel: kernel.5.cloned.1.call-start
scs
__scs_entry_jumppad:
0x0: {  	(pc) =	sbr.rel $0x88, $3  }
0x1: {  	(tag) =	ssettag $0x0;
	lr =	simm.s32 $0x1  }
0x2: {  	[smem:$0x3F9C] =	sst lr;
	_ =	strace $0xD0000000  }
0x3: {  	_ = 	snop  }
0x4: {  	_ = 	snop  }
0x5: {  	_ = 	snop  }
0x6: {  	_ = 	snop  }
0x7: {  	_ = 	snop  }
__scs_overlays_trampoline_lowered:
0x8: {  	[smem:$0x3FAB] =	sst s0  }
0x9: {  	[smem:$0x3FAC] =	sst s1  }
0xa: {  	[smem:$0x3FAD] =	sst s2  }
0xb: {  	[smem:$0x3FAE] =	sst s3  }
0xc: {  	[smem:$0x3FAF] =	sst s4  }
0xd: {  	[smem:$0x3FB0] =	sst s5  }
0xe: {  	[smem:$0x3FB1] =	sst s6  }
0xf: {  	[smem:$0x3FB2] =	sst s7  }
0x10: {  	[smem:$0x3FB3] =	sst s8  }
0x11: {  	[smem:$0x3FB4] =	sst s9;
	s0 =	simm.s32 @!p0 $0x0  }
0x12: {  	s1 =	sld [smem:$0x3F9A];
	s0 =	simm.s32 @p0 $0x1  }
0x13: {  	[smem:$0x3FB5] =	sst s0;
	s0 =	simm.s32 @!p1 $0x0  }
0x14: {  	s2 =	sld [smem:$0x3F99];
	s0 =	simm.s32 @p1 $0x1  }
0x15: {  	[smem:$0x3FB6] =	sst s0;
	s0 =	simm.s32 @!p2 $0x0  }
0x16: {  	s3 =	sld [smem:$0x3FDB];
	s0 =	simm.s32 @p2 $0x1  }
0x17: {  	s4 =	simm.s32 $0x1BF5;
	[smem:$0x3FB8] =	sst s0  }
0x18: {  	s0 =	sld [smem:$0x3F9B];
	_ =	swait.ge [sflag:s4], $0x0  }
0x19: {  	s7 =	sld [smem:$0x3F9C]  }
0x1a: {  	s8 =	sadd.s32 $0xFFFFE003, lr  }
0x1b: {  	s9 =	sadd.s32 $0xFFFFFEF7, lr;
	s5 =	simm.s32 $0xFFFFFFFF;
	p2 =	slt.u32 s8, $0xFFFFF086  }
0x1c: {  	p1 =	slt.u32 s9, $0xF7A;
	s5 =	simm.s32 @!p2 $0x0  }
0x1d: {  	s5 =	simm.s32 @p1 $0x1;
	p0 =	seq.s32 s7, s2  }
0x1e: {  	s7 =	smul.u32 @!p0 $0xF7A, s2;
	p2 =	seq.s32 @!p0 s5, $0x0  }
0x1f: {  	s9 =	smul.u32 $0xF7A, s1;
	s8 =	simm.s32 @!p0 $0x1BF5;
	p2 =	por !p2, p0  }
0x20: {  	[sflag:s8] =	ssyncset.s32 @!p0 $0xFFFFF086;
	s6 =	sadd.s32 @!p0 s3, s7;
	s7 =	simm.s32 @!p0 $0x108  }
0x21: {  	s3 =	sadd.s32 s3, s9;
	s6 =	sadd.s32 @!p0 $0x88, s6;
	s7 =	simm.s32 @p2 $0x1082  }
0x22: {  	[simem:s7], [sflag:s8] =	dma.local @!p0 [hbm:s6], $0xF7A  }
0x23: {  	s9 =	sor.u32 $0xD0000000, s2;
	s6 =	simm.s32 $0x108;
	_ =	swait.ge @!p0 [sflag:s8], $0x0  }
0x24: {  	s3 =	sadd.s32 $0x88, s3;
	s6 =	simm.s32 @!p1 $0x1082;
	[sflag:s4] =	ssyncset.s32 $0xFFFFF086  }
0x25: {  	[simem:s6], [sflag:s4] =	dma.local [hbm:s3], $0xF7A  }
0x26: {  	[smem:$0x3F9C] =	sst s1;
	(tag) =	ssettag s2;
	_ =	strace s9  }
0x27: {  	s1 =	sld [smem:$0x3FAC]  }
0x28: {  	s2 =	sld [smem:$0x3FAD]  }
0x29: {  	s4 =	sld [smem:$0x3FAF]  }
0x2a: {  	p0 =	seq.s32 s5, $0x0;
	s5 =	sld [smem:$0x3FB0]  }
0x2b: {  	s6 =	sld [smem:$0x3FB1]  }
0x2c: {  	s7 =	sld [smem:$0x3FB2]  }
0x2d: {  	s3 =	simm.s32 $0x108;
	s8 =	sld [smem:$0x3FB3]  }
0x2e: {  	s3 =	simm.s32 @!p0 $0x1082;
	s9 =	sld [smem:$0x3FB4]  }
0x2f: {  	lr =	sadd.s32 s0, s3;
	s0 =	sld [smem:$0x3FAB]  }
0x30: {  	s3 =	sld [smem:$0x3FAE]  }
0x31: {  	[smem:$0x3FB7] =	sst s10  }
0x32: {  	s10 =	sld [smem:$0x3FB5];
	_ =	sdelay $0x3  }
0x33: {  	p0 =	seq.s32 s10, $0x1;
	s10 =	sld [smem:$0x3FB7];
	_ =	sdelay $0x3  }
0x34: {  	[smem:$0x3FB7] =	sst s10  }
0x35: {  	s10 =	sld [smem:$0x3FB6];
	_ =	sdelay $0x3  }
0x36: {  	p1 =	seq.s32 s10, $0x1;
	s10 =	sld [smem:$0x3FB7];
	_ =	sdelay $0x3  }
0x37: {  	[smem:$0x3FB7] =	sst s10  }
0x38: {  	s10 =	sld [smem:$0x3FB8]  }
0x39: {  	_ = 	snop;
	(pc) =	sbr.ind lr, $3  }
0x3a: {  	_ = 	snop  }
0x3b: {  	_ = 	snop  }
0x3c: {  	p2 =	seq.s32 s10, $0x1;
	s10 =	sld [smem:$0x3FB7]  }
0x3d: {  	_ =	shalt  }
0x3e: {  	_ =	shalt  }
0x3f: {  	_ =	shalt  }
0x40: {  	_ =	shalt  }
0x41: {  	_ =	shalt  }
0x42: {  	_ =	shalt  }
0x43: {  	_ =	shalt  }
0x44: {  	_ =	shalt  }
0x45: {  	_ =	shalt  }
0x46: {  	_ =	shalt  }
0x47: {  	_ =	shalt  }
0x48: {  	_ =	shalt  }
0x49: {  	_ =	shalt  }
0x4a: {  	_ =	shalt  }
0x4b: {  	_ =	shalt  }
0x4c: {  	_ =	shalt  }
0x4d: {  	_ =	shalt  }
0x4e: {  	_ =	shalt  }
0x4f: {  	_ =	shalt  }
0x50: {  	_ =	shalt  }
0x51: {  	_ =	shalt  }
0x52: {  	_ =	shalt  }
0x53: {  	_ =	shalt  }
0x54: {  	_ =	shalt  }
0x55: {  	_ =	shalt  }
0x56: {  	_ =	shalt  }
0x57: {  	_ =	shalt  }
0x58: {  	_ =	shalt  }
0x59: {  	_ =	shalt  }
0x5a: {  	_ =	shalt  }
0x5b: {  	_ =	shalt  }
0x5c: {  	_ =	shalt  }
0x5d: {  	_ =	shalt  }
0x5e: {  	_ =	shalt  }
0x5f: {  	_ =	shalt  }
0x60: {  	_ =	shalt  }
0x61: {  	_ =	shalt  }
0x62: {  	_ =	shalt  }
0x63: {  	_ =	shalt  }
0x64: {  	_ =	shalt  }
0x65: {  	_ =	shalt  }
0x66: {  	_ =	shalt  }
0x67: {  	_ =	shalt  }
0x68: {  	_ =	shalt  }
0x69: {  	_ =	shalt  }
0x6a: {  	_ =	shalt  }
0x6b: {  	_ =	shalt  }
0x6c: {  	_ =	shalt  }
0x6d: {  	_ =	shalt  }
0x6e: {  	_ =	shalt  }
0x6f: {  	_ =	shalt  }
0x70: {  	_ =	shalt  }
0x71: {  	_ =	shalt  }
0x72: {  	_ =	shalt  }
0x73: {  	_ =	shalt  }
0x74: {  	_ =	shalt  }
0x75: {  	_ =	shalt  }
0x76: {  	_ =	shalt  }
0x77: {  	_ =	shalt  }
0x78: {  	_ =	shalt  }
0x79: {  	_ =	shalt  }
0x7a: {  	_ =	shalt  }
0x7b: {  	_ =	shalt  }
0x7c: {  	_ =	shalt  }
0x7d: {  	_ =	shalt  }
0x7e: {  	_ =	shalt  }
0x7f: {  	_ =	shalt  }
0x80: {  	_ =	shalt  }
0x81: {  	_ =	shalt  }
0x82: {  	_ =	shalt  }
0x83: {  	_ =	shalt  }
0x84: {  	_ =	shalt  }
0x85: {  	_ =	shalt  }
0x86: {  	_ =	shalt  }
0x87: {  	_ =	shalt  }
.Lfunc_end0:
.L_simem_size_0:
called_computation_lowered:
.L_overlay_start_0:
0x88: {  	s2 =	sld [smem:$0x3FD9]  }
0x89: {  	s3 =	sld [smem:$0x3FFE];
	_ =	sdelay $0x1  }
0x8a: {  	s1 =	srdreg.scid  }
0x8b: {  	s0 =	sand.u32 $0x1, s1  }
0x8c: {  	s17 =	sshll.u32 s0, $0xA;
	s2 =	sadd.s32 s3, s2  }
0x8d: {  	s2 =	sadd.s32 s2, s17  }
0x8e: {  	[smem:$0x3FC3] =	sst s2  }
0x8f: {  	_ = 	snop  }
0x90: {  	s2 =	sld [smem:$0x3FD0];
	(tm) =	ssettm $0x1  }
0x91: {  	s18 =	sld [smem:$0x3FFB];
	_ =	sdelay $0x3  }
0x92: {  	_ =	strace s18  }
0x93: {  	s3 =	sld [smem:$0x3FFC];
	_ =	sdelay $0x3  }
0x94: {  	_ =	strace s3  }
0x95: {  	s3 =	sld [smem:$0x3FFD];
	_ =	sdelay $0x3  }
0x96: {  	_ =	strace s3  }
0x97: {  	_ =	strace $0x8FFFFFFF  }
0x98: {  	s19 =	sld [smem:$0x3FDB];
	_ =	sdelay $0x1  }
0x99: {  	s4 =	simm.s32 $_scs_section_size  }
0x9a: {  	s5 =	simm.s32 $_size__tile_overlayer_lowered;
	s6 =	simm.s32 $_tile_overlayer_lowered  }
0x9b: {  	s22 =	simm.s32 $0x1BFF;
	s21 =	sshll.u32 s6, $0x1;
	s3 =	sadd.s32 s4, s19  }
0x9c: {  	s7 =	simm.s32 $0x0;
	s20 =	sshll.u32 s5, $0x1;
	s5 =	sadd.s32 s21, s3  }
0x9d: {  	[timem:s7], [sflag:s22] =	dma.local [hbm:s5], s20  }
0x9e: {  	_ =	swait.ge [sflag:s22], s20  }
0x9f: {  	s4 =	ssub.s32 $0x0, s20;
	[sflag:s22] =	ssyncset.done $0x0  }
0xa0: {  	[sflag:s22] =	ssyncadd.s32 s4;
	_ =	sdelay $0x1  }
0xa1: {  	s23 =	simm.s32 $0x1B8B  }
0xa2: {  	_ =	swait.ge [sflag:s23], $0x1  }
0xa3: {  	[sflag:s23] =	ssyncset.done $0x0  }
0xa4: {  	s25 =	simm.s32 $0x1B8E;
	s24 =	sld [smem:$0x3FFE];
	[sflag:s23] =	ssyncadd.s32 $0xFFFFFFFF  }
0xa5: {  	s26 =	simm.s32 $execute0_lowered;
	[smem:$0x3FD2] =	sst s25  }
0xa6: {  	s5 =	sshll.u32 s26, $0x1;
	_ =	strace $0x80000046;
	[dreg:$0x1] =	wrdreg $0xFFFFFFFF  }
0xa7: {  	s28 =	simm.s32 $_size_execute0_lowered;
	s3 =	sadd.s32 s3, s5;
	[dreg:$0x0] =	wrdreg $0x0  }
0xa8: {  	s5 =	sshll.u32 s28, $0x1;
	[dreg:$0x2] =	wrdreg s3  }
0xa9: {  	[dreg:$0x3] =	wrdreg s5  }
0xaa: {  	[dreg:$0x4] =	wrdreg $0xC0  }
0xab: {  	_ =	task [dreg:s7], $0x5FFFF  }
0xac: {  	[dreg:$0x1] =	wrdreg $0xFFFFFFFF  }
0xad: {  	[dreg:$0x0] =	wrdreg $0x60  }
0xae: {  	[dreg:$0x2] =	wrdreg s24  }
0xaf: {  	[dreg:$0x3] =	wrdreg s2  }
0xb0: {  	[dreg:$0x4] =	wrdreg $0x9  }
0xb1: {  	_ =	task.clear_ibuf [dreg:s7], $0x5FFFF;
	_ =	strace $0x90000046  }
0xb2: {  	s29 =	simm.s32 $0x9;
	_ =	strace $0x80000048  }
0xb3: {  	_ =	swait.ge [sflag:s29], $0x1  }
0xb4: {  	[sflag:s29] =	ssyncadd.s32 $0xFFFFFFFF  }
0xb5: {  	_ =	strace $0x90000048  }
0xb6: {  	_ =	sfence  }
0xb7: {  	s30 =	sld [smem:$0x0];
	_ =	sdelay $0x2  }
0xb8: {  	s31 =	sshll.u32 s1, $0xD;
	s1 =	sshrl.u32 s1, $0x2  }
0xb9: {  	s3 =	sand.u32 $0x4000, s31;
	s1 =	sadd.s32 s1, s30  }
0xba: {  	s0 =	sor.u32 s3, s0;
	s1 =	sshll.u32 s1, $0x11  }
0xbb: {  	s0 =	sor.u32 s1, s0  }
0xbc: {  	s0 =	sadd.s32 $0x8F2B, s0  }
0xbd: {  	[sflag:s0] =	ssyncadd.remote.s32 $0x1  }
0xbe: {  	_ =	sfence.sel $0xFFFF  }
0xbf: {  	[dreg:$0x0] =	wrdreg $0xFFFFFFFF;
	(pc) =	sbr.abs _section_cstart, $3  }
0xc0: {  	[dreg:$0x1] =	wrdreg $0xFFFFFFFF  }
0xc1: {  	_ =	task.clear_ibuf [dreg:s7], $0x2FFFF;
	_ =	strace $0x9FFFFFFF  }
0xc2: {  	(tm) =	ssettm $0x7FFFFFFF  }
0xc3: {  	_ =	shalt  }
tec
execute0_lowered:
.L_overlay_start_1:
0x0: {  	(tag) =	ssettag $0x1  }
0x1: {  	v0 =	vlaneseq.u32  }
0x2: {  	v0 =	vmul.u32 $0x2, v0;
	_ =	sdelay $0x1  }
0x3: {  	v1 =	vor.u32 $0x1, v0  }
0x4: {  	[tilespmem:$0x1FDB0] =	vst v1;
	v1 =	vor.u32 $0x20, v0  }
0x5: {  	[tilespmem:$0x1FDC0] =	vst v1;
	v1 =	vor.u32 $0x21, v0  }
0x6: {  	[tilespmem:$0x1FDD0] =	vst v1;
	v1 =	vor.u32 $0x40, v0  }
0x7: {  	[tilespmem:$0x1FDE0] =	vst v1;
	v1 =	vor.u32 $0x41, v0  }
0x8: {  	[tilespmem:$0x1FDF0] =	vst v1;
	v1 =	vor.u32 $0x60, v0  }
0x9: {  	[tilespmem:$0x1FE00] =	vst v1;
	v1 =	vor.u32 $0x61, v0  }
0xa: {  	[tilespmem:$0x1FE10] =	vst v1;
	v1 =	vor.u32 $0x80, v0  }
0xb: {  	[tilespmem:$0x1FE20] =	vst v1;
	v1 =	vor.u32 $0x81, v0  }
0xc: {  	[tilespmem:$0x1FE30] =	vst v1;
	v1 =	vor.u32 $0xA0, v0  }
0xd: {  	[tilespmem:$0x1FE40] =	vst v1;
	v1 =	vor.u32 $0xA1, v0  }
0xe: {  	[tilespmem:$0x1FE50] =	vst v1;
	v1 =	vor.u32 $0xC0, v0  }
0xf: {  	[tilespmem:$0x1FE60] =	vst v1;
	v1 =	vor.u32 $0xC1, v0  }
0x10: {  	s2 =	srdreg.scid;
	[tilespmem:$0x1FE70] =	vst v1;
	v1 =	vor.u32 $0xE0, v0  }
0x11: {  	s5 =	rddreg [dreg:$0x0];
	s6 =	sand.u32 $0x1, s2;
	s2 =	simm.s32 $0x0;
	[tilespmem:$0x1FE80] =	vst v1;
	v1 =	vor.u32 $0xE1, v0  }
0x12: {  	[smem:$0x7FF] =	sst s2;
	[tilespmem:$0x1FE90] =	vst v1;
	v1 =	vor.u32 $0x100, v0  }
0x13: {  	s1 =	rddreg [dreg:$0x1];
	_ =	strace $0x80000047;
	[tilespmem:$0x1FEA0] =	vst v1;
	v1 =	vor.u32 $0x101, v0  }
0x14: {  	[tilespmem:$0x1FEB0] =	vst v1;
	v1 =	vor.u32 $0x120, v0  }
0x15: {  	[tilespmem:$0x1FEC0] =	vst v1;
	v1 =	vor.u32 $0x121, v0  }
0x16: {  	[tilespmem:$0x1FED0] =	vst v1;
	v1 =	vor.u32 $0x140, v0  }
0x17: {  	[tilespmem:$0x1FEE0] =	vst v1;
	v1 =	vor.u32 $0x141, v0  }
0x18: {  	s0 =	stileid.u32;
	s13 =	simm.s32 $0x80;
	s14 =	simm.s32 $0x400;
	[tilespmem:$0x1FEF0] =	vst v1;
	v1 =	vor.u32 $0x160, v0  }
0x19: {  	s15 =	simm.s32 $0x800;
	s16 =	simm.s32 $0x600;
	s17 =	simm.s32 $0xA00;
	[tilespmem:$0x1FF00] =	vst v1;
	v1 =	vor.u32 $0x161, v0  }
0x1a: {  	s18 =	simm.s32 $0x480;
	s19 =	simm.s32 $0x880;
	s20 =	simm.s32 $0x680;
	[tilespmem:$0x1FF10] =	vst v1;
	v1 =	vor.u32 $0x180, v0  }
0x1b: {  	s28 =	simm.s32 $0x980;
	s29 =	simm.s32 $0x780;
	s30 =	simm.s32 $0xB80;
	v38 =	vor.u32 $0x260, v0;
	[tilespmem:$0x1FF20] =	vst v1;
	v1 =	vor.u32 $0x181, v0  }
0x1c: {  	s31 =	simm.s32 $0x1;
	s3 =	sshll.u32 s0, $0x1;
	s4 =	sadd.s32 $0x5400, s5;
	v39 =	vor.u32 $0x261, v0;
	v40 =	vor.u32 $0x280, v0;
	[tilespmem:$0x1FF30] =	vst v1;
	v1 =	vor.u32 $0x1A0, v0  }
0x1d: {  	s10 =	sadd.s32 $0x9600, s5;
	s7 =	sor.u32 s6, s3;
	s6 =	ssub.s32 $0x2, s6;
	v41 =	vor.u32 $0x281, v0;
	v42 =	vor.u32 $0x2A0, v0;
	[tilespmem:$0x1FF40] =	vst v1;
	v1 =	vor.u32 $0x1A1, v0  }
0x1e: {  	s3 =	sshll.u32 s7, $0x7;
	s9 =	sshll.u32 s7, $0x6;
	s22 =	sshrl.u32 s6, $0x1;
	v43 =	vor.u32 $0x2A1, v0;
	v44 =	vor.u32 $0x2C0, v0;
	[tilespmem:$0x1FF50] =	vst v1;
	v1 =	vor.u32 $0x1C0, v0  }
0x1f: {  	v45 =	vor.u32 $0x2C1, v0;
	v46 =	vor.u32 $0x2E0, v0;
	s8 =	sadd.s32 s3, s5;
	s3 =	sadd.s32 $0x2200, s5;
	s5 =	sadd.s32 s9, s5;
	[tilespmem:$0x1FF60] =	vst v1;
	v1 =	vor.u32 $0x1C1, v0  }
0x20: {  	v47 =	vor.u32 $0x2E1, v0;
	v48 =	vor.u32 $0x300, v0;
	s11 =	ssub.s32 s6, s22;
	s23 =	sadd.s32 s1, s9;
	s24 =	sadd.s32 s10, s9;
	[tilespmem:$0x1FF70] =	vst v1;
	v1 =	vor.u32 $0x1E0, v0  }
0x21: {  	v49 =	vor.u32 $0x301, v0;
	v50 =	vor.u32 $0x320, v0;
	s25 =	sor.u32 $0x10, s9;
	s26 =	sor.u32 $0x20, s9;
	s12 =	sor.u32 $0x30, s9;
	[tilespmem:$0x1FF80] =	vst v1;
	v1 =	vor.u32 $0x1E1, v0  }
0x22: {  	v51 =	vor.u32 $0x321, v0;
	s22 =	simm.s32 $0x500;
	s21 =	sadd.s32 $0x8600, s8;
	s5 =	sadd.s32 $0x9E00, s5;
	[tilespmem:$0x1FF90] =	vst v1;
	v1 =	vor.u32 $0x200, v0  }
0x23: {  	v52 =	vor.u32 $0x340, v0;
	v53 =	vor.u32 $0x341, v0;
	s6 =	sadd.s32 s10, s25;
	s7 =	sadd.s32 s1, s26;
	[dreg:$0x3] =	wrdreg s21;
	[tilespmem:$0x1FFA0] =	vst v1;
	v1 =	vor.u32 $0x201, v0  }
0x24: {  	v54 =	vor.u32 $0x360, v0;
	v55 =	vor.u32 $0x361, v0;
	s8 =	sadd.s32 s10, s26;
	s9 =	sadd.s32 s1, s12;
	[dreg:$0x4] =	wrdreg s5;
	[tilespmem:$0x1FFB0] =	vst v1;
	v1 =	vor.u32 $0x220, v0  }
0x25: {  	v56 =	vor.u32 $0x380, v0;
	v57 =	vor.u32 $0x381, v0;
	s10 =	sadd.s32 s10, s12;
	s11 =	smax.u32 s11, $0x1;
	[dreg:$0x5] =	wrdreg s23;
	[tilespmem:$0x1FFC0] =	vst v1;
	v1 =	vor.u32 $0x221, v0  }
0x26: {  	v58 =	vor.u32 $0x3A0, v0;
	v59 =	vor.u32 $0x3A1, v0;
	s12 =	simm.s32 $0x2;
	s26 =	simm.s32 $0x580;
	[dreg:$0x6] =	wrdreg s24;
	[tilespmem:$0x1FFD0] =	vst v1;
	v1 =	vor.u32 $0x240, v0  }
0x27: {  	v60 =	vor.u32 $0x3C0, v0;
	v61 =	vor.u32 $0x3C1, v0;
	s5 =	sadd.s32 s1, s25;
	s21 =	simm.s32 $0xA80;
	s23 =	simm.s32 $0x900;
	[tilespmem:$0x1FFE0] =	vst v1;
	v1 =	vor.u32 $0x241, v0  }
0x28: {  	v62 =	vor.u32 $0x3E0, v0;
	v63 =	vor.u32 $0x3E1, v0;
	s24 =	simm.s32 $0x700;
	s25 =	simm.s32 $0xB00;
	s1 =	simm.s32 $0xC00;
	[tilespmem:$0x1FFF0] =	vst v1  }
.LBB2_1:
0x29: {  	s0 =	rddreg [dreg:$0x3]  }
0x2a: {  	[tilespmem:s2], [sflag:$0x2] =	stream.linear.gather [hbm4b:s0+s2], $0x400, $0x38;
	[tilespmem:$0xE00] =	vst v63  }
0x2b: {  	_ =	swait.ge [sflag:s12], $0x400  }
0x2c: {  	[sflag:s12] =	ssyncset.done $0x0  }
0x2d: {  	[sflag:s12] =	ssyncadd.s32 $0xFFFFFC00  }
0x2e: {  	v1 =	vld.idx.msk [tilespmem:v0+s2+$0x0], $0xffff;
	_ =	sdelay $0x4  }
0x2f: {  	[tilespmem:$0x400] =	vst v1;
	v1 =	vld [tilespmem:$0x1FDB0];
	_ =	sdelay $0x7  }
0x30: {  	v1 =	vld.idx.msk [tilespmem:v1+s2+$0x0], $0xffff;
	_ =	sdelay $0x4  }
0x31: {  	[tilespmem:$0x600] =	vst v1;
	v1 =	vld [tilespmem:$0x1FDC0];
	_ =	sdelay $0x7  }
0x32: {  	v1 =	vld.idx.msk [tilespmem:v1+s2+$0x0], $0xffff;
	_ =	sdelay $0x4  }
0x33: {  	[tilespmem:$0x410] =	vst v1;
	v1 =	vld [tilespmem:$0x1FDD0];
	_ =	sdelay $0x7  }
0x34: {  	v1 =	vld.idx.msk [tilespmem:v1+s2+$0x0], $0xffff;
	_ =	sdelay $0x4  }
0x35: {  	[tilespmem:$0x610] =	vst v1;
	v1 =	vld [tilespmem:$0x1FDE0];
	_ =	sdelay $0x7  }
0x36: {  	v1 =	vld.idx.msk [tilespmem:v1+s2+$0x0], $0xffff;
	_ =	sdelay $0x4  }
0x37: {  	[tilespmem:$0x420] =	vst v1;
	v1 =	vld [tilespmem:$0x1FDF0];
	_ =	sdelay $0x7  }
0x38: {  	v1 =	vld.idx.msk [tilespmem:v1+s2+$0x0], $0xffff;
	_ =	sdelay $0x4  }
0x39: {  	[tilespmem:$0x620] =	vst v1;
	v1 =	vld [tilespmem:$0x1FE00];
	_ =	sdelay $0x7  }
0x3a: {  	v1 =	vld.idx.msk [tilespmem:v1+s2+$0x0], $0xffff;
	_ =	sdelay $0x4  }
0x3b: {  	[tilespmem:$0x430] =	vst v1;
	v1 =	vld [tilespmem:$0x1FE10];
	_ =	sdelay $0x7  }
0x3c: {  	v1 =	vld.idx.msk [tilespmem:v1+s2+$0x0], $0xffff;
	_ =	sdelay $0x4  }
0x3d: {  	[tilespmem:$0x630] =	vst v1;
	v1 =	vld [tilespmem:$0x1FE20];
	_ =	sdelay $0x7  }
0x3e: {  	v1 =	vld.idx.msk [tilespmem:v1+s2+$0x0], $0xffff;
	_ =	sdelay $0x4  }
0x3f: {  	[tilespmem:$0x440] =	vst v1;
	v1 =	vld [tilespmem:$0x1FE30];
	_ =	sdelay $0x7  }
0x40: {  	v1 =	vld.idx.msk [tilespmem:v1+s2+$0x0], $0xffff;
	_ =	sdelay $0x4  }
0x41: {  	[tilespmem:$0x640] =	vst v1;
	v1 =	vld [tilespmem:$0x1FE40];
	_ =	sdelay $0x7  }
0x42: {  	v1 =	vld.idx.msk [tilespmem:v1+s2+$0x0], $0xffff;
	_ =	sdelay $0x4  }
0x43: {  	[tilespmem:$0x450] =	vst v1;
	v1 =	vld [tilespmem:$0x1FE50];
	_ =	sdelay $0x7  }
0x44: {  	v1 =	vld.idx.msk [tilespmem:v1+s2+$0x0], $0xffff;
	_ =	sdelay $0x4  }
0x45: {  	[tilespmem:$0x650] =	vst v1;
	v1 =	vld [tilespmem:$0x1FE60];
	_ =	sdelay $0x7  }
0x46: {  	v1 =	vld.idx.msk [tilespmem:v1+s2+$0x0], $0xffff;
	_ =	sdelay $0x4  }
0x47: {  	[tilespmem:$0x460] =	vst v1;
	v1 =	vld [tilespmem:$0x1FE70];
	_ =	sdelay $0x7  }
0x48: {  	v1 =	vld.idx.msk [tilespmem:v1+s2+$0x0], $0xffff;
	_ =	sdelay $0x4  }
0x49: {  	[tilespmem:$0x660] =	vst v1;
	v1 =	vld [tilespmem:$0x1FE80];
	_ =	sdelay $0x7  }
0x4a: {  	v1 =	vld.idx.msk [tilespmem:v1+s2+$0x0], $0xffff;
	_ =	sdelay $0x4  }
0x4b: {  	[tilespmem:$0x470] =	vst v1;
	v1 =	vld [tilespmem:$0x1FE90];
	_ =	sdelay $0x7  }
0x4c: {  	v1 =	vld.idx.msk [tilespmem:v1+s2+$0x0], $0xffff;
	_ =	sdelay $0x4  }
0x4d: {  	[tilespmem:$0x670] =	vst v1;
	v1 =	vld [tilespmem:$0x1FEA0];
	_ =	sdelay $0x7  }
0x4e: {  	v1 =	vld.idx.msk [tilespmem:v1+s2+$0x0], $0xffff;
	_ =	sdelay $0x4  }
0x4f: {  	[tilespmem:$0x480] =	vst v1;
	v1 =	vld [tilespmem:$0x1FEB0];
	_ =	sdelay $0x7  }
0x50: {  	v1 =	vld.idx.msk [tilespmem:v1+s2+$0x0], $0xffff;
	_ =	sdelay $0x4  }
0x51: {  	[tilespmem:$0x680] =	vst v1;
	v1 =	vld [tilespmem:$0x1FEC0];
	_ =	sdelay $0x7  }
0x52: {  	v1 =	vld.idx.msk [tilespmem:v1+s2+$0x0], $0xffff;
	_ =	sdelay $0x4  }
0x53: {  	[tilespmem:$0x490] =	vst v1;
	v1 =	vld [tilespmem:$0x1FED0];
	_ =	sdelay $0x7  }
0x54: {  	v1 =	vld.idx.msk [tilespmem:v1+s2+$0x0], $0xffff;
	_ =	sdelay $0x4  }
0x55: {  	[tilespmem:$0x690] =	vst v1;
	v1 =	vld [tilespmem:$0x1FEE0];
	_ =	sdelay $0x7  }
0x56: {  	v1 =	vld.idx.msk [tilespmem:v1+s2+$0x0], $0xffff;
	_ =	sdelay $0x4  }
0x57: {  	[tilespmem:$0x4A0] =	vst v1;
	v1 =	vld [tilespmem:$0x1FEF0];
	_ =	sdelay $0x7  }
0x58: {  	v1 =	vld.idx.msk [tilespmem:v1+s2+$0x0], $0xffff;
	_ =	sdelay $0x4  }
0x59: {  	[tilespmem:$0x6A0] =	vst v1;
	v1 =	vld [tilespmem:$0x1FF00];
	_ =	sdelay $0x7  }
0x5a: {  	v1 =	vld.idx.msk [tilespmem:v1+s2+$0x0], $0xffff;
	_ =	sdelay $0x4  }
0x5b: {  	[tilespmem:$0x4B0] =	vst v1;
	v1 =	vld [tilespmem:$0x1FF10];
	_ =	sdelay $0x7  }
0x5c: {  	v1 =	vld.idx.msk [tilespmem:v1+s2+$0x0], $0xffff;
	_ =	sdelay $0x4  }
0x5d: {  	[tilespmem:$0x6B0] =	vst v1;
	v1 =	vld [tilespmem:$0x1FF20];
	_ =	sdelay $0x7  }
0x5e: {  	v1 =	vld.idx.msk [tilespmem:v1+s2+$0x0], $0xffff;
	_ =	sdelay $0x4  }
0x5f: {  	[tilespmem:$0x4C0] =	vst v1;
	v1 =	vld [tilespmem:$0x1FF30];
	_ =	sdelay $0x7  }
0x60: {  	v1 =	vld.idx.msk [tilespmem:v1+s2+$0x0], $0xffff;
	_ =	sdelay $0x4  }
0x61: {  	[tilespmem:$0x6C0] =	vst v1;
	v1 =	vld [tilespmem:$0x1FF40];
	_ =	sdelay $0x7  }
0x62: {  	v1 =	vld.idx.msk [tilespmem:v1+s2+$0x0], $0xffff;
	_ =	sdelay $0x4  }
0x63: {  	[tilespmem:$0x4D0] =	vst v1;
	v1 =	vld [tilespmem:$0x1FF50];
	_ =	sdelay $0x7  }
0x64: {  	v1 =	vld.idx.msk [tilespmem:v1+s2+$0x0], $0xffff;
	_ =	sdelay $0x4  }
0x65: {  	[tilespmem:$0x6D0] =	vst v1;
	v1 =	vld [tilespmem:$0x1FF60];
	_ =	sdelay $0x7  }
0x66: {  	v1 =	vld.idx.msk [tilespmem:v1+s2+$0x0], $0xffff;
	_ =	sdelay $0x4  }
0x67: {  	[tilespmem:$0x4E0] =	vst v1;
	v1 =	vld [tilespmem:$0x1FF70];
	_ =	sdelay $0x7  }
0x68: {  	v1 =	vld.idx.msk [tilespmem:v1+s2+$0x0], $0xffff;
	_ =	sdelay $0x4  }
0x69: {  	[tilespmem:$0x6E0] =	vst v1;
	v1 =	vld [tilespmem:$0x1FF80];
	_ =	sdelay $0x7  }
0x6a: {  	v1 =	vld.idx.msk [tilespmem:v1+s2+$0x0], $0xffff;
	_ =	sdelay $0x4  }
0x6b: {  	[tilespmem:$0x4F0] =	vst v1;
	v1 =	vld [tilespmem:$0x1FF90];
	_ =	sdelay $0x7  }
0x6c: {  	v1 =	vld.idx.msk [tilespmem:v1+s2+$0x0], $0xffff;
	_ =	sdelay $0x4  }
0x6d: {  	[tilespmem:$0x6F0] =	vst v1;
	v1 =	vld [tilespmem:$0x1FFA0];
	_ =	sdelay $0x7  }
0x6e: {  	v1 =	vld.idx.msk [tilespmem:v1+s2+$0x0], $0xffff;
	_ =	sdelay $0x4  }
0x6f: {  	[tilespmem:$0x500] =	vst v1;
	v1 =	vld [tilespmem:$0x1FFB0];
	_ =	sdelay $0x7  }
0x70: {  	v1 =	vld.idx.msk [tilespmem:v1+s2+$0x0], $0xffff;
	_ =	sdelay $0x4  }
0x71: {  	[tilespmem:$0x700] =	vst v1;
	v1 =	vld [tilespmem:$0x1FFC0];
	_ =	sdelay $0x7  }
0x72: {  	v1 =	vld.idx.msk [tilespmem:v1+s2+$0x0], $0xffff;
	_ =	sdelay $0x4  }
0x73: {  	[tilespmem:$0x510] =	vst v1;
	v1 =	vld [tilespmem:$0x1FFD0];
	_ =	sdelay $0x7  }
0x74: {  	v1 =	vld.idx.msk [tilespmem:v1+s2+$0x0], $0xffff;
	_ =	sdelay $0x4  }
0x75: {  	[tilespmem:$0x710] =	vst v1;
	v1 =	vld [tilespmem:$0x1FFE0];
	_ =	sdelay $0x7  }
0x76: {  	v1 =	vld.idx.msk [tilespmem:v1+s2+$0x0], $0xffff;
	_ =	sdelay $0x4  }
0x77: {  	[tilespmem:$0x520] =	vst v1;
	v1 =	vld [tilespmem:$0x1FFF0];
	_ =	sdelay $0x7  }
0x78: {  	v1 =	vld.idx.msk [tilespmem:v1+s2+$0x0], $0xffff;
	_ =	sdelay $0x4  }
0x79: {  	[tilespmem:$0x720] =	vst v1  }
0x7a: {  	v1 =	vld.idx.msk [tilespmem:v38+s2+$0x0], $0xffff;
	_ =	sdelay $0x4  }
0x7b: {  	[tilespmem:$0x530] =	vst v1  }
0x7c: {  	v1 =	vld.idx.msk [tilespmem:v39+s2+$0x0], $0xffff;
	_ =	sdelay $0x4  }
0x7d: {  	[tilespmem:$0x730] =	vst v1  }
0x7e: {  	v1 =	vld.idx.msk [tilespmem:v40+s2+$0x0], $0xffff;
	_ =	sdelay $0x4  }
0x7f: {  	[tilespmem:$0x540] =	vst v1  }
0x80: {  	v1 =	vld.idx.msk [tilespmem:v41+s2+$0x0], $0xffff;
	_ =	sdelay $0x4  }
0x81: {  	[tilespmem:$0x740] =	vst v1  }
0x82: {  	v1 =	vld.idx.msk [tilespmem:v42+s2+$0x0], $0xffff;
	_ =	sdelay $0x4  }
0x83: {  	[tilespmem:$0x550] =	vst v1  }
0x84: {  	v1 =	vld.idx.msk [tilespmem:v43+s2+$0x0], $0xffff;
	_ =	sdelay $0x4  }
0x85: {  	[tilespmem:$0x750] =	vst v1  }
0x86: {  	v1 =	vld.idx.msk [tilespmem:v44+s2+$0x0], $0xffff;
	_ =	sdelay $0x4  }
0x87: {  	[tilespmem:$0x560] =	vst v1  }
0x88: {  	v1 =	vld.idx.msk [tilespmem:v45+s2+$0x0], $0xffff;
	_ =	sdelay $0x4  }
0x89: {  	[tilespmem:$0x760] =	vst v1  }
0x8a: {  	v1 =	vld.idx.msk [tilespmem:v46+s2+$0x0], $0xffff;
	_ =	sdelay $0x4  }
0x8b: {  	[tilespmem:$0x570] =	vst v1  }
0x8c: {  	v1 =	vld.idx.msk [tilespmem:v47+s2+$0x0], $0xffff;
	_ =	sdelay $0x4  }
0x8d: {  	[tilespmem:$0x770] =	vst v1  }
0x8e: {  	v1 =	vld.idx.msk [tilespmem:v48+s2+$0x0], $0xffff;
	_ =	sdelay $0x4  }
0x8f: {  	[tilespmem:$0x580] =	vst v1  }
0x90: {  	v1 =	vld.idx.msk [tilespmem:v49+s2+$0x0], $0xffff;
	_ =	sdelay $0x4  }
0x91: {  	[tilespmem:$0x780] =	vst v1  }
0x92: {  	v1 =	vld.idx.msk [tilespmem:v50+s2+$0x0], $0xffff;
	_ =	sdelay $0x4  }
0x93: {  	[tilespmem:$0x590] =	vst v1  }
0x94: {  	v1 =	vld.idx.msk [tilespmem:v51+s2+$0x0], $0xffff;
	_ =	sdelay $0x4  }
0x95: {  	[tilespmem:$0x790] =	vst v1  }
0x96: {  	v1 =	vld.idx.msk [tilespmem:v52+s2+$0x0], $0xffff;
	_ =	sdelay $0x4  }
0x97: {  	[tilespmem:$0x5A0] =	vst v1  }
0x98: {  	v1 =	vld.idx.msk [tilespmem:v53+s2+$0x0], $0xffff;
	_ =	sdelay $0x4  }
0x99: {  	[tilespmem:$0x7A0] =	vst v1  }
0x9a: {  	v1 =	vld.idx.msk [tilespmem:v54+s2+$0x0], $0xffff;
	_ =	sdelay $0x4  }
0x9b: {  	[tilespmem:$0x5B0] =	vst v1  }
0x9c: {  	v1 =	vld.idx.msk [tilespmem:v55+s2+$0x0], $0xffff;
	_ =	sdelay $0x4  }
0x9d: {  	[tilespmem:$0x7B0] =	vst v1  }
0x9e: {  	v1 =	vld.idx.msk [tilespmem:v56+s2+$0x0], $0xffff;
	_ =	sdelay $0x4  }
0x9f: {  	[tilespmem:$0x5C0] =	vst v1  }
0xa0: {  	v1 =	vld.idx.msk [tilespmem:v57+s2+$0x0], $0xffff;
	_ =	sdelay $0x4  }
0xa1: {  	[tilespmem:$0x7C0] =	vst v1  }
0xa2: {  	v1 =	vld.idx.msk [tilespmem:v58+s2+$0x0], $0xffff;
	_ =	sdelay $0x4  }
0xa3: {  	[tilespmem:$0x5D0] =	vst v1  }
0xa4: {  	v1 =	vld.idx.msk [tilespmem:v59+s2+$0x0], $0xffff;
	_ =	sdelay $0x4  }
0xa5: {  	[tilespmem:$0x7D0] =	vst v1  }
0xa6: {  	v1 =	vld.idx.msk [tilespmem:v60+s2+$0x0], $0xffff;
	_ =	sdelay $0x4  }
0xa7: {  	[tilespmem:$0x5E0] =	vst v1  }
0xa8: {  	v1 =	vld.idx.msk [tilespmem:v61+s2+$0x0], $0xffff;
	_ =	sdelay $0x4  }
0xa9: {  	[tilespmem:$0x7E0] =	vst v1  }
0xaa: {  	v1 =	vld.idx.msk [tilespmem:v62+s2+$0x0], $0xffff;
	_ =	sdelay $0x4  }
0xab: {  	[tilespmem:$0x5F0] =	vst v1  }
0xac: {  	v1 =	vld.idx.msk [tilespmem:v63+s2+$0x0], $0xffff;
	_ =	sdelay $0x4  }
0xad: {  	[tilespmem:$0x7F0] =	vst v1  }
0xae: {  	[tilespmem:s15], [sflag:$0x1] =	stream.indirect.gather [hbm4b:s3+s13], $0x1, s14, s13, $0xb8;
	[tilespmem:$0xE00] =	vst v63  }
0xaf: {  	_ = 	snop  }
0xb0: {  	[tilespmem:s17], [sflag:$0x1] =	stream.indirect.gather [hbm4b:s4+s13], $0x1, s16, s13, $0xb8;
	[tilespmem:$0xE00] =	vst v63  }
0xb1: {  	_ = 	snop  }
0xb2: {  	[tilespmem:s19], [sflag:$0x1] =	stream.indirect.gather [hbm4b:s3+s13], $0x1, s18, s13, $0xb8;
	[tilespmem:$0xE00] =	vst v63  }
0xb3: {  	_ = 	snop  }
0xb4: {  	[tilespmem:s21], [sflag:$0x1] =	stream.indirect.gather [hbm4b:s4+s13], $0x1, s20, s13, $0xb8;
	[tilespmem:$0xE00] =	vst v63  }
0xb5: {  	_ = 	snop  }
0xb6: {  	[tilespmem:s23], [sflag:$0x1] =	stream.indirect.gather [hbm4b:s3+s13], $0x1, s22, s13, $0xb8;
	[tilespmem:$0xE00] =	vst v63  }
0xb7: {  	_ = 	snop  }
0xb8: {  	[tilespmem:s25], [sflag:$0x1] =	stream.indirect.gather [hbm4b:s4+s13], $0x1, s24, s13, $0xb8;
	[tilespmem:$0xE00] =	vst v63  }
0xb9: {  	_ = 	snop  }
0xba: {  	[tilespmem:s28], [sflag:$0x1] =	stream.indirect.gather [hbm4b:s3+s13], $0x1, s26, s13, $0xb8;
	[tilespmem:$0xE00] =	vst v63  }
0xbb: {  	_ = 	snop  }
0xbc: {  	[tilespmem:s30], [sflag:$0x1] =	stream.indirect.gather [hbm4b:s4+s13], $0x1, s29, s13, $0xb8;
	[tilespmem:$0xE00] =	vst v63  }
0xbd: {  	_ =	swait.ge [sflag:s31], $0x80  }
0xbe: {  	[sflag:s31] =	ssyncset.done $0x0  }
0xbf: {  	[sflag:s31] =	ssyncadd.s32 $0xFFFFFF80  }
0xc0: {  	_ =	swait.ge [sflag:s31], $0x80  }
0xc1: {  	[sflag:s31] =	ssyncset.done $0x0  }
0xc2: {  	[sflag:s31] =	ssyncadd.s32 $0xFFFFFF80  }
0xc3: {  	_ =	swait.ge [sflag:s31], $0x80  }
0xc4: {  	[sflag:s31] =	ssyncset.done $0x0  }
0xc5: {  	[sflag:s31] =	ssyncadd.s32 $0xFFFFFF80  }
0xc6: {  	_ =	swait.ge [sflag:s31], $0x80  }
0xc7: {  	[sflag:s31] =	ssyncset.done $0x0  }
0xc8: {  	[sflag:s31] =	ssyncadd.s32 $0xFFFFFF80  }
0xc9: {  	_ =	swait.ge [sflag:s31], $0x80  }
0xca: {  	[sflag:s31] =	ssyncset.done $0x0  }
0xcb: {  	[sflag:s31] =	ssyncadd.s32 $0xFFFFFF80  }
0xcc: {  	_ =	swait.ge [sflag:s31], $0x80  }
0xcd: {  	[sflag:s31] =	ssyncset.done $0x0  }
0xce: {  	[sflag:s31] =	ssyncadd.s32 $0xFFFFFF80  }
0xcf: {  	_ =	swait.ge [sflag:s31], $0x80  }
0xd0: {  	[sflag:s31] =	ssyncset.done $0x0  }
0xd1: {  	[sflag:s31] =	ssyncadd.s32 $0xFFFFFF80  }
0xd2: {  	_ =	swait.ge [sflag:s31], $0x80  }
0xd3: {  	[sflag:s31] =	ssyncset.done $0x0  }
0xd4: {  	[sflag:s31] =	ssyncadd.s32 $0xFFFFFF80  }
0xd5: {  	v1 =	vld [tilespmem:$0x800]  }
0xd6: {  	v2 =	vld [tilespmem:$0xA00]  }
0xd7: {  	v3 =	vld [tilespmem:$0x810]  }
0xd8: {  	v4 =	vld [tilespmem:$0xA10]  }
0xd9: {  	v5 =	vld [tilespmem:$0x820]  }
0xda: {  	v6 =	vld [tilespmem:$0xA20]  }
0xdb: {  	v7 =	vld [tilespmem:$0x830]  }
0xdc: {  	v8 =	vld [tilespmem:$0xA30]  }
0xdd: {  	v9 =	vld [tilespmem:$0x840]  }
0xde: {  	v10 =	vld [tilespmem:$0xA40]  }
0xdf: {  	v11 =	vld [tilespmem:$0x850]  }
0xe0: {  	v12 =	vld [tilespmem:$0xA50]  }
0xe1: {  	v13 =	vld [tilespmem:$0x860]  }
0xe2: {  	v14 =	vld [tilespmem:$0xA60]  }
0xe3: {  	v15 =	vld [tilespmem:$0x870]  }
0xe4: {  	v16 =	vld [tilespmem:$0xA70]  }
0xe5: {  	v17 =	vld [tilespmem:$0x880]  }
0xe6: {  	v18 =	vld [tilespmem:$0xA80]  }
0xe7: {  	v19 =	vld [tilespmem:$0x890]  }
0xe8: {  	v20 =	vld [tilespmem:$0xA90]  }
0xe9: {  	v21 =	vld [tilespmem:$0x8A0]  }
0xea: {  	v22 =	vld [tilespmem:$0xAA0]  }
0xeb: {  	v23 =	vld [tilespmem:$0x8B0]  }
0xec: {  	v24 =	vld [tilespmem:$0xAB0]  }
0xed: {  	v25 =	vld [tilespmem:$0x8C0]  }
0xee: {  	v26 =	vld [tilespmem:$0xAC0]  }
0xef: {  	v27 =	vld [tilespmem:$0x8D0]  }
0xf0: {  	v28 =	vld [tilespmem:$0xAD0]  }
0xf1: {  	v29 =	vld [tilespmem:$0x8E0]  }
0xf2: {  	v30 =	vld [tilespmem:$0xAE0]  }
0xf3: {  	v31 =	vld [tilespmem:$0x8F0]  }
0xf4: {  	v32 =	vld [tilespmem:$0xAF0]  }
0xf5: {  	v33 =	vld [tilespmem:$0x900]  }
0xf6: {  	v34 =	vld [tilespmem:$0xB00]  }
0xf7: {  	v35 =	vld [tilespmem:$0x910]  }
0xf8: {  	v36 =	vld [tilespmem:$0xB10]  }
0xf9: {  	v37 =	vld [tilespmem:$0x920]  }
0xfa: {  	v1 =	vadd.f32 v2, v1;
	v2 =	vld [tilespmem:$0xB20]  }
0xfb: {  	v3 =	vadd.f32 v4, v3;
	v4 =	vld [tilespmem:$0x930]  }
0xfc: {  	[tilespmem:$0xC00] =	vst v1;
	v1 =	vadd.f32 v6, v5;
	v5 =	vld [tilespmem:$0xB30]  }
0xfd: {  	[tilespmem:$0xC10] =	vst v3;
	v3 =	vadd.f32 v8, v7;
	v6 =	vld [tilespmem:$0x940]  }
0xfe: {  	v7 =	vld [tilespmem:$0xB40];
	[tilespmem:$0xC20] =	vst v1;
	v1 =	vadd.f32 v10, v9  }
0xff: {  	v8 =	vld [tilespmem:$0x950];
	[tilespmem:$0xC30] =	vst v3;
	v3 =	vadd.f32 v12, v11  }
0x100: {  	v9 =	vld [tilespmem:$0xB50];
	[tilespmem:$0xC40] =	vst v1;
	v1 =	vadd.f32 v14, v13  }
0x101: {  	v10 =	vld [tilespmem:$0x960];
	[tilespmem:$0xC50] =	vst v3;
	v3 =	vadd.f32 v16, v15  }
0x102: {  	v11 =	vld [tilespmem:$0xB60];
	[tilespmem:$0xC60] =	vst v1;
	v1 =	vadd.f32 v18, v17  }
0x103: {  	v12 =	vld [tilespmem:$0x970];
	[tilespmem:$0xC70] =	vst v3;
	v3 =	vadd.f32 v20, v19  }
0x104: {  	v13 =	vld [tilespmem:$0xB70];
	[tilespmem:$0xC80] =	vst v1;
	v1 =	vadd.f32 v22, v21  }
0x105: {  	v14 =	vld [tilespmem:$0x980];
	[tilespmem:$0xC90] =	vst v3;
	v3 =	vadd.f32 v24, v23  }
0x106: {  	v24 =	vld [tilespmem:$0xB80];
	[tilespmem:$0xCA0] =	vst v1;
	v1 =	vadd.f32 v26, v25  }
0x107: {  	[tilespmem:$0xCB0] =	vst v3;
	v3 =	vadd.f32 v28, v27;
	v25 =	vld [tilespmem:$0x990]  }
0x108: {  	v26 =	vld [tilespmem:$0xB90];
	[tilespmem:$0xCC0] =	vst v1;
	v1 =	vadd.f32 v30, v29  }
0x109: {  	v27 =	vld [tilespmem:$0x9A0];
	[tilespmem:$0xCD0] =	vst v3;
	v3 =	vadd.f32 v32, v31  }
0x10a: {  	v28 =	vld [tilespmem:$0xBA0];
	[tilespmem:$0xCE0] =	vst v1;
	v1 =	vadd.f32 v34, v33  }
0x10b: {  	v29 =	vld [tilespmem:$0x9B0];
	[tilespmem:$0xCF0] =	vst v3;
	v3 =	vadd.f32 v36, v35  }
0x10c: {  	v30 =	vld [tilespmem:$0x9C0];
	[tilespmem:$0xD00] =	vst v1;
	v1 =	vadd.f32 v2, v37  }
0x10d: {  	v2 =	vld [tilespmem:$0xBB0];
	[tilespmem:$0xD10] =	vst v3;
	v3 =	vadd.f32 v5, v4  }
0x10e: {  	v31 =	vld [tilespmem:$0xBC0];
	[tilespmem:$0xD20] =	vst v1;
	v1 =	vadd.f32 v7, v6  }
0x10f: {  	v32 =	vld [tilespmem:$0x9D0];
	[tilespmem:$0xD30] =	vst v3;
	v3 =	vadd.f32 v9, v8  }
0x110: {  	v33 =	vld [tilespmem:$0xBD0];
	[tilespmem:$0xD40] =	vst v1;
	v1 =	vadd.f32 v11, v10  }
0x111: {  	v34 =	vld [tilespmem:$0x9E0];
	[tilespmem:$0xD50] =	vst v3;
	v3 =	vadd.f32 v13, v12  }
0x112: {  	v36 =	vld [tilespmem:$0x9F0];
	v2 =	vadd.f32 v2, v29;
	[tilespmem:$0xD60] =	vst v1  }
0x113: {  	v37 =	vld [tilespmem:$0xBF0];
	v1 =	vadd.f32 v24, v14;
	[tilespmem:$0xD70] =	vst v3  }
0x114: {  	v35 =	vld [tilespmem:$0xBE0];
	v3 =	vadd.f32 v26, v25;
	[tilespmem:$0xDB0] =	vst v2  }
0x115: {  	[tilespmem:$0xD80] =	vst v1;
	v1 =	vadd.f32 v28, v27  }
0x116: {  	v2 =	vadd.f32 v33, v32;
	[tilespmem:$0xD90] =	vst v3  }
0x117: {  	[tilespmem:$0xDA0] =	vst v1;
	v1 =	vadd.f32 v31, v30  }
0x118: {  	[tilespmem:$0xDD0] =	vst v2;
	v2 =	vadd.f32 v37, v36  }
0x119: {  	[tilespmem:$0xDC0] =	vst v1;
	v1 =	vadd.f32 v35, v34  }
0x11a: {  	[tilespmem:$0xDF0] =	vst v2  }
0x11b: {  	s0 =	rddreg [dreg:$0x4];
	[tilespmem:$0xDE0] =	vst v1  }
0x11c: {  	[hbm4b:s0+s2] =	stream.linear.scatter [tilespmem:s1], [sflag:$0x2], $0x200, $0x38;
	[tilespmem:$0xE00] =	vst v63  }
0x11d: {  	_ =	swait.ge [sflag:s12], $0x200  }
0x11e: {  	[sflag:s12] =	ssyncset.done $0x0  }
0x11f: {  	s0 =	rddreg [dreg:$0x5];
	[sflag:s12] =	ssyncadd.s32 $0xFFFFFE00  }
0x120: {  	[hbm4b:s0+s2] =	stream.linear.scatter [tilespmem:s14], [sflag:$0x2], $0x80, $0x38;
	[tilespmem:$0xE00] =	vst v63  }
0x121: {  	_ =	swait.ge [sflag:s12], $0x80  }
0x122: {  	[sflag:s12] =	ssyncset.done $0x0  }
0x123: {  	s0 =	rddreg [dreg:$0x6];
	[sflag:s12] =	ssyncadd.s32 $0xFFFFFF80  }
0x124: {  	[hbm4b:s0+s2] =	stream.linear.scatter [tilespmem:s16], [sflag:$0x2], $0x80, $0x38;
	[tilespmem:$0xE00] =	vst v63  }
0x125: {  	_ =	swait.ge [sflag:s12], $0x80  }
0x126: {  	[sflag:s12] =	ssyncset.done $0x0  }
0x127: {  	[sflag:s12] =	ssyncadd.s32 $0xFFFFFF80  }
0x128: {  	[hbm4b:s5+s2] =	stream.linear.scatter [tilespmem:s18], [sflag:$0x2], $0x80, $0x38;
	[tilespmem:$0xE00] =	vst v63  }
0x129: {  	_ =	swait.ge [sflag:s12], $0x80  }
0x12a: {  	[sflag:s12] =	ssyncset.done $0x0  }
0x12b: {  	[sflag:s12] =	ssyncadd.s32 $0xFFFFFF80  }
0x12c: {  	[hbm4b:s6+s2] =	stream.linear.scatter [tilespmem:s20], [sflag:$0x2], $0x80, $0x38;
	[tilespmem:$0xE00] =	vst v63  }
0x12d: {  	_ =	swait.ge [sflag:s12], $0x80  }
0x12e: {  	[sflag:s12] =	ssyncset.done $0x0  }
0x12f: {  	[sflag:s12] =	ssyncadd.s32 $0xFFFFFF80  }
0x130: {  	[hbm4b:s7+s2] =	stream.linear.scatter [tilespmem:s22], [sflag:$0x2], $0x80, $0x38;
	[tilespmem:$0xE00] =	vst v63  }
0x131: {  	_ =	swait.ge [sflag:s12], $0x80  }
0x132: {  	[sflag:s12] =	ssyncset.done $0x0  }
0x133: {  	[sflag:s12] =	ssyncadd.s32 $0xFFFFFF80  }
0x134: {  	[hbm4b:s8+s2] =	stream.linear.scatter [tilespmem:s24], [sflag:$0x2], $0x80, $0x38;
	[tilespmem:$0xE00] =	vst v63  }
0x135: {  	_ =	swait.ge [sflag:s12], $0x80  }
0x136: {  	[sflag:s12] =	ssyncset.done $0x0  }
0x137: {  	[sflag:s12] =	ssyncadd.s32 $0xFFFFFF80  }
0x138: {  	[hbm4b:s9+s2] =	stream.linear.scatter [tilespmem:s26], [sflag:$0x2], $0x80, $0x38;
	[tilespmem:$0xE00] =	vst v63  }
0x139: {  	_ =	swait.ge [sflag:s12], $0x80  }
0x13a: {  	p0 =	sne.s32 s11, $0x1;
	[sflag:s12] =	ssyncset.done $0x0  }
.Ltmp0:
0x13b: {  	[sflag:s12] =	ssyncadd.s32 $0xFFFFFF80;
	(pc) =	sbr.rel @p0 .LBB2_1-.Ltmp0, $4  }
0x13c: {  	[hbm4b:s10+s2] =	stream.linear.scatter [tilespmem:s29], [sflag:$0x2], $0x80, $0x38;
	[tilespmem:$0xE00] =	vst v63  }
0x13d: {  	_ =	swait.ge [sflag:s12], $0x80  }
0x13e: {  	[sflag:s12] =	ssyncset.done $0x0  }
0x13f: {  	s11 =	sadd.s32 $0xFFFFFFFF, s11;
	[sflag:s12] =	ssyncadd.s32 $0xFFFFFF80  }
0x140: {  	_ =	sfence.sel $0x180000  }
0x141: {  	[bflag:$0x0] =	sbarrier.arrive $0xFFFF  }
0x142: {  	_ =	strace $0x90000047  }
0x143: {  	s0 =	stileid.u32;
	[bflag:$0x2] =	sbarrier.arrive $0xFFFF  }
0x144: {  	p0 =	sne.s32 s0, $0x0;
	s0 =	rddreg [dreg:$0x2]  }
0x145: {  	s0 =	sadd.s32 @!p0 $0x100000, s0  }
0x146: {  	[sflag:s0] =	ssyncadd.tile.s32 @!p0 $0x1;
	_ =	shalt  }
.Lfunc_end2:
_tile_overlayer_lowered:
.L_overlay_start_2:
0x147: {  	(tag) =	ssettag $0x2  }
0x148: {  	s0 =	rddreg [dreg:$0x0];
	s2 =	stileid.u32  }
0x149: {  	s1 =	rddreg [dreg:$0x1];
	p0 =	sne.s32 s2, $0x0  }
0x14a: {  	s3 =	rddreg [dreg:$0x2];
	[bflag:$0x3] =	sbarrier.arrive $0xFFFF;
	s2 =	simm.s32 @!p0 $0x1C02  }
0x14b: {  	[timem:s3], [sflag:s2] =	dma.local @!p0 [hbm:s0], s1  }
0x14c: {  	s0 =	simm.s32 @!p0 $0x2  }
0x14d: {  	_ =	swait.ge @!p0 [sflag:s0], s1  }
0x14e: {  	s1 =	ssub.s32 @!p0 $0x0, s1;
	[sflag:s0] =	ssyncset.done @!p0 $0x0  }
0x14f: {  	[sflag:s0] =	ssyncadd.s32 @!p0 s1  }
0x150: {  	[bflag:$0x3] =	sbarrier.arrive $0xFFFF  }
0x151: {  	_ =	shalt  }

// kernel: kernel.8.cloned.1.call-start
scs
__scs_entry_jumppad:
0x0: {  	(pc) =	sbr.rel $0x88, $3  }
0x1: {  	(tag) =	ssettag $0x0;
	lr =	simm.s32 $0x1  }
0x2: {  	[smem:$0x3F9C] =	sst lr;
	_ =	strace $0xD0000000  }
0x3: {  	_ = 	snop  }
0x4: {  	_ = 	snop  }
0x5: {  	_ = 	snop  }
0x6: {  	_ = 	snop  }
0x7: {  	_ = 	snop  }
__scs_overlays_trampoline_lowered:
0x8: {  	[smem:$0x3FAB] =	sst s0  }
0x9: {  	[smem:$0x3FAC] =	sst s1  }
0xa: {  	[smem:$0x3FAD] =	sst s2  }
0xb: {  	[smem:$0x3FAE] =	sst s3  }
0xc: {  	[smem:$0x3FAF] =	sst s4  }
0xd: {  	[smem:$0x3FB0] =	sst s5  }
0xe: {  	[smem:$0x3FB1] =	sst s6  }
0xf: {  	[smem:$0x3FB2] =	sst s7  }
0x10: {  	[smem:$0x3FB3] =	sst s8  }
0x11: {  	[smem:$0x3FB4] =	sst s9;
	s0 =	simm.s32 @!p0 $0x0  }
0x12: {  	s1 =	sld [smem:$0x3F9A];
	s0 =	simm.s32 @p0 $0x1  }
0x13: {  	[smem:$0x3FB5] =	sst s0;
	s0 =	simm.s32 @!p1 $0x0  }
0x14: {  	s2 =	sld [smem:$0x3F99];
	s0 =	simm.s32 @p1 $0x1  }
0x15: {  	[smem:$0x3FB6] =	sst s0;
	s0 =	simm.s32 @!p2 $0x0  }
0x16: {  	s3 =	sld [smem:$0x3FDB];
	s0 =	simm.s32 @p2 $0x1  }
0x17: {  	s4 =	simm.s32 $0x1BF5;
	[smem:$0x3FB8] =	sst s0  }
0x18: {  	s0 =	sld [smem:$0x3F9B];
	_ =	swait.ge [sflag:s4], $0x0  }
0x19: {  	s7 =	sld [smem:$0x3F9C]  }
0x1a: {  	s8 =	sadd.s32 $0xFFFFE003, lr  }
0x1b: {  	s9 =	sadd.s32 $0xFFFFFEF7, lr;
	s5 =	simm.s32 $0xFFFFFFFF;
	p2 =	slt.u32 s8, $0xFFFFF086  }
0x1c: {  	p1 =	slt.u32 s9, $0xF7A;
	s5 =	simm.s32 @!p2 $0x0  }
0x1d: {  	s5 =	simm.s32 @p1 $0x1;
	p0 =	seq.s32 s7, s2  }
0x1e: {  	s7 =	smul.u32 @!p0 $0xF7A, s2;
	p2 =	seq.s32 @!p0 s5, $0x0  }
0x1f: {  	s9 =	smul.u32 $0xF7A, s1;
	s8 =	simm.s32 @!p0 $0x1BF5;
	p2 =	por !p2, p0  }
0x20: {  	[sflag:s8] =	ssyncset.s32 @!p0 $0xFFFFF086;
	s6 =	sadd.s32 @!p0 s3, s7;
	s7 =	simm.s32 @!p0 $0x108  }
0x21: {  	s3 =	sadd.s32 s3, s9;
	s6 =	sadd.s32 @!p0 $0x88, s6;
	s7 =	simm.s32 @p2 $0x1082  }
0x22: {  	[simem:s7], [sflag:s8] =	dma.local @!p0 [hbm:s6], $0xF7A  }
0x23: {  	s9 =	sor.u32 $0xD0000000, s2;
	s6 =	simm.s32 $0x108;
	_ =	swait.ge @!p0 [sflag:s8], $0x0  }
0x24: {  	s3 =	sadd.s32 $0x88, s3;
	s6 =	simm.s32 @!p1 $0x1082;
	[sflag:s4] =	ssyncset.s32 $0xFFFFF086  }
0x25: {  	[simem:s6], [sflag:s4] =	dma.local [hbm:s3], $0xF7A  }
0x26: {  	[smem:$0x3F9C] =	sst s1;
	(tag) =	ssettag s2;
	_ =	strace s9  }
0x27: {  	s1 =	sld [smem:$0x3FAC]  }
0x28: {  	s2 =	sld [smem:$0x3FAD]  }
0x29: {  	s4 =	sld [smem:$0x3FAF]  }
0x2a: {  	p0 =	seq.s32 s5, $0x0;
	s5 =	sld [smem:$0x3FB0]  }
0x2b: {  	s6 =	sld [smem:$0x3FB1]  }
0x2c: {  	s7 =	sld [smem:$0x3FB2]  }
0x2d: {  	s3 =	simm.s32 $0x108;
	s8 =	sld [smem:$0x3FB3]  }
0x2e: {  	s3 =	simm.s32 @!p0 $0x1082;
	s9 =	sld [smem:$0x3FB4]  }
0x2f: {  	lr =	sadd.s32 s0, s3;
	s0 =	sld [smem:$0x3FAB]  }
0x30: {  	s3 =	sld [smem:$0x3FAE]  }
0x31: {  	[smem:$0x3FB7] =	sst s10  }
0x32: {  	s10 =	sld [smem:$0x3FB5];
	_ =	sdelay $0x3  }
0x33: {  	p0 =	seq.s32 s10, $0x1;
	s10 =	sld [smem:$0x3FB7];
	_ =	sdelay $0x3  }
0x34: {  	[smem:$0x3FB7] =	sst s10  }
0x35: {  	s10 =	sld [smem:$0x3FB6];
	_ =	sdelay $0x3  }
0x36: {  	p1 =	seq.s32 s10, $0x1;
	s10 =	sld [smem:$0x3FB7];
	_ =	sdelay $0x3  }
0x37: {  	[smem:$0x3FB7] =	sst s10  }
0x38: {  	s10 =	sld [smem:$0x3FB8]  }
0x39: {  	_ = 	snop;
	(pc) =	sbr.ind lr, $3  }
0x3a: {  	_ = 	snop  }
0x3b: {  	_ = 	snop  }
0x3c: {  	p2 =	seq.s32 s10, $0x1;
	s10 =	sld [smem:$0x3FB7]  }
0x3d: {  	_ =	shalt  }
0x3e: {  	_ =	shalt  }
0x3f: {  	_ =	shalt  }
0x40: {  	_ =	shalt  }
0x41: {  	_ =	shalt  }
0x42: {  	_ =	shalt  }
0x43: {  	_ =	shalt  }
0x44: {  	_ =	shalt  }
0x45: {  	_ =	shalt  }
0x46: {  	_ =	shalt  }
0x47: {  	_ =	shalt  }
0x48: {  	_ =	shalt  }
0x49: {  	_ =	shalt  }
0x4a: {  	_ =	shalt  }
0x4b: {  	_ =	shalt  }
0x4c: {  	_ =	shalt  }
0x4d: {  	_ =	shalt  }
0x4e: {  	_ =	shalt  }
0x4f: {  	_ =	shalt  }
0x50: {  	_ =	shalt  }
0x51: {  	_ =	shalt  }
0x52: {  	_ =	shalt  }
0x53: {  	_ =	shalt  }
0x54: {  	_ =	shalt  }
0x55: {  	_ =	shalt  }
0x56: {  	_ =	shalt  }
0x57: {  	_ =	shalt  }
0x58: {  	_ =	shalt  }
0x59: {  	_ =	shalt  }
0x5a: {  	_ =	shalt  }
0x5b: {  	_ =	shalt  }
0x5c: {  	_ =	shalt  }
0x5d: {  	_ =	shalt  }
0x5e: {  	_ =	shalt  }
0x5f: {  	_ =	shalt  }
0x60: {  	_ =	shalt  }
0x61: {  	_ =	shalt  }
0x62: {  	_ =	shalt  }
0x63: {  	_ =	shalt  }
0x64: {  	_ =	shalt  }
0x65: {  	_ =	shalt  }
0x66: {  	_ =	shalt  }
0x67: {  	_ =	shalt  }
0x68: {  	_ =	shalt  }
0x69: {  	_ =	shalt  }
0x6a: {  	_ =	shalt  }
0x6b: {  	_ =	shalt  }
0x6c: {  	_ =	shalt  }
0x6d: {  	_ =	shalt  }
0x6e: {  	_ =	shalt  }
0x6f: {  	_ =	shalt  }
0x70: {  	_ =	shalt  }
0x71: {  	_ =	shalt  }
0x72: {  	_ =	shalt  }
0x73: {  	_ =	shalt  }
0x74: {  	_ =	shalt  }
0x75: {  	_ =	shalt  }
0x76: {  	_ =	shalt  }
0x77: {  	_ =	shalt  }
0x78: {  	_ =	shalt  }
0x79: {  	_ =	shalt  }
0x7a: {  	_ =	shalt  }
0x7b: {  	_ =	shalt  }
0x7c: {  	_ =	shalt  }
0x7d: {  	_ =	shalt  }
0x7e: {  	_ =	shalt  }
0x7f: {  	_ =	shalt  }
0x80: {  	_ =	shalt  }
0x81: {  	_ =	shalt  }
0x82: {  	_ =	shalt  }
0x83: {  	_ =	shalt  }
0x84: {  	_ =	shalt  }
0x85: {  	_ =	shalt  }
0x86: {  	_ =	shalt  }
0x87: {  	_ =	shalt  }
.Lfunc_end0:
.L_simem_size_0:
called_computation.1_lowered:
.L_overlay_start_0:
0x88: {  	s2 =	sld [smem:$0x3FD9]  }
0x89: {  	s3 =	sld [smem:$0x3FFE];
	_ =	sdelay $0x1  }
0x8a: {  	s1 =	srdreg.scid  }
0x8b: {  	s0 =	sand.u32 $0x1, s1  }
0x8c: {  	s17 =	sshll.u32 s0, $0xA;
	s2 =	sadd.s32 s3, s2  }
0x8d: {  	s2 =	sadd.s32 s2, s17  }
0x8e: {  	[smem:$0x3FC3] =	sst s2  }
0x8f: {  	_ = 	snop  }
0x90: {  	s2 =	sld [smem:$0x3FD0];
	(tm) =	ssettm $0x1  }
0x91: {  	s18 =	sld [smem:$0x3FFB];
	_ =	sdelay $0x3  }
0x92: {  	_ =	strace s18  }
0x93: {  	s3 =	sld [smem:$0x3FFC];
	_ =	sdelay $0x3  }
0x94: {  	_ =	strace s3  }
0x95: {  	s3 =	sld [smem:$0x3FFD];
	_ =	sdelay $0x3  }
0x96: {  	_ =	strace s3  }
0x97: {  	_ =	strace $0x8FFFFFFF  }
0x98: {  	s19 =	sld [smem:$0x3FDB];
	_ =	sdelay $0x1  }
0x99: {  	s4 =	simm.s32 $_scs_section_size  }
0x9a: {  	s5 =	simm.s32 $_size__tile_overlayer_lowered;
	s6 =	simm.s32 $_tile_overlayer_lowered  }
0x9b: {  	s22 =	simm.s32 $0x1BFF;
	s21 =	sshll.u32 s6, $0x1;
	s3 =	sadd.s32 s4, s19  }
0x9c: {  	s7 =	simm.s32 $0x0;
	s20 =	sshll.u32 s5, $0x1;
	s5 =	sadd.s32 s21, s3  }
0x9d: {  	[timem:s7], [sflag:s22] =	dma.local [hbm:s5], s20  }
0x9e: {  	_ =	swait.ge [sflag:s22], s20  }
0x9f: {  	s4 =	ssub.s32 $0x0, s20;
	[sflag:s22] =	ssyncset.done $0x0  }
0xa0: {  	[sflag:s22] =	ssyncadd.s32 s4;
	_ =	sdelay $0x1  }
0xa1: {  	s23 =	simm.s32 $0x1B8B  }
0xa2: {  	_ =	swait.ge [sflag:s23], $0x1  }
0xa3: {  	[sflag:s23] =	ssyncset.done $0x0  }
0xa4: {  	s25 =	simm.s32 $0x1B8E;
	s24 =	sld [smem:$0x3FFE];
	[sflag:s23] =	ssyncadd.s32 $0xFFFFFFFF  }
0xa5: {  	s26 =	simm.s32 $execute0_lowered;
	[smem:$0x3FD2] =	sst s25  }
0xa6: {  	s5 =	sshll.u32 s26, $0x1;
	_ =	strace $0x80000049;
	[dreg:$0x1] =	wrdreg $0xFFFFFFFF  }
0xa7: {  	s28 =	simm.s32 $_size_execute0_lowered;
	s3 =	sadd.s32 s3, s5;
	[dreg:$0x0] =	wrdreg $0x0  }
0xa8: {  	s5 =	sshll.u32 s28, $0x1;
	[dreg:$0x2] =	wrdreg s3  }
0xa9: {  	[dreg:$0x3] =	wrdreg s5  }
0xaa: {  	[dreg:$0x4] =	wrdreg $0xC0  }
0xab: {  	_ =	task [dreg:s7], $0x5FFFF  }
0xac: {  	[dreg:$0x1] =	wrdreg $0xFFFFFFFF  }
0xad: {  	[dreg:$0x0] =	wrdreg $0x60  }
0xae: {  	[dreg:$0x2] =	wrdreg s2  }
0xaf: {  	[dreg:$0x3] =	wrdreg s24  }
0xb0: {  	[dreg:$0x4] =	wrdreg $0x9  }
0xb1: {  	_ =	task.clear_ibuf [dreg:s7], $0x5FFFF;
	_ =	strace $0x90000049  }
0xb2: {  	s29 =	simm.s32 $0x9;
	_ =	strace $0x8000004B  }
0xb3: {  	_ =	swait.ge [sflag:s29], $0x1  }
0xb4: {  	[sflag:s29] =	ssyncadd.s32 $0xFFFFFFFF  }
0xb5: {  	_ =	strace $0x9000004B  }
0xb6: {  	_ =	sfence  }
0xb7: {  	s30 =	sld [smem:$0x0];
	_ =	sdelay $0x2  }
0xb8: {  	s31 =	sshll.u32 s1, $0xD;
	s1 =	sshrl.u32 s1, $0x2  }
0xb9: {  	s3 =	sand.u32 $0x4000, s31;
	s1 =	sadd.s32 s1, s30  }
0xba: {  	s0 =	sor.u32 s3, s0;
	s1 =	sshll.u32 s1, $0x11  }
0xbb: {  	s0 =	sor.u32 s1, s0  }
0xbc: {  	s0 =	sadd.s32 $0x8F2B, s0  }
0xbd: {  	[sflag:s0] =	ssyncadd.remote.s32 $0x1  }
0xbe: {  	_ =	sfence.sel $0xFFFF  }
0xbf: {  	[dreg:$0x0] =	wrdreg $0xFFFFFFFF;
	(pc) =	sbr.abs _section_cstart, $3  }
0xc0: {  	[dreg:$0x1] =	wrdreg $0xFFFFFFFF  }
0xc1: {  	_ =	task.clear_ibuf [dreg:s7], $0x2FFFF;
	_ =	strace $0x9FFFFFFF  }
0xc2: {  	(tm) =	ssettm $0x7FFFFFFF  }
0xc3: {  	_ =	shalt  }
tec
execute0_lowered:
.L_overlay_start_1:
0x0: {  	(tag) =	ssettag $0x1  }
0x1: {  	s0 =	rddreg [dreg:$0x0];
	s1 =	srdreg.scid  }
0x2: {  	s2 =	stileid.u32;
	s5 =	rddreg [dreg:$0x1]  }
0x3: {  	s1 =	sand.u32 $0x1, s1;
	s3 =	sshll.u32 s2, $0x1;
	s2 =	simm.s32 $0x0  }
0x4: {  	s4 =	sor.u32 s1, s3;
	[smem:$0x7FF] =	sst s2  }
0x5: {  	s1 =	ssub.s32 $0x2, s1;
	s3 =	sadd.s32 $0xA600, s5;
	s6 =	sshll.u32 s4, $0x6  }
0x6: {  	_ =	strace $0x8000004A;
	s8 =	sshll.u32 s4, $0x1;
	s9 =	sshrl.u32 s1, $0x1  }
0x7: {  	s4 =	sadd.s32 $0x191000, s5;
	s7 =	sadd.s32 s6, s5;
	s0 =	sadd.s32 s0, s6  }
0x8: {  	s5 =	sadd.s32 s8, s5;
	[dreg:$0x15] =	wrdreg s0;
	s29 =	sadd.s32 $0x9600, s7  }
0x9: {  	s1 =	ssub.s32 s1, s9;
	s30 =	sadd.s32 $0x2200, s5;
	[dreg:$0x16] =	wrdreg s29  }
0xa: {  	s31 =	smax.u32 s1, $0x1;
	[dreg:$0x17] =	wrdreg s30  }
0xb: {  	s5 =	simm.s32 $0x3;
	s1 =	simm.s32 $0x0;
	[dreg:$0x18] =	wrdreg s31  }
.LBB2_1:
0xc: {  	[dreg:$0x19] =	wrdreg s1  }
0xd: {  	s0 =	rddreg [dreg:$0x15]  }
0xe: {  	[tilespmem:s2], [sflag:$0x3] =	stream.linear.gather [hbm4b:s0+s2], $0x200, $0x38;
	[tilespmem:$0x10480] =	vst v63  }
0xf: {  	_ =	swait.ge [sflag:s5], $0x200  }
0x10: {  	[sflag:s5] =	ssyncset.done $0x0  }
0x11: {  	s24 =	simm.s32 $0x200;
	s25 =	rddreg [dreg:$0x16];
	[sflag:s5] =	ssyncadd.s32 $0xFFFFFE00  }
0x12: {  	[tilespmem:s24], [sflag:$0x3] =	stream.linear.gather [hbm4b:s25+s2], $0x200, $0x38;
	[tilespmem:$0x10480] =	vst v63  }
0x13: {  	_ =	swait.ge [sflag:s5], $0x200  }
0x14: {  	[sflag:s5] =	ssyncset.done $0x0  }
0x15: {  	[sflag:s5] =	ssyncadd.s32 $0xFFFFFE00  }
0x16: {  	v0 =	vld [tilespmem:s2+$0x0]  }
0x17: {  	v2 =	vld [tilespmem:s24+$0x0];
	_ =	sdelay $0x3  }
0x18: {  	v1 =	vshll.u32 v0, $0x4  }
0x19: {  	v63 =	vshll.u32 v2, $0x4;
	(v2sf) =	vpush v1, $0x0  }
0x1a: {  	(v2sf) =	vpush v63, $0x0  }
0x1b: {  	(v2sf) =	vpush v1, $0x1;
	_ =	sdelay $0x1  }
0x1c: {  	(v2sf) =	vpush v63, $0x1;
	_ =	sdelay $0x3  }
0x1d: {  	(v2sf) =	vpush v1, $0x2;
	_ =	sdelay $0x1  }
0x1e: {  	(v2sf) =	vpush v63, $0x2  }
0x1f: {  	s15 =	simm.s32 $0x2000;
	(v2sf) =	vpush v1, $0x3  }
0x20: {  	s14 =	simm.s32 $0x0;
	s6 =	simm.s32 $0x8400;
	s1 =	simm.s32 $0x880  }
0x21: {  	s7 =	simm.s32 $0x400;
	s9 =	simm.s32 $0x600;
	s10 =	simm.s32 $0x580  }
0x22: {  	s29 =	simm.s32 $0x480;
	s13 =	simm.s32 $0x500;
	s18 =	simm.s32 $0x8500  }
0x23: {  	s23 =	simm.s32 $0x8600;
	s0 =	simm.s32 $0x8900;
	s8 =	spop (v2sf);
	(v2sf) =	vpush v63, $0x3  }
0x24: {  	s5 =	simm.s32 $0x680;
	s8 =	sand.u32 $0x1FFFFFF0, s8;
	s11 =	spop (v2sf)  }
0x25: {  	(v2sf) =	vpush v1, $0x4;
	s8 =	sadd.s32 s3, s8;
	s26 =	sand.u32 $0x1FFFFFF0, s11;
	s28 =	spop (v2sf)  }
0x26: {  	(v2sf) =	vpush v63, $0x4;
	[tilespmem:s7], [sflag:$0x1] =	stream.linear.gather [hbm4b:s8+s2], $0x80, $0x38;
	[tilespmem:$0x10480] =	vst v63  }
0x27: {  	s8 =	sadd.s32 s4, s26;
	s11 =	sand.u32 $0x1FFFFFF0, s28;
	s12 =	spop (v2sf)  }
0x28: {  	(v2sf) =	vpush v1, $0x5;
	[tilespmem:s6], [sflag:$0x2] =	stream.linear.gather [hbm4b:s8+s2], $0x80, $0x38;
	[tilespmem:$0x10480] =	vst v63  }
0x29: {  	s7 =	simm.s32 $0x8580;
	s30 =	sadd.s32 s3, s11;
	s31 =	sand.u32 $0x1FFFFFF0, s12;
	(v2sf) =	vpush v63, $0x5  }
0x2a: {  	[tilespmem:s29], [sflag:$0x1] =	stream.linear.gather [hbm4b:s30+s2], $0x80, $0x38;
	[tilespmem:$0x10480] =	vst v63  }
0x2b: {  	s12 =	spop (v2sf);
	s8 =	simm.s32 $0x8480;
	s11 =	sadd.s32 s4, s31;
	(v2sf) =	vpush v1, $0x6  }
0x2c: {  	[tilespmem:s8], [sflag:$0x2] =	stream.linear.gather [hbm4b:s11+s2], $0x80, $0x38;
	[tilespmem:$0x10480] =	vst v63  }
0x2d: {  	s16 =	spop (v2sf);
	s31 =	simm.s32 $0x700;
	s8 =	sand.u32 $0x1FFFFFF0, s12  }
0x2e: {  	s17 =	spop (v2sf);
	s11 =	sand.u32 $0x1FFFFFF0, s16;
	s8 =	sadd.s32 s3, s8  }
0x2f: {  	(v2sf) =	vpush v63, $0x6;
	[tilespmem:s13], [sflag:$0x1] =	stream.linear.gather [hbm4b:s8+s2], $0x80, $0x38;
	[tilespmem:$0x10480] =	vst v63  }
0x30: {  	s20 =	sand.u32 $0x1FFFFFF0, s17;
	s29 =	simm.s32 $0x8680;
	s19 =	sadd.s32 s4, s11  }
0x31: {  	[tilespmem:s18], [sflag:$0x2] =	stream.linear.gather [hbm4b:s19+s2], $0x80, $0x38;
	[tilespmem:$0x10480] =	vst v63  }
0x32: {  	s22 =	sadd.s32 s3, s20;
	s20 =	simm.s32 $0x8700;
	s21 =	spop (v2sf)  }
0x33: {  	(v2sf) =	vpush v1, $0x7;
	[tilespmem:s10], [sflag:$0x1] =	stream.linear.gather [hbm4b:s22+s2], $0x80, $0x38;
	[tilespmem:$0x10480] =	vst v63  }
0x34: {  	s12 =	simm.s32 $0x8A00;
	s6 =	sand.u32 $0x1FFFFFF0, s21;
	s24 =	spop (v2sf)  }
0x35: {  	s13 =	simm.s32 $0xA80;
	(v2sf) =	vpush v63, $0x7;
	s6 =	sadd.s32 s4, s6;
	s25 =	spop (v2sf)  }
0x36: {  	(v2sf) =	vpush v1, $0x8;
	[tilespmem:s7], [sflag:$0x2] =	stream.linear.gather [hbm4b:s6+s2], $0x80, $0x38;
	[tilespmem:$0x10480] =	vst v63  }
0x37: {  	s10 =	sand.u32 $0x1FFFFFF0, s24;
	s28 =	sand.u32 $0x1FFFFFF0, s25;
	s30 =	spop (v2sf)  }
0x38: {  	s26 =	sadd.s32 s3, s10;
	(v2sf) =	vpush v63, $0x8;
	s7 =	sadd.s32 s4, s28;
	s10 =	spop (v2sf)  }
0x39: {  	(v2sf) =	vpush v1, $0x9;
	[tilespmem:s9], [sflag:$0x1] =	stream.linear.gather [hbm4b:s26+s2], $0x80, $0x38;
	[tilespmem:$0x10480] =	vst v63  }
0x3a: {  	s9 =	sand.u32 $0x1FFFFFF0, s30;
	s11 =	spop (v2sf);
	s26 =	simm.s32 $0x8780  }
0x3b: {  	(v2sf) =	vpush v63, $0x9;
	[tilespmem:s23], [sflag:$0x2] =	stream.linear.gather [hbm4b:s7+s2], $0x80, $0x38;
	[tilespmem:$0x10480] =	vst v63  }
0x3c: {  	s8 =	sadd.s32 s3, s9;
	s9 =	sand.u32 $0x1FFFFFF0, s10;
	s17 =	sand.u32 $0x1FFFFFF0, s11;
	(v2sf) =	vpush v1, $0xA  }
0x3d: {  	[tilespmem:s5], [sflag:$0x1] =	stream.linear.gather [hbm4b:s8+s2], $0x80, $0x38;
	[tilespmem:$0x10480] =	vst v63  }
0x3e: {  	s10 =	simm.s32 $0x8A80;
	s18 =	spop (v2sf);
	s16 =	sadd.s32 s4, s9;
	(v2sf) =	vpush v63, $0xA  }
0x3f: {  	[tilespmem:s29], [sflag:$0x2] =	stream.linear.gather [hbm4b:s16+s2], $0x80, $0x38;
	[tilespmem:$0x10480] =	vst v63  }
0x40: {  	s11 =	simm.s32 $0x8880;
	s19 =	sadd.s32 s3, s17;
	s6 =	sand.u32 $0x1FFFFFF0, s18  }
0x41: {  	[tilespmem:s31], [sflag:$0x1] =	stream.linear.gather [hbm4b:s19+s2], $0x80, $0x38;
	[tilespmem:$0x10480] =	vst v63  }
0x42: {  	s23 =	simm.s32 $0x780;
	s6 =	sadd.s32 s4, s6;
	s21 =	spop (v2sf)  }
0x43: {  	[tilespmem:s20], [sflag:$0x2] =	stream.linear.gather [hbm4b:s6+s2], $0x80, $0x38;
	[tilespmem:$0x10480] =	vst v63  }
0x44: {  	s17 =	simm.s32 $0x900;
	(v2sf) =	vpush v1, $0xB;
	s8 =	sand.u32 $0x1FFFFFF0, s21;
	s22 =	spop (v2sf)  }
0x45: {  	s5 =	simm.s32 $0x8980;
	s24 =	sadd.s32 s3, s8;
	s28 =	spop (v2sf)  }
0x46: {  	[tilespmem:s23], [sflag:$0x1] =	stream.linear.gather [hbm4b:s24+s2], $0x80, $0x38;
	[tilespmem:$0x10480] =	vst v63  }
0x47: {  	s29 =	simm.s32 $0x800;
	s25 =	sand.u32 $0x1FFFFFF0, s22;
	s30 =	spop (v2sf)  }
0x48: {  	(v2sf) =	vpush v63, $0xB;
	s8 =	sadd.s32 s4, s25;
	s7 =	sand.u32 $0x1FFFFFF0, s28;
	s31 =	spop (v2sf)  }
0x49: {  	(v2sf) =	vpush v1, $0xC;
	[tilespmem:s26], [sflag:$0x2] =	stream.linear.gather [hbm4b:s8+s2], $0x80, $0x38;
	[tilespmem:$0x10480] =	vst v63  }
0x4a: {  	s7 =	sadd.s32 s3, s7;
	s8 =	sand.u32 $0x1FFFFFF0, s30;
	s16 =	spop (v2sf)  }
0x4b: {  	(v2sf) =	vpush v63, $0xC;
	s9 =	sand.u32 $0x1FFFFFF0, s31;
	s26 =	simm.s32 $0x980;
	s18 =	spop (v2sf)  }
0x4c: {  	[tilespmem:s29], [sflag:$0x1] =	stream.linear.gather [hbm4b:s7+s2], $0x80, $0x38;
	[tilespmem:$0x10480] =	vst v63  }
0x4d: {  	s8 =	sadd.s32 s4, s8;
	s7 =	simm.s32 $0x8800;
	s19 =	spop (v2sf)  }
0x4e: {  	[tilespmem:s7], [sflag:$0x2] =	stream.linear.gather [hbm4b:s8+s2], $0x80, $0x38;
	[tilespmem:$0x10480] =	vst v63  }
0x4f: {  	s21 =	sand.u32 $0x1FFFFFF0, s19;
	s8 =	sadd.s32 s3, s9;
	s7 =	sand.u32 $0x1FFFFFF0, s16  }
0x50: {  	[tilespmem:s1], [sflag:$0x1] =	stream.linear.gather [hbm4b:s8+s2], $0x80, $0x38;
	[tilespmem:$0x10480] =	vst v63  }
0x51: {  	s19 =	simm.s32 $0x10;
	s7 =	sadd.s32 s4, s7;
	s8 =	sand.u32 $0x1FFFFFF0, s18  }
0x52: {  	[tilespmem:s11], [sflag:$0x2] =	stream.linear.gather [hbm4b:s7+s2], $0x80, $0x38;
	[tilespmem:$0x10480] =	vst v63  }
0x53: {  	s23 =	sadd.s32 s4, s21;
	s20 =	sadd.s32 s3, s8;
	s22 =	spop (v2sf)  }
0x54: {  	[tilespmem:s17], [sflag:$0x1] =	stream.linear.gather [hbm4b:s20+s2], $0x80, $0x38;
	[tilespmem:$0x10480] =	vst v63  }
0x55: {  	s21 =	simm.s32 $0x8B00;
	s20 =	simm.s32 $0x210;
	s24 =	sand.u32 $0x1FFFFFF0, s22  }
0x56: {  	(v2sf) =	vpush v1, $0xD;
	[tilespmem:s0], [sflag:$0x2] =	stream.linear.gather [hbm4b:s23+s2], $0x80, $0x38;
	[tilespmem:$0x10480] =	vst v63  }
0x57: {  	s25 =	spop (v2sf);
	(v2sf) =	vpush v63, $0xD;
	s22 =	simm.s32 $0xB00;
	s28 =	sadd.s32 s3, s24  }
0x58: {  	s29 =	sand.u32 $0x1FFFFFF0, s25;
	s23 =	simm.s32 $0xA00;
	(v2sf) =	vpush v1, $0xE;
	s31 =	spop (v2sf)  }
0x59: {  	(v2sf) =	vpush v63, $0xE;
	[tilespmem:s26], [sflag:$0x1] =	stream.linear.gather [hbm4b:s28+s2], $0x80, $0x38;
	[tilespmem:$0x10480] =	vst v63  }
0x5a: {  	s30 =	sadd.s32 s4, s29;
	(v2sf) =	vpush v1, $0xF;
	s0 =	sand.u32 $0x1FFFFFF0, s31;
	s1 =	spop (v2sf)  }
0x5b: {  	(v2sf) =	vpush v63, $0xF;
	[tilespmem:s5], [sflag:$0x2] =	stream.linear.gather [hbm4b:s30+s2], $0x80, $0x38;
	[tilespmem:$0x10480] =	vst v63  }
.LBB2_2:
0x5c: {  	_ =	sdelay $0x4  }
0x5d: {  	s0 =	sadd.s32 s3, s0;
	s1 =	sand.u32 $0x1FFFFFF0, s1  }
0x5e: {  	[tilespmem:s23], [sflag:$0x1] =	stream.linear.gather [hbm4b:s0+s2], $0x80, $0x38;
	[tilespmem:$0x10480] =	vst v63  }
0x5f: {  	s25 =	sadd.s32 s4, s1  }
0x60: {  	[tilespmem:s12], [sflag:$0x2] =	stream.linear.gather [hbm4b:s25+s2], $0x80, $0x38;
	[tilespmem:$0x10480] =	vst v63  }
0x61: {  	s5 =	spop (v2sf)  }
0x62: {  	s26 =	sand.u32 $0x1FFFFFF0, s5;
	s28 =	spop (v2sf)  }
0x63: {  	s29 =	sadd.s32 s3, s26;
	s30 =	sand.u32 $0x1FFFFFF0, s28;
	s31 =	spop (v2sf)  }
0x64: {  	[tilespmem:s13], [sflag:$0x1] =	stream.linear.gather [hbm4b:s29+s2], $0x80, $0x38;
	[tilespmem:$0x10480] =	vst v63  }
0x65: {  	s6 =	sadd.s32 s4, s30;
	s7 =	sand.u32 $0x1FFFFFF0, s31;
	s8 =	spop (v2sf)  }
0x66: {  	[tilespmem:s10], [sflag:$0x2] =	stream.linear.gather [hbm4b:s6+s2], $0x80, $0x38;
	[tilespmem:$0x10480] =	vst v63  }
0x67: {  	s9 =	sadd.s32 s3, s7;
	s11 =	spop (v2sf);
	s10 =	sand.u32 $0x1FFFFFF0, s8  }
0x68: {  	[tilespmem:s22], [sflag:$0x1] =	stream.linear.gather [hbm4b:s9+s2], $0x80, $0x38;
	[tilespmem:$0x10480] =	vst v63  }
0x69: {  	s13 =	sand.u32 $0x1FFFFFF0, s11;
	s16 =	spop (v2sf);
	s12 =	sadd.s32 s4, s10  }
0x6a: {  	[tilespmem:s21], [sflag:$0x2] =	stream.linear.gather [hbm4b:s12+s2], $0x80, $0x38;
	[tilespmem:$0x10480] =	vst v63  }
0x6b: {  	s17 =	sadd.s32 $0xB80, s14;
	s1 =	sadd.s32 s3, s13;
	s5 =	sand.u32 $0x1FFFFFF0, s16  }
0x6c: {  	[tilespmem:s17], [sflag:$0x1] =	stream.linear.gather [hbm4b:s1+s2], $0x80, $0x38;
	[tilespmem:$0x10480] =	vst v63  }
0x6d: {  	s18 =	sadd.s32 $0x8B80, s14;
	s21 =	sadd.s32 s4, s5  }
0x6e: {  	[tilespmem:s18], [sflag:$0x2] =	stream.linear.gather [hbm4b:s21+s2], $0x80, $0x38;
	[tilespmem:$0x10480] =	vst v63  }
0x6f: {  	v0 =	vld [tilespmem:s19+$0x0]  }
0x70: {  	v2 =	vld [tilespmem:s20+$0x0];
	_ =	sdelay $0x3  }
0x71: {  	v1 =	vshll.u32 v0, $0x4  }
0x72: {  	s22 =	smov.u32 s15;
	v63 =	vshll.u32 v2, $0x4;
	(v2sf) =	vpush v1, $0x0  }
0x73: {  	s14 =	sshra.s32 s22, $0x2;
	(v2sf) =	vpush v63, $0x0  }
0x74: {  	p0 =	sne.s32 s15, $0x1E000;
	s15 =	sadd.s32 $0x2000, s15;
	s25 =	sadd.s32 $0x8400, s14;
	(v2sf) =	vpush v1, $0x1  }
0x75: {  	s0 =	sadd.s32 $0x680, s14;
	s23 =	sadd.s32 $0x880, s14;
	s28 =	sadd.s32 $0x400, s14  }
0x76: {  	s9 =	sadd.s32 $0x600, s14;
	s24 =	sadd.s32 $0x8900, s14;
	s11 =	sadd.s32 $0x580, s14;
	(v2sf) =	vpush v63, $0x1  }
0x77: {  	s10 =	sadd.s32 $0x8580, s14;
	s26 =	sadd.s32 $0x8A00, s14;
	s31 =	sadd.s32 $0x8600, s14  }
0x78: {  	s13 =	sadd.s32 $0xA80, s14;
	s16 =	sadd.s32 $0x8500, s14;
	[dreg:$0x7] =	wrdreg s23;
	(v2sf) =	vpush v1, $0x2  }
0x79: {  	s8 =	sadd.s32 $0x8680, s14;
	s7 =	sadd.s32 $0x700, s14;
	[dreg:$0x3] =	wrdreg s24  }
0x7a: {  	s29 =	sadd.s32 $0x8980, s14;
	s6 =	sadd.s32 $0x8700, s14;
	[dreg:$0xe] =	wrdreg s26;
	(v2sf) =	vpush v63, $0x2  }
0x7b: {  	s30 =	sadd.s32 $0x8880, s14;
	s12 =	sadd.s32 $0x900, s14;
	[dreg:$0x5] =	wrdreg s29  }
0x7c: {  	s5 =	sadd.s32 $0x780, s14;
	s22 =	sadd.s32 $0xB00, s14;
	[dreg:$0xb] =	wrdreg s30;
	(v2sf) =	vpush v1, $0x3  }
0x7d: {  	s24 =	sadd.s32 $0x500, s14;
	s26 =	sadd.s32 $0x8480, s14;
	[dreg:$0x9] =	wrdreg s12  }
0x7e: {  	s23 =	sadd.s32 $0xA00, s14;
	s29 =	sadd.s32 $0x480, s14;
	s17 =	sadd.s32 $0x8800, s14;
	(v2sf) =	vpush v63, $0x3  }
0x7f: {  	s12 =	sadd.s32 $0x8780, s14;
	[dreg:$0x10] =	wrdreg s17;
	s17 =	sadd.s32 $0x800, s14  }
0x80: {  	s1 =	sadd.s32 $0x8A80, s14;
	[dreg:$0x12] =	wrdreg s17;
	s21 =	sadd.s32 $0x8B00, s14;
	(v2sf) =	vpush v1, $0x4  }
0x81: {  	s18 =	sadd.s32 $0x980, s14;
	s19 =	sadd.s32 $0x10, s19;
	s30 =	spop (v2sf)  }
0x82: {  	[dreg:$0xd] =	wrdreg s18;
	s30 =	sand.u32 $0x1FFFFFF0, s30;
	s18 =	spop (v2sf);
	(v2sf) =	vpush v63, $0x4  }
0x83: {  	s30 =	sadd.s32 s3, s30;
	s17 =	sand.u32 $0x1FFFFFF0, s18;
	s18 =	spop (v2sf)  }
0x84: {  	(v2sf) =	vpush v1, $0x5;
	[tilespmem:s28], [sflag:$0x1] =	stream.linear.gather [hbm4b:s30+s2], $0x80, $0x38;
	[tilespmem:$0x10480] =	vst v63  }
0x85: {  	s17 =	sadd.s32 s4, s17;
	s18 =	sand.u32 $0x1FFFFFF0, s18;
	s30 =	spop (v2sf);
	(v2sf) =	vpush v63, $0x5  }
0x86: {  	[tilespmem:s25], [sflag:$0x2] =	stream.linear.gather [hbm4b:s17+s2], $0x80, $0x38;
	[tilespmem:$0x10480] =	vst v63  }
0x87: {  	s28 =	sand.u32 $0x1FFFFFF0, s30;
	s30 =	spop (v2sf);
	(v2sf) =	vpush v1, $0x6;
	s25 =	sadd.s32 s3, s18  }
0x88: {  	[tilespmem:s29], [sflag:$0x1] =	stream.linear.gather [hbm4b:s25+s2], $0x80, $0x38;
	[tilespmem:$0x10480] =	vst v63  }
0x89: {  	s28 =	sadd.s32 s4, s28;
	s29 =	sand.u32 $0x1FFFFFF0, s30;
	s30 =	spop (v2sf);
	(v2sf) =	vpush v63, $0x6  }
0x8a: {  	[tilespmem:s26], [sflag:$0x2] =	stream.linear.gather [hbm4b:s28+s2], $0x80, $0x38;
	[tilespmem:$0x10480] =	vst v63  }
0x8b: {  	s28 =	sadd.s32 s3, s29;
	s29 =	sand.u32 $0x1FFFFFF0, s30;
	s30 =	spop (v2sf)  }
0x8c: {  	(v2sf) =	vpush v1, $0x7;
	[tilespmem:s24], [sflag:$0x1] =	stream.linear.gather [hbm4b:s28+s2], $0x80, $0x38;
	[tilespmem:$0x10480] =	vst v63  }
0x8d: {  	s25 =	sand.u32 $0x1FFFFFF0, s30;
	s26 =	spop (v2sf);
	s24 =	sadd.s32 s4, s29  }
0x8e: {  	(v2sf) =	vpush v63, $0x7;
	[tilespmem:s16], [sflag:$0x2] =	stream.linear.gather [hbm4b:s24+s2], $0x80, $0x38;
	[tilespmem:$0x10480] =	vst v63  }
0x8f: {  	s28 =	sadd.s32 s3, s25;
	s29 =	sand.u32 $0x1FFFFFF0, s26;
	s30 =	spop (v2sf)  }
0x90: {  	(v2sf) =	vpush v1, $0x8;
	[tilespmem:s11], [sflag:$0x1] =	stream.linear.gather [hbm4b:s28+s2], $0x80, $0x38;
	[tilespmem:$0x10480] =	vst v63  }
0x91: {  	s25 =	sand.u32 $0x1FFFFFF0, s30;
	s24 =	sadd.s32 s4, s29;
	s26 =	spop (v2sf)  }
0x92: {  	[tilespmem:s10], [sflag:$0x2] =	stream.linear.gather [hbm4b:s24+s2], $0x80, $0x38;
	[tilespmem:$0x10480] =	vst v63  }
0x93: {  	s20 =	sadd.s32 $0x10, s20;
	s28 =	sadd.s32 s3, s25;
	s30 =	spop (v2sf)  }
0x94: {  	(v2sf) =	vpush v63, $0x8;
	s29 =	sand.u32 $0x1FFFFFF0, s26;
	s10 =	smov.u32 s1;
	s24 =	spop (v2sf)  }
0x95: {  	(v2sf) =	vpush v1, $0x9;
	[tilespmem:s9], [sflag:$0x1] =	stream.linear.gather [hbm4b:s28+s2], $0x80, $0x38;
	[tilespmem:$0x10480] =	vst v63  }
0x96: {  	s17 =	sadd.s32 s4, s29;
	s18 =	sand.u32 $0x1FFFFFF0, s30;
	s28 =	spop (v2sf)  }
0x97: {  	(v2sf) =	vpush v63, $0x9;
	[tilespmem:s31], [sflag:$0x2] =	stream.linear.gather [hbm4b:s17+s2], $0x80, $0x38;
	[tilespmem:$0x10480] =	vst v63  }
0x98: {  	s25 =	sadd.s32 s3, s18;
	s26 =	sand.u32 $0x1FFFFFF0, s24;
	s31 =	spop (v2sf)  }
0x99: {  	[tilespmem:s0], [sflag:$0x1] =	stream.linear.gather [hbm4b:s25+s2], $0x80, $0x38;
	[tilespmem:$0x10480] =	vst v63  }
0x9a: {  	s29 =	sadd.s32 s4, s26;
	s30 =	sand.u32 $0x1FFFFFF0, s28;
	s16 =	sand.u32 $0x1FFFFFF0, s31  }
0x9b: {  	(v2sf) =	vpush v1, $0xA;
	s11 =	sadd.s32 s3, s30;
	s17 =	spop (v2sf);
	s18 =	sadd.s32 s4, s16  }
0x9c: {  	[tilespmem:s8], [sflag:$0x2] =	stream.linear.gather [hbm4b:s29+s2], $0x80, $0x38;
	[tilespmem:$0x10480] =	vst v63  }
0x9d: {  	(v2sf) =	vpush v63, $0xA;
	s24 =	sand.u32 $0x1FFFFFF0, s17;
	s25 =	spop (v2sf);
	s8 =	rddreg [dreg:$0x12]  }
0x9e: {  	[tilespmem:s7], [sflag:$0x1] =	stream.linear.gather [hbm4b:s11+s2], $0x80, $0x38;
	[tilespmem:$0x10480] =	vst v63  }
0x9f: {  	(v2sf) =	vpush v1, $0xB;
	s17 =	rddreg [dreg:$0x10];
	s28 =	sand.u32 $0x1FFFFFF0, s25;
	s29 =	spop (v2sf)  }
0xa0: {  	[tilespmem:s6], [sflag:$0x2] =	stream.linear.gather [hbm4b:s18+s2], $0x80, $0x38;
	[tilespmem:$0x10480] =	vst v63  }
0xa1: {  	s26 =	sadd.s32 s3, s24;
	s30 =	sadd.s32 s4, s28;
	s31 =	sand.u32 $0x1FFFFFF0, s29  }
0xa2: {  	[tilespmem:s5], [sflag:$0x1] =	stream.linear.gather [hbm4b:s26+s2], $0x80, $0x38;
	[tilespmem:$0x10480] =	vst v63  }
0xa3: {  	(v2sf) =	vpush v63, $0xB;
	s1 =	spop (v2sf);
	s5 =	sadd.s32 s3, s31;
	s26 =	rddreg [dreg:$0x7]  }
0xa4: {  	(v2sf) =	vpush v1, $0xC;
	s31 =	rddreg [dreg:$0xb];
	s6 =	sand.u32 $0x1FFFFFF0, s1;
	s7 =	spop (v2sf)  }
0xa5: {  	[tilespmem:s12], [sflag:$0x2] =	stream.linear.gather [hbm4b:s30+s2], $0x80, $0x38;
	[tilespmem:$0x10480] =	vst v63  }
0xa6: {  	(v2sf) =	vpush v63, $0xC;
	s12 =	rddreg [dreg:$0xe];
	s11 =	sand.u32 $0x1FFFFFF0, s7;
	s16 =	spop (v2sf)  }
0xa7: {  	[tilespmem:s8], [sflag:$0x1] =	stream.linear.gather [hbm4b:s5+s2], $0x80, $0x38;
	[tilespmem:$0x10480] =	vst v63  }
0xa8: {  	s9 =	sadd.s32 s4, s6;
	s18 =	sadd.s32 s3, s11;
	s24 =	sand.u32 $0x1FFFFFF0, s16  }
0xa9: {  	[tilespmem:s17], [sflag:$0x2] =	stream.linear.gather [hbm4b:s9+s2], $0x80, $0x38;
	[tilespmem:$0x10480] =	vst v63  }
0xaa: {  	s25 =	spop (v2sf);
	s11 =	rddreg [dreg:$0x9];
	s28 =	sadd.s32 s4, s24  }
0xab: {  	[tilespmem:s26], [sflag:$0x1] =	stream.linear.gather [hbm4b:s18+s2], $0x80, $0x38;
	[tilespmem:$0x10480] =	vst v63  }
0xac: {  	s29 =	sand.u32 $0x1FFFFFF0, s25;
	s24 =	rddreg [dreg:$0x3];
	s30 =	spop (v2sf)  }
0xad: {  	[tilespmem:s31], [sflag:$0x2] =	stream.linear.gather [hbm4b:s28+s2], $0x80, $0x38;
	[tilespmem:$0x10480] =	vst v63  }
0xae: {  	s7 =	sadd.s32 s3, s29;
	s8 =	sand.u32 $0x1FFFFFF0, s30;
	s9 =	spop (v2sf)  }
0xaf: {  	[tilespmem:s11], [sflag:$0x1] =	stream.linear.gather [hbm4b:s7+s2], $0x80, $0x38;
	[tilespmem:$0x10480] =	vst v63  }
0xb0: {  	s29 =	rddreg [dreg:$0xd];
	s16 =	sadd.s32 s4, s8;
	s17 =	sand.u32 $0x1FFFFFF0, s9  }
0xb1: {  	(v2sf) =	vpush v1, $0xD;
	[tilespmem:s24], [sflag:$0x2] =	stream.linear.gather [hbm4b:s16+s2], $0x80, $0x38;
	[tilespmem:$0x10480] =	vst v63  }
.Ltmp0:
0xb2: {  	(v2sf) =	vpush v63, $0xD;
	s18 =	spop (v2sf);
	s25 =	sadd.s32 s3, s17;
	(pc) =	sbr.rel @p0 .LBB2_2-.Ltmp0, $4  }
0xb3: {  	(v2sf) =	vpush v1, $0xE;
	s26 =	sand.u32 $0x1FFFFFF0, s18;
	s28 =	spop (v2sf);
	s31 =	rddreg [dreg:$0x5]  }
0xb4: {  	(v2sf) =	vpush v63, $0xE;
	[tilespmem:s29], [sflag:$0x1] =	stream.linear.gather [hbm4b:s25+s2], $0x80, $0x38;
	[tilespmem:$0x10480] =	vst v63  }
0xb5: {  	(v2sf) =	vpush v1, $0xF;
	s30 =	sadd.s32 s4, s26;
	s0 =	sand.u32 $0x1FFFFFF0, s28;
	s1 =	spop (v2sf)  }
0xb6: {  	(v2sf) =	vpush v63, $0xF;
	[tilespmem:s31], [sflag:$0x2] =	stream.linear.gather [hbm4b:s30+s2], $0x80, $0x38;
	[tilespmem:$0x10480] =	vst v63  }
0xb7: {  	_ =	sdelay $0x4  }
0xb8: {  	s0 =	sadd.s32 s3, s0;
	s1 =	sand.u32 $0x1FFFFFF0, s1  }
0xb9: {  	[tilespmem:s23], [sflag:$0x1] =	stream.linear.gather [hbm4b:s0+s2], $0x80, $0x38;
	[tilespmem:$0x10480] =	vst v63  }
0xba: {  	s8 =	sadd.s32 s4, s1  }
0xbb: {  	[tilespmem:s12], [sflag:$0x2] =	stream.linear.gather [hbm4b:s8+s2], $0x80, $0x38;
	[tilespmem:$0x10480] =	vst v63  }
0xbc: {  	s5 =	spop (v2sf)  }
0xbd: {  	s9 =	sand.u32 $0x1FFFFFF0, s5;
	s11 =	spop (v2sf)  }
0xbe: {  	s12 =	sadd.s32 s3, s9;
	s15 =	sand.u32 $0x1FFFFFF0, s11;
	s16 =	spop (v2sf)  }
0xbf: {  	[tilespmem:s13], [sflag:$0x1] =	stream.linear.gather [hbm4b:s12+s2], $0x80, $0x38;
	[tilespmem:$0x10480] =	vst v63  }
0xc0: {  	s17 =	sadd.s32 s4, s15;
	s18 =	sand.u32 $0x1FFFFFF0, s16;
	s19 =	spop (v2sf)  }
0xc1: {  	[tilespmem:s10], [sflag:$0x2] =	stream.linear.gather [hbm4b:s17+s2], $0x80, $0x38;
	[tilespmem:$0x10480] =	vst v63  }
0xc2: {  	s20 =	sadd.s32 s3, s18;
	s23 =	sand.u32 $0x1FFFFFF0, s19;
	s24 =	spop (v2sf)  }
0xc3: {  	[tilespmem:s22], [sflag:$0x1] =	stream.linear.gather [hbm4b:s20+s2], $0x80, $0x38;
	[tilespmem:$0x10480] =	vst v63  }
0xc4: {  	s25 =	sadd.s32 s4, s23;
	s26 =	sand.u32 $0x1FFFFFF0, s24;
	s28 =	spop (v2sf)  }
0xc5: {  	[tilespmem:s21], [sflag:$0x2] =	stream.linear.gather [hbm4b:s25+s2], $0x80, $0x38;
	[tilespmem:$0x10480] =	vst v63  }
0xc6: {  	s29 =	sadd.s32 $0xB80, s14;
	s1 =	sadd.s32 s3, s26;
	s5 =	sand.u32 $0x1FFFFFF0, s28  }
0xc7: {  	[tilespmem:s29], [sflag:$0x1] =	stream.linear.gather [hbm4b:s1+s2], $0x80, $0x38;
	[tilespmem:$0x10480] =	vst v63  }
0xc8: {  	s30 =	sadd.s32 $0x8B80, s14;
	s31 =	sadd.s32 s4, s5;
	s1 =	simm.s32 $0x1  }
0xc9: {  	[tilespmem:s30], [sflag:$0x2] =	stream.linear.gather [hbm4b:s31+s2], $0x80, $0x38;
	[tilespmem:$0x10480] =	vst v63  }
0xca: {  	_ =	swait.ge [sflag:s1], $0x80  }
0xcb: {  	[sflag:s1] =	ssyncset.done $0x0  }
0xcc: {  	s5 =	simm.s32 $0x2;
	[sflag:s1] =	ssyncadd.s32 $0xFFFFFF80  }
0xcd: {  	_ =	swait.ge [sflag:s5], $0x80  }
0xce: {  	s0 =	simm.s32 $0xFF;
	[sflag:s5] =	ssyncset.done $0x0  }
.LBB2_4:
0xcf: {  	p0 =	sne.s32 s0, $0x1;
	s0 =	sadd.s32 $0xFFFFFFFF, s0;
	[sflag:s5] =	ssyncadd.s32 $0xFFFFFF80  }
.Ltmp1:
0xd0: {  	_ =	swait.ge [sflag:s1], $0x80;
	(pc) =	sbr.rel @p0 .LBB2_4-.Ltmp1, $4  }
0xd1: {  	[sflag:s1] =	ssyncset.done $0x0  }
0xd2: {  	[sflag:s1] =	ssyncadd.s32 $0xFFFFFF80  }
0xd3: {  	_ =	swait.ge [sflag:s5], $0x80  }
0xd4: {  	[sflag:s5] =	ssyncset.done $0x0  }
0xd5: {  	[sflag:s5] =	ssyncadd.s32 $0xFFFFFF80;
	s0 =	simm.s32 $0x0  }
0xd6: {  	v0 =	vld [tilespmem:s0+$0x400]  }
0xd7: {  	v1 =	vld [tilespmem:s0+$0x8400]  }
0xd8: {  	v2 =	vld [tilespmem:s0+$0x410]  }
0xd9: {  	v4 =	vld [tilespmem:s0+$0x8410]  }
0xda: {  	v3 =	vld [tilespmem:s0+$0x420]  }
0xdb: {  	v6 =	vld [tilespmem:s0+$0x8420]  }
0xdc: {  	v5 =	vld [tilespmem:s0+$0x8430];
	v7 =	vmul.f32 v1, v0  }
0xdd: {  	v8 =	vimm.f32 $0.0e+00;
	s5 =	simm.s32 $0x80;
	v0 =	vld [tilespmem:s0+$0x430]  }
0xde: {  	v1 =	vld [tilespmem:s5+$0x400];
	s0 =	simm.s32 $0x400;
	v10 =	vmul.f32 v4, v2;
	v7 =	vadd.f32 v7, v8  }
.LBB2_6:
0xdf: {  	p0 =	sne.s32 s0, $0x1FE00;
	v2 =	vld [tilespmem:s5+$0x8400]  }
0xe0: {  	v4 =	vld [tilespmem:s5+$0x410];
	v7 =	vadd.f32 v10, v7;
	v6 =	vmul.f32 v6, v3  }
0xe1: {  	v8 =	vld [tilespmem:s5+$0x8410]  }
.Ltmp2:
0xe2: {  	v3 =	vld [tilespmem:s5+$0x420];
	v7 =	vadd.f32 v6, v7;
	v5 =	vmul.f32 v5, v0;
	(pc) =	sbr.rel @p0 .LBB2_6-.Ltmp2, $4  }
0xe3: {  	v6 =	vld [tilespmem:s5+$0x8420]  }
0xe4: {  	v2 =	vmul.f32 v2, v1;
	v0 =	vld [tilespmem:s5+$0x430];
	v7 =	vadd.f32 v5, v7  }
0xe5: {  	v5 =	vld [tilespmem:s5+$0x8430];
	s5 =	sshra.s32 s0, $0x2  }
0xe6: {  	s0 =	sadd.s32 $0x200, s0;
	v1 =	vld [tilespmem:s5+$0x400];
	v7 =	vadd.f32 v2, v7;
	v10 =	vmul.f32 v8, v4  }
0xe7: {  	s0 =	simm.s32 $0x100  }
0xe8: {  	s24 =	simm.s32 $0x300;
	v2 =	vld [tilespmem:s0+$0x0]  }
0xe9: {  	v8 =	vld [tilespmem:s24+$0x0];
	_ =	sdelay $0x3  }
0xea: {  	v4 =	vshll.u32 v2, $0x4  }
0xeb: {  	v2 =	vshll.u32 v8, $0x4;
	(v2sf) =	vpush v4, $0x0  }
0xec: {  	(v2sf) =	vpush v2, $0x0  }
0xed: {  	(v2sf) =	vpush v4, $0x1;
	_ =	sdelay $0x1  }
0xee: {  	(v2sf) =	vpush v2, $0x1;
	_ =	sdelay $0x3  }
0xef: {  	(v2sf) =	vpush v4, $0x2;
	_ =	sdelay $0x1  }
0xf0: {  	(v2sf) =	vpush v2, $0x2  }
0xf1: {  	s15 =	simm.s32 $0x2000;
	(v2sf) =	vpush v4, $0x3  }
0xf2: {  	v15 =	vld [tilespmem:s5+$0x8400];
	s14 =	simm.s32 $0x0;
	s6 =	simm.s32 $0x8400;
	s1 =	simm.s32 $0x680  }
0xf3: {  	v11 =	vld [tilespmem:s5+$0x410];
	s7 =	simm.s32 $0x400;
	s9 =	simm.s32 $0x600;
	s19 =	simm.s32 $0x8900  }
0xf4: {  	v13 =	vld [tilespmem:s5+$0x8410];
	s25 =	simm.s32 $0x580;
	s29 =	simm.s32 $0x480;
	s12 =	simm.s32 $0x500  }
0xf5: {  	v63 =	vld [tilespmem:s5+$0x420];
	s17 =	simm.s32 $0x8500;
	s23 =	simm.s32 $0x8600;
	s8 =	spop (v2sf);
	(v2sf) =	vpush v2, $0x3  }
0xf6: {  	v12 =	vld [tilespmem:s5+$0x8420];
	s0 =	simm.s32 $0x880;
	s8 =	sand.u32 $0x1FFFFFF0, s8;
	s10 =	spop (v2sf)  }
0xf7: {  	v9 =	vld [tilespmem:s5+$0x430];
	(v2sf) =	vpush v4, $0x4;
	s8 =	sadd.s32 s3, s8;
	s26 =	sand.u32 $0x1FFFFFF0, s10;
	s28 =	spop (v2sf)  }
0xf8: {  	v14 =	vld [tilespmem:s5+$0x8430];
	(v2sf) =	vpush v2, $0x4;
	[tilespmem:s7], [sflag:$0x1] =	stream.linear.gather [hbm4b:s8+s2], $0x80, $0x38  }
0xf9: {  	s8 =	sadd.s32 s4, s26;
	s10 =	sand.u32 $0x1FFFFFF0, s28;
	s11 =	spop (v2sf)  }
0xfa: {  	(v2sf) =	vpush v4, $0x5;
	[tilespmem:s6], [sflag:$0x2] =	stream.linear.gather [hbm4b:s8+s2], $0x80, $0x38;
	[tilespmem:$0x10480] =	vst v63  }
0xfb: {  	s7 =	simm.s32 $0x8580;
	s30 =	sadd.s32 s3, s10;
	s31 =	sand.u32 $0x1FFFFFF0, s11  }
0xfc: {  	(v2sf) =	vpush v2, $0x5;
	[tilespmem:s29], [sflag:$0x1] =	stream.linear.gather [hbm4b:s30+s2], $0x80, $0x38;
	[tilespmem:$0x10480] =	vst v63  }
0xfd: {  	s11 =	spop (v2sf);
	s8 =	simm.s32 $0x8480;
	s10 =	sadd.s32 s4, s31;
	(v2sf) =	vpush v4, $0x6  }
0xfe: {  	[tilespmem:s8], [sflag:$0x2] =	stream.linear.gather [hbm4b:s10+s2], $0x80, $0x38;
	[tilespmem:$0x10480] =	vst v63  }
0xff: {  	s13 =	spop (v2sf);
	s31 =	simm.s32 $0x700;
	s8 =	sand.u32 $0x1FFFFFF0, s11  }
0x100: {  	s16 =	spop (v2sf);
	s10 =	sand.u32 $0x1FFFFFF0, s13;
	s8 =	sadd.s32 s3, s8  }
0x101: {  	(v2sf) =	vpush v2, $0x6;
	[tilespmem:s12], [sflag:$0x1] =	stream.linear.gather [hbm4b:s8+s2], $0x80, $0x38;
	[tilespmem:$0x10480] =	vst v63  }
0x102: {  	s20 =	sand.u32 $0x1FFFFFF0, s16;
	s29 =	simm.s32 $0x8680;
	s18 =	sadd.s32 s4, s10  }
0x103: {  	[tilespmem:s17], [sflag:$0x2] =	stream.linear.gather [hbm4b:s18+s2], $0x80, $0x38;
	[tilespmem:$0x10480] =	vst v63  }
0x104: {  	s22 =	sadd.s32 s3, s20;
	s20 =	simm.s32 $0x8700;
	s21 =	spop (v2sf)  }
0x105: {  	(v2sf) =	vpush v4, $0x7;
	[tilespmem:s25], [sflag:$0x1] =	stream.linear.gather [hbm4b:s22+s2], $0x80, $0x38;
	[tilespmem:$0x10480] =	vst v63  }
0x106: {  	s11 =	simm.s32 $0x8A00;
	s6 =	sand.u32 $0x1FFFFFF0, s21;
	s24 =	spop (v2sf)  }
0x107: {  	(v2sf) =	vpush v2, $0x7;
	s6 =	sadd.s32 s4, s6;
	s8 =	sand.u32 $0x1FFFFFF0, s24;
	s25 =	spop (v2sf)  }
0x108: {  	(v2sf) =	vpush v4, $0x8;
	[tilespmem:s7], [sflag:$0x2] =	stream.linear.gather [hbm4b:s6+s2], $0x80, $0x38;
	[tilespmem:$0x10480] =	vst v63  }
0x109: {  	s26 =	sadd.s32 s3, s8;
	s28 =	sand.u32 $0x1FFFFFF0, s25;
	s30 =	spop (v2sf)  }
0x10a: {  	(v2sf) =	vpush v2, $0x8;
	[tilespmem:s9], [sflag:$0x1] =	stream.linear.gather [hbm4b:s26+s2], $0x80, $0x38;
	[tilespmem:$0x10480] =	vst v63  }
0x10b: {  	s12 =	simm.s32 $0xA80;
	s7 =	sadd.s32 s4, s28;
	(v2sf) =	vpush v4, $0x9;
	s9 =	spop (v2sf)  }
0x10c: {  	s8 =	sand.u32 $0x1FFFFFF0, s30;
	s26 =	simm.s32 $0x8780;
	s10 =	spop (v2sf)  }
0x10d: {  	(v2sf) =	vpush v2, $0x9;
	[tilespmem:s23], [sflag:$0x2] =	stream.linear.gather [hbm4b:s7+s2], $0x80, $0x38;
	[tilespmem:$0x10480] =	vst v63  }
0x10e: {  	(v2sf) =	vpush v4, $0xA;
	s7 =	sadd.s32 s3, s8;
	s8 =	sand.u32 $0x1FFFFFF0, s9;
	s16 =	sand.u32 $0x1FFFFFF0, s10  }
0x10f: {  	[tilespmem:s1], [sflag:$0x1] =	stream.linear.gather [hbm4b:s7+s2], $0x80, $0x38;
	[tilespmem:$0x10480] =	vst v63  }
0x110: {  	s9 =	simm.s32 $0x8A80;
	s17 =	spop (v2sf);
	(v2sf) =	vpush v2, $0xA;
	s13 =	sadd.s32 s4, s8  }
0x111: {  	[tilespmem:s29], [sflag:$0x2] =	stream.linear.gather [hbm4b:s13+s2], $0x80, $0x38;
	[tilespmem:$0x10480] =	vst v63  }
0x112: {  	s23 =	simm.s32 $0x780;
	s18 =	sadd.s32 s3, s16;
	s6 =	sand.u32 $0x1FFFFFF0, s17  }
0x113: {  	[tilespmem:s31], [sflag:$0x1] =	stream.linear.gather [hbm4b:s18+s2], $0x80, $0x38;
	[tilespmem:$0x10480] =	vst v63  }
0x114: {  	s16 =	simm.s32 $0x8880;
	s6 =	sadd.s32 s4, s6;
	s21 =	spop (v2sf)  }
0x115: {  	[tilespmem:s20], [sflag:$0x2] =	stream.linear.gather [hbm4b:s6+s2], $0x80, $0x38;
	[tilespmem:$0x10480] =	vst v63  }
0x116: {  	s1 =	simm.s32 $0x8980;
	(v2sf) =	vpush v4, $0xB;
	s7 =	sand.u32 $0x1FFFFFF0, s21;
	s22 =	spop (v2sf)  }
0x117: {  	s29 =	simm.s32 $0x800;
	s24 =	sadd.s32 s3, s7;
	s28 =	spop (v2sf)  }
0x118: {  	(v2sf) =	vpush v2, $0xB;
	[tilespmem:s23], [sflag:$0x1] =	stream.linear.gather [hbm4b:s24+s2], $0x80, $0x38;
	[tilespmem:$0x10480] =	vst v63  }
0x119: {  	s18 =	simm.s32 $0x900;
	s25 =	sand.u32 $0x1FFFFFF0, s22;
	s30 =	spop (v2sf)  }
0x11a: {  	s7 =	sadd.s32 s4, s25;
	s6 =	sand.u32 $0x1FFFFFF0, s28;
	s31 =	spop (v2sf)  }
0x11b: {  	[tilespmem:s26], [sflag:$0x2] =	stream.linear.gather [hbm4b:s7+s2], $0x80, $0x38;
	[tilespmem:$0x10480] =	vst v63  }
0x11c: {  	(v2sf) =	vpush v4, $0xC;
	s6 =	sadd.s32 s3, s6;
	s7 =	sand.u32 $0x1FFFFFF0, s30;
	s17 =	spop (v2sf)  }
0x11d: {  	s13 =	sand.u32 $0x1FFFFFF0, s31;
	s10 =	sadd.s32 s4, s7;
	s20 =	spop (v2sf)  }
0x11e: {  	(v2sf) =	vpush v2, $0xC;
	[tilespmem:s29], [sflag:$0x1] =	stream.linear.gather [hbm4b:s6+s2], $0x80, $0x38;
	[tilespmem:$0x10480] =	vst v63  }
0x11f: {  	s7 =	sadd.s32 s3, s13;
	s6 =	simm.s32 $0x8800;
	s21 =	spop (v2sf)  }
0x120: {  	[tilespmem:s6], [sflag:$0x2] =	stream.linear.gather [hbm4b:s10+s2], $0x80, $0x38;
	[tilespmem:$0x10480] =	vst v63  }
0x121: {  	v7 =	vadd.f32 v10, v7;
	v3 =	vmul.f32 v6, v3;
	s29 =	simm.s32 $0x980;
	s23 =	sand.u32 $0x1FFFFFF0, s21;
	s6 =	sand.u32 $0x1FFFFFF0, s17  }
0x122: {  	[tilespmem:s0], [sflag:$0x1] =	stream.linear.gather [hbm4b:s7+s2], $0x80, $0x38;
	[tilespmem:$0x10480] =	vst v63  }
0x123: {  	v3 =	vadd.f32 v3, v7;
	v0 =	vmul.f32 v5, v0;
	s21 =	simm.s32 $0x8B00;
	s6 =	sadd.s32 s4, s6;
	s7 =	sand.u32 $0x1FFFFFF0, s20  }
0x124: {  	[tilespmem:s16], [sflag:$0x2] =	stream.linear.gather [hbm4b:s6+s2], $0x80, $0x38;
	[tilespmem:$0x10480] =	vst v63  }
0x125: {  	v1 =	vmul.f32 v15, v1;
	v0 =	vadd.f32 v0, v3;
	s25 =	sadd.s32 s4, s23;
	s22 =	sadd.s32 s3, s7;
	s24 =	spop (v2sf)  }
0x126: {  	[tilespmem:s18], [sflag:$0x1] =	stream.linear.gather [hbm4b:s22+s2], $0x80, $0x38;
	[tilespmem:$0x10480] =	vst v63  }
0x127: {  	v0 =	vadd.f32 v1, v0;
	v1 =	vmul.f32 v13, v11;
	s23 =	simm.s32 $0xA00;
	s26 =	sand.u32 $0x1FFFFFF0, s24;
	s28 =	spop (v2sf)  }
0x128: {  	(v2sf) =	vpush v4, $0xD;
	[tilespmem:s19], [sflag:$0x2] =	stream.linear.gather [hbm4b:s25+s2], $0x80, $0x38;
	[tilespmem:$0x10480] =	vst v63  }
0x129: {  	v0 =	vadd.f32 v1, v0;
	v1 =	vmul.f32 v12, v63;
	s20 =	simm.s32 $0x310;
	(v2sf) =	vpush v2, $0xD;
	s5 =	sadd.s32 s3, s26;
	s6 =	sand.u32 $0x1FFFFFF0, s28  }
0x12a: {  	(v2sf) =	vpush v4, $0xE;
	[tilespmem:s29], [sflag:$0x1] =	stream.linear.gather [hbm4b:s5+s2], $0x80, $0x38;
	[tilespmem:$0x10480] =	vst v63  }
0x12b: {  	v0 =	vadd.f32 v1, v0;
	v1 =	vmul.f32 v14, v9;
	s22 =	simm.s32 $0xB00;
	s30 =	sadd.s32 s4, s6;
	(v2sf) =	vpush v2, $0xE;
	s31 =	spop (v2sf)  }
0x12c: {  	(v2sf) =	vpush v4, $0xF;
	[tilespmem:s1], [sflag:$0x2] =	stream.linear.gather [hbm4b:s30+s2], $0x80, $0x38;
	[tilespmem:$0x10480] =	vst v63  }
0x12d: {  	v0 =	vadd.f32 v1, v0;
	s19 =	simm.s32 $0x110;
	s0 =	sand.u32 $0x1FFFFFF0, s31;
	(v2sf) =	vpush v2, $0xF;
	s1 =	spop (v2sf)  }
.LBB2_8:
0x12e: {  	_ =	sdelay $0x4  }
0x12f: {  	s0 =	sadd.s32 s3, s0;
	s1 =	sand.u32 $0x1FFFFFF0, s1  }
0x130: {  	[tilespmem:s23], [sflag:$0x1] =	stream.linear.gather [hbm4b:s0+s2], $0x80, $0x38;
	[tilespmem:$0x10480] =	vst v63  }
0x131: {  	s25 =	sadd.s32 s4, s1  }
0x132: {  	[tilespmem:s11], [sflag:$0x2] =	stream.linear.gather [hbm4b:s25+s2], $0x80, $0x38;
	[tilespmem:$0x10480] =	vst v63  }
0x133: {  	s5 =	spop (v2sf)  }
0x134: {  	s26 =	sand.u32 $0x1FFFFFF0, s5;
	s28 =	spop (v2sf)  }
0x135: {  	s29 =	sadd.s32 s3, s26;
	s30 =	sand.u32 $0x1FFFFFF0, s28;
	s31 =	spop (v2sf)  }
0x136: {  	[tilespmem:s12], [sflag:$0x1] =	stream.linear.gather [hbm4b:s29+s2], $0x80, $0x38;
	[tilespmem:$0x10480] =	vst v63  }
0x137: {  	s1 =	sadd.s32 s4, s30;
	s5 =	sand.u32 $0x1FFFFFF0, s31;
	s6 =	spop (v2sf)  }
0x138: {  	[tilespmem:s9], [sflag:$0x2] =	stream.linear.gather [hbm4b:s1+s2], $0x80, $0x38;
	[tilespmem:$0x10480] =	vst v63  }
0x139: {  	s7 =	sadd.s32 s3, s5;
	s8 =	sand.u32 $0x1FFFFFF0, s6;
	s9 =	spop (v2sf)  }
0x13a: {  	[tilespmem:s22], [sflag:$0x1] =	stream.linear.gather [hbm4b:s7+s2], $0x80, $0x38;
	[tilespmem:$0x10480] =	vst v63  }
0x13b: {  	s10 =	sadd.s32 s4, s8;
	s11 =	sand.u32 $0x1FFFFFF0, s9;
	s12 =	spop (v2sf)  }
0x13c: {  	[tilespmem:s21], [sflag:$0x2] =	stream.linear.gather [hbm4b:s10+s2], $0x80, $0x38;
	[tilespmem:$0x10480] =	vst v63  }
0x13d: {  	s13 =	sadd.s32 $0xB80, s14;
	s1 =	sadd.s32 s3, s11;
	s5 =	sand.u32 $0x1FFFFFF0, s12  }
0x13e: {  	[tilespmem:s13], [sflag:$0x1] =	stream.linear.gather [hbm4b:s1+s2], $0x80, $0x38;
	[tilespmem:$0x10480] =	vst v63  }
0x13f: {  	s14 =	sadd.s32 $0x8B80, s14;
	s16 =	sadd.s32 s4, s5  }
0x140: {  	[tilespmem:s14], [sflag:$0x2] =	stream.linear.gather [hbm4b:s16+s2], $0x80, $0x38;
	[tilespmem:$0x10480] =	vst v63  }
0x141: {  	v1 =	vld [tilespmem:s19+$0x0]  }
0x142: {  	v3 =	vld [tilespmem:s20+$0x0];
	_ =	sdelay $0x3  }
0x143: {  	v2 =	vshll.u32 v1, $0x4  }
0x144: {  	v1 =	vshll.u32 v3, $0x4;
	(v2sf) =	vpush v2, $0x0  }
0x145: {  	s17 =	smov.u32 s15;
	(v2sf) =	vpush v1, $0x0  }
0x146: {  	p0 =	sne.s32 s15, $0x1E000;
	s14 =	sshra.s32 s17, $0x2;
	(v2sf) =	vpush v2, $0x1  }
0x147: {  	s15 =	sadd.s32 $0x2000, s15;
	s25 =	sadd.s32 $0x8400, s14;
	s0 =	sadd.s32 $0x680, s14  }
0x148: {  	s18 =	sadd.s32 $0x880, s14;
	s28 =	sadd.s32 $0x400, s14;
	s9 =	sadd.s32 $0x600, s14;
	(v2sf) =	vpush v1, $0x1  }
0x149: {  	s21 =	sadd.s32 $0x8900, s14;
	s11 =	sadd.s32 $0x580, s14;
	s10 =	sadd.s32 $0x8580, s14  }
0x14a: {  	s1 =	sadd.s32 $0x8A00, s14;
	s24 =	sadd.s32 $0x500, s14;
	s13 =	sadd.s32 $0x8600, s14;
	(v2sf) =	vpush v2, $0x2  }
0x14b: {  	s22 =	sadd.s32 $0xA80, s14;
	s26 =	sadd.s32 $0x8480, s14;
	[dreg:$0x14] =	wrdreg s0;
	(v2sf) =	vpush v1, $0x2  }
0x14c: {  	s16 =	sadd.s32 $0x8500, s14;
	s8 =	sadd.s32 $0x8680, s14;
	[dreg:$0x8] =	wrdreg s18  }
0x14d: {  	s7 =	sadd.s32 $0x700, s14;
	s23 =	sadd.s32 $0x8980, s14;
	[dreg:$0x4] =	wrdreg s21;
	(v2sf) =	vpush v2, $0x3  }
0x14e: {  	s5 =	sadd.s32 $0x8A80, s14;
	s6 =	sadd.s32 $0x8700, s14;
	[dreg:$0xf] =	wrdreg s22  }
0x14f: {  	s29 =	sadd.s32 $0x8880, s14;
	s30 =	sadd.s32 $0x900, s14;
	[dreg:$0x6] =	wrdreg s23  }
0x150: {  	s12 =	sadd.s32 $0x780, s14;
	s31 =	sadd.s32 $0x8800, s14;
	[dreg:$0xc] =	wrdreg s29  }
0x151: {  	s17 =	sadd.s32 $0x800, s14;
	s19 =	sadd.s32 $0x10, s19;
	[dreg:$0xa] =	wrdreg s30;
	(v2sf) =	vpush v1, $0x3  }
0x152: {  	s20 =	sadd.s32 $0x10, s20;
	[dreg:$0x11] =	wrdreg s31;
	s23 =	sadd.s32 $0xA00, s14  }
0x153: {  	s29 =	sadd.s32 $0x480, s14;
	s31 =	sadd.s32 $0x8780, s14;
	(v2sf) =	vpush v2, $0x4;
	s30 =	spop (v2sf)  }
0x154: {  	[dreg:$0x13] =	wrdreg s17;
	s17 =	sand.u32 $0x1FFFFFF0, s30;
	s18 =	spop (v2sf)  }
0x155: {  	(v2sf) =	vpush v1, $0x4;
	s17 =	sadd.s32 s3, s17;
	s18 =	sand.u32 $0x1FFFFFF0, s18;
	s0 =	spop (v2sf)  }
0x156: {  	[tilespmem:s28], [sflag:$0x1] =	stream.linear.gather [hbm4b:s17+s2], $0x80, $0x38;
	[tilespmem:$0x10480] =	vst v63  }
0x157: {  	s22 =	sadd.s32 $0xB00, s14;
	(v2sf) =	vpush v2, $0x5;
	s18 =	sadd.s32 s4, s18;
	s28 =	spop (v2sf)  }
0x158: {  	(v2sf) =	vpush v1, $0x5;
	[tilespmem:s25], [sflag:$0x2] =	stream.linear.gather [hbm4b:s18+s2], $0x80, $0x38;
	[tilespmem:$0x10480] =	vst v63  }
0x159: {  	s0 =	sand.u32 $0x1FFFFFF0, s0;
	s25 =	sand.u32 $0x1FFFFFF0, s28;
	s28 =	spop (v2sf)  }
0x15a: {  	s0 =	sadd.s32 s3, s0;
	(v2sf) =	vpush v2, $0x6;
	s17 =	sadd.s32 s4, s25;
	s25 =	spop (v2sf)  }
0x15b: {  	[tilespmem:s29], [sflag:$0x1] =	stream.linear.gather [hbm4b:s0+s2], $0x80, $0x38;
	[tilespmem:$0x10480] =	vst v63  }
0x15c: {  	s21 =	sadd.s32 $0x8B00, s14;
	s18 =	sand.u32 $0x1FFFFFF0, s28;
	(v2sf) =	vpush v1, $0x6;
	s29 =	spop (v2sf)  }
0x15d: {  	(v2sf) =	vpush v2, $0x7;
	[tilespmem:s26], [sflag:$0x2] =	stream.linear.gather [hbm4b:s17+s2], $0x80, $0x38;
	[tilespmem:$0x10480] =	vst v63  }
0x15e: {  	s30 =	sadd.s32 $0x980, s14;
	s28 =	sand.u32 $0x1FFFFFF0, s25;
	s26 =	sadd.s32 s3, s18  }
0x15f: {  	[tilespmem:s24], [sflag:$0x1] =	stream.linear.gather [hbm4b:s26+s2], $0x80, $0x38;
	[tilespmem:$0x10480] =	vst v63  }
0x160: {  	s25 =	spop (v2sf);
	s17 =	sadd.s32 s4, s28;
	s24 =	sand.u32 $0x1FFFFFF0, s29  }
0x161: {  	(v2sf) =	vpush v1, $0x7;
	[tilespmem:s16], [sflag:$0x2] =	stream.linear.gather [hbm4b:s17+s2], $0x80, $0x38;
	[tilespmem:$0x10480] =	vst v63  }
0x162: {  	s28 =	sand.u32 $0x1FFFFFF0, s25;
	s29 =	spop (v2sf);
	s26 =	sadd.s32 s3, s24  }
0x163: {  	(v2sf) =	vpush v2, $0x8;
	[tilespmem:s11], [sflag:$0x1] =	stream.linear.gather [hbm4b:s26+s2], $0x80, $0x38;
	[tilespmem:$0x10480] =	vst v63  }
0x164: {  	s18 =	sadd.s32 s4, s28;
	s24 =	sand.u32 $0x1FFFFFF0, s29;
	s25 =	spop (v2sf)  }
0x165: {  	[tilespmem:s10], [sflag:$0x2] =	stream.linear.gather [hbm4b:s18+s2], $0x80, $0x38;
	[tilespmem:$0x10480] =	vst v63  }
0x166: {  	s26 =	sadd.s32 s3, s24;
	s11 =	smov.u32 s1;
	s29 =	spop (v2sf)  }
0x167: {  	(v2sf) =	vpush v1, $0x8;
	s28 =	sand.u32 $0x1FFFFFF0, s25;
	s25 =	rddreg [dreg:$0x14];
	s16 =	spop (v2sf)  }
0x168: {  	(v2sf) =	vpush v2, $0x9;
	[tilespmem:s9], [sflag:$0x1] =	stream.linear.gather [hbm4b:s26+s2], $0x80, $0x38;
	[tilespmem:$0x10480] =	vst v63  }
0x169: {  	s10 =	sand.u32 $0x1FFFFFF0, s29;
	s9 =	sadd.s32 s4, s28;
	s24 =	spop (v2sf)  }
0x16a: {  	[tilespmem:s13], [sflag:$0x2] =	stream.linear.gather [hbm4b:s9+s2], $0x80, $0x38;
	[tilespmem:$0x10480] =	vst v63  }
0x16b: {  	s17 =	sadd.s32 s3, s10;
	s18 =	sand.u32 $0x1FFFFFF0, s16;
	s29 =	spop (v2sf)  }
0x16c: {  	(v2sf) =	vpush v1, $0x9;
	s26 =	sadd.s32 s4, s18;
	s28 =	sand.u32 $0x1FFFFFF0, s24;
	s10 =	spop (v2sf)  }
0x16d: {  	[tilespmem:s25], [sflag:$0x1] =	stream.linear.gather [hbm4b:s17+s2], $0x80, $0x38;
	[tilespmem:$0x10480] =	vst v63  }
0x16e: {  	(v2sf) =	vpush v2, $0xA;
	s9 =	smov.u32 s5;
	s1 =	sadd.s32 s3, s28;
	s16 =	sand.u32 $0x1FFFFFF0, s10  }
0x16f: {  	[tilespmem:s8], [sflag:$0x2] =	stream.linear.gather [hbm4b:s26+s2], $0x80, $0x38;
	[tilespmem:$0x10480] =	vst v63  }
0x170: {  	(v2sf) =	vpush v1, $0xA;
	s17 =	spop (v2sf);
	s18 =	sadd.s32 s3, s16;
	s8 =	sand.u32 $0x1FFFFFF0, s29  }
0x171: {  	[tilespmem:s7], [sflag:$0x1] =	stream.linear.gather [hbm4b:s1+s2], $0x80, $0x38;
	[tilespmem:$0x10480] =	vst v63  }
0x172: {  	s24 =	sand.u32 $0x1FFFFFF0, s17;
	s13 =	sadd.s32 s4, s8;
	s25 =	spop (v2sf)  }
0x173: {  	[tilespmem:s6], [sflag:$0x2] =	stream.linear.gather [hbm4b:s13+s2], $0x80, $0x38;
	[tilespmem:$0x10480] =	vst v63  }
0x174: {  	(v2sf) =	vpush v2, $0xB;
	s17 =	rddreg [dreg:$0x11];
	s26 =	sadd.s32 s4, s24;
	s28 =	sand.u32 $0x1FFFFFF0, s25  }
0x175: {  	[tilespmem:s12], [sflag:$0x1] =	stream.linear.gather [hbm4b:s18+s2], $0x80, $0x38;
	[tilespmem:$0x10480] =	vst v63  }
0x176: {  	(v2sf) =	vpush v1, $0xB;
	s8 =	rddreg [dreg:$0x13];
	s1 =	sadd.s32 s3, s28;
	s29 =	spop (v2sf)  }
0x177: {  	(v2sf) =	vpush v2, $0xC;
	s12 =	rddreg [dreg:$0xf];
	s5 =	sand.u32 $0x1FFFFFF0, s29;
	s7 =	spop (v2sf)  }
0x178: {  	[tilespmem:s31], [sflag:$0x2] =	stream.linear.gather [hbm4b:s26+s2], $0x80, $0x38;
	[tilespmem:$0x10480] =	vst v63  }
0x179: {  	(v2sf) =	vpush v1, $0xC;
	s10 =	sadd.s32 s4, s5;
	s13 =	sand.u32 $0x1FFFFFF0, s7;
	s26 =	rddreg [dreg:$0x8]  }
0x17a: {  	[tilespmem:s8], [sflag:$0x1] =	stream.linear.gather [hbm4b:s1+s2], $0x80, $0x38;
	[tilespmem:$0x10480] =	vst v63  }
0x17b: {  	s16 =	spop (v2sf);
	s7 =	rddreg [dreg:$0xc];
	s18 =	sadd.s32 s3, s13  }
0x17c: {  	[tilespmem:s17], [sflag:$0x2] =	stream.linear.gather [hbm4b:s10+s2], $0x80, $0x38;
	[tilespmem:$0x10480] =	vst v63  }
0x17d: {  	s24 =	sand.u32 $0x1FFFFFF0, s16;
	s16 =	rddreg [dreg:$0xa];
	s25 =	spop (v2sf)  }
0x17e: {  	[tilespmem:s26], [sflag:$0x1] =	stream.linear.gather [hbm4b:s18+s2], $0x80, $0x38;
	[tilespmem:$0x10480] =	vst v63  }
0x17f: {  	s28 =	sadd.s32 s4, s24;
	s29 =	sand.u32 $0x1FFFFFF0, s25;
	s31 =	spop (v2sf)  }
0x180: {  	[tilespmem:s7], [sflag:$0x2] =	stream.linear.gather [hbm4b:s28+s2], $0x80, $0x38;
	[tilespmem:$0x10480] =	vst v63  }
0x181: {  	s25 =	rddreg [dreg:$0x4];
	s8 =	sadd.s32 s3, s29;
	s10 =	sand.u32 $0x1FFFFFF0, s31  }
0x182: {  	[tilespmem:s16], [sflag:$0x1] =	stream.linear.gather [hbm4b:s8+s2], $0x80, $0x38;
	[tilespmem:$0x10480] =	vst v63  }
0x183: {  	s13 =	spop (v2sf);
	s31 =	rddreg [dreg:$0x6];
	s17 =	sadd.s32 s4, s10  }
0x184: {  	(v2sf) =	vpush v2, $0xD;
	[tilespmem:s25], [sflag:$0x2] =	stream.linear.gather [hbm4b:s17+s2], $0x80, $0x38;
	[tilespmem:$0x10480] =	vst v63  }
.Ltmp3:
0x185: {  	(v2sf) =	vpush v1, $0xD;
	s24 =	spop (v2sf);
	s18 =	sand.u32 $0x1FFFFFF0, s13;
	(pc) =	sbr.rel @p0 .LBB2_8-.Ltmp3, $4  }
0x186: {  	(v2sf) =	vpush v2, $0xE;
	s26 =	sadd.s32 s3, s18;
	s28 =	sand.u32 $0x1FFFFFF0, s24;
	s29 =	spop (v2sf)  }
0x187: {  	(v2sf) =	vpush v1, $0xE;
	[tilespmem:s30], [sflag:$0x1] =	stream.linear.gather [hbm4b:s26+s2], $0x80, $0x38;
	[tilespmem:$0x10480] =	vst v63  }
0x188: {  	(v2sf) =	vpush v2, $0xF;
	s0 =	sand.u32 $0x1FFFFFF0, s29;
	s1 =	spop (v2sf);
	s30 =	sadd.s32 s4, s28  }
0x189: {  	(v2sf) =	vpush v1, $0xF;
	[tilespmem:s31], [sflag:$0x2] =	stream.linear.gather [hbm4b:s30+s2], $0x80, $0x38;
	[tilespmem:$0x10480] =	vst v63  }
0x18a: {  	_ =	sdelay $0x4  }
0x18b: {  	s0 =	sadd.s32 s3, s0;
	s1 =	sand.u32 $0x1FFFFFF0, s1  }
0x18c: {  	[tilespmem:s23], [sflag:$0x1] =	stream.linear.gather [hbm4b:s0+s2], $0x80, $0x38;
	[tilespmem:$0x10480] =	vst v63  }
0x18d: {  	s7 =	sadd.s32 s4, s1  }
0x18e: {  	[tilespmem:s11], [sflag:$0x2] =	stream.linear.gather [hbm4b:s7+s2], $0x80, $0x38;
	[tilespmem:$0x10480] =	vst v63  }
0x18f: {  	s5 =	spop (v2sf)  }
0x190: {  	s8 =	sand.u32 $0x1FFFFFF0, s5;
	s10 =	spop (v2sf)  }
0x191: {  	s13 =	sadd.s32 s3, s8;
	s15 =	sand.u32 $0x1FFFFFF0, s10;
	s16 =	spop (v2sf)  }
0x192: {  	[tilespmem:s12], [sflag:$0x1] =	stream.linear.gather [hbm4b:s13+s2], $0x80, $0x38;
	[tilespmem:$0x10480] =	vst v63  }
0x193: {  	s17 =	sadd.s32 s4, s15;
	s18 =	sand.u32 $0x1FFFFFF0, s16;
	s19 =	spop (v2sf)  }
0x194: {  	[tilespmem:s9], [sflag:$0x2] =	stream.linear.gather [hbm4b:s17+s2], $0x80, $0x38;
	[tilespmem:$0x10480] =	vst v63  }
0x195: {  	s20 =	sadd.s32 s3, s18;
	s23 =	sand.u32 $0x1FFFFFF0, s19;
	s24 =	spop (v2sf)  }
0x196: {  	[tilespmem:s22], [sflag:$0x1] =	stream.linear.gather [hbm4b:s20+s2], $0x80, $0x38;
	[tilespmem:$0x10480] =	vst v63  }
0x197: {  	s25 =	sadd.s32 s4, s23;
	s26 =	sand.u32 $0x1FFFFFF0, s24;
	s28 =	spop (v2sf)  }
0x198: {  	[tilespmem:s21], [sflag:$0x2] =	stream.linear.gather [hbm4b:s25+s2], $0x80, $0x38;
	[tilespmem:$0x10480] =	vst v63  }
0x199: {  	s29 =	sadd.s32 $0xB80, s14;
	s1 =	sadd.s32 s3, s26;
	s5 =	sand.u32 $0x1FFFFFF0, s28  }
0x19a: {  	[tilespmem:s29], [sflag:$0x1] =	stream.linear.gather [hbm4b:s1+s2], $0x80, $0x38;
	[tilespmem:$0x10480] =	vst v63  }
0x19b: {  	s30 =	sadd.s32 $0x8B80, s14;
	s31 =	sadd.s32 s4, s5;
	s1 =	simm.s32 $0x1  }
0x19c: {  	[tilespmem:s30], [sflag:$0x2] =	stream.linear.gather [hbm4b:s31+s2], $0x80, $0x38;
	[tilespmem:$0x10480] =	vst v63  }
0x19d: {  	_ =	swait.ge [sflag:s1], $0x80  }
0x19e: {  	[sflag:s1] =	ssyncset.done $0x0  }
0x19f: {  	s5 =	simm.s32 $0x2;
	[sflag:s1] =	ssyncadd.s32 $0xFFFFFF80  }
0x1a0: {  	_ =	swait.ge [sflag:s5], $0x80  }
0x1a1: {  	s0 =	simm.s32 $0xFF;
	[sflag:s5] =	ssyncset.done $0x0  }
.LBB2_10:
0x1a2: {  	p0 =	sne.s32 s0, $0x1;
	s0 =	sadd.s32 $0xFFFFFFFF, s0;
	[sflag:s5] =	ssyncadd.s32 $0xFFFFFF80  }
.Ltmp4:
0x1a3: {  	_ =	swait.ge [sflag:s1], $0x80;
	(pc) =	sbr.rel @p0 .LBB2_10-.Ltmp4, $4  }
0x1a4: {  	[sflag:s1] =	ssyncset.done $0x0  }
0x1a5: {  	[sflag:s1] =	ssyncadd.s32 $0xFFFFFF80  }
0x1a6: {  	_ =	swait.ge [sflag:s5], $0x80  }
0x1a7: {  	[sflag:s5] =	ssyncset.done $0x0  }
0x1a8: {  	[sflag:s5] =	ssyncadd.s32 $0xFFFFFF80;
	s1 =	simm.s32 $0x0  }
0x1a9: {  	v2 =	vld [tilespmem:s1+$0x400]  }
0x1aa: {  	v3 =	vld [tilespmem:s1+$0x8400]  }
0x1ab: {  	v6 =	vld [tilespmem:s1+$0x410]  }
0x1ac: {  	v7 =	vld [tilespmem:s1+$0x8410]  }
0x1ad: {  	v1 =	vld [tilespmem:s1+$0x420]  }
0x1ae: {  	v4 =	vld [tilespmem:s1+$0x8420]  }
0x1af: {  	v5 =	vld [tilespmem:s1+$0x8430];
	v8 =	vmul.f32 v3, v2  }
0x1b0: {  	s0 =	simm.s32 $0x80;
	v2 =	vld [tilespmem:s1+$0x430]  }
0x1b1: {  	s5 =	simm.s32 $0x3;
	v3 =	vld [tilespmem:s0+$0x400];
	s1 =	simm.s32 $0x400;
	v6 =	vmul.f32 v7, v6;
	v0 =	vadd.f32 v8, v0  }
.LBB2_12:
0x1b2: {  	p0 =	sne.s32 s1, $0x1FE00;
	v7 =	vld [tilespmem:s0+$0x8400]  }
0x1b3: {  	v8 =	vld [tilespmem:s0+$0x410];
	v0 =	vadd.f32 v6, v0;
	v4 =	vmul.f32 v4, v1  }
0x1b4: {  	v6 =	vld [tilespmem:s0+$0x8410]  }
.Ltmp5:
0x1b5: {  	v1 =	vld [tilespmem:s0+$0x420];
	v0 =	vadd.f32 v4, v0;
	v5 =	vmul.f32 v5, v2;
	(pc) =	sbr.rel @p0 .LBB2_12-.Ltmp5, $4  }
0x1b6: {  	v4 =	vld [tilespmem:s0+$0x8420]  }
0x1b7: {  	v7 =	vmul.f32 v7, v3;
	v2 =	vld [tilespmem:s0+$0x430];
	v0 =	vadd.f32 v5, v0  }
0x1b8: {  	v5 =	vld [tilespmem:s0+$0x8430];
	s0 =	sshra.s32 s1, $0x2  }
0x1b9: {  	s1 =	sadd.s32 $0x200, s1;
	v3 =	vld [tilespmem:s0+$0x400];
	v0 =	vadd.f32 v7, v0;
	v6 =	vmul.f32 v6, v8  }
0x1ba: {  	v7 =	vld [tilespmem:s0+$0x8400]  }
0x1bb: {  	v8 =	vld [tilespmem:s0+$0x410];
	v0 =	vadd.f32 v6, v0;
	v1 =	vmul.f32 v4, v1  }
0x1bc: {  	v57 =	vld [tilespmem:s0+$0x8410]  }
0x1bd: {  	v58 =	vld [tilespmem:s0+$0x420];
	v0 =	vadd.f32 v1, v0;
	v59 =	vmul.f32 v5, v2  }
0x1be: {  	v60 =	vld [tilespmem:s0+$0x8420]  }
0x1bf: {  	v61 =	vld [tilespmem:s0+$0x430];
	v3 =	vmul.f32 v7, v3;
	v0 =	vadd.f32 v59, v0  }
0x1c0: {  	v62 =	vld [tilespmem:s0+$0x8430]  }
0x1c1: {  	v63 =	vmul.f32 v57, v8;
	v0 =	vadd.f32 v3, v0;
	_ =	sdelay $0x1  }
0x1c2: {  	v2 =	vmul.f32 v60, v58;
	v0 =	vadd.f32 v63, v0;
	_ =	sdelay $0x1  }
0x1c3: {  	v1 =	vmul.f32 v62, v61;
	v0 =	vadd.f32 v2, v0;
	_ =	sdelay $0x1  }
0x1c4: {  	v0 =	vadd.f32 v1, v0;
	_ =	sdelay $0x1  }
0x1c5: {  	s29 =	rddreg [dreg:$0x17];
	s1 =	simm.s32 $0x10400;
	[tilespmem:$0x10400] =	vst v0  }
0x1c6: {  	[hbm4b:s29+s2] =	stream.linear.scatter [tilespmem:s1], [sflag:$0x3], $0x10, $0x38;
	[tilespmem:$0x10480] =	vst v63  }
0x1c7: {  	_ =	swait.ge [sflag:s5], $0x10  }
0x1c8: {  	s30 =	rddreg [dreg:$0x19]  }
0x1c9: {  	s31 =	rddreg [dreg:$0x18];
	s1 =	sadd.s32 $0x1, s30  }
0x1ca: {  	p0 =	sne.s32 s1, s31  }
.Ltmp6:
0x1cb: {  	_ = 	snop;
	(pc) =	sbr.rel @p0 .LBB2_1-.Ltmp6, $3  }
0x1cc: {  	_ =	sdelay $0x1  }
0x1cd: {  	[sflag:s5] =	ssyncset.done $0x0  }
0x1ce: {  	[sflag:s5] =	ssyncadd.s32 $0xFFFFFFF0  }
0x1cf: {  	_ =	sfence.sel $0x180000  }
0x1d0: {  	[bflag:$0x0] =	sbarrier.arrive $0xFFFF  }
0x1d1: {  	_ =	strace $0x9000004A  }
0x1d2: {  	s0 =	stileid.u32;
	[bflag:$0x2] =	sbarrier.arrive $0xFFFF  }
0x1d3: {  	p0 =	sne.s32 s0, $0x0;
	s0 =	rddreg [dreg:$0x2]  }
0x1d4: {  	s0 =	sadd.s32 @!p0 $0x100000, s0  }
0x1d5: {  	[sflag:s0] =	ssyncadd.tile.s32 @!p0 $0x1;
	_ =	shalt  }
.Lfunc_end2:
_tile_overlayer_lowered:
.L_overlay_start_2:
0x1d6: {  	(tag) =	ssettag $0x2  }
0x1d7: {  	s0 =	rddreg [dreg:$0x0];
	s2 =	stileid.u32  }
0x1d8: {  	s1 =	rddreg [dreg:$0x1];
	p0 =	sne.s32 s2, $0x0  }
0x1d9: {  	s3 =	rddreg [dreg:$0x2];
	[bflag:$0x3] =	sbarrier.arrive $0xFFFF;
	s2 =	simm.s32 @!p0 $0x1C03  }
0x1da: {  	[timem:s3], [sflag:s2] =	dma.local @!p0 [hbm:s0], s1  }
0x1db: {  	s0 =	simm.s32 @!p0 $0x3  }
0x1dc: {  	_ =	swait.ge @!p0 [sflag:s0], s1  }
0x1dd: {  	s1 =	ssub.s32 @!p0 $0x0, s1;
	[sflag:s0] =	ssyncset.done @!p0 $0x0  }
0x1de: {  	[sflag:s0] =	ssyncadd.s32 @!p0 s1  }
0x1df: {  	[bflag:$0x3] =	sbarrier.arrive $0xFFFF  }
0x1e0: {  	_ =	shalt  }

</sc_bundles>
